<compile_context>
chip_gen: v7x
topology: tpu7x:2x2x1
jax: 0.10.2.dev20260603
libtpu: 0.0.44.dev20260713+nightly
codegen_flags: <defaults>
</compile_context>

<pallas_src>
import functools

import jax
import jax.numpy as jnp
from jax import lax
from jax.experimental import pallas as pl
from jax.experimental.pallas import tpu as pltpu
from jax.experimental.pallas import tpu_sc as plsc

N = 100000
B = 512
NZ = 118
ROW = 128
HROWS = B * ROW
HSZ = HROWS + ROW
NC = 2
NS = 16
NW = NC * NS
CHUNK = 3136
TAIL = N - (NW - 1) * CHUNK
STR = HROWS // NS
WCAP = 4
ZU = 8


def _silu(x):
    return x / (1.0 + jnp.exp(-x))


def _hist_body(batch_hbm, z_hbm, parts_hbm,
               batch_v, z_v, hist_v, tmp_v, bnd_v, bndall_v, shared, sstage,
               sbnd, sem_b, sem_z, sem_h):
    cid = lax.axis_index("c")
    sid = lax.axis_index("s")
    wid = sid * NC + cid
    base = wid * CHUNK

    cp_b = pltpu.async_copy(batch_hbm.at[pl.ds(base, TAIL)],
                            batch_v.at[pl.ds(0, TAIL)], sem_b)
    cp_z = pltpu.async_copy(z_hbm.at[pl.ds(base, TAIL)],
                            z_v.at[pl.ds(0, TAIL)], sem_z)

    zeros16 = jnp.zeros((16,), jnp.float32)
    ss = sid * STR

    def zero_stripe(i, carry):
        off = ss + i * (16 * ZU)
        for u in range(ZU):
            hist_v[pl.ds(off + u * 16, 16)] = zeros16
        return carry

    lax.fori_loop(0, STR // (16 * ZU), zero_stripe, 0)

    cp_b.wait()
    cp_z.wait()

    @pl.when(wid < NW - 1)
    def _copy_rest():
        pltpu.sync_copy(batch_hbm.at[pl.ds(base + TAIL, CHUNK - TAIL)],
                        batch_v.at[pl.ds(TAIL, CHUNK - TAIL)])
        pltpu.sync_copy(z_hbm.at[pl.ds(base + TAIL, CHUNK - TAIL)],
                        z_v.at[pl.ds(TAIL, CHUNK - TAIL)])

    is_last = (wid == NW - 1).astype(jnp.int32)
    b_lo = jnp.min(batch_v[pl.ds(0, 16)])
    last_off = (CHUNK - 16) - (CHUNK - TAIL) * is_last
    b_hi = jnp.max(batch_v[pl.ds(last_off, 16)])
    wlo = (b_lo >> 5) * STR
    whi = ((b_hi >> 5) + 1) * STR

    lanes = lax.iota(jnp.int32, 16)
    bnd_v[...] = jnp.where(lanes < 8, wlo, whi)
    cp_bnd = pltpu.async_copy(bnd_v, sbnd.at[pl.ds(sid * 16, 16)], sem_b)

    dump16 = jnp.full((16,), B, jnp.int32)
    zero16i = jnp.zeros((16,), jnp.int32)

    @pl.when(wid == NW - 1)
    def _fill_tail():
        for k in range((CHUNK - TAIL) // 16):
            batch_v[pl.ds(TAIL + k * 16, 16)] = dump16
            z_v[pl.ds(TAIL + k * 16, 16)] = zero16i

    def zero_window(i, carry):
        off = wlo + i * (16 * ZU)
        for u in range(ZU):
            hist_v[pl.ds(off + u * 16, 16)] = zeros16
        return carry

    lax.fori_loop(0, (whi - wlo) // (16 * ZU), zero_window, 0)

    ones16 = jnp.ones((16,), jnp.float32)

    def acc_body(i, carry):
        for u in range(4):
            off = i * 64 + u * 16
            b16 = batch_v[pl.ds(off, 16)]
            z16 = z_v[pl.ds(off, 16)]
            flat = b16 * ROW + z16
            plsc.addupdate_scatter(hist_v, [flat], ones16)
        return carry

    lax.fori_loop(0, CHUNK // 64, acc_body, 0)

    def pub_body(k, carry):
        off = wlo + k * STR

        @pl.when(k < WCAP)
        def _to_spmem():
            pltpu.async_copy(hist_v.at[pl.ds(off, STR)],
                             sstage.at[pl.ds((sid * WCAP + k) * STR, STR)],
                             sem_z)

        @pl.when(k >= WCAP)
        def _to_hbm():
            pltpu.async_copy(hist_v.at[pl.ds(off, STR)],
                             shared.at[pl.ds(wid * HROWS + off, STR)], sem_h)

        return carry

    nstr = (whi - wlo) // STR
    lax.fori_loop(0, nstr, pub_body, 0)

    def pub_drain(k, carry):
        off = wlo + k * STR

        @pl.when(k < WCAP)
        def _w_spmem():
            pltpu.make_async_copy(
                hist_v.at[pl.ds(off, STR)],
                sstage.at[pl.ds((sid * WCAP + k) * STR, STR)], sem_z).wait()

        @pl.when(k >= WCAP)
        def _w_hbm():
            pltpu.make_async_copy(
                hist_v.at[pl.ds(off, STR)],
                shared.at[pl.ds(wid * HROWS + off, STR)], sem_h).wait()

        return carry

    lax.fori_loop(0, nstr, pub_drain, 0)
    cp_bnd.wait()
    plsc.subcore_barrier()

    pltpu.sync_copy(sbnd, bndall_v)

    def red_body(t, carry):
        row = (sid + t) & (NS - 1)
        bv = bndall_v[pl.ds(row * 16, 16)]
        lo_t = jnp.min(bv)
        hi_t = jnp.max(bv)

        @pl.when((lo_t <= ss) & (ss < hi_t))
        def _add_row():
            k_row = (ss - lo_t) // STR

            @pl.when(k_row < WCAP)
            def _from_spmem():
                pltpu.sync_copy(
                    sstage.at[pl.ds(row * (WCAP * STR) + k_row * STR, STR)],
                    tmp_v)

            @pl.when(k_row >= WCAP)
            def _from_hbm():
                pltpu.sync_copy(
                    shared.at[pl.ds((row * NC + cid) * HROWS + ss, STR)],
                    tmp_v)

            for j in range(STR // (16 * ZU)):
                off = j * (16 * ZU)
                for u in range(ZU):
                    sl = pl.ds(ss + off + u * 16, 16)
                    tl = pl.ds(off + u * 16, 16)
                    hist_v[sl] = hist_v[sl] + tmp_v[tl]

        return carry

    lax.fori_loop(1, NS, red_body, 0)

    pltpu.sync_copy(hist_v.at[pl.ds(ss, STR)],
                    parts_hbm.at[pl.ds(cid * HROWS + ss, STR)])


def _dense_body(parts_ref, embed_ref, w1_ref, b1_ref, w2_ref, b2_ref,
                we_ref, be_ref, ep_ref, wh1_ref, bh1_ref, wh2_ref, bh2_ref,
                wh3_ref, bh3_ref, err_ref, qm_ref, gf_ref):
    ddot = functools.partial(jnp.dot, preferred_element_type=jnp.float32)
    counts = jnp.reshape(parts_ref[pl.ds(0, HROWS)]
                         + parts_ref[pl.ds(HROWS, HROWS)], (B, ROW))
    t = _silu(ddot(embed_ref[...], w1_ref[...]) + b1_ref[...])
    t = _silu(ddot(t, w2_ref[...]) + b2_ref[...])
    gf = ddot(counts, t)
    qm = ddot(gf, we_ref[...]) + be_ref[...]
    qe = jnp.concatenate([qm, ep_ref[...]], axis=1)
    x = (ddot(gf, wh1_ref[pl.ds(0, 128), :])
         + ddot(qe, wh1_ref[pl.ds(128, 2), :]) + bh1_ref[...])
    x = _silu(x)
    x = _silu(ddot(x, wh2_ref[...]) + bh2_ref[...])
    e = ddot(x, wh3_ref[...]) + bh3_ref[...]
    s = jnp.maximum(e, 0.0) + jnp.log(1.0 + jnp.exp(-jnp.abs(e)))
    eq = jnp.transpose(jnp.concatenate([s, qm], axis=1))
    err_ref[...] = eq[0]
    qm_ref[...] = eq[1]
    gf_ref[...] = gf


def kernel(atomic_numbers, batch, energy_pred, embed, W1, b1, W2, b2,
           We, be, Wh1, bh1, Wh2, bh2, Wh3, bh3):
    mesh = plsc.VectorSubcoreMesh(core_axis_name="c", subcore_axis_name="s",
                                  num_cores=NC, num_subcores=NS)
    parts = pl.kernel(
        _hist_body,
        out_type=jax.ShapeDtypeStruct((NC * HROWS,), jnp.float32),
        mesh=mesh,
        compiler_params=pltpu.CompilerParams(needs_layout_passes=False),
        scratch_types=[
            pltpu.VMEM((CHUNK,), jnp.int32),
            pltpu.VMEM((CHUNK,), jnp.int32),
            pltpu.VMEM((HSZ,), jnp.float32),
            pltpu.VMEM((STR,), jnp.float32),
            pltpu.VMEM((16,), jnp.int32),
            pltpu.VMEM((NS * 16,), jnp.int32),
            pltpu.HBM((NW * HROWS,), jnp.float32),
            pltpu.VMEM_SHARED((NS * WCAP * STR,), jnp.float32),
            pltpu.VMEM_SHARED((NS * 16,), jnp.int32),
            pltpu.SemaphoreType.DMA,
            pltpu.SemaphoreType.DMA,
            pltpu.SemaphoreType.DMA,
        ],
    )(batch.astype(jnp.int32), atomic_numbers.astype(jnp.int32))

    embed_p = jnp.pad(embed, ((0, ROW - NZ), (0, 0)))
    err, qm, gf = pl.pallas_call(
        _dense_body,
        out_shape=[
            jax.ShapeDtypeStruct((B,), jnp.float32),
            jax.ShapeDtypeStruct((B,), jnp.float32),
            jax.ShapeDtypeStruct((B, 128), jnp.float32),
        ],
    )(parts, embed_p, W1, b1, W2, b2, We, be,
      energy_pred.reshape(B, 1), Wh1, bh1, Wh2, bh2, Wh3, bh3)

    return err, qm, gf

# --- scband reference (transcript-rebuilt; emitter-appended) ---
"""Pipeline reference for scband-orb-net-critic-57698590655189 (READ-ONLY COPY).

The authoritative reference and input builder live on the scoring server;
editing this copy changes nothing except your own understanding.
"""

import jax, jax.numpy as jnp
import numpy as np

N = 100000
B = 512
EMB = 64
FEAT = 128
HID = 256

def silu(x):
    return x * jax.nn.sigmoid(x)

def setup_inputs(seed: int = 0) -> dict:
    key = jax.random.key(seed)
    ks = jax.random.split(key, 12)
    atomic_numbers = jax.random.randint(ks[0], (N,), 0, 118)
    batch = jnp.sort(jax.random.randint(ks[1], (N,), 0, B))
    energy_pred = jax.random.normal(ks[2], (B,), dtype=jnp.float32)
    embed = jax.random.normal(ks[3], (118, EMB), dtype=jnp.float32) * 0.02
    W1 = jax.random.normal(ks[4], (EMB, FEAT), dtype=jnp.float32) / np.sqrt(EMB)
    b1 = jnp.zeros((FEAT,), dtype=jnp.float32)
    W2 = jax.random.normal(ks[5], (FEAT, FEAT), dtype=jnp.float32) / np.sqrt(FEAT)
    b2 = jnp.zeros((FEAT,), dtype=jnp.float32)
    We = jax.random.normal(ks[6], (FEAT, 1), dtype=jnp.float32) / np.sqrt(FEAT)
    be = jnp.zeros((1,), dtype=jnp.float32)
    Wh1 = jax.random.normal(ks[7], (FEAT + 2, HID), dtype=jnp.float32) / np.sqrt(FEAT + 2)
    bh1 = jnp.zeros((HID,), dtype=jnp.float32)
    Wh2 = jax.random.normal(ks[8], (HID, HID), dtype=jnp.float32) / np.sqrt(HID)
    bh2 = jnp.zeros((HID,), dtype=jnp.float32)
    Wh3 = jax.random.normal(ks[9], (HID, 1), dtype=jnp.float32) / np.sqrt(HID)
    bh3 = jnp.zeros((1,), dtype=jnp.float32)
    return {
        'atomic_numbers': atomic_numbers, 'batch': batch, 'energy_pred': energy_pred,
        'embed': embed, 'W1': W1, 'b1': b1, 'W2': W2, 'b2': b2, 'We': We, 'be': be,
        'Wh1': Wh1, 'bh1': bh1, 'Wh2': Wh2, 'bh2': bh2, 'Wh3': Wh3, 'bh3': bh3,
    }

def reference(atomic_numbers, batch, energy_pred, embed, W1, b1, W2, b2, We, be, Wh1, bh1, Wh2, bh2, Wh3, bh3):
    # _MinimalQMBackbone: embedding gather -> per-atom MLP -> scatter_add over graph ids
    h = jnp.take(embed, atomic_numbers, axis=0)            # (N, 64) gather
    h = silu(h @ W1 + b1)                                  # (N, 128)
    h = silu(h @ W2 + b2)                                  # (N, 128)
    graph_features = jax.ops.segment_sum(h, batch, num_segments=B)  # (B, 128) scatter-add
    qm_energy = (graph_features @ We + be).squeeze(-1)     # (B,)
    # error head C_phi(R, E_tilde): use_energy_input=True
    head_in = jnp.concatenate([graph_features, qm_energy[:, None], energy_pred[:, None]], axis=-1)  # (B, 130)
    x = silu(head_in @ Wh1 + bh1)
    x = silu(x @ Wh2 + bh2)
    error_score = jax.nn.softplus(x @ Wh3 + bh3).squeeze(-1)  # (B,)
    # torch forward returns dict(error_score, qm_energy, graph_features.detach())
    return error_score, qm_energy, jax.lax.stop_gradient(graph_features)

if __name__ == "__main__":
    import jax
    _d = setup_inputs()
    print(jax.jit(kernel)(*tuple(_d.values())))

</pallas_src>

<mosaic_0001>
#map = affine_map<(d0, d1) -> (0)>
module attributes {stable_mosaic.version = 14 : i64} {
  func.func @_hist_body(%arg0: i32, %arg1: i32, %arg2: memref<100000xi32, #tpu.memory_space<hbm>>, %arg3: memref<100000xi32, #tpu.memory_space<hbm>>, %arg4: memref<131072xf32, #tpu.memory_space<hbm>>, %arg5: memref<3136xi32, #tpu.memory_space<vmem>>, %arg6: memref<3136xi32, #tpu.memory_space<vmem>>, %arg7: memref<65664xf32, #tpu.memory_space<vmem>>, %arg8: memref<4096xf32, #tpu.memory_space<vmem>>, %arg9: memref<16xi32, #tpu.memory_space<vmem>>, %arg10: memref<256xi32, #tpu.memory_space<vmem>>, %arg11: memref<2097152xf32, #tpu.memory_space<hbm>>, %arg12: memref<262144xf32, #tpu.memory_space<vmem_shared>>, %arg13: memref<256xi32, #tpu.memory_space<vmem_shared>>, %arg14: memref<!tpu.dma_semaphore, #tpu.memory_space<semaphore_mem>>, %arg15: memref<!tpu.dma_semaphore, #tpu.memory_space<semaphore_mem>>, %arg16: memref<!tpu.dma_semaphore, #tpu.memory_space<semaphore_mem>>) attributes {dimension_semantics = [#tpu.dimension_semantics<core_parallel>, #tpu.dimension_semantics<subcore_parallel>], iteration_bounds = array<i64: 2, 16>, scalar_prefetch = 0 : i64, scratch_operands = 12 : i64, tpu.core_type = #tpu.core_type<sc_vector_subcore>, window_params = [{transform_indices = #map}, {transform_indices = #map}, {transform_indices = #map}]} {
    %mul3A = arith.constant 2 : i32
    %mul3A_0 = arith.muli %arg1, %mul3A : i32
    %add3A = arith.addi %mul3A_0, %arg0 : i32
    %mul3A_1 = arith.constant 3136 : i32
    %mul3A_2 = arith.muli %add3A, %mul3A_1 : i32
    %dma_start3A = arith.constant 0 : i32
    %dma_start3A_3 = tpu.memref_slice %arg5[%dma_start3A] : memref<3136xi32, #tpu.memory_space<vmem>> -> memref<2784xi32, #tpu.memory_space<vmem>>
    %dma_start3A_4 = tpu.memref_slice %arg2[%mul3A_2] : memref<100000xi32, #tpu.memory_space<hbm>> -> memref<2784xi32, #tpu.memory_space<hbm>>
    %dma_start3A_5 = arith.constant 0 : i32
    %dma_start3A_6 = tpu.memref_slice %arg5[%dma_start3A_5] : memref<3136xi32, #tpu.memory_space<vmem>> -> memref<2784xi32, #tpu.memory_space<vmem>>
    %dma_start3A_7 = tpu.memref_slice %arg2[%mul3A_2] : memref<100000xi32, #tpu.memory_space<hbm>> -> memref<2784xi32, #tpu.memory_space<hbm>>
    tpu.enqueue_dma source(%dma_start3A_7 : memref<2784xi32, #tpu.memory_space<hbm>>) target(%dma_start3A_6 : memref<2784xi32, #tpu.memory_space<vmem>>) target_semaphore(%arg14 : memref<!tpu.dma_semaphore, #tpu.memory_space<semaphore_mem>>)
    %dma_start3A_8 = arith.constant 0 : i32
    %dma_start3A_9 = tpu.memref_slice %arg6[%dma_start3A_8] : memref<3136xi32, #tpu.memory_space<vmem>> -> memref<2784xi32, #tpu.memory_space<vmem>>
    %dma_start3A_10 = tpu.memref_slice %arg3[%mul3A_2] : memref<100000xi32, #tpu.memory_space<hbm>> -> memref<2784xi32, #tpu.memory_space<hbm>>
    %dma_start3A_11 = arith.constant 0 : i32
    %dma_start3A_12 = tpu.memref_slice %arg6[%dma_start3A_11] : memref<3136xi32, #tpu.memory_space<vmem>> -> memref<2784xi32, #tpu.memory_space<vmem>>
    %dma_start3A_13 = tpu.memref_slice %arg3[%mul3A_2] : memref<100000xi32, #tpu.memory_space<hbm>> -> memref<2784xi32, #tpu.memory_space<hbm>>
    tpu.enqueue_dma source(%dma_start3A_13 : memref<2784xi32, #tpu.memory_space<hbm>>) target(%dma_start3A_12 : memref<2784xi32, #tpu.memory_space<vmem>>) target_semaphore(%arg15 : memref<!tpu.dma_semaphore, #tpu.memory_space<semaphore_mem>>)
    %broadcast_in_dim3A = arith.constant 0.000000e+00 : f32
    %broadcast_in_dim3A_14 = vector.broadcast %broadcast_in_dim3A : f32 to vector<16xf32>
    %mul3A_15 = arith.constant 4096 : i32
    %mul3A_16 = arith.muli %arg1, %mul3A_15 : i32
    %scan3A = arith.constant 0 : i32
    %scan3A_17 = arith.constant 0 : i32
    %scan3A_18 = arith.constant 32 : i32
    %scan3A_19 = arith.addi %scan3A_17, %scan3A_18 : i32
    %scan3A_20 = arith.constant 1 : i32
    scf.for %scan3A_177 = %scan3A_17 to %scan3A_19 step %scan3A_20  : i32 {
      %mul3A_178 = arith.constant 128 : i32
      %mul3A_179 = arith.muli %scan3A_177, %mul3A_178 : i32
      %add3A_180 = arith.addi %mul3A_16, %mul3A_179 : i32
      %add3A_181 = arith.constant 0 : i32
      %add3A_182 = arith.addi %add3A_180, %add3A_181 : i32
      %swap3A_183 = arith.index_cast %add3A_182 : i32 to index
      %swap3A_184 = tpu.vector_load %arg7[%swap3A_183] {strides = array<i32>} : memref<65664xf32, #tpu.memory_space<vmem>>, vector<16xf32>,
      tpu.vector_store %arg7[%swap3A_183], %broadcast_in_dim3A_14 {strides = array<i32>} : memref<65664xf32, #tpu.memory_space<vmem>>, vector<16xf32>,
      %add3A_185 = arith.constant 16 : i32
      %add3A_186 = arith.addi %add3A_180, %add3A_185 : i32
      %swap3A_187 = arith.index_cast %add3A_186 : i32 to index
      %swap3A_188 = tpu.vector_load %arg7[%swap3A_187] {strides = array<i32>} : memref<65664xf32, #tpu.memory_space<vmem>>, vector<16xf32>,
      tpu.vector_store %arg7[%swap3A_187], %broadcast_in_dim3A_14 {strides = array<i32>} : memref<65664xf32, #tpu.memory_space<vmem>>, vector<16xf32>,
      %add3A_189 = arith.constant 32 : i32
      %add3A_190 = arith.addi %add3A_180, %add3A_189 : i32
      %swap3A_191 = arith.index_cast %add3A_190 : i32 to index
      %swap3A_192 = tpu.vector_load %arg7[%swap3A_191] {strides = array<i32>} : memref<65664xf32, #tpu.memory_space<vmem>>, vector<16xf32>,
      tpu.vector_store %arg7[%swap3A_191], %broadcast_in_dim3A_14 {strides = array<i32>} : memref<65664xf32, #tpu.memory_space<vmem>>, vector<16xf32>,
      %add3A_193 = arith.constant 48 : i32
      %add3A_194 = arith.addi %add3A_180, %add3A_193 : i32
      %swap3A_195 = arith.index_cast %add3A_194 : i32 to index
      %swap3A_196 = tpu.vector_load %arg7[%swap3A_195] {strides = array<i32>} : memref<65664xf32, #tpu.memory_space<vmem>>, vector<16xf32>,
      tpu.vector_store %arg7[%swap3A_195], %broadcast_in_dim3A_14 {strides = array<i32>} : memref<65664xf32, #tpu.memory_space<vmem>>, vector<16xf32>,
      %add3A_197 = arith.constant 64 : i32
      %add3A_198 = arith.addi %add3A_180, %add3A_197 : i32
      %swap3A_199 = arith.index_cast %add3A_198 : i32 to index
      %swap3A_200 = tpu.vector_load %arg7[%swap3A_199] {strides = array<i32>} : memref<65664xf32, #tpu.memory_space<vmem>>, vector<16xf32>,
      tpu.vector_store %arg7[%swap3A_199], %broadcast_in_dim3A_14 {strides = array<i32>} : memref<65664xf32, #tpu.memory_space<vmem>>, vector<16xf32>,
      %add3A_201 = arith.constant 80 : i32
      %add3A_202 = arith.addi %add3A_180, %add3A_201 : i32
      %swap3A_203 = arith.index_cast %add3A_202 : i32 to index
      %swap3A_204 = tpu.vector_load %arg7[%swap3A_203] {strides = array<i32>} : memref<65664xf32, #tpu.memory_space<vmem>>, vector<16xf32>,
      tpu.vector_store %arg7[%swap3A_203], %broadcast_in_dim3A_14 {strides = array<i32>} : memref<65664xf32, #tpu.memory_space<vmem>>, vector<16xf32>,
      %add3A_205 = arith.constant 96 : i32
      %add3A_206 = arith.addi %add3A_180, %add3A_205 : i32
      %swap3A_207 = arith.index_cast %add3A_206 : i32 to index
      %swap3A_208 = tpu.vector_load %arg7[%swap3A_207] {strides = array<i32>} : memref<65664xf32, #tpu.memory_space<vmem>>, vector<16xf32>,
      tpu.vector_store %arg7[%swap3A_207], %broadcast_in_dim3A_14 {strides = array<i32>} : memref<65664xf32, #tpu.memory_space<vmem>>, vector<16xf32>,
      %add3A_209 = arith.constant 112 : i32
      %add3A_210 = arith.addi %add3A_180, %add3A_209 : i32
      %swap3A_211 = arith.index_cast %add3A_210 : i32 to index
      %swap3A_212 = tpu.vector_load %arg7[%swap3A_211] {strides = array<i32>} : memref<65664xf32, #tpu.memory_space<vmem>>, vector<16xf32>,
      tpu.vector_store %arg7[%swap3A_211], %broadcast_in_dim3A_14 {strides = array<i32>} : memref<65664xf32, #tpu.memory_space<vmem>>, vector<16xf32>,
    }
    %scan3A_21 = arith.constant 32 : i32
    %dma_wait3A = arith.constant 0 : i32
    %dma_wait3A_22 = tpu.memref_slice %arg5[%dma_wait3A] : memref<3136xi32, #tpu.memory_space<vmem>> -> memref<2784xi32, #tpu.memory_space<vmem>>
    %dma_wait3A_23 = tpu.memref_slice %arg2[%mul3A_2] : memref<100000xi32, #tpu.memory_space<hbm>> -> memref<2784xi32, #tpu.memory_space<hbm>>
    %dma_wait3A_24 = arith.constant 0 : i32
    %dma_wait3A_25 = tpu.memref_slice %arg5[%dma_wait3A_24] : memref<3136xi32, #tpu.memory_space<vmem>> -> memref<2784xi32, #tpu.memory_space<vmem>>
    %dma_wait3A_26 = tpu.memref_slice %arg2[%mul3A_2] : memref<100000xi32, #tpu.memory_space<hbm>> -> memref<2784xi32, #tpu.memory_space<hbm>>
    tpu.wait_dma2 semaphore(%arg14 : memref<!tpu.dma_semaphore, #tpu.memory_space<semaphore_mem>>) src(%dma_wait3A_26 : memref<2784xi32, #tpu.memory_space<hbm>>) dst(%dma_wait3A_25 : memref<2784xi32, #tpu.memory_space<vmem>>)
    %dma_wait3A_27 = arith.constant 0 : i32
    %dma_wait3A_28 = tpu.memref_slice %arg6[%dma_wait3A_27] : memref<3136xi32, #tpu.memory_space<vmem>> -> memref<2784xi32, #tpu.memory_space<vmem>>
    %dma_wait3A_29 = tpu.memref_slice %arg3[%mul3A_2] : memref<100000xi32, #tpu.memory_space<hbm>> -> memref<2784xi32, #tpu.memory_space<hbm>>
    %dma_wait3A_30 = arith.constant 0 : i32
    %dma_wait3A_31 = tpu.memref_slice %arg6[%dma_wait3A_30] : memref<3136xi32, #tpu.memory_space<vmem>> -> memref<2784xi32, #tpu.memory_space<vmem>>
    %dma_wait3A_32 = tpu.memref_slice %arg3[%mul3A_2] : memref<100000xi32, #tpu.memory_space<hbm>> -> memref<2784xi32, #tpu.memory_space<hbm>>
    tpu.wait_dma2 semaphore(%arg15 : memref<!tpu.dma_semaphore, #tpu.memory_space<semaphore_mem>>) src(%dma_wait3A_32 : memref<2784xi32, #tpu.memory_space<hbm>>) dst(%dma_wait3A_31 : memref<2784xi32, #tpu.memory_space<vmem>>)
    %lt3A = arith.constant 31 : i32
    %lt3A_33 = arith.cmpi slt, %add3A, %lt3A : i32
    %convert_element_type3A = arith.extui %lt3A_33 : i1 to i32
    %cond3A = arith.constant 0 : i32
    %cond3A_34 = arith.cmpi ne, %convert_element_type3A, %cond3A : i32
    scf.if %cond3A_34 {
      %add3A_177 = arith.constant 2784 : i32
      %add3A_178 = arith.addi %mul3A_2, %add3A_177 : i32
      "tpu.region"() ({
        %run_scoped3A = tpu.sem_alloc : memref<!tpu.dma_semaphore, #tpu.memory_space<semaphore_mem>>
        %dma_start3A_181 = arith.constant 2784 : i32
        %dma_start3A_182 = tpu.memref_slice %arg5[%dma_start3A_181] : memref<3136xi32, #tpu.memory_space<vmem>> -> memref<352xi32, #tpu.memory_space<vmem>>
        %dma_start3A_183 = tpu.memref_slice %arg2[%add3A_178] : memref<100000xi32, #tpu.memory_space<hbm>> -> memref<352xi32, #tpu.memory_space<hbm>>
        %dma_start3A_184 = arith.constant 2784 : i32
        %dma_start3A_185 = tpu.memref_slice %arg5[%dma_start3A_184] : memref<3136xi32, #tpu.memory_space<vmem>> -> memref<352xi32, #tpu.memory_space<vmem>>
        %dma_start3A_186 = tpu.memref_slice %arg2[%add3A_178] : memref<100000xi32, #tpu.memory_space<hbm>> -> memref<352xi32, #tpu.memory_space<hbm>>
        tpu.enqueue_dma source(%dma_start3A_186 : memref<352xi32, #tpu.memory_space<hbm>>) target(%dma_start3A_185 : memref<352xi32, #tpu.memory_space<vmem>>) target_semaphore(%run_scoped3A : memref<!tpu.dma_semaphore, #tpu.memory_space<semaphore_mem>>)
        %dma_wait3A_187 = arith.constant 2784 : i32
        %dma_wait3A_188 = tpu.memref_slice %arg5[%dma_wait3A_187] : memref<3136xi32, #tpu.memory_space<vmem>> -> memref<352xi32, #tpu.memory_space<vmem>>
        %dma_wait3A_189 = tpu.memref_slice %arg2[%add3A_178] : memref<100000xi32, #tpu.memory_space<hbm>> -> memref<352xi32, #tpu.memory_space<hbm>>
        %dma_wait3A_190 = arith.constant 2784 : i32
        %dma_wait3A_191 = tpu.memref_slice %arg5[%dma_wait3A_190] : memref<3136xi32, #tpu.memory_space<vmem>> -> memref<352xi32, #tpu.memory_space<vmem>>
        %dma_wait3A_192 = tpu.memref_slice %arg2[%add3A_178] : memref<100000xi32, #tpu.memory_space<hbm>> -> memref<352xi32, #tpu.memory_space<hbm>>
        tpu.wait_dma2 semaphore(%run_scoped3A : memref<!tpu.dma_semaphore, #tpu.memory_space<semaphore_mem>>) src(%dma_wait3A_192 : memref<352xi32, #tpu.memory_space<hbm>>) dst(%dma_wait3A_191 : memref<352xi32, #tpu.memory_space<vmem>>)
        tpu.yield
      }) : () -> ()
      %add3A_179 = arith.constant 2784 : i32
      %add3A_180 = arith.addi %mul3A_2, %add3A_179 : i32
      "tpu.region"() ({
        %run_scoped3A = tpu.sem_alloc : memref<!tpu.dma_semaphore, #tpu.memory_space<semaphore_mem>>
        %dma_start3A_181 = arith.constant 2784 : i32
        %dma_start3A_182 = tpu.memref_slice %arg6[%dma_start3A_181] : memref<3136xi32, #tpu.memory_space<vmem>> -> memref<352xi32, #tpu.memory_space<vmem>>
        %dma_start3A_183 = tpu.memref_slice %arg3[%add3A_180] : memref<100000xi32, #tpu.memory_space<hbm>> -> memref<352xi32, #tpu.memory_space<hbm>>
        %dma_start3A_184 = arith.constant 2784 : i32
        %dma_start3A_185 = tpu.memref_slice %arg6[%dma_start3A_184] : memref<3136xi32, #tpu.memory_space<vmem>> -> memref<352xi32, #tpu.memory_space<vmem>>
        %dma_start3A_186 = tpu.memref_slice %arg3[%add3A_180] : memref<100000xi32, #tpu.memory_space<hbm>> -> memref<352xi32, #tpu.memory_space<hbm>>
        tpu.enqueue_dma source(%dma_start3A_186 : memref<352xi32, #tpu.memory_space<hbm>>) target(%dma_start3A_185 : memref<352xi32, #tpu.memory_space<vmem>>) target_semaphore(%run_scoped3A : memref<!tpu.dma_semaphore, #tpu.memory_space<semaphore_mem>>)
        %dma_wait3A_187 = arith.constant 2784 : i32
        %dma_wait3A_188 = tpu.memref_slice %arg6[%dma_wait3A_187] : memref<3136xi32, #tpu.memory_space<vmem>> -> memref<352xi32, #tpu.memory_space<vmem>>
        %dma_wait3A_189 = tpu.memref_slice %arg3[%add3A_180] : memref<100000xi32, #tpu.memory_space<hbm>> -> memref<352xi32, #tpu.memory_space<hbm>>
        %dma_wait3A_190 = arith.constant 2784 : i32
        %dma_wait3A_191 = tpu.memref_slice %arg6[%dma_wait3A_190] : memref<3136xi32, #tpu.memory_space<vmem>> -> memref<352xi32, #tpu.memory_space<vmem>>
        %dma_wait3A_192 = tpu.memref_slice %arg3[%add3A_180] : memref<100000xi32, #tpu.memory_space<hbm>> -> memref<352xi32, #tpu.memory_space<hbm>>
        tpu.wait_dma2 semaphore(%run_scoped3A : memref<!tpu.dma_semaphore, #tpu.memory_space<semaphore_mem>>) src(%dma_wait3A_192 : memref<352xi32, #tpu.memory_space<hbm>>) dst(%dma_wait3A_191 : memref<352xi32, #tpu.memory_space<vmem>>)
        tpu.yield
      }) : () -> ()
    } else {
    }
    %eq3A = arith.constant 31 : i32
    %eq3A_35 = arith.cmpi eq, %add3A, %eq3A : i32
    %convert_element_type3A_36 = arith.extui %eq3A_35 : i1 to i32
    %get3A = arith.constant 0 : index
    %get3A_37 = tpu.vector_load %arg5[%get3A] {strides = array<i32>} : memref<3136xi32, #tpu.memory_space<vmem>>, vector<16xi32>,
    %reduce_min3A = arith.constant true
    %reduce_min3A_38 = vector.broadcast %reduce_min3A : i1 to vector<16xi1>
    %reduce_min3A_39 = arith.constant -2147483648 : i32
    %reduce_min3A_40 = vector.broadcast %reduce_min3A_39 : i32 to vector<16xi32>
    %reduce_min3A_41 = arith.xori %get3A_37, %reduce_min3A_40 : vector<16xi32>
    %reduce_min3A_42 = tpu.scan <min>, %reduce_min3A_41 masked %reduce_min3A_38 : vector<16xi32>, vector<16xi1> -> vector<16xi32>
    %reduce_min3A_43 = arith.xori %reduce_min3A_42, %reduce_min3A_40 : vector<16xi32>
    %reduce_min3A_44 = vector.extract %reduce_min3A_43[15] : i32 from vector<16xi32>
    %mul3A_45 = arith.constant 352 : i32
    %mul3A_46 = arith.muli %mul3A_45, %convert_element_type3A_36 : i32
    %sub3A = arith.constant 3120 : i32
    %sub3A_47 = arith.subi %sub3A, %mul3A_46 : i32
    %get3A_48 = arith.index_cast %sub3A_47 : i32 to index
    %get3A_49 = tpu.vector_load %arg5[%get3A_48] {strides = array<i32>} : memref<3136xi32, #tpu.memory_space<vmem>>, vector<16xi32>,
    %reduce_max3A = arith.constant true
    %reduce_max3A_50 = vector.broadcast %reduce_max3A : i1 to vector<16xi1>
    %reduce_max3A_51 = arith.constant -2147483648 : i32
    %reduce_max3A_52 = vector.broadcast %reduce_max3A_51 : i32 to vector<16xi32>
    %reduce_max3A_53 = arith.xori %get3A_49, %reduce_max3A_52 : vector<16xi32>
    %reduce_max3A_54 = tpu.scan <max>, %reduce_max3A_53 masked %reduce_max3A_50 : vector<16xi32>, vector<16xi1> -> vector<16xi32>
    %reduce_max3A_55 = arith.xori %reduce_max3A_54, %reduce_max3A_52 : vector<16xi32>
    %reduce_max3A_56 = vector.extract %reduce_max3A_55[15] : i32 from vector<16xi32>
    %shift_right_arithmetic3A = arith.constant 5 : i32
    %shift_right_arithmetic3A_57 = arith.shrsi %reduce_min3A_44, %shift_right_arithmetic3A : i32
    %mul3A_58 = arith.constant 4096 : i32
    %mul3A_59 = arith.muli %shift_right_arithmetic3A_57, %mul3A_58 : i32
    %shift_right_arithmetic3A_60 = arith.constant 5 : i32
    %shift_right_arithmetic3A_61 = arith.shrsi %reduce_max3A_56, %shift_right_arithmetic3A_60 : i32
    %add3A_62 = arith.constant 1 : i32
    %add3A_63 = arith.addi %shift_right_arithmetic3A_61, %add3A_62 : i32
    %mul3A_64 = arith.constant 4096 : i32
    %mul3A_65 = arith.muli %add3A_63, %mul3A_64 : i32
    %iota3A = tpu.iota {dimensions = array<i32: 0>} : vector<16xi32>
    %lt3A_66 = arith.constant 8 : i32
    %lt3A_67 = vector.broadcast %lt3A_66 : i32 to vector<16xi32>
    %lt3A_68 = arith.cmpi slt, %iota3A, %lt3A_67 : vector<16xi32>
    %broadcast_in_dim3A_69 = vector.broadcast %mul3A_59 : i32 to vector<16xi32>
    %broadcast_in_dim3A_70 = vector.broadcast %mul3A_65 : i32 to vector<16xi32>
    %select_n3A = arith.select %lt3A_68, %broadcast_in_dim3A_69, %broadcast_in_dim3A_70 : vector<16xi1>, vector<16xi32>
    %swap3A = arith.constant 0 : index
    %swap3A_71 = tpu.vector_load %arg9[%swap3A] {strides = array<i32>} : memref<16xi32, #tpu.memory_space<vmem>>, vector<16xi32>,
    tpu.vector_store %arg9[%swap3A], %select_n3A {strides = array<i32>} : memref<16xi32, #tpu.memory_space<vmem>>, vector<16xi32>,
    %mul3A_72 = arith.constant 16 : i32
    %mul3A_73 = arith.muli %arg1, %mul3A_72 : i32
    %dma_start3A_74 = tpu.memref_slice %arg13[%mul3A_73] : memref<256xi32, #tpu.memory_space<vmem_shared>> -> memref<16xi32, #tpu.memory_space<vmem_shared>>
    %dma_start3A_75 = tpu.memref_slice %arg13[%mul3A_73] : memref<256xi32, #tpu.memory_space<vmem_shared>> -> memref<16xi32, #tpu.memory_space<vmem_shared>>
    tpu.enqueue_dma source(%arg9 : memref<16xi32, #tpu.memory_space<vmem>>) target(%dma_start3A_75 : memref<16xi32, #tpu.memory_space<vmem_shared>>) target_semaphore(%arg14 : memref<!tpu.dma_semaphore, #tpu.memory_space<semaphore_mem>>)
    %broadcast_in_dim3A_76 = arith.constant 512 : i32
    %broadcast_in_dim3A_77 = vector.broadcast %broadcast_in_dim3A_76 : i32 to vector<16xi32>
    %broadcast_in_dim3A_78 = arith.constant 0 : i32
    %broadcast_in_dim3A_79 = vector.broadcast %broadcast_in_dim3A_78 : i32 to vector<16xi32>
    %eq3A_80 = arith.constant 31 : i32
    %eq3A_81 = arith.cmpi eq, %add3A, %eq3A_80 : i32
    %convert_element_type3A_82 = arith.extui %eq3A_81 : i1 to i32
    %cond3A_83 = arith.constant 0 : i32
    %cond3A_84 = arith.cmpi ne, %convert_element_type3A_82, %cond3A_83 : i32
    scf.if %cond3A_84 {
      %swap3A_177 = arith.constant 2784 : index
      %swap3A_178 = tpu.vector_load %arg5[%swap3A_177] {strides = array<i32>} : memref<3136xi32, #tpu.memory_space<vmem>>, vector<16xi32>,
      tpu.vector_store %arg5[%swap3A_177], %broadcast_in_dim3A_77 {strides = array<i32>} : memref<3136xi32, #tpu.memory_space<vmem>>, vector<16xi32>,
      %swap3A_179 = arith.constant 2784 : index
      %swap3A_180 = tpu.vector_load %arg6[%swap3A_179] {strides = array<i32>} : memref<3136xi32, #tpu.memory_space<vmem>>, vector<16xi32>,
      tpu.vector_store %arg6[%swap3A_179], %broadcast_in_dim3A_79 {strides = array<i32>} : memref<3136xi32, #tpu.memory_space<vmem>>, vector<16xi32>,
      %swap3A_181 = arith.constant 2800 : index
      %swap3A_182 = tpu.vector_load %arg5[%swap3A_181] {strides = array<i32>} : memref<3136xi32, #tpu.memory_space<vmem>>, vector<16xi32>,
      tpu.vector_store %arg5[%swap3A_181], %broadcast_in_dim3A_77 {strides = array<i32>} : memref<3136xi32, #tpu.memory_space<vmem>>, vector<16xi32>,
      %swap3A_183 = arith.constant 2800 : index
      %swap3A_184 = tpu.vector_load %arg6[%swap3A_183] {strides = array<i32>} : memref<3136xi32, #tpu.memory_space<vmem>>, vector<16xi32>,
      tpu.vector_store %arg6[%swap3A_183], %broadcast_in_dim3A_79 {strides = array<i32>} : memref<3136xi32, #tpu.memory_space<vmem>>, vector<16xi32>,
      %swap3A_185 = arith.constant 2816 : index
      %swap3A_186 = tpu.vector_load %arg5[%swap3A_185] {strides = array<i32>} : memref<3136xi32, #tpu.memory_space<vmem>>, vector<16xi32>,
      tpu.vector_store %arg5[%swap3A_185], %broadcast_in_dim3A_77 {strides = array<i32>} : memref<3136xi32, #tpu.memory_space<vmem>>, vector<16xi32>,
      %swap3A_187 = arith.constant 2816 : index
      %swap3A_188 = tpu.vector_load %arg6[%swap3A_187] {strides = array<i32>} : memref<3136xi32, #tpu.memory_space<vmem>>, vector<16xi32>,
      tpu.vector_store %arg6[%swap3A_187], %broadcast_in_dim3A_79 {strides = array<i32>} : memref<3136xi32, #tpu.memory_space<vmem>>, vector<16xi32>,
      %swap3A_189 = arith.constant 2832 : index
      %swap3A_190 = tpu.vector_load %arg5[%swap3A_189] {strides = array<i32>} : memref<3136xi32, #tpu.memory_space<vmem>>, vector<16xi32>,
      tpu.vector_store %arg5[%swap3A_189], %broadcast_in_dim3A_77 {strides = array<i32>} : memref<3136xi32, #tpu.memory_space<vmem>>, vector<16xi32>,
      %swap3A_191 = arith.constant 2832 : index
      %swap3A_192 = tpu.vector_load %arg6[%swap3A_191] {strides = array<i32>} : memref<3136xi32, #tpu.memory_space<vmem>>, vector<16xi32>,
      tpu.vector_store %arg6[%swap3A_191], %broadcast_in_dim3A_79 {strides = array<i32>} : memref<3136xi32, #tpu.memory_space<vmem>>, vector<16xi32>,
      %swap3A_193 = arith.constant 2848 : index
      %swap3A_194 = tpu.vector_load %arg5[%swap3A_193] {strides = array<i32>} : memref<3136xi32, #tpu.memory_space<vmem>>, vector<16xi32>,
      tpu.vector_store %arg5[%swap3A_193], %broadcast_in_dim3A_77 {strides = array<i32>} : memref<3136xi32, #tpu.memory_space<vmem>>, vector<16xi32>,
      %swap3A_195 = arith.constant 2848 : index
      %swap3A_196 = tpu.vector_load %arg6[%swap3A_195] {strides = array<i32>} : memref<3136xi32, #tpu.memory_space<vmem>>, vector<16xi32>,
      tpu.vector_store %arg6[%swap3A_195], %broadcast_in_dim3A_79 {strides = array<i32>} : memref<3136xi32, #tpu.memory_space<vmem>>, vector<16xi32>,
      %swap3A_197 = arith.constant 2864 : index
      %swap3A_198 = tpu.vector_load %arg5[%swap3A_197] {strides = array<i32>} : memref<3136xi32, #tpu.memory_space<vmem>>, vector<16xi32>,
      tpu.vector_store %arg5[%swap3A_197], %broadcast_in_dim3A_77 {strides = array<i32>} : memref<3136xi32, #tpu.memory_space<vmem>>, vector<16xi32>,
      %swap3A_199 = arith.constant 2864 : index
      %swap3A_200 = tpu.vector_load %arg6[%swap3A_199] {strides = array<i32>} : memref<3136xi32, #tpu.memory_space<vmem>>, vector<16xi32>,
      tpu.vector_store %arg6[%swap3A_199], %broadcast_in_dim3A_79 {strides = array<i32>} : memref<3136xi32, #tpu.memory_space<vmem>>, vector<16xi32>,
      %swap3A_201 = arith.constant 2880 : index
      %swap3A_202 = tpu.vector_load %arg5[%swap3A_201] {strides = array<i32>} : memref<3136xi32, #tpu.memory_space<vmem>>, vector<16xi32>,
      tpu.vector_store %arg5[%swap3A_201], %broadcast_in_dim3A_77 {strides = array<i32>} : memref<3136xi32, #tpu.memory_space<vmem>>, vector<16xi32>,
      %swap3A_203 = arith.constant 2880 : index
      %swap3A_204 = tpu.vector_load %arg6[%swap3A_203] {strides = array<i32>} : memref<3136xi32, #tpu.memory_space<vmem>>, vector<16xi32>,
      tpu.vector_store %arg6[%swap3A_203], %broadcast_in_dim3A_79 {strides = array<i32>} : memref<3136xi32, #tpu.memory_space<vmem>>, vector<16xi32>,
      %swap3A_205 = arith.constant 2896 : index
      %swap3A_206 = tpu.vector_load %arg5[%swap3A_205] {strides = array<i32>} : memref<3136xi32, #tpu.memory_space<vmem>>, vector<16xi32>,
      tpu.vector_store %arg5[%swap3A_205], %broadcast_in_dim3A_77 {strides = array<i32>} : memref<3136xi32, #tpu.memory_space<vmem>>, vector<16xi32>,
      %swap3A_207 = arith.constant 2896 : index
      %swap3A_208 = tpu.vector_load %arg6[%swap3A_207] {strides = array<i32>} : memref<3136xi32, #tpu.memory_space<vmem>>, vector<16xi32>,
      tpu.vector_store %arg6[%swap3A_207], %broadcast_in_dim3A_79 {strides = array<i32>} : memref<3136xi32, #tpu.memory_space<vmem>>, vector<16xi32>,
      %swap3A_209 = arith.constant 2912 : index
      %swap3A_210 = tpu.vector_load %arg5[%swap3A_209] {strides = array<i32>} : memref<3136xi32, #tpu.memory_space<vmem>>, vector<16xi32>,
      tpu.vector_store %arg5[%swap3A_209], %broadcast_in_dim3A_77 {strides = array<i32>} : memref<3136xi32, #tpu.memory_space<vmem>>, vector<16xi32>,
      %swap3A_211 = arith.constant 2912 : index
      %swap3A_212 = tpu.vector_load %arg6[%swap3A_211] {strides = array<i32>} : memref<3136xi32, #tpu.memory_space<vmem>>, vector<16xi32>,
      tpu.vector_store %arg6[%swap3A_211], %broadcast_in_dim3A_79 {strides = array<i32>} : memref<3136xi32, #tpu.memory_space<vmem>>, vector<16xi32>,
      %swap3A_213 = arith.constant 2928 : index
      %swap3A_214 = tpu.vector_load %arg5[%swap3A_213] {strides = array<i32>} : memref<3136xi32, #tpu.memory_space<vmem>>, vector<16xi32>,
      tpu.vector_store %arg5[%swap3A_213], %broadcast_in_dim3A_77 {strides = array<i32>} : memref<3136xi32, #tpu.memory_space<vmem>>, vector<16xi32>,
      %swap3A_215 = arith.constant 2928 : index
      %swap3A_216 = tpu.vector_load %arg6[%swap3A_215] {strides = array<i32>} : memref<3136xi32, #tpu.memory_space<vmem>>, vector<16xi32>,
      tpu.vector_store %arg6[%swap3A_215], %broadcast_in_dim3A_79 {strides = array<i32>} : memref<3136xi32, #tpu.memory_space<vmem>>, vector<16xi32>,
      %swap3A_217 = arith.constant 2944 : index
      %swap3A_218 = tpu.vector_load %arg5[%swap3A_217] {strides = array<i32>} : memref<3136xi32, #tpu.memory_space<vmem>>, vector<16xi32>,
      tpu.vector_store %arg5[%swap3A_217], %broadcast_in_dim3A_77 {strides = array<i32>} : memref<3136xi32, #tpu.memory_space<vmem>>, vector<16xi32>,
      %swap3A_219 = arith.constant 2944 : index
      %swap3A_220 = tpu.vector_load %arg6[%swap3A_219] {strides = array<i32>} : memref<3136xi32, #tpu.memory_space<vmem>>, vector<16xi32>,
      tpu.vector_store %arg6[%swap3A_219], %broadcast_in_dim3A_79 {strides = array<i32>} : memref<3136xi32, #tpu.memory_space<vmem>>, vector<16xi32>,
      %swap3A_221 = arith.constant 2960 : index
      %swap3A_222 = tpu.vector_load %arg5[%swap3A_221] {strides = array<i32>} : memref<3136xi32, #tpu.memory_space<vmem>>, vector<16xi32>,
      tpu.vector_store %arg5[%swap3A_221], %broadcast_in_dim3A_77 {strides = array<i32>} : memref<3136xi32, #tpu.memory_space<vmem>>, vector<16xi32>,
      %swap3A_223 = arith.constant 2960 : index
      %swap3A_224 = tpu.vector_load %arg6[%swap3A_223] {strides = array<i32>} : memref<3136xi32, #tpu.memory_space<vmem>>, vector<16xi32>,
      tpu.vector_store %arg6[%swap3A_223], %broadcast_in_dim3A_79 {strides = array<i32>} : memref<3136xi32, #tpu.memory_space<vmem>>, vector<16xi32>,
      %swap3A_225 = arith.constant 2976 : index
      %swap3A_226 = tpu.vector_load %arg5[%swap3A_225] {strides = array<i32>} : memref<3136xi32, #tpu.memory_space<vmem>>, vector<16xi32>,
      tpu.vector_store %arg5[%swap3A_225], %broadcast_in_dim3A_77 {strides = array<i32>} : memref<3136xi32, #tpu.memory_space<vmem>>, vector<16xi32>,
      %swap3A_227 = arith.constant 2976 : index
      %swap3A_228 = tpu.vector_load %arg6[%swap3A_227] {strides = array<i32>} : memref<3136xi32, #tpu.memory_space<vmem>>, vector<16xi32>,
      tpu.vector_store %arg6[%swap3A_227], %broadcast_in_dim3A_79 {strides = array<i32>} : memref<3136xi32, #tpu.memory_space<vmem>>, vector<16xi32>,
      %swap3A_229 = arith.constant 2992 : index
      %swap3A_230 = tpu.vector_load %arg5[%swap3A_229] {strides = array<i32>} : memref<3136xi32, #tpu.memory_space<vmem>>, vector<16xi32>,
      tpu.vector_store %arg5[%swap3A_229], %broadcast_in_dim3A_77 {strides = array<i32>} : memref<3136xi32, #tpu.memory_space<vmem>>, vector<16xi32>,
      %swap3A_231 = arith.constant 2992 : index
      %swap3A_232 = tpu.vector_load %arg6[%swap3A_231] {strides = array<i32>} : memref<3136xi32, #tpu.memory_space<vmem>>, vector<16xi32>,
      tpu.vector_store %arg6[%swap3A_231], %broadcast_in_dim3A_79 {strides = array<i32>} : memref<3136xi32, #tpu.memory_space<vmem>>, vector<16xi32>,
      %swap3A_233 = arith.constant 3008 : index
      %swap3A_234 = tpu.vector_load %arg5[%swap3A_233] {strides = array<i32>} : memref<3136xi32, #tpu.memory_space<vmem>>, vector<16xi32>,
      tpu.vector_store %arg5[%swap3A_233], %broadcast_in_dim3A_77 {strides = array<i32>} : memref<3136xi32, #tpu.memory_space<vmem>>, vector<16xi32>,
      %swap3A_235 = arith.constant 3008 : index
      %swap3A_236 = tpu.vector_load %arg6[%swap3A_235] {strides = array<i32>} : memref<3136xi32, #tpu.memory_space<vmem>>, vector<16xi32>,
      tpu.vector_store %arg6[%swap3A_235], %broadcast_in_dim3A_79 {strides = array<i32>} : memref<3136xi32, #tpu.memory_space<vmem>>, vector<16xi32>,
      %swap3A_237 = arith.constant 3024 : index
      %swap3A_238 = tpu.vector_load %arg5[%swap3A_237] {strides = array<i32>} : memref<3136xi32, #tpu.memory_space<vmem>>, vector<16xi32>,
      tpu.vector_store %arg5[%swap3A_237], %broadcast_in_dim3A_77 {strides = array<i32>} : memref<3136xi32, #tpu.memory_space<vmem>>, vector<16xi32>,
      %swap3A_239 = arith.constant 3024 : index
      %swap3A_240 = tpu.vector_load %arg6[%swap3A_239] {strides = array<i32>} : memref<3136xi32, #tpu.memory_space<vmem>>, vector<16xi32>,
      tpu.vector_store %arg6[%swap3A_239], %broadcast_in_dim3A_79 {strides = array<i32>} : memref<3136xi32, #tpu.memory_space<vmem>>, vector<16xi32>,
      %swap3A_241 = arith.constant 3040 : index
      %swap3A_242 = tpu.vector_load %arg5[%swap3A_241] {strides = array<i32>} : memref<3136xi32, #tpu.memory_space<vmem>>, vector<16xi32>,
      tpu.vector_store %arg5[%swap3A_241], %broadcast_in_dim3A_77 {strides = array<i32>} : memref<3136xi32, #tpu.memory_space<vmem>>, vector<16xi32>,
      %swap3A_243 = arith.constant 3040 : index
      %swap3A_244 = tpu.vector_load %arg6[%swap3A_243] {strides = array<i32>} : memref<3136xi32, #tpu.memory_space<vmem>>, vector<16xi32>,
      tpu.vector_store %arg6[%swap3A_243], %broadcast_in_dim3A_79 {strides = array<i32>} : memref<3136xi32, #tpu.memory_space<vmem>>, vector<16xi32>,
      %swap3A_245 = arith.constant 3056 : index
      %swap3A_246 = tpu.vector_load %arg5[%swap3A_245] {strides = array<i32>} : memref<3136xi32, #tpu.memory_space<vmem>>, vector<16xi32>,
      tpu.vector_store %arg5[%swap3A_245], %broadcast_in_dim3A_77 {strides = array<i32>} : memref<3136xi32, #tpu.memory_space<vmem>>, vector<16xi32>,
      %swap3A_247 = arith.constant 3056 : index
      %swap3A_248 = tpu.vector_load %arg6[%swap3A_247] {strides = array<i32>} : memref<3136xi32, #tpu.memory_space<vmem>>, vector<16xi32>,
      tpu.vector_store %arg6[%swap3A_247], %broadcast_in_dim3A_79 {strides = array<i32>} : memref<3136xi32, #tpu.memory_space<vmem>>, vector<16xi32>,
      %swap3A_249 = arith.constant 3072 : index
      %swap3A_250 = tpu.vector_load %arg5[%swap3A_249] {strides = array<i32>} : memref<3136xi32, #tpu.memory_space<vmem>>, vector<16xi32>,
      tpu.vector_store %arg5[%swap3A_249], %broadcast_in_dim3A_77 {strides = array<i32>} : memref<3136xi32, #tpu.memory_space<vmem>>, vector<16xi32>,
      %swap3A_251 = arith.constant 3072 : index
      %swap3A_252 = tpu.vector_load %arg6[%swap3A_251] {strides = array<i32>} : memref<3136xi32, #tpu.memory_space<vmem>>, vector<16xi32>,
      tpu.vector_store %arg6[%swap3A_251], %broadcast_in_dim3A_79 {strides = array<i32>} : memref<3136xi32, #tpu.memory_space<vmem>>, vector<16xi32>,
      %swap3A_253 = arith.constant 3088 : index
      %swap3A_254 = tpu.vector_load %arg5[%swap3A_253] {strides = array<i32>} : memref<3136xi32, #tpu.memory_space<vmem>>, vector<16xi32>,
      tpu.vector_store %arg5[%swap3A_253], %broadcast_in_dim3A_77 {strides = array<i32>} : memref<3136xi32, #tpu.memory_space<vmem>>, vector<16xi32>,
      %swap3A_255 = arith.constant 3088 : index
      %swap3A_256 = tpu.vector_load %arg6[%swap3A_255] {strides = array<i32>} : memref<3136xi32, #tpu.memory_space<vmem>>, vector<16xi32>,
      tpu.vector_store %arg6[%swap3A_255], %broadcast_in_dim3A_79 {strides = array<i32>} : memref<3136xi32, #tpu.memory_space<vmem>>, vector<16xi32>,
      %swap3A_257 = arith.constant 3104 : index
      %swap3A_258 = tpu.vector_load %arg5[%swap3A_257] {strides = array<i32>} : memref<3136xi32, #tpu.memory_space<vmem>>, vector<16xi32>,
      tpu.vector_store %arg5[%swap3A_257], %broadcast_in_dim3A_77 {strides = array<i32>} : memref<3136xi32, #tpu.memory_space<vmem>>, vector<16xi32>,
      %swap3A_259 = arith.constant 3104 : index
      %swap3A_260 = tpu.vector_load %arg6[%swap3A_259] {strides = array<i32>} : memref<3136xi32, #tpu.memory_space<vmem>>, vector<16xi32>,
      tpu.vector_store %arg6[%swap3A_259], %broadcast_in_dim3A_79 {strides = array<i32>} : memref<3136xi32, #tpu.memory_space<vmem>>, vector<16xi32>,
      %swap3A_261 = arith.constant 3120 : index
      %swap3A_262 = tpu.vector_load %arg5[%swap3A_261] {strides = array<i32>} : memref<3136xi32, #tpu.memory_space<vmem>>, vector<16xi32>,
      tpu.vector_store %arg5[%swap3A_261], %broadcast_in_dim3A_77 {strides = array<i32>} : memref<3136xi32, #tpu.memory_space<vmem>>, vector<16xi32>,
      %swap3A_263 = arith.constant 3120 : index
      %swap3A_264 = tpu.vector_load %arg6[%swap3A_263] {strides = array<i32>} : memref<3136xi32, #tpu.memory_space<vmem>>, vector<16xi32>,
      tpu.vector_store %arg6[%swap3A_263], %broadcast_in_dim3A_79 {strides = array<i32>} : memref<3136xi32, #tpu.memory_space<vmem>>, vector<16xi32>,
    } else {
    }
    %sub3A_85 = arith.subi %mul3A_65, %mul3A_59 : i32
    %jit3A = arith.constant 128 : i32
    %div3A = arith.divsi %sub3A_85, %jit3A : i32
    %sign3A = arith.constant 0 : i32
    %sign3A_86 = arith.cmpi sgt, %sub3A_85, %sign3A : i32
    %sign3A_87 = arith.extui %sign3A_86 : i1 to i32
    %sign3A_88 = arith.constant 0 : i32
    %sign3A_89 = arith.cmpi slt, %sub3A_85, %sign3A_88 : i32
    %sign3A_90 = arith.extui %sign3A_89 : i1 to i32
    %sign3A_91 = arith.subi %sign3A_87, %sign3A_90 : i32
    %sign3A_92 = arith.constant 0 : i32
    %sign3A_93 = arith.cmpi sgt, %jit3A, %sign3A_92 : i32
    %sign3A_94 = arith.extui %sign3A_93 : i1 to i32
    %sign3A_95 = arith.constant 0 : i32
    %sign3A_96 = arith.cmpi slt, %jit3A, %sign3A_95 : i32
    %sign3A_97 = arith.extui %sign3A_96 : i1 to i32
    %sign3A_98 = arith.subi %sign3A_94, %sign3A_97 : i32
    %ne3A = arith.cmpi ne, %sign3A_91, %sign3A_98 : i32
    %rem3A = arith.remsi %sub3A_85, %jit3A : i32
    %ne3A_99 = arith.constant 0 : i32
    %ne3A_100 = arith.cmpi ne, %rem3A, %ne3A_99 : i32
    %and3A = arith.andi %ne3A, %ne3A_100 : i1
    %sub3A_101 = arith.constant 1 : i32
    %sub3A_102 = arith.subi %div3A, %sub3A_101 : i32
    %select_n3A_103 = arith.select %and3A, %sub3A_102, %div3A : i32
    %while3A = arith.constant 0 : i32
    %while3A_104 = arith.constant 0 : i32
    %while3A_105 = arith.subi %select_n3A_103, %while3A_104 : i32
    %while3A_106 = arith.addi %while3A_104, %while3A_105 : i32
    %while3A_107 = arith.constant 1 : i32
    %while3A_108 = arith.divsi %while3A_105, %while3A_107 : i32
    %while3A_109 = arith.muli %while3A_108, %while3A_107 : i32
    %while3A_110 = arith.addi %while3A_104, %while3A_109 : i32
    %while3A_111 = arith.constant 1 : i32
    scf.for %while3A_177 = %while3A_104 to %while3A_110 step %while3A_111  : i32 {
      %mul3A_178 = arith.constant 128 : i32
      %mul3A_179 = arith.muli %while3A_177, %mul3A_178 : i32
      %add3A_180 = arith.addi %mul3A_59, %mul3A_179 : i32
      %add3A_181 = arith.constant 0 : i32
      %add3A_182 = arith.addi %add3A_180, %add3A_181 : i32
      %swap3A_183 = arith.index_cast %add3A_182 : i32 to index
      %swap3A_184 = tpu.vector_load %arg7[%swap3A_183] {strides = array<i32>} : memref<65664xf32, #tpu.memory_space<vmem>>, vector<16xf32>,
      tpu.vector_store %arg7[%swap3A_183], %broadcast_in_dim3A_14 {strides = array<i32>} : memref<65664xf32, #tpu.memory_space<vmem>>, vector<16xf32>,
      %add3A_185 = arith.constant 16 : i32
      %add3A_186 = arith.addi %add3A_180, %add3A_185 : i32
      %swap3A_187 = arith.index_cast %add3A_186 : i32 to index
      %swap3A_188 = tpu.vector_load %arg7[%swap3A_187] {strides = array<i32>} : memref<65664xf32, #tpu.memory_space<vmem>>, vector<16xf32>,
      tpu.vector_store %arg7[%swap3A_187], %broadcast_in_dim3A_14 {strides = array<i32>} : memref<65664xf32, #tpu.memory_space<vmem>>, vector<16xf32>,
      %add3A_189 = arith.constant 32 : i32
      %add3A_190 = arith.addi %add3A_180, %add3A_189 : i32
      %swap3A_191 = arith.index_cast %add3A_190 : i32 to index
      %swap3A_192 = tpu.vector_load %arg7[%swap3A_191] {strides = array<i32>} : memref<65664xf32, #tpu.memory_space<vmem>>, vector<16xf32>,
      tpu.vector_store %arg7[%swap3A_191], %broadcast_in_dim3A_14 {strides = array<i32>} : memref<65664xf32, #tpu.memory_space<vmem>>, vector<16xf32>,
      %add3A_193 = arith.constant 48 : i32
      %add3A_194 = arith.addi %add3A_180, %add3A_193 : i32
      %swap3A_195 = arith.index_cast %add3A_194 : i32 to index
      %swap3A_196 = tpu.vector_load %arg7[%swap3A_195] {strides = array<i32>} : memref<65664xf32, #tpu.memory_space<vmem>>, vector<16xf32>,
      tpu.vector_store %arg7[%swap3A_195], %broadcast_in_dim3A_14 {strides = array<i32>} : memref<65664xf32, #tpu.memory_space<vmem>>, vector<16xf32>,
      %add3A_197 = arith.constant 64 : i32
      %add3A_198 = arith.addi %add3A_180, %add3A_197 : i32
      %swap3A_199 = arith.index_cast %add3A_198 : i32 to index
      %swap3A_200 = tpu.vector_load %arg7[%swap3A_199] {strides = array<i32>} : memref<65664xf32, #tpu.memory_space<vmem>>, vector<16xf32>,
      tpu.vector_store %arg7[%swap3A_199], %broadcast_in_dim3A_14 {strides = array<i32>} : memref<65664xf32, #tpu.memory_space<vmem>>, vector<16xf32>,
      %add3A_201 = arith.constant 80 : i32
      %add3A_202 = arith.addi %add3A_180, %add3A_201 : i32
      %swap3A_203 = arith.index_cast %add3A_202 : i32 to index
      %swap3A_204 = tpu.vector_load %arg7[%swap3A_203] {strides = array<i32>} : memref<65664xf32, #tpu.memory_space<vmem>>, vector<16xf32>,
      tpu.vector_store %arg7[%swap3A_203], %broadcast_in_dim3A_14 {strides = array<i32>} : memref<65664xf32, #tpu.memory_space<vmem>>, vector<16xf32>,
      %add3A_205 = arith.constant 96 : i32
      %add3A_206 = arith.addi %add3A_180, %add3A_205 : i32
      %swap3A_207 = arith.index_cast %add3A_206 : i32 to index
      %swap3A_208 = tpu.vector_load %arg7[%swap3A_207] {strides = array<i32>} : memref<65664xf32, #tpu.memory_space<vmem>>, vector<16xf32>,
      tpu.vector_store %arg7[%swap3A_207], %broadcast_in_dim3A_14 {strides = array<i32>} : memref<65664xf32, #tpu.memory_space<vmem>>, vector<16xf32>,
      %add3A_209 = arith.constant 112 : i32
      %add3A_210 = arith.addi %add3A_180, %add3A_209 : i32
      %swap3A_211 = arith.index_cast %add3A_210 : i32 to index
      %swap3A_212 = tpu.vector_load %arg7[%swap3A_211] {strides = array<i32>} : memref<65664xf32, #tpu.memory_space<vmem>>, vector<16xf32>,
      tpu.vector_store %arg7[%swap3A_211], %broadcast_in_dim3A_14 {strides = array<i32>} : memref<65664xf32, #tpu.memory_space<vmem>>, vector<16xf32>,
    }
    %while3A_112 = arith.constant 1 : i32
    scf.for %while3A_177 = %while3A_110 to %while3A_106 step %while3A_112  : i32 {
      %mul3A_178 = arith.constant 128 : i32
      %mul3A_179 = arith.muli %while3A_177, %mul3A_178 : i32
      %add3A_180 = arith.addi %mul3A_59, %mul3A_179 : i32
      %add3A_181 = arith.constant 0 : i32
      %add3A_182 = arith.addi %add3A_180, %add3A_181 : i32
      %swap3A_183 = arith.index_cast %add3A_182 : i32 to index
      %swap3A_184 = tpu.vector_load %arg7[%swap3A_183] {strides = array<i32>} : memref<65664xf32, #tpu.memory_space<vmem>>, vector<16xf32>,
      tpu.vector_store %arg7[%swap3A_183], %broadcast_in_dim3A_14 {strides = array<i32>} : memref<65664xf32, #tpu.memory_space<vmem>>, vector<16xf32>,
      %add3A_185 = arith.constant 16 : i32
      %add3A_186 = arith.addi %add3A_180, %add3A_185 : i32
      %swap3A_187 = arith.index_cast %add3A_186 : i32 to index
      %swap3A_188 = tpu.vector_load %arg7[%swap3A_187] {strides = array<i32>} : memref<65664xf32, #tpu.memory_space<vmem>>, vector<16xf32>,
      tpu.vector_store %arg7[%swap3A_187], %broadcast_in_dim3A_14 {strides = array<i32>} : memref<65664xf32, #tpu.memory_space<vmem>>, vector<16xf32>,
      %add3A_189 = arith.constant 32 : i32
      %add3A_190 = arith.addi %add3A_180, %add3A_189 : i32
      %swap3A_191 = arith.index_cast %add3A_190 : i32 to index
      %swap3A_192 = tpu.vector_load %arg7[%swap3A_191] {strides = array<i32>} : memref<65664xf32, #tpu.memory_space<vmem>>, vector<16xf32>,
      tpu.vector_store %arg7[%swap3A_191], %broadcast_in_dim3A_14 {strides = array<i32>} : memref<65664xf32, #tpu.memory_space<vmem>>, vector<16xf32>,
      %add3A_193 = arith.constant 48 : i32
      %add3A_194 = arith.addi %add3A_180, %add3A_193 : i32
      %swap3A_195 = arith.index_cast %add3A_194 : i32 to index
      %swap3A_196 = tpu.vector_load %arg7[%swap3A_195] {strides = array<i32>} : memref<65664xf32, #tpu.memory_space<vmem>>, vector<16xf32>,
      tpu.vector_store %arg7[%swap3A_195], %broadcast_in_dim3A_14 {strides = array<i32>} : memref<65664xf32, #tpu.memory_space<vmem>>, vector<16xf32>,
      %add3A_197 = arith.constant 64 : i32
      %add3A_198 = arith.addi %add3A_180, %add3A_197 : i32
      %swap3A_199 = arith.index_cast %add3A_198 : i32 to index
      %swap3A_200 = tpu.vector_load %arg7[%swap3A_199] {strides = array<i32>} : memref<65664xf32, #tpu.memory_space<vmem>>, vector<16xf32>,
      tpu.vector_store %arg7[%swap3A_199], %broadcast_in_dim3A_14 {strides = array<i32>} : memref<65664xf32, #tpu.memory_space<vmem>>, vector<16xf32>,
      %add3A_201 = arith.constant 80 : i32
      %add3A_202 = arith.addi %add3A_180, %add3A_201 : i32
      %swap3A_203 = arith.index_cast %add3A_202 : i32 to index
      %swap3A_204 = tpu.vector_load %arg7[%swap3A_203] {strides = array<i32>} : memref<65664xf32, #tpu.memory_space<vmem>>, vector<16xf32>,
      tpu.vector_store %arg7[%swap3A_203], %broadcast_in_dim3A_14 {strides = array<i32>} : memref<65664xf32, #tpu.memory_space<vmem>>, vector<16xf32>,
      %add3A_205 = arith.constant 96 : i32
      %add3A_206 = arith.addi %add3A_180, %add3A_205 : i32
      %swap3A_207 = arith.index_cast %add3A_206 : i32 to index
      %swap3A_208 = tpu.vector_load %arg7[%swap3A_207] {strides = array<i32>} : memref<65664xf32, #tpu.memory_space<vmem>>, vector<16xf32>,
      tpu.vector_store %arg7[%swap3A_207], %broadcast_in_dim3A_14 {strides = array<i32>} : memref<65664xf32, #tpu.memory_space<vmem>>, vector<16xf32>,
      %add3A_209 = arith.constant 112 : i32
      %add3A_210 = arith.addi %add3A_180, %add3A_209 : i32
      %swap3A_211 = arith.index_cast %add3A_210 : i32 to index
      %swap3A_212 = tpu.vector_load %arg7[%swap3A_211] {strides = array<i32>} : memref<65664xf32, #tpu.memory_space<vmem>>, vector<16xf32>,
      tpu.vector_store %arg7[%swap3A_211], %broadcast_in_dim3A_14 {strides = array<i32>} : memref<65664xf32, #tpu.memory_space<vmem>>, vector<16xf32>,
    }
    %broadcast_in_dim3A_113 = arith.constant 1.000000e+00 : f32
    %broadcast_in_dim3A_114 = vector.broadcast %broadcast_in_dim3A_113 : f32 to vector<16xf32>
    %scan3A_115 = arith.constant 0 : i32
    %scan3A_116 = arith.constant 0 : i32
    %scan3A_117 = arith.constant 49 : i32
    %scan3A_118 = arith.addi %scan3A_116, %scan3A_117 : i32
    %scan3A_119 = arith.constant 1 : i32
    scf.for %scan3A_177 = %scan3A_116 to %scan3A_118 step %scan3A_119  : i32 {
      %mul3A_178 = arith.constant 64 : i32
      %mul3A_179 = arith.muli %scan3A_177, %mul3A_178 : i32
      %add3A_180 = arith.constant 0 : i32
      %add3A_181 = arith.addi %mul3A_179, %add3A_180 : i32
      %get3A_182 = arith.index_cast %add3A_181 : i32 to index
      %get3A_183 = tpu.vector_load %arg5[%get3A_182] {strides = array<i32>} : memref<3136xi32, #tpu.memory_space<vmem>>, vector<16xi32>,
      %get3A_184 = arith.index_cast %add3A_181 : i32 to index
      %get3A_185 = tpu.vector_load %arg6[%get3A_184] {strides = array<i32>} : memref<3136xi32, #tpu.memory_space<vmem>>, vector<16xi32>,
      %mul3A_186 = arith.constant 128 : i32
      %mul3A_187 = vector.broadcast %mul3A_186 : i32 to vector<16xi32>
      %mul3A_188 = arith.muli %get3A_183, %mul3A_187 : vector<16xi32>
      %add3A_189 = arith.addi %mul3A_188, %get3A_185 : vector<16xi32>
      tpu.vector_store_idx %arg7[%add3A_189], %broadcast_in_dim3A_114 {add = true} : memref<65664xf32, #tpu.memory_space<vmem>>[vector<16xi32>], vector<16xf32>,
      %mul3A_190 = arith.constant 64 : i32
      %mul3A_191 = arith.muli %scan3A_177, %mul3A_190 : i32
      %add3A_192 = arith.constant 16 : i32
      %add3A_193 = arith.addi %mul3A_191, %add3A_192 : i32
      %get3A_194 = arith.index_cast %add3A_193 : i32 to index
      %get3A_195 = tpu.vector_load %arg5[%get3A_194] {strides = array<i32>} : memref<3136xi32, #tpu.memory_space<vmem>>, vector<16xi32>,
      %get3A_196 = arith.index_cast %add3A_193 : i32 to index
      %get3A_197 = tpu.vector_load %arg6[%get3A_196] {strides = array<i32>} : memref<3136xi32, #tpu.memory_space<vmem>>, vector<16xi32>,
      %mul3A_198 = arith.constant 128 : i32
      %mul3A_199 = vector.broadcast %mul3A_198 : i32 to vector<16xi32>
      %mul3A_200 = arith.muli %get3A_195, %mul3A_199 : vector<16xi32>
      %add3A_201 = arith.addi %mul3A_200, %get3A_197 : vector<16xi32>
      tpu.vector_store_idx %arg7[%add3A_201], %broadcast_in_dim3A_114 {add = true} : memref<65664xf32, #tpu.memory_space<vmem>>[vector<16xi32>], vector<16xf32>,
      %mul3A_202 = arith.constant 64 : i32
      %mul3A_203 = arith.muli %scan3A_177, %mul3A_202 : i32
      %add3A_204 = arith.constant 32 : i32
      %add3A_205 = arith.addi %mul3A_203, %add3A_204 : i32
      %get3A_206 = arith.index_cast %add3A_205 : i32 to index
      %get3A_207 = tpu.vector_load %arg5[%get3A_206] {strides = array<i32>} : memref<3136xi32, #tpu.memory_space<vmem>>, vector<16xi32>,
      %get3A_208 = arith.index_cast %add3A_205 : i32 to index
      %get3A_209 = tpu.vector_load %arg6[%get3A_208] {strides = array<i32>} : memref<3136xi32, #tpu.memory_space<vmem>>, vector<16xi32>,
      %mul3A_210 = arith.constant 128 : i32
      %mul3A_211 = vector.broadcast %mul3A_210 : i32 to vector<16xi32>
      %mul3A_212 = arith.muli %get3A_207, %mul3A_211 : vector<16xi32>
      %add3A_213 = arith.addi %mul3A_212, %get3A_209 : vector<16xi32>
      tpu.vector_store_idx %arg7[%add3A_213], %broadcast_in_dim3A_114 {add = true} : memref<65664xf32, #tpu.memory_space<vmem>>[vector<16xi32>], vector<16xf32>,
      %mul3A_214 = arith.constant 64 : i32
      %mul3A_215 = arith.muli %scan3A_177, %mul3A_214 : i32
      %add3A_216 = arith.constant 48 : i32
      %add3A_217 = arith.addi %mul3A_215, %add3A_216 : i32
      %get3A_218 = arith.index_cast %add3A_217 : i32 to index
      %get3A_219 = tpu.vector_load %arg5[%get3A_218] {strides = array<i32>} : memref<3136xi32, #tpu.memory_space<vmem>>, vector<16xi32>,
      %get3A_220 = arith.index_cast %add3A_217 : i32 to index
      %get3A_221 = tpu.vector_load %arg6[%get3A_220] {strides = array<i32>} : memref<3136xi32, #tpu.memory_space<vmem>>, vector<16xi32>,
      %mul3A_222 = arith.constant 128 : i32
      %mul3A_223 = vector.broadcast %mul3A_222 : i32 to vector<16xi32>
      %mul3A_224 = arith.muli %get3A_219, %mul3A_223 : vector<16xi32>
      %add3A_225 = arith.addi %mul3A_224, %get3A_221 : vector<16xi32>
      tpu.vector_store_idx %arg7[%add3A_225], %broadcast_in_dim3A_114 {add = true} : memref<65664xf32, #tpu.memory_space<vmem>>[vector<16xi32>], vector<16xf32>,
    }
    %scan3A_120 = arith.constant 49 : i32
    %sub3A_121 = arith.subi %mul3A_65, %mul3A_59 : i32
    %jit3A_122 = arith.constant 4096 : i32
    %div3A_123 = arith.divsi %sub3A_121, %jit3A_122 : i32
    %sign3A_124 = arith.constant 0 : i32
    %sign3A_125 = arith.cmpi sgt, %sub3A_121, %sign3A_124 : i32
    %sign3A_126 = arith.extui %sign3A_125 : i1 to i32
    %sign3A_127 = arith.constant 0 : i32
    %sign3A_128 = arith.cmpi slt, %sub3A_121, %sign3A_127 : i32
    %sign3A_129 = arith.extui %sign3A_128 : i1 to i32
    %sign3A_130 = arith.subi %sign3A_126, %sign3A_129 : i32
    %sign3A_131 = arith.constant 0 : i32
    %sign3A_132 = arith.cmpi sgt, %jit3A_122, %sign3A_131 : i32
    %sign3A_133 = arith.extui %sign3A_132 : i1 to i32
    %sign3A_134 = arith.constant 0 : i32
    %sign3A_135 = arith.cmpi slt, %jit3A_122, %sign3A_134 : i32
    %sign3A_136 = arith.extui %sign3A_135 : i1 to i32
    %sign3A_137 = arith.subi %sign3A_133, %sign3A_136 : i32
    %ne3A_138 = arith.cmpi ne, %sign3A_130, %sign3A_137 : i32
    %rem3A_139 = arith.remsi %sub3A_121, %jit3A_122 : i32
    %ne3A_140 = arith.constant 0 : i32
    %ne3A_141 = arith.cmpi ne, %rem3A_139, %ne3A_140 : i32
    %and3A_142 = arith.andi %ne3A_138, %ne3A_141 : i1
    %sub3A_143 = arith.constant 1 : i32
    %sub3A_144 = arith.subi %div3A_123, %sub3A_143 : i32
    %select_n3A_145 = arith.select %and3A_142, %sub3A_144, %div3A_123 : i32
    %while3A_146 = arith.constant 0 : i32
    %while3A_147 = arith.constant 0 : i32
    %while3A_148 = arith.subi %select_n3A_145, %while3A_147 : i32
    %while3A_149 = arith.addi %while3A_147, %while3A_148 : i32
    %while3A_150 = arith.constant 1 : i32
    %while3A_151 = arith.divsi %while3A_148, %while3A_150 : i32
    %while3A_152 = arith.muli %while3A_151, %while3A_150 : i32
    %while3A_153 = arith.addi %while3A_147, %while3A_152 : i32
    %while3A_154 = arith.constant 1 : i32
    scf.for %while3A_177 = %while3A_147 to %while3A_153 step %while3A_154  : i32 {
      %mul3A_178 = arith.constant 4096 : i32
      %mul3A_179 = arith.muli %while3A_177, %mul3A_178 : i32
      %add3A_180 = arith.addi %mul3A_59, %mul3A_179 : i32
      %lt3A_181 = arith.constant 4 : i32
      %lt3A_182 = arith.cmpi slt, %while3A_177, %lt3A_181 : i32
      %convert_element_type3A_183 = arith.extui %lt3A_182 : i1 to i32
      %cond3A_184 = arith.constant 0 : i32
      %cond3A_185 = arith.cmpi ne, %convert_element_type3A_183, %cond3A_184 : i32
      scf.if %cond3A_185 {
        %mul3A_190 = arith.constant 4 : i32
        %mul3A_191 = arith.muli %arg1, %mul3A_190 : i32
        %add3A_192 = arith.addi %mul3A_191, %while3A_177 : i32
        %mul3A_193 = arith.constant 4096 : i32
        %mul3A_194 = arith.muli %add3A_192, %mul3A_193 : i32
        %dma_start3A_195 = tpu.memref_slice %arg7[%add3A_180] : memref<65664xf32, #tpu.memory_space<vmem>> -> memref<4096xf32, #tpu.memory_space<vmem>>
        %dma_start3A_196 = tpu.memref_slice %arg12[%mul3A_194] : memref<262144xf32, #tpu.memory_space<vmem_shared>> -> memref<4096xf32, #tpu.memory_space<vmem_shared>>
        %dma_start3A_197 = tpu.memref_slice %arg12[%mul3A_194] : memref<262144xf32, #tpu.memory_space<vmem_shared>> -> memref<4096xf32, #tpu.memory_space<vmem_shared>>
        %dma_start3A_198 = tpu.memref_slice %arg7[%add3A_180] : memref<65664xf32, #tpu.memory_space<vmem>> -> memref<4096xf32, #tpu.memory_space<vmem>>
        tpu.enqueue_dma source(%dma_start3A_198 : memref<4096xf32, #tpu.memory_space<vmem>>) target(%dma_start3A_197 : memref<4096xf32, #tpu.memory_space<vmem_shared>>) target_semaphore(%arg15 : memref<!tpu.dma_semaphore, #tpu.memory_space<semaphore_mem>>)
      } else {
      }
      %ge3A = arith.constant 4 : i32
      %ge3A_186 = arith.cmpi sge, %while3A_177, %ge3A : i32
      %convert_element_type3A_187 = arith.extui %ge3A_186 : i1 to i32
      %cond3A_188 = arith.constant 0 : i32
      %cond3A_189 = arith.cmpi ne, %convert_element_type3A_187, %cond3A_188 : i32
      scf.if %cond3A_189 {
        %mul3A_190 = arith.constant 65536 : i32
        %mul3A_191 = arith.muli %add3A, %mul3A_190 : i32
        %add3A_192 = arith.addi %mul3A_191, %add3A_180 : i32
        %dma_start3A_193 = tpu.memref_slice %arg7[%add3A_180] : memref<65664xf32, #tpu.memory_space<vmem>> -> memref<4096xf32, #tpu.memory_space<vmem>>
        %dma_start3A_194 = tpu.memref_slice %arg11[%add3A_192] : memref<2097152xf32, #tpu.memory_space<hbm>> -> memref<4096xf32, #tpu.memory_space<hbm>>
        %dma_start3A_195 = tpu.memref_slice %arg11[%add3A_192] : memref<2097152xf32, #tpu.memory_space<hbm>> -> memref<4096xf32, #tpu.memory_space<hbm>>
        %dma_start3A_196 = tpu.memref_slice %arg7[%add3A_180] : memref<65664xf32, #tpu.memory_space<vmem>> -> memref<4096xf32, #tpu.memory_space<vmem>>
        tpu.enqueue_dma source(%dma_start3A_196 : memref<4096xf32, #tpu.memory_space<vmem>>) target(%dma_start3A_195 : memref<4096xf32, #tpu.memory_space<hbm>>) target_semaphore(%arg16 : memref<!tpu.dma_semaphore, #tpu.memory_space<semaphore_mem>>)
      } else {
      }
    }
    %while3A_155 = arith.constant 1 : i32
    scf.for %while3A_177 = %while3A_153 to %while3A_149 step %while3A_155  : i32 {
      %mul3A_178 = arith.constant 4096 : i32
      %mul3A_179 = arith.muli %while3A_177, %mul3A_178 : i32
      %add3A_180 = arith.addi %mul3A_59, %mul3A_179 : i32
      %lt3A_181 = arith.constant 4 : i32
      %lt3A_182 = arith.cmpi slt, %while3A_177, %lt3A_181 : i32
      %convert_element_type3A_183 = arith.extui %lt3A_182 : i1 to i32
      %cond3A_184 = arith.constant 0 : i32
      %cond3A_185 = arith.cmpi ne, %convert_element_type3A_183, %cond3A_184 : i32
      scf.if %cond3A_185 {
        %mul3A_190 = arith.constant 4 : i32
        %mul3A_191 = arith.muli %arg1, %mul3A_190 : i32
        %add3A_192 = arith.addi %mul3A_191, %while3A_177 : i32
        %mul3A_193 = arith.constant 4096 : i32
        %mul3A_194 = arith.muli %add3A_192, %mul3A_193 : i32
        %dma_start3A_195 = tpu.memref_slice %arg7[%add3A_180] : memref<65664xf32, #tpu.memory_space<vmem>> -> memref<4096xf32, #tpu.memory_space<vmem>>
        %dma_start3A_196 = tpu.memref_slice %arg12[%mul3A_194] : memref<262144xf32, #tpu.memory_space<vmem_shared>> -> memref<4096xf32, #tpu.memory_space<vmem_shared>>
        %dma_start3A_197 = tpu.memref_slice %arg12[%mul3A_194] : memref<262144xf32, #tpu.memory_space<vmem_shared>> -> memref<4096xf32, #tpu.memory_space<vmem_shared>>
        %dma_start3A_198 = tpu.memref_slice %arg7[%add3A_180] : memref<65664xf32, #tpu.memory_space<vmem>> -> memref<4096xf32, #tpu.memory_space<vmem>>
        tpu.enqueue_dma source(%dma_start3A_198 : memref<4096xf32, #tpu.memory_space<vmem>>) target(%dma_start3A_197 : memref<4096xf32, #tpu.memory_space<vmem_shared>>) target_semaphore(%arg15 : memref<!tpu.dma_semaphore, #tpu.memory_space<semaphore_mem>>)
      } else {
      }
      %ge3A = arith.constant 4 : i32
      %ge3A_186 = arith.cmpi sge, %while3A_177, %ge3A : i32
      %convert_element_type3A_187 = arith.extui %ge3A_186 : i1 to i32
      %cond3A_188 = arith.constant 0 : i32
      %cond3A_189 = arith.cmpi ne, %convert_element_type3A_187, %cond3A_188 : i32
      scf.if %cond3A_189 {
        %mul3A_190 = arith.constant 65536 : i32
        %mul3A_191 = arith.muli %add3A, %mul3A_190 : i32
        %add3A_192 = arith.addi %mul3A_191, %add3A_180 : i32
        %dma_start3A_193 = tpu.memref_slice %arg7[%add3A_180] : memref<65664xf32, #tpu.memory_space<vmem>> -> memref<4096xf32, #tpu.memory_space<vmem>>
        %dma_start3A_194 = tpu.memref_slice %arg11[%add3A_192] : memref<2097152xf32, #tpu.memory_space<hbm>> -> memref<4096xf32, #tpu.memory_space<hbm>>
        %dma_start3A_195 = tpu.memref_slice %arg11[%add3A_192] : memref<2097152xf32, #tpu.memory_space<hbm>> -> memref<4096xf32, #tpu.memory_space<hbm>>
        %dma_start3A_196 = tpu.memref_slice %arg7[%add3A_180] : memref<65664xf32, #tpu.memory_space<vmem>> -> memref<4096xf32, #tpu.memory_space<vmem>>
        tpu.enqueue_dma source(%dma_start3A_196 : memref<4096xf32, #tpu.memory_space<vmem>>) target(%dma_start3A_195 : memref<4096xf32, #tpu.memory_space<hbm>>) target_semaphore(%arg16 : memref<!tpu.dma_semaphore, #tpu.memory_space<semaphore_mem>>)
      } else {
      }
    }
    %while3A_156 = arith.constant 0 : i32
    %while3A_157 = arith.constant 0 : i32
    %while3A_158 = arith.subi %select_n3A_145, %while3A_157 : i32
    %while3A_159 = arith.addi %while3A_157, %while3A_158 : i32
    %while3A_160 = arith.constant 1 : i32
    %while3A_161 = arith.divsi %while3A_158, %while3A_160 : i32
    %while3A_162 = arith.muli %while3A_161, %while3A_160 : i32
    %while3A_163 = arith.addi %while3A_157, %while3A_162 : i32
    %while3A_164 = arith.constant 1 : i32
    scf.for %while3A_177 = %while3A_157 to %while3A_163 step %while3A_164  : i32 {
      %mul3A_178 = arith.constant 4096 : i32
      %mul3A_179 = arith.muli %while3A_177, %mul3A_178 : i32
      %add3A_180 = arith.addi %mul3A_59, %mul3A_179 : i32
      %lt3A_181 = arith.constant 4 : i32
      %lt3A_182 = arith.cmpi slt, %while3A_177, %lt3A_181 : i32
      %convert_element_type3A_183 = arith.extui %lt3A_182 : i1 to i32
      %cond3A_184 = arith.constant 0 : i32
      %cond3A_185 = arith.cmpi ne, %convert_element_type3A_183, %cond3A_184 : i32
      scf.if %cond3A_185 {
        %mul3A_190 = arith.constant 4 : i32
        %mul3A_191 = arith.muli %arg1, %mul3A_190 : i32
        %add3A_192 = arith.addi %mul3A_191, %while3A_177 : i32
        %mul3A_193 = arith.constant 4096 : i32
        %mul3A_194 = arith.muli %add3A_192, %mul3A_193 : i32
        %dma_wait3A_195 = tpu.memref_slice %arg7[%add3A_180] : memref<65664xf32, #tpu.memory_space<vmem>> -> memref<4096xf32, #tpu.memory_space<vmem>>
        %dma_wait3A_196 = tpu.memref_slice %arg12[%mul3A_194] : memref<262144xf32, #tpu.memory_space<vmem_shared>> -> memref<4096xf32, #tpu.memory_space<vmem_shared>>
        %dma_wait3A_197 = tpu.memref_slice %arg12[%mul3A_194] : memref<262144xf32, #tpu.memory_space<vmem_shared>> -> memref<4096xf32, #tpu.memory_space<vmem_shared>>
        %dma_wait3A_198 = tpu.memref_slice %arg7[%add3A_180] : memref<65664xf32, #tpu.memory_space<vmem>> -> memref<4096xf32, #tpu.memory_space<vmem>>
        tpu.wait_dma2 semaphore(%arg15 : memref<!tpu.dma_semaphore, #tpu.memory_space<semaphore_mem>>) src(%dma_wait3A_198 : memref<4096xf32, #tpu.memory_space<vmem>>) dst(%dma_wait3A_197 : memref<4096xf32, #tpu.memory_space<vmem_shared>>)
      } else {
      }
      %ge3A = arith.constant 4 : i32
      %ge3A_186 = arith.cmpi sge, %while3A_177, %ge3A : i32
      %convert_element_type3A_187 = arith.extui %ge3A_186 : i1 to i32
      %cond3A_188 = arith.constant 0 : i32
      %cond3A_189 = arith.cmpi ne, %convert_element_type3A_187, %cond3A_188 : i32
      scf.if %cond3A_189 {
        %mul3A_190 = arith.constant 65536 : i32
        %mul3A_191 = arith.muli %add3A, %mul3A_190 : i32
        %add3A_192 = arith.addi %mul3A_191, %add3A_180 : i32
        %dma_wait3A_193 = tpu.memref_slice %arg7[%add3A_180] : memref<65664xf32, #tpu.memory_space<vmem>> -> memref<4096xf32, #tpu.memory_space<vmem>>
        %dma_wait3A_194 = tpu.memref_slice %arg11[%add3A_192] : memref<2097152xf32, #tpu.memory_space<hbm>> -> memref<4096xf32, #tpu.memory_space<hbm>>
        %dma_wait3A_195 = tpu.memref_slice %arg11[%add3A_192] : memref<2097152xf32, #tpu.memory_space<hbm>> -> memref<4096xf32, #tpu.memory_space<hbm>>
        %dma_wait3A_196 = tpu.memref_slice %arg7[%add3A_180] : memref<65664xf32, #tpu.memory_space<vmem>> -> memref<4096xf32, #tpu.memory_space<vmem>>
        tpu.wait_dma2 semaphore(%arg16 : memref<!tpu.dma_semaphore, #tpu.memory_space<semaphore_mem>>) src(%dma_wait3A_196 : memref<4096xf32, #tpu.memory_space<vmem>>) dst(%dma_wait3A_195 : memref<4096xf32, #tpu.memory_space<hbm>>)
      } else {
      }
    }
    %while3A_165 = arith.constant 1 : i32
    scf.for %while3A_177 = %while3A_163 to %while3A_159 step %while3A_165  : i32 {
      %mul3A_178 = arith.constant 4096 : i32
      %mul3A_179 = arith.muli %while3A_177, %mul3A_178 : i32
      %add3A_180 = arith.addi %mul3A_59, %mul3A_179 : i32
      %lt3A_181 = arith.constant 4 : i32
      %lt3A_182 = arith.cmpi slt, %while3A_177, %lt3A_181 : i32
      %convert_element_type3A_183 = arith.extui %lt3A_182 : i1 to i32
      %cond3A_184 = arith.constant 0 : i32
      %cond3A_185 = arith.cmpi ne, %convert_element_type3A_183, %cond3A_184 : i32
      scf.if %cond3A_185 {
        %mul3A_190 = arith.constant 4 : i32
        %mul3A_191 = arith.muli %arg1, %mul3A_190 : i32
        %add3A_192 = arith.addi %mul3A_191, %while3A_177 : i32
        %mul3A_193 = arith.constant 4096 : i32
        %mul3A_194 = arith.muli %add3A_192, %mul3A_193 : i32
        %dma_wait3A_195 = tpu.memref_slice %arg7[%add3A_180] : memref<65664xf32, #tpu.memory_space<vmem>> -> memref<4096xf32, #tpu.memory_space<vmem>>
        %dma_wait3A_196 = tpu.memref_slice %arg12[%mul3A_194] : memref<262144xf32, #tpu.memory_space<vmem_shared>> -> memref<4096xf32, #tpu.memory_space<vmem_shared>>
        %dma_wait3A_197 = tpu.memref_slice %arg12[%mul3A_194] : memref<262144xf32, #tpu.memory_space<vmem_shared>> -> memref<4096xf32, #tpu.memory_space<vmem_shared>>
        %dma_wait3A_198 = tpu.memref_slice %arg7[%add3A_180] : memref<65664xf32, #tpu.memory_space<vmem>> -> memref<4096xf32, #tpu.memory_space<vmem>>
        tpu.wait_dma2 semaphore(%arg15 : memref<!tpu.dma_semaphore, #tpu.memory_space<semaphore_mem>>) src(%dma_wait3A_198 : memref<4096xf32, #tpu.memory_space<vmem>>) dst(%dma_wait3A_197 : memref<4096xf32, #tpu.memory_space<vmem_shared>>)
      } else {
      }
      %ge3A = arith.constant 4 : i32
      %ge3A_186 = arith.cmpi sge, %while3A_177, %ge3A : i32
      %convert_element_type3A_187 = arith.extui %ge3A_186 : i1 to i32
      %cond3A_188 = arith.constant 0 : i32
      %cond3A_189 = arith.cmpi ne, %convert_element_type3A_187, %cond3A_188 : i32
      scf.if %cond3A_189 {
        %mul3A_190 = arith.constant 65536 : i32
        %mul3A_191 = arith.muli %add3A, %mul3A_190 : i32
        %add3A_192 = arith.addi %mul3A_191, %add3A_180 : i32
        %dma_wait3A_193 = tpu.memref_slice %arg7[%add3A_180] : memref<65664xf32, #tpu.memory_space<vmem>> -> memref<4096xf32, #tpu.memory_space<vmem>>
        %dma_wait3A_194 = tpu.memref_slice %arg11[%add3A_192] : memref<2097152xf32, #tpu.memory_space<hbm>> -> memref<4096xf32, #tpu.memory_space<hbm>>
        %dma_wait3A_195 = tpu.memref_slice %arg11[%add3A_192] : memref<2097152xf32, #tpu.memory_space<hbm>> -> memref<4096xf32, #tpu.memory_space<hbm>>
        %dma_wait3A_196 = tpu.memref_slice %arg7[%add3A_180] : memref<65664xf32, #tpu.memory_space<vmem>> -> memref<4096xf32, #tpu.memory_space<vmem>>
        tpu.wait_dma2 semaphore(%arg16 : memref<!tpu.dma_semaphore, #tpu.memory_space<semaphore_mem>>) src(%dma_wait3A_196 : memref<4096xf32, #tpu.memory_space<vmem>>) dst(%dma_wait3A_195 : memref<4096xf32, #tpu.memory_space<hbm>>)
      } else {
      }
    }
    %dma_wait3A_166 = tpu.memref_slice %arg13[%mul3A_73] : memref<256xi32, #tpu.memory_space<vmem_shared>> -> memref<16xi32, #tpu.memory_space<vmem_shared>>
    %dma_wait3A_167 = tpu.memref_slice %arg13[%mul3A_73] : memref<256xi32, #tpu.memory_space<vmem_shared>> -> memref<16xi32, #tpu.memory_space<vmem_shared>>
    tpu.wait_dma2 semaphore(%arg14 : memref<!tpu.dma_semaphore, #tpu.memory_space<semaphore_mem>>) src(%arg9 : memref<16xi32, #tpu.memory_space<vmem>>) dst(%dma_wait3A_167 : memref<16xi32, #tpu.memory_space<vmem_shared>>)
    %barrier3A = arith.constant 0 : index
    tpu.barrier barrier_id(%barrier3A)
    "tpu.region"() ({
      %run_scoped3A = tpu.sem_alloc : memref<!tpu.dma_semaphore, #tpu.memory_space<semaphore_mem>>
      tpu.enqueue_dma source(%arg13 : memref<256xi32, #tpu.memory_space<vmem_shared>>) target(%arg10 : memref<256xi32, #tpu.memory_space<vmem>>) target_semaphore(%run_scoped3A : memref<!tpu.dma_semaphore, #tpu.memory_space<semaphore_mem>>)
      tpu.wait_dma2 semaphore(%run_scoped3A : memref<!tpu.dma_semaphore, #tpu.memory_space<semaphore_mem>>) src(%arg13 : memref<256xi32, #tpu.memory_space<vmem_shared>>) dst(%arg10 : memref<256xi32, #tpu.memory_space<vmem>>)
      tpu.yield
    }) : () -> ()
    %scan3A_168 = arith.constant 0 : i32
    %scan3A_169 = arith.constant 1 : i32
    %scan3A_170 = arith.constant 15 : i32
    %scan3A_171 = arith.addi %scan3A_169, %scan3A_170 : i32
    %scan3A_172 = arith.constant 1 : i32
    scf.for %scan3A_177 = %scan3A_169 to %scan3A_171 step %scan3A_172  : i32 {
      %add3A_178 = arith.addi %arg1, %scan3A_177 : i32
      %and3A_179 = arith.constant 15 : i32
      %and3A_180 = arith.andi %add3A_178, %and3A_179 : i32
      %mul3A_181 = arith.constant 16 : i32
      %mul3A_182 = arith.muli %and3A_180, %mul3A_181 : i32
      %get3A_183 = arith.index_cast %mul3A_182 : i32 to index
      %get3A_184 = tpu.vector_load %arg10[%get3A_183] {strides = array<i32>} : memref<256xi32, #tpu.memory_space<vmem>>, vector<16xi32>,
      %reduce_min3A_185 = arith.constant true
      %reduce_min3A_186 = vector.broadcast %reduce_min3A_185 : i1 to vector<16xi1>
      %reduce_min3A_187 = arith.constant -2147483648 : i32
      %reduce_min3A_188 = vector.broadcast %reduce_min3A_187 : i32 to vector<16xi32>
      %reduce_min3A_189 = arith.xori %get3A_184, %reduce_min3A_188 : vector<16xi32>
      %reduce_min3A_190 = tpu.scan <min>, %reduce_min3A_189 masked %reduce_min3A_186 : vector<16xi32>, vector<16xi1> -> vector<16xi32>
      %reduce_min3A_191 = arith.xori %reduce_min3A_190, %reduce_min3A_188 : vector<16xi32>
      %reduce_min3A_192 = vector.extract %reduce_min3A_191[15] : i32 from vector<16xi32>
      %reduce_max3A_193 = arith.constant true
      %reduce_max3A_194 = vector.broadcast %reduce_max3A_193 : i1 to vector<16xi1>
      %reduce_max3A_195 = arith.constant -2147483648 : i32
      %reduce_max3A_196 = vector.broadcast %reduce_max3A_195 : i32 to vector<16xi32>
      %reduce_max3A_197 = arith.xori %get3A_184, %reduce_max3A_196 : vector<16xi32>
      %reduce_max3A_198 = tpu.scan <max>, %reduce_max3A_197 masked %reduce_max3A_194 : vector<16xi32>, vector<16xi1> -> vector<16xi32>
      %reduce_max3A_199 = arith.xori %reduce_max3A_198, %reduce_max3A_196 : vector<16xi32>
      %reduce_max3A_200 = vector.extract %reduce_max3A_199[15] : i32 from vector<16xi32>
      %le3A = arith.cmpi sle, %reduce_min3A_192, %mul3A_16 : i32
      %lt3A_201 = arith.cmpi slt, %mul3A_16, %reduce_max3A_200 : i32
      %and3A_202 = arith.andi %le3A, %lt3A_201 : i1
      %convert_element_type3A_203 = arith.extui %and3A_202 : i1 to i32
      %cond3A_204 = arith.constant 0 : i32
      %cond3A_205 = arith.cmpi ne, %convert_element_type3A_203, %cond3A_204 : i32
      scf.if %cond3A_205 {
        %sub3A_206 = arith.subi %mul3A_16, %reduce_min3A_192 : i32
        %jit3A_207 = arith.constant 4096 : i32
        %div3A_208 = arith.divsi %sub3A_206, %jit3A_207 : i32
        %sign3A_209 = arith.constant 0 : i32
        %sign3A_210 = arith.cmpi sgt, %sub3A_206, %sign3A_209 : i32
        %sign3A_211 = arith.extui %sign3A_210 : i1 to i32
        %sign3A_212 = arith.constant 0 : i32
        %sign3A_213 = arith.cmpi slt, %sub3A_206, %sign3A_212 : i32
        %sign3A_214 = arith.extui %sign3A_213 : i1 to i32
        %sign3A_215 = arith.subi %sign3A_211, %sign3A_214 : i32
        %sign3A_216 = arith.constant 0 : i32
        %sign3A_217 = arith.cmpi sgt, %jit3A_207, %sign3A_216 : i32
        %sign3A_218 = arith.extui %sign3A_217 : i1 to i32
        %sign3A_219 = arith.constant 0 : i32
        %sign3A_220 = arith.cmpi slt, %jit3A_207, %sign3A_219 : i32
        %sign3A_221 = arith.extui %sign3A_220 : i1 to i32
        %sign3A_222 = arith.subi %sign3A_218, %sign3A_221 : i32
        %ne3A_223 = arith.cmpi ne, %sign3A_215, %sign3A_222 : i32
        %rem3A_224 = arith.remsi %sub3A_206, %jit3A_207 : i32
        %ne3A_225 = arith.constant 0 : i32
        %ne3A_226 = arith.cmpi ne, %rem3A_224, %ne3A_225 : i32
        %and3A_227 = arith.andi %ne3A_223, %ne3A_226 : i1
        %sub3A_228 = arith.constant 1 : i32
        %sub3A_229 = arith.subi %div3A_208, %sub3A_228 : i32
        %select_n3A_230 = arith.select %and3A_227, %sub3A_229, %div3A_208 : i32
        %lt3A_231 = arith.constant 4 : i32
        %lt3A_232 = arith.cmpi slt, %select_n3A_230, %lt3A_231 : i32
        %convert_element_type3A_233 = arith.extui %lt3A_232 : i1 to i32
        %cond3A_234 = arith.constant 0 : i32
        %cond3A_235 = arith.cmpi ne, %convert_element_type3A_233, %cond3A_234 : i32
        scf.if %cond3A_235 {
          %mul3A_3056 = arith.constant 16384 : i32
          %mul3A_3057 = arith.muli %and3A_180, %mul3A_3056 : i32
          %mul3A_3058 = arith.constant 4096 : i32
          %mul3A_3059 = arith.muli %select_n3A_230, %mul3A_3058 : i32
          %add3A_3060 = arith.addi %mul3A_3057, %mul3A_3059 : i32
          "tpu.region"() ({
            %run_scoped3A = tpu.sem_alloc : memref<!tpu.dma_semaphore, #tpu.memory_space<semaphore_mem>>
            %dma_start3A_3061 = tpu.memref_slice %arg12[%add3A_3060] : memref<262144xf32, #tpu.memory_space<vmem_shared>> -> memref<4096xf32, #tpu.memory_space<vmem_shared>>
            %dma_start3A_3062 = tpu.memref_slice %arg12[%add3A_3060] : memref<262144xf32, #tpu.memory_space<vmem_shared>> -> memref<4096xf32, #tpu.memory_space<vmem_shared>>
            tpu.enqueue_dma source(%dma_start3A_3062 : memref<4096xf32, #tpu.memory_space<vmem_shared>>) target(%arg8 : memref<4096xf32, #tpu.memory_space<vmem>>) target_semaphore(%run_scoped3A : memref<!tpu.dma_semaphore, #tpu.memory_space<semaphore_mem>>)
            %dma_wait3A_3063 = tpu.memref_slice %arg12[%add3A_3060] : memref<262144xf32, #tpu.memory_space<vmem_shared>> -> memref<4096xf32, #tpu.memory_space<vmem_shared>>
            %dma_wait3A_3064 = tpu.memref_slice %arg12[%add3A_3060] : memref<262144xf32, #tpu.memory_space<vmem_shared>> -> memref<4096xf32, #tpu.memory_space<vmem_shared>>
            tpu.wait_dma2 semaphore(%run_scoped3A : memref<!tpu.dma_semaphore, #tpu.memory_space<semaphore_mem>>) src(%dma_wait3A_3064 : memref<4096xf32, #tpu.memory_space<vmem_shared>>) dst(%arg8 : memref<4096xf32, #tpu.memory_space<vmem>>)
            tpu.yield
          }) : () -> ()
        } else {
        }
        %ge3A = arith.constant 4 : i32
        %ge3A_236 = arith.cmpi sge, %select_n3A_230, %ge3A : i32
        %convert_element_type3A_237 = arith.extui %ge3A_236 : i1 to i32
        %cond3A_238 = arith.constant 0 : i32
        %cond3A_239 = arith.cmpi ne, %convert_element_type3A_237, %cond3A_238 : i32
        scf.if %cond3A_239 {
          %mul3A_3056 = arith.constant 2 : i32
          %mul3A_3057 = arith.muli %and3A_180, %mul3A_3056 : i32
          %add3A_3058 = arith.addi %mul3A_3057, %arg0 : i32
          %mul3A_3059 = arith.constant 65536 : i32
          %mul3A_3060 = arith.muli %add3A_3058, %mul3A_3059 : i32
          %add3A_3061 = arith.addi %mul3A_3060, %mul3A_16 : i32
          "tpu.region"() ({
            %run_scoped3A = tpu.sem_alloc : memref<!tpu.dma_semaphore, #tpu.memory_space<semaphore_mem>>
            %dma_start3A_3062 = tpu.memref_slice %arg11[%add3A_3061] : memref<2097152xf32, #tpu.memory_space<hbm>> -> memref<4096xf32, #tpu.memory_space<hbm>>
            %dma_start3A_3063 = tpu.memref_slice %arg11[%add3A_3061] : memref<2097152xf32, #tpu.memory_space<hbm>> -> memref<4096xf32, #tpu.memory_space<hbm>>
            tpu.enqueue_dma source(%dma_start3A_3063 : memref<4096xf32, #tpu.memory_space<hbm>>) target(%arg8 : memref<4096xf32, #tpu.memory_space<vmem>>) target_semaphore(%run_scoped3A : memref<!tpu.dma_semaphore, #tpu.memory_space<semaphore_mem>>)
            %dma_wait3A_3064 = tpu.memref_slice %arg11[%add3A_3061] : memref<2097152xf32, #tpu.memory_space<hbm>> -> memref<4096xf32, #tpu.memory_space<hbm>>
            %dma_wait3A_3065 = tpu.memref_slice %arg11[%add3A_3061] : memref<2097152xf32, #tpu.memory_space<hbm>> -> memref<4096xf32, #tpu.memory_space<hbm>>
            tpu.wait_dma2 semaphore(%run_scoped3A : memref<!tpu.dma_semaphore, #tpu.memory_space<semaphore_mem>>) src(%dma_wait3A_3065 : memref<4096xf32, #tpu.memory_space<hbm>>) dst(%arg8 : memref<4096xf32, #tpu.memory_space<vmem>>)
            tpu.yield
          }) : () -> ()
        } else {
        }
        %add3A_240 = arith.constant 0 : i32
        %add3A_241 = arith.addi %mul3A_16, %add3A_240 : i32
        %add3A_242 = arith.constant 0 : i32
        %add3A_243 = arith.addi %add3A_241, %add3A_242 : i32
        %get3A_244 = arith.index_cast %add3A_243 : i32 to index
        %get3A_245 = tpu.vector_load %arg7[%get3A_244] {strides = array<i32>} : memref<65664xf32, #tpu.memory_space<vmem>>, vector<16xf32>,
        %get3A_246 = arith.constant 0 : index
        %get3A_247 = tpu.vector_load %arg8[%get3A_246] {strides = array<i32>} : memref<4096xf32, #tpu.memory_space<vmem>>, vector<16xf32>,
        %add3A_248 = arith.addf %get3A_245, %get3A_247 : vector<16xf32>
        %swap3A_249 = arith.index_cast %add3A_243 : i32 to index
        %swap3A_250 = tpu.vector_load %arg7[%swap3A_249] {strides = array<i32>} : memref<65664xf32, #tpu.memory_space<vmem>>, vector<16xf32>,
        tpu.vector_store %arg7[%swap3A_249], %add3A_248 {strides = array<i32>} : memref<65664xf32, #tpu.memory_space<vmem>>, vector<16xf32>,
        %add3A_251 = arith.constant 0 : i32
        %add3A_252 = arith.addi %mul3A_16, %add3A_251 : i32
        %add3A_253 = arith.constant 16 : i32
        %add3A_254 = arith.addi %add3A_252, %add3A_253 : i32
        %get3A_255 = arith.index_cast %add3A_254 : i32 to index
        %get3A_256 = tpu.vector_load %arg7[%get3A_255] {strides = array<i32>} : memref<65664xf32, #tpu.memory_space<vmem>>, vector<16xf32>,
        %get3A_257 = arith.constant 16 : index
        %get3A_258 = tpu.vector_load %arg8[%get3A_257] {strides = array<i32>} : memref<4096xf32, #tpu.memory_space<vmem>>, vector<16xf32>,
        %add3A_259 = arith.addf %get3A_256, %get3A_258 : vector<16xf32>
        %swap3A_260 = arith.index_cast %add3A_254 : i32 to index
        %swap3A_261 = tpu.vector_load %arg7[%swap3A_260] {strides = array<i32>} : memref<65664xf32, #tpu.memory_space<vmem>>, vector<16xf32>,
        tpu.vector_store %arg7[%swap3A_260], %add3A_259 {strides = array<i32>} : memref<65664xf32, #tpu.memory_space<vmem>>, vector<16xf32>,
        %add3A_262 = arith.constant 0 : i32
        %add3A_263 = arith.addi %mul3A_16, %add3A_262 : i32
        %add3A_264 = arith.constant 32 : i32
        %add3A_265 = arith.addi %add3A_263, %add3A_264 : i32
        %get3A_266 = arith.index_cast %add3A_265 : i32 to index
        %get3A_267 = tpu.vector_load %arg7[%get3A_266] {strides = array<i32>} : memref<65664xf32, #tpu.memory_space<vmem>>, vector<16xf32>,
        %get3A_268 = arith.constant 32 : index
        %get3A_269 = tpu.vector_load %arg8[%get3A_268] {strides = array<i32>} : memref<4096xf32, #tpu.memory_space<vmem>>, vector<16xf32>,
        %add3A_270 = arith.addf %get3A_267, %get3A_269 : vector<16xf32>
        %swap3A_271 = arith.index_cast %add3A_265 : i32 to index
        %swap3A_272 = tpu.vector_load %arg7[%swap3A_271] {strides = array<i32>} : memref<65664xf32, #tpu.memory_space<vmem>>, vector<16xf32>,
        tpu.vector_store %arg7[%swap3A_271], %add3A_270 {strides = array<i32>} : memref<65664xf32, #tpu.memory_space<vmem>>, vector<16xf32>,
        %add3A_273 = arith.constant 0 : i32
        %add3A_274 = arith.addi %mul3A_16, %add3A_273 : i32
        %add3A_275 = arith.constant 48 : i32
        %add3A_276 = arith.addi %add3A_274, %add3A_275 : i32
        %get3A_277 = arith.index_cast %add3A_276 : i32 to index
        %get3A_278 = tpu.vector_load %arg7[%get3A_277] {strides = array<i32>} : memref<65664xf32, #tpu.memory_space<vmem>>, vector<16xf32>,
        %get3A_279 = arith.constant 48 : index
        %get3A_280 = tpu.vector_load %arg8[%get3A_279] {strides = array<i32>} : memref<4096xf32, #tpu.memory_space<vmem>>, vector<16xf32>,
        %add3A_281 = arith.addf %get3A_278, %get3A_280 : vector<16xf32>
        %swap3A_282 = arith.index_cast %add3A_276 : i32 to index
        %swap3A_283 = tpu.vector_load %arg7[%swap3A_282] {strides = array<i32>} : memref<65664xf32, #tpu.memory_space<vmem>>, vector<16xf32>,
        tpu.vector_store %arg7[%swap3A_282], %add3A_281 {strides = array<i32>} : memref<65664xf32, #tpu.memory_space<vmem>>, vector<16xf32>,
        %add3A_284 = arith.constant 0 : i32
        %add3A_285 = arith.addi %mul3A_16, %add3A_284 : i32
        %add3A_286 = arith.constant 64 : i32
        %add3A_287 = arith.addi %add3A_285, %add3A_286 : i32
        %get3A_288 = arith.index_cast %add3A_287 : i32 to index
        %get3A_289 = tpu.vector_load %arg7[%get3A_288] {strides = array<i32>} : memref<65664xf32, #tpu.memory_space<vmem>>, vector<16xf32>,
        %get3A_290 = arith.constant 64 : index
        %get3A_291 = tpu.vector_load %arg8[%get3A_290] {strides = array<i32>} : memref<4096xf32, #tpu.memory_space<vmem>>, vector<16xf32>,
        %add3A_292 = arith.addf %get3A_289, %get3A_291 : vector<16xf32>
        %swap3A_293 = arith.index_cast %add3A_287 : i32 to index
        %swap3A_294 = tpu.vector_load %arg7[%swap3A_293] {strides = array<i32>} : memref<65664xf32, #tpu.memory_space<vmem>>, vector<16xf32>,
        tpu.vector_store %arg7[%swap3A_293], %add3A_292 {strides = array<i32>} : memref<65664xf32, #tpu.memory_space<vmem>>, vector<16xf32>,
        %add3A_295 = arith.constant 0 : i32
        %add3A_296 = arith.addi %mul3A_16, %add3A_295 : i32
        %add3A_297 = arith.constant 80 : i32
        %add3A_298 = arith.addi %add3A_296, %add3A_297 : i32
        %get3A_299 = arith.index_cast %add3A_298 : i32 to index
        %get3A_300 = tpu.vector_load %arg7[%get3A_299] {strides = array<i32>} : memref<65664xf32, #tpu.memory_space<vmem>>, vector<16xf32>,
        %get3A_301 = arith.constant 80 : index
        %get3A_302 = tpu.vector_load %arg8[%get3A_301] {strides = array<i32>} : memref<4096xf32, #tpu.memory_space<vmem>>, vector<16xf32>,
        %add3A_303 = arith.addf %get3A_300, %get3A_302 : vector<16xf32>
        %swap3A_304 = arith.index_cast %add3A_298 : i32 to index
        %swap3A_305 = tpu.vector_load %arg7[%swap3A_304] {strides = array<i32>} : memref<65664xf32, #tpu.memory_space<vmem>>, vector<16xf32>,
        tpu.vector_store %arg7[%swap3A_304], %add3A_303 {strides = array<i32>} : memref<65664xf32, #tpu.memory_space<vmem>>, vector<16xf32>,
        %add3A_306 = arith.constant 0 : i32
        %add3A_307 = arith.addi %mul3A_16, %add3A_306 : i32
        %add3A_308 = arith.constant 96 : i32
        %add3A_309 = arith.addi %add3A_307, %add3A_308 : i32
        %get3A_310 = arith.index_cast %add3A_309 : i32 to index
        %get3A_311 = tpu.vector_load %arg7[%get3A_310] {strides = array<i32>} : memref<65664xf32, #tpu.memory_space<vmem>>, vector<16xf32>,
        %get3A_312 = arith.constant 96 : index
        %get3A_313 = tpu.vector_load %arg8[%get3A_312] {strides = array<i32>} : memref<4096xf32, #tpu.memory_space<vmem>>, vector<16xf32>,
        %add3A_314 = arith.addf %get3A_311, %get3A_313 : vector<16xf32>
        %swap3A_315 = arith.index_cast %add3A_309 : i32 to index
        %swap3A_316 = tpu.vector_load %arg7[%swap3A_315] {strides = array<i32>} : memref<65664xf32, #tpu.memory_space<vmem>>, vector<16xf32>,
        tpu.vector_store %arg7[%swap3A_315], %add3A_314 {strides = array<i32>} : memref<65664xf32, #tpu.memory_space<vmem>>, vector<16xf32>,
        %add3A_317 = arith.constant 0 : i32
        %add3A_318 = arith.addi %mul3A_16, %add3A_317 : i32
        %add3A_319 = arith.constant 112 : i32
        %add3A_320 = arith.addi %add3A_318, %add3A_319 : i32
        %get3A_321 = arith.index_cast %add3A_320 : i32 to index
        %get3A_322 = tpu.vector_load %arg7[%get3A_321] {strides = array<i32>} : memref<65664xf32, #tpu.memory_space<vmem>>, vector<16xf32>,
        %get3A_323 = arith.constant 112 : index
        %get3A_324 = tpu.vector_load %arg8[%get3A_323] {strides = array<i32>} : memref<4096xf32, #tpu.memory_space<vmem>>, vector<16xf32>,
        %add3A_325 = arith.addf %get3A_322, %get3A_324 : vector<16xf32>
        %swap3A_326 = arith.index_cast %add3A_320 : i32 to index
        %swap3A_327 = tpu.vector_load %arg7[%swap3A_326] {strides = array<i32>} : memref<65664xf32, #tpu.memory_space<vmem>>, vector<16xf32>,
        tpu.vector_store %arg7[%swap3A_326], %add3A_325 {strides = array<i32>} : memref<65664xf32, #tpu.memory_space<vmem>>, vector<16xf32>,
        %add3A_328 = arith.constant 128 : i32
        %add3A_329 = arith.addi %mul3A_16, %add3A_328 : i32
        %add3A_330 = arith.constant 0 : i32
        %add3A_331 = arith.addi %add3A_329, %add3A_330 : i32
        %get3A_332 = arith.index_cast %add3A_331 : i32 to index
        %get3A_333 = tpu.vector_load %arg7[%get3A_332] {strides = array<i32>} : memref<65664xf32, #tpu.memory_space<vmem>>, vector<16xf32>,
        %get3A_334 = arith.constant 128 : index
        %get3A_335 = tpu.vector_load %arg8[%get3A_334] {strides = array<i32>} : memref<4096xf32, #tpu.memory_space<vmem>>, vector<16xf32>,
        %add3A_336 = arith.addf %get3A_333, %get3A_335 : vector<16xf32>
        %swap3A_337 = arith.index_cast %add3A_331 : i32 to index
        %swap3A_338 = tpu.vector_load %arg7[%swap3A_337] {strides = array<i32>} : memref<65664xf32, #tpu.memory_space<vmem>>, vector<16xf32>,
        tpu.vector_store %arg7[%swap3A_337], %add3A_336 {strides = array<i32>} : memref<65664xf32, #tpu.memory_space<vmem>>, vector<16xf32>,
        %add3A_339 = arith.constant 128 : i32
        %add3A_340 = arith.addi %mul3A_16, %add3A_339 : i32
        %add3A_341 = arith.constant 16 : i32
        %add3A_342 = arith.addi %add3A_340, %add3A_341 : i32
        %get3A_343 = arith.index_cast %add3A_342 : i32 to index
        %get3A_344 = tpu.vector_load %arg7[%get3A_343] {strides = array<i32>} : memref<65664xf32, #tpu.memory_space<vmem>>, vector<16xf32>,
        %get3A_345 = arith.constant 144 : index
        %get3A_346 = tpu.vector_load %arg8[%get3A_345] {strides = array<i32>} : memref<4096xf32, #tpu.memory_space<vmem>>, vector<16xf32>,
        %add3A_347 = arith.addf %get3A_344, %get3A_346 : vector<16xf32>
        %swap3A_348 = arith.index_cast %add3A_342 : i32 to index
        %swap3A_349 = tpu.vector_load %arg7[%swap3A_348] {strides = array<i32>} : memref<65664xf32, #tpu.memory_space<vmem>>, vector<16xf32>,
        tpu.vector_store %arg7[%swap3A_348], %add3A_347 {strides = array<i32>} : memref<65664xf32, #tpu.memory_space<vmem>>, vector<16xf32>,
        %add3A_350 = arith.constant 128 : i32
        %add3A_351 = arith.addi %mul3A_16, %add3A_350 : i32
        %add3A_352 = arith.constant 32 : i32
        %add3A_353 = arith.addi %add3A_351, %add3A_352 : i32
        %get3A_354 = arith.index_cast %add3A_353 : i32 to index
        %get3A_355 = tpu.vector_load %arg7[%get3A_354] {strides = array<i32>} : memref<65664xf32, #tpu.memory_space<vmem>>, vector<16xf32>,
        %get3A_356 = arith.constant 160 : index
        %get3A_357 = tpu.vector_load %arg8[%get3A_356] {strides = array<i32>} : memref<4096xf32, #tpu.memory_space<vmem>>, vector<16xf32>,
        %add3A_358 = arith.addf %get3A_355, %get3A_357 : vector<16xf32>
        %swap3A_359 = arith.index_cast %add3A_353 : i32 to index
        %swap3A_360 = tpu.vector_load %arg7[%swap3A_359] {strides = array<i32>} : memref<65664xf32, #tpu.memory_space<vmem>>, vector<16xf32>,
        tpu.vector_store %arg7[%swap3A_359], %add3A_358 {strides = array<i32>} : memref<65664xf32, #tpu.memory_space<vmem>>, vector<16xf32>,
        %add3A_361 = arith.constant 128 : i32
        %add3A_362 = arith.addi %mul3A_16, %add3A_361 : i32
        %add3A_363 = arith.constant 48 : i32
        %add3A_364 = arith.addi %add3A_362, %add3A_363 : i32
        %get3A_365 = arith.index_cast %add3A_364 : i32 to index
        %get3A_366 = tpu.vector_load %arg7[%get3A_365] {strides = array<i32>} : memref<65664xf32, #tpu.memory_space<vmem>>, vector<16xf32>,
        %get3A_367 = arith.constant 176 : index
        %get3A_368 = tpu.vector_load %arg8[%get3A_367] {strides = array<i32>} : memref<4096xf32, #tpu.memory_space<vmem>>, vector<16xf32>,
        %add3A_369 = arith.addf %get3A_366, %get3A_368 : vector<16xf32>
        %swap3A_370 = arith.index_cast %add3A_364 : i32 to index
        %swap3A_371 = tpu.vector_load %arg7[%swap3A_370] {strides = array<i32>} : memref<65664xf32, #tpu.memory_space<vmem>>, vector<16xf32>,
        tpu.vector_store %arg7[%swap3A_370], %add3A_369 {strides = array<i32>} : memref<65664xf32, #tpu.memory_space<vmem>>, vector<16xf32>,
        %add3A_372 = arith.constant 128 : i32
        %add3A_373 = arith.addi %mul3A_16, %add3A_372 : i32
        %add3A_374 = arith.constant 64 : i32
        %add3A_375 = arith.addi %add3A_373, %add3A_374 : i32
        %get3A_376 = arith.index_cast %add3A_375 : i32 to index
        %get3A_377 = tpu.vector_load %arg7[%get3A_376] {strides = array<i32>} : memref<65664xf32, #tpu.memory_space<vmem>>, vector<16xf32>,
        %get3A_378 = arith.constant 192 : index
        %get3A_379 = tpu.vector_load %arg8[%get3A_378] {strides = array<i32>} : memref<4096xf32, #tpu.memory_space<vmem>>, vector<16xf32>,
        %add3A_380 = arith.addf %get3A_377, %get3A_379 : vector<16xf32>
        %swap3A_381 = arith.index_cast %add3A_375 : i32 to index
        %swap3A_382 = tpu.vector_load %arg7[%swap3A_381] {strides = array<i32>} : memref<65664xf32, #tpu.memory_space<vmem>>, vector<16xf32>,
        tpu.vector_store %arg7[%swap3A_381], %add3A_380 {strides = array<i32>} : memref<65664xf32, #tpu.memory_space<vmem>>, vector<16xf32>,
        %add3A_383 = arith.constant 128 : i32
        %add3A_384 = arith.addi %mul3A_16, %add3A_383 : i32
        %add3A_385 = arith.constant 80 : i32
        %add3A_386 = arith.addi %add3A_384, %add3A_385 : i32
        %get3A_387 = arith.index_cast %add3A_386 : i32 to index
        %get3A_388 = tpu.vector_load %arg7[%get3A_387] {strides = array<i32>} : memref<65664xf32, #tpu.memory_space<vmem>>, vector<16xf32>,
        %get3A_389 = arith.constant 208 : index
        %get3A_390 = tpu.vector_load %arg8[%get3A_389] {strides = array<i32>} : memref<4096xf32, #tpu.memory_space<vmem>>, vector<16xf32>,
        %add3A_391 = arith.addf %get3A_388, %get3A_390 : vector<16xf32>
        %swap3A_392 = arith.index_cast %add3A_386 : i32 to index
        %swap3A_393 = tpu.vector_load %arg7[%swap3A_392] {strides = array<i32>} : memref<65664xf32, #tpu.memory_space<vmem>>, vector<16xf32>,
        tpu.vector_store %arg7[%swap3A_392], %add3A_391 {strides = array<i32>} : memref<65664xf32, #tpu.memory_space<vmem>>, vector<16xf32>,
        %add3A_394 = arith.constant 128 : i32
        %add3A_395 = arith.addi %mul3A_16, %add3A_394 : i32
        %add3A_396 = arith.constant 96 : i32
        %add3A_397 = arith.addi %add3A_395, %add3A_396 : i32
        %get3A_398 = arith.index_cast %add3A_397 : i32 to index
        %get3A_399 = tpu.vector_load %arg7[%get3A_398] {strides = array<i32>} : memref<65664xf32, #tpu.memory_space<vmem>>, vector<16xf32>,
        %get3A_400 = arith.constant 224 : index
        %get3A_401 = tpu.vector_load %arg8[%get3A_400] {strides = array<i32>} : memref<4096xf32, #tpu.memory_space<vmem>>, vector<16xf32>,
        %add3A_402 = arith.addf %get3A_399, %get3A_401 : vector<16xf32>
        %swap3A_403 = arith.index_cast %add3A_397 : i32 to index
        %swap3A_404 = tpu.vector_load %arg7[%swap3A_403] {strides = array<i32>} : memref<65664xf32, #tpu.memory_space<vmem>>, vector<16xf32>,
        tpu.vector_store %arg7[%swap3A_403], %add3A_402 {strides = array<i32>} : memref<65664xf32, #tpu.memory_space<vmem>>, vector<16xf32>,
        %add3A_405 = arith.constant 128 : i32
        %add3A_406 = arith.addi %mul3A_16, %add3A_405 : i32
        %add3A_407 = arith.constant 112 : i32
        %add3A_408 = arith.addi %add3A_406, %add3A_407 : i32
        %get3A_409 = arith.index_cast %add3A_408 : i32 to index
        %get3A_410 = tpu.vector_load %arg7[%get3A_409] {strides = array<i32>} : memref<65664xf32, #tpu.memory_space<vmem>>, vector<16xf32>,
        %get3A_411 = arith.constant 240 : index
        %get3A_412 = tpu.vector_load %arg8[%get3A_411] {strides = array<i32>} : memref<4096xf32, #tpu.memory_space<vmem>>, vector<16xf32>,
        %add3A_413 = arith.addf %get3A_410, %get3A_412 : vector<16xf32>
        %swap3A_414 = arith.index_cast %add3A_408 : i32 to index
        %swap3A_415 = tpu.vector_load %arg7[%swap3A_414] {strides = array<i32>} : memref<65664xf32, #tpu.memory_space<vmem>>, vector<16xf32>,
        tpu.vector_store %arg7[%swap3A_414], %add3A_413 {strides = array<i32>} : memref<65664xf32, #tpu.memory_space<vmem>>, vector<16xf32>,
        %add3A_416 = arith.constant 256 : i32
        %add3A_417 = arith.addi %mul3A_16, %add3A_416 : i32
        %add3A_418 = arith.constant 0 : i32
        %add3A_419 = arith.addi %add3A_417, %add3A_418 : i32
        %get3A_420 = arith.index_cast %add3A_419 : i32 to index
        %get3A_421 = tpu.vector_load %arg7[%get3A_420] {strides = array<i32>} : memref<65664xf32, #tpu.memory_space<vmem>>, vector<16xf32>,
        %get3A_422 = arith.constant 256 : index
        %get3A_423 = tpu.vector_load %arg8[%get3A_422] {strides = array<i32>} : memref<4096xf32, #tpu.memory_space<vmem>>, vector<16xf32>,
        %add3A_424 = arith.addf %get3A_421, %get3A_423 : vector<16xf32>
        %swap3A_425 = arith.index_cast %add3A_419 : i32 to index
        %swap3A_426 = tpu.vector_load %arg7[%swap3A_425] {strides = array<i32>} : memref<65664xf32, #tpu.memory_space<vmem>>, vector<16xf32>,
        tpu.vector_store %arg7[%swap3A_425], %add3A_424 {strides = array<i32>} : memref<65664xf32, #tpu.memory_space<vmem>>, vector<16xf32>,
        %add3A_427 = arith.constant 256 : i32
        %add3A_428 = arith.addi %mul3A_16, %add3A_427 : i32
        %add3A_429 = arith.constant 16 : i32
        %add3A_430 = arith.addi %add3A_428, %add3A_429 : i32
        %get3A_431 = arith.index_cast %add3A_430 : i32 to index
        %get3A_432 = tpu.vector_load %arg7[%get3A_431] {strides = array<i32>} : memref<65664xf32, #tpu.memory_space<vmem>>, vector<16xf32>,
        %get3A_433 = arith.constant 272 : index
        %get3A_434 = tpu.vector_load %arg8[%get3A_433] {strides = array<i32>} : memref<4096xf32, #tpu.memory_space<vmem>>, vector<16xf32>,
        %add3A_435 = arith.addf %get3A_432, %get3A_434 : vector<16xf32>
        %swap3A_436 = arith.index_cast %add3A_430 : i32 to index
        %swap3A_437 = tpu.vector_load %arg7[%swap3A_436] {strides = array<i32>} : memref<65664xf32, #tpu.memory_space<vmem>>, vector<16xf32>,
        tpu.vector_store %arg7[%swap3A_436], %add3A_435 {strides = array<i32>} : memref<65664xf32, #tpu.memory_space<vmem>>, vector<16xf32>,
        %add3A_438 = arith.constant 256 : i32
        %add3A_439 = arith.addi %mul3A_16, %add3A_438 : i32
        %add3A_440 = arith.constant 32 : i32
        %add3A_441 = arith.addi %add3A_439, %add3A_440 : i32
        %get3A_442 = arith.index_cast %add3A_441 : i32 to index
        %get3A_443 = tpu.vector_load %arg7[%get3A_442] {strides = array<i32>} : memref<65664xf32, #tpu.memory_space<vmem>>, vector<16xf32>,
        %get3A_444 = arith.constant 288 : index
        %get3A_445 = tpu.vector_load %arg8[%get3A_444] {strides = array<i32>} : memref<4096xf32, #tpu.memory_space<vmem>>, vector<16xf32>,
        %add3A_446 = arith.addf %get3A_443, %get3A_445 : vector<16xf32>
        %swap3A_447 = arith.index_cast %add3A_441 : i32 to index
        %swap3A_448 = tpu.vector_load %arg7[%swap3A_447] {strides = array<i32>} : memref<65664xf32, #tpu.memory_space<vmem>>, vector<16xf32>,
        tpu.vector_store %arg7[%swap3A_447], %add3A_446 {strides = array<i32>} : memref<65664xf32, #tpu.memory_space<vmem>>, vector<16xf32>,
        %add3A_449 = arith.constant 256 : i32
        %add3A_450 = arith.addi %mul3A_16, %add3A_449 : i32
        %add3A_451 = arith.constant 48 : i32
        %add3A_452 = arith.addi %add3A_450, %add3A_451 : i32
        %get3A_453 = arith.index_cast %add3A_452 : i32 to index
        %get3A_454 = tpu.vector_load %arg7[%get3A_453] {strides = array<i32>} : memref<65664xf32, #tpu.memory_space<vmem>>, vector<16xf32>,
        %get3A_455 = arith.constant 304 : index
        %get3A_456 = tpu.vector_load %arg8[%get3A_455] {strides = array<i32>} : memref<4096xf32, #tpu.memory_space<vmem>>, vector<16xf32>,
        %add3A_457 = arith.addf %get3A_454, %get3A_456 : vector<16xf32>
        %swap3A_458 = arith.index_cast %add3A_452 : i32 to index
        %swap3A_459 = tpu.vector_load %arg7[%swap3A_458] {strides = array<i32>} : memref<65664xf32, #tpu.memory_space<vmem>>, vector<16xf32>,
        tpu.vector_store %arg7[%swap3A_458], %add3A_457 {strides = array<i32>} : memref<65664xf32, #tpu.memory_space<vmem>>, vector<16xf32>,
        %add3A_460 = arith.constant 256 : i32
        %add3A_461 = arith.addi %mul3A_16, %add3A_460 : i32
        %add3A_462 = arith.constant 64 : i32
        %add3A_463 = arith.addi %add3A_461, %add3A_462 : i32
        %get3A_464 = arith.index_cast %add3A_463 : i32 to index
        %get3A_465 = tpu.vector_load %arg7[%get3A_464] {strides = array<i32>} : memref<65664xf32, #tpu.memory_space<vmem>>, vector<16xf32>,
        %get3A_466 = arith.constant 320 : index
        %get3A_467 = tpu.vector_load %arg8[%get3A_466] {strides = array<i32>} : memref<4096xf32, #tpu.memory_space<vmem>>, vector<16xf32>,
        %add3A_468 = arith.addf %get3A_465, %get3A_467 : vector<16xf32>
        %swap3A_469 = arith.index_cast %add3A_463 : i32 to index
        %swap3A_470 = tpu.vector_load %arg7[%swap3A_469] {strides = array<i32>} : memref<65664xf32, #tpu.memory_space<vmem>>, vector<16xf32>,
        tpu.vector_store %arg7[%swap3A_469], %add3A_468 {strides = array<i32>} : memref<65664xf32, #tpu.memory_space<vmem>>, vector<16xf32>,
        %add3A_471 = arith.constant 256 : i32
        %add3A_472 = arith.addi %mul3A_16, %add3A_471 : i32
        %add3A_473 = arith.constant 80 : i32
        %add3A_474 = arith.addi %add3A_472, %add3A_473 : i32
        %get3A_475 = arith.index_cast %add3A_474 : i32 to index
        %get3A_476 = tpu.vector_load %arg7[%get3A_475] {strides = array<i32>} : memref<65664xf32, #tpu.memory_space<vmem>>, vector<16xf32>,
        %get3A_477 = arith.constant 336 : index
        %get3A_478 = tpu.vector_load %arg8[%get3A_477] {strides = array<i32>} : memref<4096xf32, #tpu.memory_space<vmem>>, vector<16xf32>,
        %add3A_479 = arith.addf %get3A_476, %get3A_478 : vector<16xf32>
        %swap3A_480 = arith.index_cast %add3A_474 : i32 to index
        %swap3A_481 = tpu.vector_load %arg7[%swap3A_480] {strides = array<i32>} : memref<65664xf32, #tpu.memory_space<vmem>>, vector<16xf32>,
        tpu.vector_store %arg7[%swap3A_480], %add3A_479 {strides = array<i32>} : memref<65664xf32, #tpu.memory_space<vmem>>, vector<16xf32>,
        %add3A_482 = arith.constant 256 : i32
        %add3A_483 = arith.addi %mul3A_16, %add3A_482 : i32
        %add3A_484 = arith.constant 96 : i32
        %add3A_485 = arith.addi %add3A_483, %add3A_484 : i32
        %get3A_486 = arith.index_cast %add3A_485 : i32 to index
        %get3A_487 = tpu.vector_load %arg7[%get3A_486] {strides = array<i32>} : memref<65664xf32, #tpu.memory_space<vmem>>, vector<16xf32>,
        %get3A_488 = arith.constant 352 : index
        %get3A_489 = tpu.vector_load %arg8[%get3A_488] {strides = array<i32>} : memref<4096xf32, #tpu.memory_space<vmem>>, vector<16xf32>,
        %add3A_490 = arith.addf %get3A_487, %get3A_489 : vector<16xf32>
        %swap3A_491 = arith.index_cast %add3A_485 : i32 to index
        %swap3A_492 = tpu.vector_load %arg7[%swap3A_491] {strides = array<i32>} : memref<65664xf32, #tpu.memory_space<vmem>>, vector<16xf32>,
        tpu.vector_store %arg7[%swap3A_491], %add3A_490 {strides = array<i32>} : memref<65664xf32, #tpu.memory_space<vmem>>, vector<16xf32>,
        %add3A_493 = arith.constant 256 : i32
        %add3A_494 = arith.addi %mul3A_16, %add3A_493 : i32
        %add3A_495 = arith.constant 112 : i32
        %add3A_496 = arith.addi %add3A_494, %add3A_495 : i32
        %get3A_497 = arith.index_cast %add3A_496 : i32 to index
        %get3A_498 = tpu.vector_load %arg7[%get3A_497] {strides = array<i32>} : memref<65664xf32, #tpu.memory_space<vmem>>, vector<16xf32>,
        %get3A_499 = arith.constant 368 : index
        %get3A_500 = tpu.vector_load %arg8[%get3A_499] {strides = array<i32>} : memref<4096xf32, #tpu.memory_space<vmem>>, vector<16xf32>,
        %add3A_501 = arith.addf %get3A_498, %get3A_500 : vector<16xf32>
        %swap3A_502 = arith.index_cast %add3A_496 : i32 to index
        %swap3A_503 = tpu.vector_load %arg7[%swap3A_502] {strides = array<i32>} : memref<65664xf32, #tpu.memory_space<vmem>>, vector<16xf32>,
        tpu.vector_store %arg7[%swap3A_502], %add3A_501 {strides = array<i32>} : memref<65664xf32, #tpu.memory_space<vmem>>, vector<16xf32>,
        %add3A_504 = arith.constant 384 : i32
        %add3A_505 = arith.addi %mul3A_16, %add3A_504 : i32
        %add3A_506 = arith.constant 0 : i32
        %add3A_507 = arith.addi %add3A_505, %add3A_506 : i32
        %get3A_508 = arith.index_cast %add3A_507 : i32 to index
        %get3A_509 = tpu.vector_load %arg7[%get3A_508] {strides = array<i32>} : memref<65664xf32, #tpu.memory_space<vmem>>, vector<16xf32>,
        %get3A_510 = arith.constant 384 : index
        %get3A_511 = tpu.vector_load %arg8[%get3A_510] {strides = array<i32>} : memref<4096xf32, #tpu.memory_space<vmem>>, vector<16xf32>,
        %add3A_512 = arith.addf %get3A_509, %get3A_511 : vector<16xf32>
        %swap3A_513 = arith.index_cast %add3A_507 : i32 to index
        %swap3A_514 = tpu.vector_load %arg7[%swap3A_513] {strides = array<i32>} : memref<65664xf32, #tpu.memory_space<vmem>>, vector<16xf32>,
        tpu.vector_store %arg7[%swap3A_513], %add3A_512 {strides = array<i32>} : memref<65664xf32, #tpu.memory_space<vmem>>, vector<16xf32>,
        %add3A_515 = arith.constant 384 : i32
        %add3A_516 = arith.addi %mul3A_16, %add3A_515 : i32
        %add3A_517 = arith.constant 16 : i32
        %add3A_518 = arith.addi %add3A_516, %add3A_517 : i32
        %get3A_519 = arith.index_cast %add3A_518 : i32 to index
        %get3A_520 = tpu.vector_load %arg7[%get3A_519] {strides = array<i32>} : memref<65664xf32, #tpu.memory_space<vmem>>, vector<16xf32>,
        %get3A_521 = arith.constant 400 : index
        %get3A_522 = tpu.vector_load %arg8[%get3A_521] {strides = array<i32>} : memref<4096xf32, #tpu.memory_space<vmem>>, vector<16xf32>,
        %add3A_523 = arith.addf %get3A_520, %get3A_522 : vector<16xf32>
        %swap3A_524 = arith.index_cast %add3A_518 : i32 to index
        %swap3A_525 = tpu.vector_load %arg7[%swap3A_524] {strides = array<i32>} : memref<65664xf32, #tpu.memory_space<vmem>>, vector<16xf32>,
        tpu.vector_store %arg7[%swap3A_524], %add3A_523 {strides = array<i32>} : memref<65664xf32, #tpu.memory_space<vmem>>, vector<16xf32>,
        %add3A_526 = arith.constant 384 : i32
        %add3A_527 = arith.addi %mul3A_16, %add3A_526 : i32
        %add3A_528 = arith.constant 32 : i32
        %add3A_529 = arith.addi %add3A_527, %add3A_528 : i32
        %get3A_530 = arith.index_cast %add3A_529 : i32 to index
        %get3A_531 = tpu.vector_load %arg7[%get3A_530] {strides = array<i32>} : memref<65664xf32, #tpu.memory_space<vmem>>, vector<16xf32>,
        %get3A_532 = arith.constant 416 : index
        %get3A_533 = tpu.vector_load %arg8[%get3A_532] {strides = array<i32>} : memref<4096xf32, #tpu.memory_space<vmem>>, vector<16xf32>,
        %add3A_534 = arith.addf %get3A_531, %get3A_533 : vector<16xf32>
        %swap3A_535 = arith.index_cast %add3A_529 : i32 to index
        %swap3A_536 = tpu.vector_load %arg7[%swap3A_535] {strides = array<i32>} : memref<65664xf32, #tpu.memory_space<vmem>>, vector<16xf32>,
        tpu.vector_store %arg7[%swap3A_535], %add3A_534 {strides = array<i32>} : memref<65664xf32, #tpu.memory_space<vmem>>, vector<16xf32>,
        %add3A_537 = arith.constant 384 : i32
        %add3A_538 = arith.addi %mul3A_16, %add3A_537 : i32
        %add3A_539 = arith.constant 48 : i32
        %add3A_540 = arith.addi %add3A_538, %add3A_539 : i32
        %get3A_541 = arith.index_cast %add3A_540 : i32 to index
        %get3A_542 = tpu.vector_load %arg7[%get3A_541] {strides = array<i32>} : memref<65664xf32, #tpu.memory_space<vmem>>, vector<16xf32>,
        %get3A_543 = arith.constant 432 : index
        %get3A_544 = tpu.vector_load %arg8[%get3A_543] {strides = array<i32>} : memref<4096xf32, #tpu.memory_space<vmem>>, vector<16xf32>,
        %add3A_545 = arith.addf %get3A_542, %get3A_544 : vector<16xf32>
        %swap3A_546 = arith.index_cast %add3A_540 : i32 to index
        %swap3A_547 = tpu.vector_load %arg7[%swap3A_546] {strides = array<i32>} : memref<65664xf32, #tpu.memory_space<vmem>>, vector<16xf32>,
        tpu.vector_store %arg7[%swap3A_546], %add3A_545 {strides = array<i32>} : memref<65664xf32, #tpu.memory_space<vmem>>, vector<16xf32>,
        %add3A_548 = arith.constant 384 : i32
        %add3A_549 = arith.addi %mul3A_16, %add3A_548 : i32
        %add3A_550 = arith.constant 64 : i32
        %add3A_551 = arith.addi %add3A_549, %add3A_550 : i32
        %get3A_552 = arith.index_cast %add3A_551 : i32 to index
        %get3A_553 = tpu.vector_load %arg7[%get3A_552] {strides = array<i32>} : memref<65664xf32, #tpu.memory_space<vmem>>, vector<16xf32>,
        %get3A_554 = arith.constant 448 : index
        %get3A_555 = tpu.vector_load %arg8[%get3A_554] {strides = array<i32>} : memref<4096xf32, #tpu.memory_space<vmem>>, vector<16xf32>,
        %add3A_556 = arith.addf %get3A_553, %get3A_555 : vector<16xf32>
        %swap3A_557 = arith.index_cast %add3A_551 : i32 to index
        %swap3A_558 = tpu.vector_load %arg7[%swap3A_557] {strides = array<i32>} : memref<65664xf32, #tpu.memory_space<vmem>>, vector<16xf32>,
        tpu.vector_store %arg7[%swap3A_557], %add3A_556 {strides = array<i32>} : memref<65664xf32, #tpu.memory_space<vmem>>, vector<16xf32>,
        %add3A_559 = arith.constant 384 : i32
        %add3A_560 = arith.addi %mul3A_16, %add3A_559 : i32
        %add3A_561 = arith.constant 80 : i32
        %add3A_562 = arith.addi %add3A_560, %add3A_561 : i32
        %get3A_563 = arith.index_cast %add3A_562 : i32 to index
        %get3A_564 = tpu.vector_load %arg7[%get3A_563] {strides = array<i32>} : memref<65664xf32, #tpu.memory_space<vmem>>, vector<16xf32>,
        %get3A_565 = arith.constant 464 : index
        %get3A_566 = tpu.vector_load %arg8[%get3A_565] {strides = array<i32>} : memref<4096xf32, #tpu.memory_space<vmem>>, vector<16xf32>,
        %add3A_567 = arith.addf %get3A_564, %get3A_566 : vector<16xf32>
        %swap3A_568 = arith.index_cast %add3A_562 : i32 to index
        %swap3A_569 = tpu.vector_load %arg7[%swap3A_568] {strides = array<i32>} : memref<65664xf32, #tpu.memory_space<vmem>>, vector<16xf32>,
        tpu.vector_store %arg7[%swap3A_568], %add3A_567 {strides = array<i32>} : memref<65664xf32, #tpu.memory_space<vmem>>, vector<16xf32>,
        %add3A_570 = arith.constant 384 : i32
        %add3A_571 = arith.addi %mul3A_16, %add3A_570 : i32
        %add3A_572 = arith.constant 96 : i32
        %add3A_573 = arith.addi %add3A_571, %add3A_572 : i32
        %get3A_574 = arith.index_cast %add3A_573 : i32 to index
        %get3A_575 = tpu.vector_load %arg7[%get3A_574] {strides = array<i32>} : memref<65664xf32, #tpu.memory_space<vmem>>, vector<16xf32>,
        %get3A_576 = arith.constant 480 : index
        %get3A_577 = tpu.vector_load %arg8[%get3A_576] {strides = array<i32>} : memref<4096xf32, #tpu.memory_space<vmem>>, vector<16xf32>,
        %add3A_578 = arith.addf %get3A_575, %get3A_577 : vector<16xf32>
        %swap3A_579 = arith.index_cast %add3A_573 : i32 to index
        %swap3A_580 = tpu.vector_load %arg7[%swap3A_579] {strides = array<i32>} : memref<65664xf32, #tpu.memory_space<vmem>>, vector<16xf32>,
        tpu.vector_store %arg7[%swap3A_579], %add3A_578 {strides = array<i32>} : memref<65664xf32, #tpu.memory_space<vmem>>, vector<16xf32>,
        %add3A_581 = arith.constant 384 : i32
        %add3A_582 = arith.addi %mul3A_16, %add3A_581 : i32
        %add3A_583 = arith.constant 112 : i32
        %add3A_584 = arith.addi %add3A_582, %add3A_583 : i32
        %get3A_585 = arith.index_cast %add3A_584 : i32 to index
        %get3A_586 = tpu.vector_load %arg7[%get3A_585] {strides = array<i32>} : memref<65664xf32, #tpu.memory_space<vmem>>, vector<16xf32>,
        %get3A_587 = arith.constant 496 : index
        %get3A_588 = tpu.vector_load %arg8[%get3A_587] {strides = array<i32>} : memref<4096xf32, #tpu.memory_space<vmem>>, vector<16xf32>,
        %add3A_589 = arith.addf %get3A_586, %get3A_588 : vector<16xf32>
        %swap3A_590 = arith.index_cast %add3A_584 : i32 to index
        %swap3A_591 = tpu.vector_load %arg7[%swap3A_590] {strides = array<i32>} : memref<65664xf32, #tpu.memory_space<vmem>>, vector<16xf32>,
        tpu.vector_store %arg7[%swap3A_590], %add3A_589 {strides = array<i32>} : memref<65664xf32, #tpu.memory_space<vmem>>, vector<16xf32>,
        %add3A_592 = arith.constant 512 : i32
        %add3A_593 = arith.addi %mul3A_16, %add3A_592 : i32
        %add3A_594 = arith.constant 0 : i32
        %add3A_595 = arith.addi %add3A_593, %add3A_594 : i32
        %get3A_596 = arith.index_cast %add3A_595 : i32 to index
        %get3A_597 = tpu.vector_load %arg7[%get3A_596] {strides = array<i32>} : memref<65664xf32, #tpu.memory_space<vmem>>, vector<16xf32>,
        %get3A_598 = arith.constant 512 : index
        %get3A_599 = tpu.vector_load %arg8[%get3A_598] {strides = array<i32>} : memref<4096xf32, #tpu.memory_space<vmem>>, vector<16xf32>,
        %add3A_600 = arith.addf %get3A_597, %get3A_599 : vector<16xf32>
        %swap3A_601 = arith.index_cast %add3A_595 : i32 to index
        %swap3A_602 = tpu.vector_load %arg7[%swap3A_601] {strides = array<i32>} : memref<65664xf32, #tpu.memory_space<vmem>>, vector<16xf32>,
        tpu.vector_store %arg7[%swap3A_601], %add3A_600 {strides = array<i32>} : memref<65664xf32, #tpu.memory_space<vmem>>, vector<16xf32>,
        %add3A_603 = arith.constant 512 : i32
        %add3A_604 = arith.addi %mul3A_16, %add3A_603 : i32
        %add3A_605 = arith.constant 16 : i32
        %add3A_606 = arith.addi %add3A_604, %add3A_605 : i32
        %get3A_607 = arith.index_cast %add3A_606 : i32 to index
        %get3A_608 = tpu.vector_load %arg7[%get3A_607] {strides = array<i32>} : memref<65664xf32, #tpu.memory_space<vmem>>, vector<16xf32>,
        %get3A_609 = arith.constant 528 : index
        %get3A_610 = tpu.vector_load %arg8[%get3A_609] {strides = array<i32>} : memref<4096xf32, #tpu.memory_space<vmem>>, vector<16xf32>,
        %add3A_611 = arith.addf %get3A_608, %get3A_610 : vector<16xf32>
        %swap3A_612 = arith.index_cast %add3A_606 : i32 to index
        %swap3A_613 = tpu.vector_load %arg7[%swap3A_612] {strides = array<i32>} : memref<65664xf32, #tpu.memory_space<vmem>>, vector<16xf32>,
        tpu.vector_store %arg7[%swap3A_612], %add3A_611 {strides = array<i32>} : memref<65664xf32, #tpu.memory_space<vmem>>, vector<16xf32>,
        %add3A_614 = arith.constant 512 : i32
        %add3A_615 = arith.addi %mul3A_16, %add3A_614 : i32
        %add3A_616 = arith.constant 32 : i32
        %add3A_617 = arith.addi %add3A_615, %add3A_616 : i32
        %get3A_618 = arith.index_cast %add3A_617 : i32 to index
        %get3A_619 = tpu.vector_load %arg7[%get3A_618] {strides = array<i32>} : memref<65664xf32, #tpu.memory_space<vmem>>, vector<16xf32>,
        %get3A_620 = arith.constant 544 : index
        %get3A_621 = tpu.vector_load %arg8[%get3A_620] {strides = array<i32>} : memref<4096xf32, #tpu.memory_space<vmem>>, vector<16xf32>,
        %add3A_622 = arith.addf %get3A_619, %get3A_621 : vector<16xf32>
        %swap3A_623 = arith.index_cast %add3A_617 : i32 to index
        %swap3A_624 = tpu.vector_load %arg7[%swap3A_623] {strides = array<i32>} : memref<65664xf32, #tpu.memory_space<vmem>>, vector<16xf32>,
        tpu.vector_store %arg7[%swap3A_623], %add3A_622 {strides = array<i32>} : memref<65664xf32, #tpu.memory_space<vmem>>, vector<16xf32>,
        %add3A_625 = arith.constant 512 : i32
        %add3A_626 = arith.addi %mul3A_16, %add3A_625 : i32
        %add3A_627 = arith.constant 48 : i32
        %add3A_628 = arith.addi %add3A_626, %add3A_627 : i32
        %get3A_629 = arith.index_cast %add3A_628 : i32 to index
        %get3A_630 = tpu.vector_load %arg7[%get3A_629] {strides = array<i32>} : memref<65664xf32, #tpu.memory_space<vmem>>, vector<16xf32>,
        %get3A_631 = arith.constant 560 : index
        %get3A_632 = tpu.vector_load %arg8[%get3A_631] {strides = array<i32>} : memref<4096xf32, #tpu.memory_space<vmem>>, vector<16xf32>,
        %add3A_633 = arith.addf %get3A_630, %get3A_632 : vector<16xf32>
        %swap3A_634 = arith.index_cast %add3A_628 : i32 to index
        %swap3A_635 = tpu.vector_load %arg7[%swap3A_634] {strides = array<i32>} : memref<65664xf32, #tpu.memory_space<vmem>>, vector<16xf32>,
        tpu.vector_store %arg7[%swap3A_634], %add3A_633 {strides = array<i32>} : memref<65664xf32, #tpu.memory_space<vmem>>, vector<16xf32>,
        %add3A_636 = arith.constant 512 : i32
        %add3A_637 = arith.addi %mul3A_16, %add3A_636 : i32
        %add3A_638 = arith.constant 64 : i32
        %add3A_639 = arith.addi %add3A_637, %add3A_638 : i32
        %get3A_640 = arith.index_cast %add3A_639 : i32 to index
        %get3A_641 = tpu.vector_load %arg7[%get3A_640] {strides = array<i32>} : memref<65664xf32, #tpu.memory_space<vmem>>, vector<16xf32>,
        %get3A_642 = arith.constant 576 : index
        %get3A_643 = tpu.vector_load %arg8[%get3A_642] {strides = array<i32>} : memref<4096xf32, #tpu.memory_space<vmem>>, vector<16xf32>,
        %add3A_644 = arith.addf %get3A_641, %get3A_643 : vector<16xf32>
        %swap3A_645 = arith.index_cast %add3A_639 : i32 to index
        %swap3A_646 = tpu.vector_load %arg7[%swap3A_645] {strides = array<i32>} : memref<65664xf32, #tpu.memory_space<vmem>>, vector<16xf32>,
        tpu.vector_store %arg7[%swap3A_645], %add3A_644 {strides = array<i32>} : memref<65664xf32, #tpu.memory_space<vmem>>, vector<16xf32>,
        %add3A_647 = arith.constant 512 : i32
        %add3A_648 = arith.addi %mul3A_16, %add3A_647 : i32
        %add3A_649 = arith.constant 80 : i32
        %add3A_650 = arith.addi %add3A_648, %add3A_649 : i32
        %get3A_651 = arith.index_cast %add3A_650 : i32 to index
        %get3A_652 = tpu.vector_load %arg7[%get3A_651] {strides = array<i32>} : memref<65664xf32, #tpu.memory_space<vmem>>, vector<16xf32>,
        %get3A_653 = arith.constant 592 : index
        %get3A_654 = tpu.vector_load %arg8[%get3A_653] {strides = array<i32>} : memref<4096xf32, #tpu.memory_space<vmem>>, vector<16xf32>,
        %add3A_655 = arith.addf %get3A_652, %get3A_654 : vector<16xf32>
        %swap3A_656 = arith.index_cast %add3A_650 : i32 to index
        %swap3A_657 = tpu.vector_load %arg7[%swap3A_656] {strides = array<i32>} : memref<65664xf32, #tpu.memory_space<vmem>>, vector<16xf32>,
        tpu.vector_store %arg7[%swap3A_656], %add3A_655 {strides = array<i32>} : memref<65664xf32, #tpu.memory_space<vmem>>, vector<16xf32>,
        %add3A_658 = arith.constant 512 : i32
        %add3A_659 = arith.addi %mul3A_16, %add3A_658 : i32
        %add3A_660 = arith.constant 96 : i32
        %add3A_661 = arith.addi %add3A_659, %add3A_660 : i32
        %get3A_662 = arith.index_cast %add3A_661 : i32 to index
        %get3A_663 = tpu.vector_load %arg7[%get3A_662] {strides = array<i32>} : memref<65664xf32, #tpu.memory_space<vmem>>, vector<16xf32>,
        %get3A_664 = arith.constant 608 : index
        %get3A_665 = tpu.vector_load %arg8[%get3A_664] {strides = array<i32>} : memref<4096xf32, #tpu.memory_space<vmem>>, vector<16xf32>,
        %add3A_666 = arith.addf %get3A_663, %get3A_665 : vector<16xf32>
        %swap3A_667 = arith.index_cast %add3A_661 : i32 to index
        %swap3A_668 = tpu.vector_load %arg7[%swap3A_667] {strides = array<i32>} : memref<65664xf32, #tpu.memory_space<vmem>>, vector<16xf32>,
        tpu.vector_store %arg7[%swap3A_667], %add3A_666 {strides = array<i32>} : memref<65664xf32, #tpu.memory_space<vmem>>, vector<16xf32>,
        %add3A_669 = arith.constant 512 : i32
        %add3A_670 = arith.addi %mul3A_16, %add3A_669 : i32
        %add3A_671 = arith.constant 112 : i32
        %add3A_672 = arith.addi %add3A_670, %add3A_671 : i32
        %get3A_673 = arith.index_cast %add3A_672 : i32 to index
        %get3A_674 = tpu.vector_load %arg7[%get3A_673] {strides = array<i32>} : memref<65664xf32, #tpu.memory_space<vmem>>, vector<16xf32>,
        %get3A_675 = arith.constant 624 : index
        %get3A_676 = tpu.vector_load %arg8[%get3A_675] {strides = array<i32>} : memref<4096xf32, #tpu.memory_space<vmem>>, vector<16xf32>,
        %add3A_677 = arith.addf %get3A_674, %get3A_676 : vector<16xf32>
        %swap3A_678 = arith.index_cast %add3A_672 : i32 to index
        %swap3A_679 = tpu.vector_load %arg7[%swap3A_678] {strides = array<i32>} : memref<65664xf32, #tpu.memory_space<vmem>>, vector<16xf32>,
        tpu.vector_store %arg7[%swap3A_678], %add3A_677 {strides = array<i32>} : memref<65664xf32, #tpu.memory_space<vmem>>, vector<16xf32>,
        %add3A_680 = arith.constant 640 : i32
        %add3A_681 = arith.addi %mul3A_16, %add3A_680 : i32
        %add3A_682 = arith.constant 0 : i32
        %add3A_683 = arith.addi %add3A_681, %add3A_682 : i32
        %get3A_684 = arith.index_cast %add3A_683 : i32 to index
        %get3A_685 = tpu.vector_load %arg7[%get3A_684] {strides = array<i32>} : memref<65664xf32, #tpu.memory_space<vmem>>, vector<16xf32>,
        %get3A_686 = arith.constant 640 : index
        %get3A_687 = tpu.vector_load %arg8[%get3A_686] {strides = array<i32>} : memref<4096xf32, #tpu.memory_space<vmem>>, vector<16xf32>,
        %add3A_688 = arith.addf %get3A_685, %get3A_687 : vector<16xf32>
        %swap3A_689 = arith.index_cast %add3A_683 : i32 to index
        %swap3A_690 = tpu.vector_load %arg7[%swap3A_689] {strides = array<i32>} : memref<65664xf32, #tpu.memory_space<vmem>>, vector<16xf32>,
        tpu.vector_store %arg7[%swap3A_689], %add3A_688 {strides = array<i32>} : memref<65664xf32, #tpu.memory_space<vmem>>, vector<16xf32>,
        %add3A_691 = arith.constant 640 : i32
        %add3A_692 = arith.addi %mul3A_16, %add3A_691 : i32
        %add3A_693 = arith.constant 16 : i32
        %add3A_694 = arith.addi %add3A_692, %add3A_693 : i32
        %get3A_695 = arith.index_cast %add3A_694 : i32 to index
        %get3A_696 = tpu.vector_load %arg7[%get3A_695] {strides = array<i32>} : memref<65664xf32, #tpu.memory_space<vmem>>, vector<16xf32>,
        %get3A_697 = arith.constant 656 : index
        %get3A_698 = tpu.vector_load %arg8[%get3A_697] {strides = array<i32>} : memref<4096xf32, #tpu.memory_space<vmem>>, vector<16xf32>,
        %add3A_699 = arith.addf %get3A_696, %get3A_698 : vector<16xf32>
        %swap3A_700 = arith.index_cast %add3A_694 : i32 to index
        %swap3A_701 = tpu.vector_load %arg7[%swap3A_700] {strides = array<i32>} : memref<65664xf32, #tpu.memory_space<vmem>>, vector<16xf32>,
        tpu.vector_store %arg7[%swap3A_700], %add3A_699 {strides = array<i32>} : memref<65664xf32, #tpu.memory_space<vmem>>, vector<16xf32>,
        %add3A_702 = arith.constant 640 : i32
        %add3A_703 = arith.addi %mul3A_16, %add3A_702 : i32
        %add3A_704 = arith.constant 32 : i32
        %add3A_705 = arith.addi %add3A_703, %add3A_704 : i32
        %get3A_706 = arith.index_cast %add3A_705 : i32 to index
        %get3A_707 = tpu.vector_load %arg7[%get3A_706] {strides = array<i32>} : memref<65664xf32, #tpu.memory_space<vmem>>, vector<16xf32>,
        %get3A_708 = arith.constant 672 : index
        %get3A_709 = tpu.vector_load %arg8[%get3A_708] {strides = array<i32>} : memref<4096xf32, #tpu.memory_space<vmem>>, vector<16xf32>,
        %add3A_710 = arith.addf %get3A_707, %get3A_709 : vector<16xf32>
        %swap3A_711 = arith.index_cast %add3A_705 : i32 to index
        %swap3A_712 = tpu.vector_load %arg7[%swap3A_711] {strides = array<i32>} : memref<65664xf32, #tpu.memory_space<vmem>>, vector<16xf32>,
        tpu.vector_store %arg7[%swap3A_711], %add3A_710 {strides = array<i32>} : memref<65664xf32, #tpu.memory_space<vmem>>, vector<16xf32>,
        %add3A_713 = arith.constant 640 : i32
        %add3A_714 = arith.addi %mul3A_16, %add3A_713 : i32
        %add3A_715 = arith.constant 48 : i32
        %add3A_716 = arith.addi %add3A_714, %add3A_715 : i32
        %get3A_717 = arith.index_cast %add3A_716 : i32 to index
        %get3A_718 = tpu.vector_load %arg7[%get3A_717] {strides = array<i32>} : memref<65664xf32, #tpu.memory_space<vmem>>, vector<16xf32>,
        %get3A_719 = arith.constant 688 : index
        %get3A_720 = tpu.vector_load %arg8[%get3A_719] {strides = array<i32>} : memref<4096xf32, #tpu.memory_space<vmem>>, vector<16xf32>,
        %add3A_721 = arith.addf %get3A_718, %get3A_720 : vector<16xf32>
        %swap3A_722 = arith.index_cast %add3A_716 : i32 to index
        %swap3A_723 = tpu.vector_load %arg7[%swap3A_722] {strides = array<i32>} : memref<65664xf32, #tpu.memory_space<vmem>>, vector<16xf32>,
        tpu.vector_store %arg7[%swap3A_722], %add3A_721 {strides = array<i32>} : memref<65664xf32, #tpu.memory_space<vmem>>, vector<16xf32>,
        %add3A_724 = arith.constant 640 : i32
        %add3A_725 = arith.addi %mul3A_16, %add3A_724 : i32
        %add3A_726 = arith.constant 64 : i32
        %add3A_727 = arith.addi %add3A_725, %add3A_726 : i32
        %get3A_728 = arith.index_cast %add3A_727 : i32 to index
        %get3A_729 = tpu.vector_load %arg7[%get3A_728] {strides = array<i32>} : memref<65664xf32, #tpu.memory_space<vmem>>, vector<16xf32>,
        %get3A_730 = arith.constant 704 : index
        %get3A_731 = tpu.vector_load %arg8[%get3A_730] {strides = array<i32>} : memref<4096xf32, #tpu.memory_space<vmem>>, vector<16xf32>,
        %add3A_732 = arith.addf %get3A_729, %get3A_731 : vector<16xf32>
        %swap3A_733 = arith.index_cast %add3A_727 : i32 to index
        %swap3A_734 = tpu.vector_load %arg7[%swap3A_733] {strides = array<i32>} : memref<65664xf32, #tpu.memory_space<vmem>>, vector<16xf32>,
        tpu.vector_store %arg7[%swap3A_733], %add3A_732 {strides = array<i32>} : memref<65664xf32, #tpu.memory_space<vmem>>, vector<16xf32>,
        %add3A_735 = arith.constant 640 : i32
        %add3A_736 = arith.addi %mul3A_16, %add3A_735 : i32
        %add3A_737 = arith.constant 80 : i32
        %add3A_738 = arith.addi %add3A_736, %add3A_737 : i32
        %get3A_739 = arith.index_cast %add3A_738 : i32 to index
        %get3A_740 = tpu.vector_load %arg7[%get3A_739] {strides = array<i32>} : memref<65664xf32, #tpu.memory_space<vmem>>, vector<16xf32>,
        %get3A_741 = arith.constant 720 : index
        %get3A_742 = tpu.vector_load %arg8[%get3A_741] {strides = array<i32>} : memref<4096xf32, #tpu.memory_space<vmem>>, vector<16xf32>,
        %add3A_743 = arith.addf %get3A_740, %get3A_742 : vector<16xf32>
        %swap3A_744 = arith.index_cast %add3A_738 : i32 to index
        %swap3A_745 = tpu.vector_load %arg7[%swap3A_744] {strides = array<i32>} : memref<65664xf32, #tpu.memory_space<vmem>>, vector<16xf32>,
        tpu.vector_store %arg7[%swap3A_744], %add3A_743 {strides = array<i32>} : memref<65664xf32, #tpu.memory_space<vmem>>, vector<16xf32>,
        %add3A_746 = arith.constant 640 : i32
        %add3A_747 = arith.addi %mul3A_16, %add3A_746 : i32
        %add3A_748 = arith.constant 96 : i32
        %add3A_749 = arith.addi %add3A_747, %add3A_748 : i32
        %get3A_750 = arith.index_cast %add3A_749 : i32 to index
        %get3A_751 = tpu.vector_load %arg7[%get3A_750] {strides = array<i32>} : memref<65664xf32, #tpu.memory_space<vmem>>, vector<16xf32>,
        %get3A_752 = arith.constant 736 : index
        %get3A_753 = tpu.vector_load %arg8[%get3A_752] {strides = array<i32>} : memref<4096xf32, #tpu.memory_space<vmem>>, vector<16xf32>,
        %add3A_754 = arith.addf %get3A_751, %get3A_753 : vector<16xf32>
        %swap3A_755 = arith.index_cast %add3A_749 : i32 to index
        %swap3A_756 = tpu.vector_load %arg7[%swap3A_755] {strides = array<i32>} : memref<65664xf32, #tpu.memory_space<vmem>>, vector<16xf32>,
        tpu.vector_store %arg7[%swap3A_755], %add3A_754 {strides = array<i32>} : memref<65664xf32, #tpu.memory_space<vmem>>, vector<16xf32>,
        %add3A_757 = arith.constant 640 : i32
        %add3A_758 = arith.addi %mul3A_16, %add3A_757 : i32
        %add3A_759 = arith.constant 112 : i32
        %add3A_760 = arith.addi %add3A_758, %add3A_759 : i32
        %get3A_761 = arith.index_cast %add3A_760 : i32 to index
        %get3A_762 = tpu.vector_load %arg7[%get3A_761] {strides = array<i32>} : memref<65664xf32, #tpu.memory_space<vmem>>, vector<16xf32>,
        %get3A_763 = arith.constant 752 : index
        %get3A_764 = tpu.vector_load %arg8[%get3A_763] {strides = array<i32>} : memref<4096xf32, #tpu.memory_space<vmem>>, vector<16xf32>,
        %add3A_765 = arith.addf %get3A_762, %get3A_764 : vector<16xf32>
        %swap3A_766 = arith.index_cast %add3A_760 : i32 to index
        %swap3A_767 = tpu.vector_load %arg7[%swap3A_766] {strides = array<i32>} : memref<65664xf32, #tpu.memory_space<vmem>>, vector<16xf32>,
        tpu.vector_store %arg7[%swap3A_766], %add3A_765 {strides = array<i32>} : memref<65664xf32, #tpu.memory_space<vmem>>, vector<16xf32>,
        %add3A_768 = arith.constant 768 : i32
        %add3A_769 = arith.addi %mul3A_16, %add3A_768 : i32
        %add3A_770 = arith.constant 0 : i32
        %add3A_771 = arith.addi %add3A_769, %add3A_770 : i32
        %get3A_772 = arith.index_cast %add3A_771 : i32 to index
        %get3A_773 = tpu.vector_load %arg7[%get3A_772] {strides = array<i32>} : memref<65664xf32, #tpu.memory_space<vmem>>, vector<16xf32>,
        %get3A_774 = arith.constant 768 : index
        %get3A_775 = tpu.vector_load %arg8[%get3A_774] {strides = array<i32>} : memref<4096xf32, #tpu.memory_space<vmem>>, vector<16xf32>,
        %add3A_776 = arith.addf %get3A_773, %get3A_775 : vector<16xf32>
        %swap3A_777 = arith.index_cast %add3A_771 : i32 to index
        %swap3A_778 = tpu.vector_load %arg7[%swap3A_777] {strides = array<i32>} : memref<65664xf32, #tpu.memory_space<vmem>>, vector<16xf32>,
        tpu.vector_store %arg7[%swap3A_777], %add3A_776 {strides = array<i32>} : memref<65664xf32, #tpu.memory_space<vmem>>, vector<16xf32>,
        %add3A_779 = arith.constant 768 : i32
        %add3A_780 = arith.addi %mul3A_16, %add3A_779 : i32
        %add3A_781 = arith.constant 16 : i32
        %add3A_782 = arith.addi %add3A_780, %add3A_781 : i32
        %get3A_783 = arith.index_cast %add3A_782 : i32 to index
        %get3A_784 = tpu.vector_load %arg7[%get3A_783] {strides = array<i32>} : memref<65664xf32, #tpu.memory_space<vmem>>, vector<16xf32>,
        %get3A_785 = arith.constant 784 : index
        %get3A_786 = tpu.vector_load %arg8[%get3A_785] {strides = array<i32>} : memref<4096xf32, #tpu.memory_space<vmem>>, vector<16xf32>,
        %add3A_787 = arith.addf %get3A_784, %get3A_786 : vector<16xf32>
        %swap3A_788 = arith.index_cast %add3A_782 : i32 to index
        %swap3A_789 = tpu.vector_load %arg7[%swap3A_788] {strides = array<i32>} : memref<65664xf32, #tpu.memory_space<vmem>>, vector<16xf32>,
        tpu.vector_store %arg7[%swap3A_788], %add3A_787 {strides = array<i32>} : memref<65664xf32, #tpu.memory_space<vmem>>, vector<16xf32>,
        %add3A_790 = arith.constant 768 : i32
        %add3A_791 = arith.addi %mul3A_16, %add3A_790 : i32
        %add3A_792 = arith.constant 32 : i32
        %add3A_793 = arith.addi %add3A_791, %add3A_792 : i32
        %get3A_794 = arith.index_cast %add3A_793 : i32 to index
        %get3A_795 = tpu.vector_load %arg7[%get3A_794] {strides = array<i32>} : memref<65664xf32, #tpu.memory_space<vmem>>, vector<16xf32>,
        %get3A_796 = arith.constant 800 : index
        %get3A_797 = tpu.vector_load %arg8[%get3A_796] {strides = array<i32>} : memref<4096xf32, #tpu.memory_space<vmem>>, vector<16xf32>,
        %add3A_798 = arith.addf %get3A_795, %get3A_797 : vector<16xf32>
        %swap3A_799 = arith.index_cast %add3A_793 : i32 to index
        %swap3A_800 = tpu.vector_load %arg7[%swap3A_799] {strides = array<i32>} : memref<65664xf32, #tpu.memory_space<vmem>>, vector<16xf32>,
        tpu.vector_store %arg7[%swap3A_799], %add3A_798 {strides = array<i32>} : memref<65664xf32, #tpu.memory_space<vmem>>, vector<16xf32>,
        %add3A_801 = arith.constant 768 : i32
        %add3A_802 = arith.addi %mul3A_16, %add3A_801 : i32
        %add3A_803 = arith.constant 48 : i32
        %add3A_804 = arith.addi %add3A_802, %add3A_803 : i32
        %get3A_805 = arith.index_cast %add3A_804 : i32 to index
        %get3A_806 = tpu.vector_load %arg7[%get3A_805] {strides = array<i32>} : memref<65664xf32, #tpu.memory_space<vmem>>, vector<16xf32>,
        %get3A_807 = arith.constant 816 : index
        %get3A_808 = tpu.vector_load %arg8[%get3A_807] {strides = array<i32>} : memref<4096xf32, #tpu.memory_space<vmem>>, vector<16xf32>,
        %add3A_809 = arith.addf %get3A_806, %get3A_808 : vector<16xf32>
        %swap3A_810 = arith.index_cast %add3A_804 : i32 to index
        %swap3A_811 = tpu.vector_load %arg7[%swap3A_810] {strides = array<i32>} : memref<65664xf32, #tpu.memory_space<vmem>>, vector<16xf32>,
        tpu.vector_store %arg7[%swap3A_810], %add3A_809 {strides = array<i32>} : memref<65664xf32, #tpu.memory_space<vmem>>, vector<16xf32>,
        %add3A_812 = arith.constant 768 : i32
        %add3A_813 = arith.addi %mul3A_16, %add3A_812 : i32
        %add3A_814 = arith.constant 64 : i32
        %add3A_815 = arith.addi %add3A_813, %add3A_814 : i32
        %get3A_816 = arith.index_cast %add3A_815 : i32 to index
        %get3A_817 = tpu.vector_load %arg7[%get3A_816] {strides = array<i32>} : memref<65664xf32, #tpu.memory_space<vmem>>, vector<16xf32>,
        %get3A_818 = arith.constant 832 : index
        %get3A_819 = tpu.vector_load %arg8[%get3A_818] {strides = array<i32>} : memref<4096xf32, #tpu.memory_space<vmem>>, vector<16xf32>,
        %add3A_820 = arith.addf %get3A_817, %get3A_819 : vector<16xf32>
        %swap3A_821 = arith.index_cast %add3A_815 : i32 to index
        %swap3A_822 = tpu.vector_load %arg7[%swap3A_821] {strides = array<i32>} : memref<65664xf32, #tpu.memory_space<vmem>>, vector<16xf32>,
        tpu.vector_store %arg7[%swap3A_821], %add3A_820 {strides = array<i32>} : memref<65664xf32, #tpu.memory_space<vmem>>, vector<16xf32>,
        %add3A_823 = arith.constant 768 : i32
        %add3A_824 = arith.addi %mul3A_16, %add3A_823 : i32
        %add3A_825 = arith.constant 80 : i32
        %add3A_826 = arith.addi %add3A_824, %add3A_825 : i32
        %get3A_827 = arith.index_cast %add3A_826 : i32 to index
        %get3A_828 = tpu.vector_load %arg7[%get3A_827] {strides = array<i32>} : memref<65664xf32, #tpu.memory_space<vmem>>, vector<16xf32>,
        %get3A_829 = arith.constant 848 : index
        %get3A_830 = tpu.vector_load %arg8[%get3A_829] {strides = array<i32>} : memref<4096xf32, #tpu.memory_space<vmem>>, vector<16xf32>,
        %add3A_831 = arith.addf %get3A_828, %get3A_830 : vector<16xf32>
        %swap3A_832 = arith.index_cast %add3A_826 : i32 to index
        %swap3A_833 = tpu.vector_load %arg7[%swap3A_832] {strides = array<i32>} : memref<65664xf32, #tpu.memory_space<vmem>>, vector<16xf32>,
        tpu.vector_store %arg7[%swap3A_832], %add3A_831 {strides = array<i32>} : memref<65664xf32, #tpu.memory_space<vmem>>, vector<16xf32>,
        %add3A_834 = arith.constant 768 : i32
        %add3A_835 = arith.addi %mul3A_16, %add3A_834 : i32
        %add3A_836 = arith.constant 96 : i32
        %add3A_837 = arith.addi %add3A_835, %add3A_836 : i32
        %get3A_838 = arith.index_cast %add3A_837 : i32 to index
        %get3A_839 = tpu.vector_load %arg7[%get3A_838] {strides = array<i32>} : memref<65664xf32, #tpu.memory_space<vmem>>, vector<16xf32>,
        %get3A_840 = arith.constant 864 : index
        %get3A_841 = tpu.vector_load %arg8[%get3A_840] {strides = array<i32>} : memref<4096xf32, #tpu.memory_space<vmem>>, vector<16xf32>,
        %add3A_842 = arith.addf %get3A_839, %get3A_841 : vector<16xf32>
        %swap3A_843 = arith.index_cast %add3A_837 : i32 to index
        %swap3A_844 = tpu.vector_load %arg7[%swap3A_843] {strides = array<i32>} : memref<65664xf32, #tpu.memory_space<vmem>>, vector<16xf32>,
        tpu.vector_store %arg7[%swap3A_843], %add3A_842 {strides = array<i32>} : memref<65664xf32, #tpu.memory_space<vmem>>, vector<16xf32>,
        %add3A_845 = arith.constant 768 : i32
        %add3A_846 = arith.addi %mul3A_16, %add3A_845 : i32
        %add3A_847 = arith.constant 112 : i32
        %add3A_848 = arith.addi %add3A_846, %add3A_847 : i32
        %get3A_849 = arith.index_cast %add3A_848 : i32 to index
        %get3A_850 = tpu.vector_load %arg7[%get3A_849] {strides = array<i32>} : memref<65664xf32, #tpu.memory_space<vmem>>, vector<16xf32>,
        %get3A_851 = arith.constant 880 : index
        %get3A_852 = tpu.vector_load %arg8[%get3A_851] {strides = array<i32>} : memref<4096xf32, #tpu.memory_space<vmem>>, vector<16xf32>,
        %add3A_853 = arith.addf %get3A_850, %get3A_852 : vector<16xf32>
        %swap3A_854 = arith.index_cast %add3A_848 : i32 to index
        %swap3A_855 = tpu.vector_load %arg7[%swap3A_854] {strides = array<i32>} : memref<65664xf32, #tpu.memory_space<vmem>>, vector<16xf32>,
        tpu.vector_store %arg7[%swap3A_854], %add3A_853 {strides = array<i32>} : memref<65664xf32, #tpu.memory_space<vmem>>, vector<16xf32>,
        %add3A_856 = arith.constant 896 : i32
        %add3A_857 = arith.addi %mul3A_16, %add3A_856 : i32
        %add3A_858 = arith.constant 0 : i32
        %add3A_859 = arith.addi %add3A_857, %add3A_858 : i32
        %get3A_860 = arith.index_cast %add3A_859 : i32 to index
        %get3A_861 = tpu.vector_load %arg7[%get3A_860] {strides = array<i32>} : memref<65664xf32, #tpu.memory_space<vmem>>, vector<16xf32>,
        %get3A_862 = arith.constant 896 : index
        %get3A_863 = tpu.vector_load %arg8[%get3A_862] {strides = array<i32>} : memref<4096xf32, #tpu.memory_space<vmem>>, vector<16xf32>,
        %add3A_864 = arith.addf %get3A_861, %get3A_863 : vector<16xf32>
        %swap3A_865 = arith.index_cast %add3A_859 : i32 to index
        %swap3A_866 = tpu.vector_load %arg7[%swap3A_865] {strides = array<i32>} : memref<65664xf32, #tpu.memory_space<vmem>>, vector<16xf32>,
        tpu.vector_store %arg7[%swap3A_865], %add3A_864 {strides = array<i32>} : memref<65664xf32, #tpu.memory_space<vmem>>, vector<16xf32>,
        %add3A_867 = arith.constant 896 : i32
        %add3A_868 = arith.addi %mul3A_16, %add3A_867 : i32
        %add3A_869 = arith.constant 16 : i32
        %add3A_870 = arith.addi %add3A_868, %add3A_869 : i32
        %get3A_871 = arith.index_cast %add3A_870 : i32 to index
        %get3A_872 = tpu.vector_load %arg7[%get3A_871] {strides = array<i32>} : memref<65664xf32, #tpu.memory_space<vmem>>, vector<16xf32>,
        %get3A_873 = arith.constant 912 : index
        %get3A_874 = tpu.vector_load %arg8[%get3A_873] {strides = array<i32>} : memref<4096xf32, #tpu.memory_space<vmem>>, vector<16xf32>,
        %add3A_875 = arith.addf %get3A_872, %get3A_874 : vector<16xf32>
        %swap3A_876 = arith.index_cast %add3A_870 : i32 to index
        %swap3A_877 = tpu.vector_load %arg7[%swap3A_876] {strides = array<i32>} : memref<65664xf32, #tpu.memory_space<vmem>>, vector<16xf32>,
        tpu.vector_store %arg7[%swap3A_876], %add3A_875 {strides = array<i32>} : memref<65664xf32, #tpu.memory_space<vmem>>, vector<16xf32>,
        %add3A_878 = arith.constant 896 : i32
        %add3A_879 = arith.addi %mul3A_16, %add3A_878 : i32
        %add3A_880 = arith.constant 32 : i32
        %add3A_881 = arith.addi %add3A_879, %add3A_880 : i32
        %get3A_882 = arith.index_cast %add3A_881 : i32 to index
        %get3A_883 = tpu.vector_load %arg7[%get3A_882] {strides = array<i32>} : memref<65664xf32, #tpu.memory_space<vmem>>, vector<16xf32>,
        %get3A_884 = arith.constant 928 : index
        %get3A_885 = tpu.vector_load %arg8[%get3A_884] {strides = array<i32>} : memref<4096xf32, #tpu.memory_space<vmem>>, vector<16xf32>,
        %add3A_886 = arith.addf %get3A_883, %get3A_885 : vector<16xf32>
        %swap3A_887 = arith.index_cast %add3A_881 : i32 to index
        %swap3A_888 = tpu.vector_load %arg7[%swap3A_887] {strides = array<i32>} : memref<65664xf32, #tpu.memory_space<vmem>>, vector<16xf32>,
        tpu.vector_store %arg7[%swap3A_887], %add3A_886 {strides = array<i32>} : memref<65664xf32, #tpu.memory_space<vmem>>, vector<16xf32>,
        %add3A_889 = arith.constant 896 : i32
        %add3A_890 = arith.addi %mul3A_16, %add3A_889 : i32
        %add3A_891 = arith.constant 48 : i32
        %add3A_892 = arith.addi %add3A_890, %add3A_891 : i32
        %get3A_893 = arith.index_cast %add3A_892 : i32 to index
        %get3A_894 = tpu.vector_load %arg7[%get3A_893] {strides = array<i32>} : memref<65664xf32, #tpu.memory_space<vmem>>, vector<16xf32>,
        %get3A_895 = arith.constant 944 : index
        %get3A_896 = tpu.vector_load %arg8[%get3A_895] {strides = array<i32>} : memref<4096xf32, #tpu.memory_space<vmem>>, vector<16xf32>,
        %add3A_897 = arith.addf %get3A_894, %get3A_896 : vector<16xf32>
        %swap3A_898 = arith.index_cast %add3A_892 : i32 to index
        %swap3A_899 = tpu.vector_load %arg7[%swap3A_898] {strides = array<i32>} : memref<65664xf32, #tpu.memory_space<vmem>>, vector<16xf32>,
        tpu.vector_store %arg7[%swap3A_898], %add3A_897 {strides = array<i32>} : memref<65664xf32, #tpu.memory_space<vmem>>, vector<16xf32>,
        %add3A_900 = arith.constant 896 : i32
        %add3A_901 = arith.addi %mul3A_16, %add3A_900 : i32
        %add3A_902 = arith.constant 64 : i32
        %add3A_903 = arith.addi %add3A_901, %add3A_902 : i32
        %get3A_904 = arith.index_cast %add3A_903 : i32 to index
        %get3A_905 = tpu.vector_load %arg7[%get3A_904] {strides = array<i32>} : memref<65664xf32, #tpu.memory_space<vmem>>, vector<16xf32>,
        %get3A_906 = arith.constant 960 : index
        %get3A_907 = tpu.vector_load %arg8[%get3A_906] {strides = array<i32>} : memref<4096xf32, #tpu.memory_space<vmem>>, vector<16xf32>,
        %add3A_908 = arith.addf %get3A_905, %get3A_907 : vector<16xf32>
        %swap3A_909 = arith.index_cast %add3A_903 : i32 to index
        %swap3A_910 = tpu.vector_load %arg7[%swap3A_909] {strides = array<i32>} : memref<65664xf32, #tpu.memory_space<vmem>>, vector<16xf32>,
        tpu.vector_store %arg7[%swap3A_909], %add3A_908 {strides = array<i32>} : memref<65664xf32, #tpu.memory_space<vmem>>, vector<16xf32>,
        %add3A_911 = arith.constant 896 : i32
        %add3A_912 = arith.addi %mul3A_16, %add3A_911 : i32
        %add3A_913 = arith.constant 80 : i32
        %add3A_914 = arith.addi %add3A_912, %add3A_913 : i32
        %get3A_915 = arith.index_cast %add3A_914 : i32 to index
        %get3A_916 = tpu.vector_load %arg7[%get3A_915] {strides = array<i32>} : memref<65664xf32, #tpu.memory_space<vmem>>, vector<16xf32>,
        %get3A_917 = arith.constant 976 : index
        %get3A_918 = tpu.vector_load %arg8[%get3A_917] {strides = array<i32>} : memref<4096xf32, #tpu.memory_space<vmem>>, vector<16xf32>,
        %add3A_919 = arith.addf %get3A_916, %get3A_918 : vector<16xf32>
        %swap3A_920 = arith.index_cast %add3A_914 : i32 to index
        %swap3A_921 = tpu.vector_load %arg7[%swap3A_920] {strides = array<i32>} : memref<65664xf32, #tpu.memory_space<vmem>>, vector<16xf32>,
        tpu.vector_store %arg7[%swap3A_920], %add3A_919 {strides = array<i32>} : memref<65664xf32, #tpu.memory_space<vmem>>, vector<16xf32>,
        %add3A_922 = arith.constant 896 : i32
        %add3A_923 = arith.addi %mul3A_16, %add3A_922 : i32
        %add3A_924 = arith.constant 96 : i32
        %add3A_925 = arith.addi %add3A_923, %add3A_924 : i32
        %get3A_926 = arith.index_cast %add3A_925 : i32 to index
        %get3A_927 = tpu.vector_load %arg7[%get3A_926] {strides = array<i32>} : memref<65664xf32, #tpu.memory_space<vmem>>, vector<16xf32>,
        %get3A_928 = arith.constant 992 : index
        %get3A_929 = tpu.vector_load %arg8[%get3A_928] {strides = array<i32>} : memref<4096xf32, #tpu.memory_space<vmem>>, vector<16xf32>,
        %add3A_930 = arith.addf %get3A_927, %get3A_929 : vector<16xf32>
        %swap3A_931 = arith.index_cast %add3A_925 : i32 to index
        %swap3A_932 = tpu.vector_load %arg7[%swap3A_931] {strides = array<i32>} : memref<65664xf32, #tpu.memory_space<vmem>>, vector<16xf32>,
        tpu.vector_store %arg7[%swap3A_931], %add3A_930 {strides = array<i32>} : memref<65664xf32, #tpu.memory_space<vmem>>, vector<16xf32>,
        %add3A_933 = arith.constant 896 : i32
        %add3A_934 = arith.addi %mul3A_16, %add3A_933 : i32
        %add3A_935 = arith.constant 112 : i32
        %add3A_936 = arith.addi %add3A_934, %add3A_935 : i32
        %get3A_937 = arith.index_cast %add3A_936 : i32 to index
        %get3A_938 = tpu.vector_load %arg7[%get3A_937] {strides = array<i32>} : memref<65664xf32, #tpu.memory_space<vmem>>, vector<16xf32>,
        %get3A_939 = arith.constant 1008 : index
        %get3A_940 = tpu.vector_load %arg8[%get3A_939] {strides = array<i32>} : memref<4096xf32, #tpu.memory_space<vmem>>, vector<16xf32>,
        %add3A_941 = arith.addf %get3A_938, %get3A_940 : vector<16xf32>
        %swap3A_942 = arith.index_cast %add3A_936 : i32 to index
        %swap3A_943 = tpu.vector_load %arg7[%swap3A_942] {strides = array<i32>} : memref<65664xf32, #tpu.memory_space<vmem>>, vector<16xf32>,
        tpu.vector_store %arg7[%swap3A_942], %add3A_941 {strides = array<i32>} : memref<65664xf32, #tpu.memory_space<vmem>>, vector<16xf32>,
        %add3A_944 = arith.constant 1024 : i32
        %add3A_945 = arith.addi %mul3A_16, %add3A_944 : i32
        %add3A_946 = arith.constant 0 : i32
        %add3A_947 = arith.addi %add3A_945, %add3A_946 : i32
        %get3A_948 = arith.index_cast %add3A_947 : i32 to index
        %get3A_949 = tpu.vector_load %arg7[%get3A_948] {strides = array<i32>} : memref<65664xf32, #tpu.memory_space<vmem>>, vector<16xf32>,
        %get3A_950 = arith.constant 1024 : index
        %get3A_951 = tpu.vector_load %arg8[%get3A_950] {strides = array<i32>} : memref<4096xf32, #tpu.memory_space<vmem>>, vector<16xf32>,
        %add3A_952 = arith.addf %get3A_949, %get3A_951 : vector<16xf32>
        %swap3A_953 = arith.index_cast %add3A_947 : i32 to index
        %swap3A_954 = tpu.vector_load %arg7[%swap3A_953] {strides = array<i32>} : memref<65664xf32, #tpu.memory_space<vmem>>, vector<16xf32>,
        tpu.vector_store %arg7[%swap3A_953], %add3A_952 {strides = array<i32>} : memref<65664xf32, #tpu.memory_space<vmem>>, vector<16xf32>,
        %add3A_955 = arith.constant 1024 : i32
        %add3A_956 = arith.addi %mul3A_16, %add3A_955 : i32
        %add3A_957 = arith.constant 16 : i32
        %add3A_958 = arith.addi %add3A_956, %add3A_957 : i32
        %get3A_959 = arith.index_cast %add3A_958 : i32 to index
        %get3A_960 = tpu.vector_load %arg7[%get3A_959] {strides = array<i32>} : memref<65664xf32, #tpu.memory_space<vmem>>, vector<16xf32>,
        %get3A_961 = arith.constant 1040 : index
        %get3A_962 = tpu.vector_load %arg8[%get3A_961] {strides = array<i32>} : memref<4096xf32, #tpu.memory_space<vmem>>, vector<16xf32>,
        %add3A_963 = arith.addf %get3A_960, %get3A_962 : vector<16xf32>
        %swap3A_964 = arith.index_cast %add3A_958 : i32 to index
        %swap3A_965 = tpu.vector_load %arg7[%swap3A_964] {strides = array<i32>} : memref<65664xf32, #tpu.memory_space<vmem>>, vector<16xf32>,
        tpu.vector_store %arg7[%swap3A_964], %add3A_963 {strides = array<i32>} : memref<65664xf32, #tpu.memory_space<vmem>>, vector<16xf32>,
        %add3A_966 = arith.constant 1024 : i32
        %add3A_967 = arith.addi %mul3A_16, %add3A_966 : i32
        %add3A_968 = arith.constant 32 : i32
        %add3A_969 = arith.addi %add3A_967, %add3A_968 : i32
        %get3A_970 = arith.index_cast %add3A_969 : i32 to index
        %get3A_971 = tpu.vector_load %arg7[%get3A_970] {strides = array<i32>} : memref<65664xf32, #tpu.memory_space<vmem>>, vector<16xf32>,
        %get3A_972 = arith.constant 1056 : index
        %get3A_973 = tpu.vector_load %arg8[%get3A_972] {strides = array<i32>} : memref<4096xf32, #tpu.memory_space<vmem>>, vector<16xf32>,
        %add3A_974 = arith.addf %get3A_971, %get3A_973 : vector<16xf32>
        %swap3A_975 = arith.index_cast %add3A_969 : i32 to index
        %swap3A_976 = tpu.vector_load %arg7[%swap3A_975] {strides = array<i32>} : memref<65664xf32, #tpu.memory_space<vmem>>, vector<16xf32>,
        tpu.vector_store %arg7[%swap3A_975], %add3A_974 {strides = array<i32>} : memref<65664xf32, #tpu.memory_space<vmem>>, vector<16xf32>,
        %add3A_977 = arith.constant 1024 : i32
        %add3A_978 = arith.addi %mul3A_16, %add3A_977 : i32
        %add3A_979 = arith.constant 48 : i32
        %add3A_980 = arith.addi %add3A_978, %add3A_979 : i32
        %get3A_981 = arith.index_cast %add3A_980 : i32 to index
        %get3A_982 = tpu.vector_load %arg7[%get3A_981] {strides = array<i32>} : memref<65664xf32, #tpu.memory_space<vmem>>, vector<16xf32>,
        %get3A_983 = arith.constant 1072 : index
        %get3A_984 = tpu.vector_load %arg8[%get3A_983] {strides = array<i32>} : memref<4096xf32, #tpu.memory_space<vmem>>, vector<16xf32>,
        %add3A_985 = arith.addf %get3A_982, %get3A_984 : vector<16xf32>
        %swap3A_986 = arith.index_cast %add3A_980 : i32 to index
        %swap3A_987 = tpu.vector_load %arg7[%swap3A_986] {strides = array<i32>} : memref<65664xf32, #tpu.memory_space<vmem>>, vector<16xf32>,
        tpu.vector_store %arg7[%swap3A_986], %add3A_985 {strides = array<i32>} : memref<65664xf32, #tpu.memory_space<vmem>>, vector<16xf32>,
        %add3A_988 = arith.constant 1024 : i32
        %add3A_989 = arith.addi %mul3A_16, %add3A_988 : i32
        %add3A_990 = arith.constant 64 : i32
        %add3A_991 = arith.addi %add3A_989, %add3A_990 : i32
        %get3A_992 = arith.index_cast %add3A_991 : i32 to index
        %get3A_993 = tpu.vector_load %arg7[%get3A_992] {strides = array<i32>} : memref<65664xf32, #tpu.memory_space<vmem>>, vector<16xf32>,
        %get3A_994 = arith.constant 1088 : index
        %get3A_995 = tpu.vector_load %arg8[%get3A_994] {strides = array<i32>} : memref<4096xf32, #tpu.memory_space<vmem>>, vector<16xf32>,
        %add3A_996 = arith.addf %get3A_993, %get3A_995 : vector<16xf32>
        %swap3A_997 = arith.index_cast %add3A_991 : i32 to index
        %swap3A_998 = tpu.vector_load %arg7[%swap3A_997] {strides = array<i32>} : memref<65664xf32, #tpu.memory_space<vmem>>, vector<16xf32>,
        tpu.vector_store %arg7[%swap3A_997], %add3A_996 {strides = array<i32>} : memref<65664xf32, #tpu.memory_space<vmem>>, vector<16xf32>,
        %add3A_999 = arith.constant 1024 : i32
        %add3A_1000 = arith.addi %mul3A_16, %add3A_999 : i32
        %add3A_1001 = arith.constant 80 : i32
        %add3A_1002 = arith.addi %add3A_1000, %add3A_1001 : i32
        %get3A_1003 = arith.index_cast %add3A_1002 : i32 to index
        %get3A_1004 = tpu.vector_load %arg7[%get3A_1003] {strides = array<i32>} : memref<65664xf32, #tpu.memory_space<vmem>>, vector<16xf32>,
        %get3A_1005 = arith.constant 1104 : index
        %get3A_1006 = tpu.vector_load %arg8[%get3A_1005] {strides = array<i32>} : memref<4096xf32, #tpu.memory_space<vmem>>, vector<16xf32>,
        %add3A_1007 = arith.addf %get3A_1004, %get3A_1006 : vector<16xf32>
        %swap3A_1008 = arith.index_cast %add3A_1002 : i32 to index
        %swap3A_1009 = tpu.vector_load %arg7[%swap3A_1008] {strides = array<i32>} : memref<65664xf32, #tpu.memory_space<vmem>>, vector<16xf32>,
        tpu.vector_store %arg7[%swap3A_1008], %add3A_1007 {strides = array<i32>} : memref<65664xf32, #tpu.memory_space<vmem>>, vector<16xf32>,
        %add3A_1010 = arith.constant 1024 : i32
        %add3A_1011 = arith.addi %mul3A_16, %add3A_1010 : i32
        %add3A_1012 = arith.constant 96 : i32
        %add3A_1013 = arith.addi %add3A_1011, %add3A_1012 : i32
        %get3A_1014 = arith.index_cast %add3A_1013 : i32 to index
        %get3A_1015 = tpu.vector_load %arg7[%get3A_1014] {strides = array<i32>} : memref<65664xf32, #tpu.memory_space<vmem>>, vector<16xf32>,
        %get3A_1016 = arith.constant 1120 : index
        %get3A_1017 = tpu.vector_load %arg8[%get3A_1016] {strides = array<i32>} : memref<4096xf32, #tpu.memory_space<vmem>>, vector<16xf32>,
        %add3A_1018 = arith.addf %get3A_1015, %get3A_1017 : vector<16xf32>
        %swap3A_1019 = arith.index_cast %add3A_1013 : i32 to index
        %swap3A_1020 = tpu.vector_load %arg7[%swap3A_1019] {strides = array<i32>} : memref<65664xf32, #tpu.memory_space<vmem>>, vector<16xf32>,
        tpu.vector_store %arg7[%swap3A_1019], %add3A_1018 {strides = array<i32>} : memref<65664xf32, #tpu.memory_space<vmem>>, vector<16xf32>,
        %add3A_1021 = arith.constant 1024 : i32
        %add3A_1022 = arith.addi %mul3A_16, %add3A_1021 : i32
        %add3A_1023 = arith.constant 112 : i32
        %add3A_1024 = arith.addi %add3A_1022, %add3A_1023 : i32
        %get3A_1025 = arith.index_cast %add3A_1024 : i32 to index
        %get3A_1026 = tpu.vector_load %arg7[%get3A_1025] {strides = array<i32>} : memref<65664xf32, #tpu.memory_space<vmem>>, vector<16xf32>,
        %get3A_1027 = arith.constant 1136 : index
        %get3A_1028 = tpu.vector_load %arg8[%get3A_1027] {strides = array<i32>} : memref<4096xf32, #tpu.memory_space<vmem>>, vector<16xf32>,
        %add3A_1029 = arith.addf %get3A_1026, %get3A_1028 : vector<16xf32>
        %swap3A_1030 = arith.index_cast %add3A_1024 : i32 to index
        %swap3A_1031 = tpu.vector_load %arg7[%swap3A_1030] {strides = array<i32>} : memref<65664xf32, #tpu.memory_space<vmem>>, vector<16xf32>,
        tpu.vector_store %arg7[%swap3A_1030], %add3A_1029 {strides = array<i32>} : memref<65664xf32, #tpu.memory_space<vmem>>, vector<16xf32>,
        %add3A_1032 = arith.constant 1152 : i32
        %add3A_1033 = arith.addi %mul3A_16, %add3A_1032 : i32
        %add3A_1034 = arith.constant 0 : i32
        %add3A_1035 = arith.addi %add3A_1033, %add3A_1034 : i32
        %get3A_1036 = arith.index_cast %add3A_1035 : i32 to index
        %get3A_1037 = tpu.vector_load %arg7[%get3A_1036] {strides = array<i32>} : memref<65664xf32, #tpu.memory_space<vmem>>, vector<16xf32>,
        %get3A_1038 = arith.constant 1152 : index
        %get3A_1039 = tpu.vector_load %arg8[%get3A_1038] {strides = array<i32>} : memref<4096xf32, #tpu.memory_space<vmem>>, vector<16xf32>,
        %add3A_1040 = arith.addf %get3A_1037, %get3A_1039 : vector<16xf32>
        %swap3A_1041 = arith.index_cast %add3A_1035 : i32 to index
        %swap3A_1042 = tpu.vector_load %arg7[%swap3A_1041] {strides = array<i32>} : memref<65664xf32, #tpu.memory_space<vmem>>, vector<16xf32>,
        tpu.vector_store %arg7[%swap3A_1041], %add3A_1040 {strides = array<i32>} : memref<65664xf32, #tpu.memory_space<vmem>>, vector<16xf32>,
        %add3A_1043 = arith.constant 1152 : i32
        %add3A_1044 = arith.addi %mul3A_16, %add3A_1043 : i32
        %add3A_1045 = arith.constant 16 : i32
        %add3A_1046 = arith.addi %add3A_1044, %add3A_1045 : i32
        %get3A_1047 = arith.index_cast %add3A_1046 : i32 to index
        %get3A_1048 = tpu.vector_load %arg7[%get3A_1047] {strides = array<i32>} : memref<65664xf32, #tpu.memory_space<vmem>>, vector<16xf32>,
        %get3A_1049 = arith.constant 1168 : index
        %get3A_1050 = tpu.vector_load %arg8[%get3A_1049] {strides = array<i32>} : memref<4096xf32, #tpu.memory_space<vmem>>, vector<16xf32>,
        %add3A_1051 = arith.addf %get3A_1048, %get3A_1050 : vector<16xf32>
        %swap3A_1052 = arith.index_cast %add3A_1046 : i32 to index
        %swap3A_1053 = tpu.vector_load %arg7[%swap3A_1052] {strides = array<i32>} : memref<65664xf32, #tpu.memory_space<vmem>>, vector<16xf32>,
        tpu.vector_store %arg7[%swap3A_1052], %add3A_1051 {strides = array<i32>} : memref<65664xf32, #tpu.memory_space<vmem>>, vector<16xf32>,
        %add3A_1054 = arith.constant 1152 : i32
        %add3A_1055 = arith.addi %mul3A_16, %add3A_1054 : i32
        %add3A_1056 = arith.constant 32 : i32
        %add3A_1057 = arith.addi %add3A_1055, %add3A_1056 : i32
        %get3A_1058 = arith.index_cast %add3A_1057 : i32 to index
        %get3A_1059 = tpu.vector_load %arg7[%get3A_1058] {strides = array<i32>} : memref<65664xf32, #tpu.memory_space<vmem>>, vector<16xf32>,
        %get3A_1060 = arith.constant 1184 : index
        %get3A_1061 = tpu.vector_load %arg8[%get3A_1060] {strides = array<i32>} : memref<4096xf32, #tpu.memory_space<vmem>>, vector<16xf32>,
        %add3A_1062 = arith.addf %get3A_1059, %get3A_1061 : vector<16xf32>
        %swap3A_1063 = arith.index_cast %add3A_1057 : i32 to index
        %swap3A_1064 = tpu.vector_load %arg7[%swap3A_1063] {strides = array<i32>} : memref<65664xf32, #tpu.memory_space<vmem>>, vector<16xf32>,
        tpu.vector_store %arg7[%swap3A_1063], %add3A_1062 {strides = array<i32>} : memref<65664xf32, #tpu.memory_space<vmem>>, vector<16xf32>,
        %add3A_1065 = arith.constant 1152 : i32
        %add3A_1066 = arith.addi %mul3A_16, %add3A_1065 : i32
        %add3A_1067 = arith.constant 48 : i32
        %add3A_1068 = arith.addi %add3A_1066, %add3A_1067 : i32
        %get3A_1069 = arith.index_cast %add3A_1068 : i32 to index
        %get3A_1070 = tpu.vector_load %arg7[%get3A_1069] {strides = array<i32>} : memref<65664xf32, #tpu.memory_space<vmem>>, vector<16xf32>,
        %get3A_1071 = arith.constant 1200 : index
        %get3A_1072 = tpu.vector_load %arg8[%get3A_1071] {strides = array<i32>} : memref<4096xf32, #tpu.memory_space<vmem>>, vector<16xf32>,
        %add3A_1073 = arith.addf %get3A_1070, %get3A_1072 : vector<16xf32>
        %swap3A_1074 = arith.index_cast %add3A_1068 : i32 to index
        %swap3A_1075 = tpu.vector_load %arg7[%swap3A_1074] {strides = array<i32>} : memref<65664xf32, #tpu.memory_space<vmem>>, vector<16xf32>,
        tpu.vector_store %arg7[%swap3A_1074], %add3A_1073 {strides = array<i32>} : memref<65664xf32, #tpu.memory_space<vmem>>, vector<16xf32>,
        %add3A_1076 = arith.constant 1152 : i32
        %add3A_1077 = arith.addi %mul3A_16, %add3A_1076 : i32
        %add3A_1078 = arith.constant 64 : i32
        %add3A_1079 = arith.addi %add3A_1077, %add3A_1078 : i32
        %get3A_1080 = arith.index_cast %add3A_1079 : i32 to index
        %get3A_1081 = tpu.vector_load %arg7[%get3A_1080] {strides = array<i32>} : memref<65664xf32, #tpu.memory_space<vmem>>, vector<16xf32>,
        %get3A_1082 = arith.constant 1216 : index
        %get3A_1083 = tpu.vector_load %arg8[%get3A_1082] {strides = array<i32>} : memref<4096xf32, #tpu.memory_space<vmem>>, vector<16xf32>,
        %add3A_1084 = arith.addf %get3A_1081, %get3A_1083 : vector<16xf32>
        %swap3A_1085 = arith.index_cast %add3A_1079 : i32 to index
        %swap3A_1086 = tpu.vector_load %arg7[%swap3A_1085] {strides = array<i32>} : memref<65664xf32, #tpu.memory_space<vmem>>, vector<16xf32>,
        tpu.vector_store %arg7[%swap3A_1085], %add3A_1084 {strides = array<i32>} : memref<65664xf32, #tpu.memory_space<vmem>>, vector<16xf32>,
        %add3A_1087 = arith.constant 1152 : i32
        %add3A_1088 = arith.addi %mul3A_16, %add3A_1087 : i32
        %add3A_1089 = arith.constant 80 : i32
        %add3A_1090 = arith.addi %add3A_1088, %add3A_1089 : i32
        %get3A_1091 = arith.index_cast %add3A_1090 : i32 to index
        %get3A_1092 = tpu.vector_load %arg7[%get3A_1091] {strides = array<i32>} : memref<65664xf32, #tpu.memory_space<vmem>>, vector<16xf32>,
        %get3A_1093 = arith.constant 1232 : index
        %get3A_1094 = tpu.vector_load %arg8[%get3A_1093] {strides = array<i32>} : memref<4096xf32, #tpu.memory_space<vmem>>, vector<16xf32>,
        %add3A_1095 = arith.addf %get3A_1092, %get3A_1094 : vector<16xf32>
        %swap3A_1096 = arith.index_cast %add3A_1090 : i32 to index
        %swap3A_1097 = tpu.vector_load %arg7[%swap3A_1096] {strides = array<i32>} : memref<65664xf32, #tpu.memory_space<vmem>>, vector<16xf32>,
        tpu.vector_store %arg7[%swap3A_1096], %add3A_1095 {strides = array<i32>} : memref<65664xf32, #tpu.memory_space<vmem>>, vector<16xf32>,
        %add3A_1098 = arith.constant 1152 : i32
        %add3A_1099 = arith.addi %mul3A_16, %add3A_1098 : i32
        %add3A_1100 = arith.constant 96 : i32
        %add3A_1101 = arith.addi %add3A_1099, %add3A_1100 : i32
        %get3A_1102 = arith.index_cast %add3A_1101 : i32 to index
        %get3A_1103 = tpu.vector_load %arg7[%get3A_1102] {strides = array<i32>} : memref<65664xf32, #tpu.memory_space<vmem>>, vector<16xf32>,
        %get3A_1104 = arith.constant 1248 : index
        %get3A_1105 = tpu.vector_load %arg8[%get3A_1104] {strides = array<i32>} : memref<4096xf32, #tpu.memory_space<vmem>>, vector<16xf32>,
        %add3A_1106 = arith.addf %get3A_1103, %get3A_1105 : vector<16xf32>
        %swap3A_1107 = arith.index_cast %add3A_1101 : i32 to index
        %swap3A_1108 = tpu.vector_load %arg7[%swap3A_1107] {strides = array<i32>} : memref<65664xf32, #tpu.memory_space<vmem>>, vector<16xf32>,
        tpu.vector_store %arg7[%swap3A_1107], %add3A_1106 {strides = array<i32>} : memref<65664xf32, #tpu.memory_space<vmem>>, vector<16xf32>,
        %add3A_1109 = arith.constant 1152 : i32
        %add3A_1110 = arith.addi %mul3A_16, %add3A_1109 : i32
        %add3A_1111 = arith.constant 112 : i32
        %add3A_1112 = arith.addi %add3A_1110, %add3A_1111 : i32
        %get3A_1113 = arith.index_cast %add3A_1112 : i32 to index
        %get3A_1114 = tpu.vector_load %arg7[%get3A_1113] {strides = array<i32>} : memref<65664xf32, #tpu.memory_space<vmem>>, vector<16xf32>,
        %get3A_1115 = arith.constant 1264 : index
        %get3A_1116 = tpu.vector_load %arg8[%get3A_1115] {strides = array<i32>} : memref<4096xf32, #tpu.memory_space<vmem>>, vector<16xf32>,
        %add3A_1117 = arith.addf %get3A_1114, %get3A_1116 : vector<16xf32>
        %swap3A_1118 = arith.index_cast %add3A_1112 : i32 to index
        %swap3A_1119 = tpu.vector_load %arg7[%swap3A_1118] {strides = array<i32>} : memref<65664xf32, #tpu.memory_space<vmem>>, vector<16xf32>,
        tpu.vector_store %arg7[%swap3A_1118], %add3A_1117 {strides = array<i32>} : memref<65664xf32, #tpu.memory_space<vmem>>, vector<16xf32>,
        %add3A_1120 = arith.constant 1280 : i32
        %add3A_1121 = arith.addi %mul3A_16, %add3A_1120 : i32
        %add3A_1122 = arith.constant 0 : i32
        %add3A_1123 = arith.addi %add3A_1121, %add3A_1122 : i32
        %get3A_1124 = arith.index_cast %add3A_1123 : i32 to index
        %get3A_1125 = tpu.vector_load %arg7[%get3A_1124] {strides = array<i32>} : memref<65664xf32, #tpu.memory_space<vmem>>, vector<16xf32>,
        %get3A_1126 = arith.constant 1280 : index
        %get3A_1127 = tpu.vector_load %arg8[%get3A_1126] {strides = array<i32>} : memref<4096xf32, #tpu.memory_space<vmem>>, vector<16xf32>,
        %add3A_1128 = arith.addf %get3A_1125, %get3A_1127 : vector<16xf32>
        %swap3A_1129 = arith.index_cast %add3A_1123 : i32 to index
        %swap3A_1130 = tpu.vector_load %arg7[%swap3A_1129] {strides = array<i32>} : memref<65664xf32, #tpu.memory_space<vmem>>, vector<16xf32>,
        tpu.vector_store %arg7[%swap3A_1129], %add3A_1128 {strides = array<i32>} : memref<65664xf32, #tpu.memory_space<vmem>>, vector<16xf32>,
        %add3A_1131 = arith.constant 1280 : i32
        %add3A_1132 = arith.addi %mul3A_16, %add3A_1131 : i32
        %add3A_1133 = arith.constant 16 : i32
        %add3A_1134 = arith.addi %add3A_1132, %add3A_1133 : i32
        %get3A_1135 = arith.index_cast %add3A_1134 : i32 to index
        %get3A_1136 = tpu.vector_load %arg7[%get3A_1135] {strides = array<i32>} : memref<65664xf32, #tpu.memory_space<vmem>>, vector<16xf32>,
        %get3A_1137 = arith.constant 1296 : index
        %get3A_1138 = tpu.vector_load %arg8[%get3A_1137] {strides = array<i32>} : memref<4096xf32, #tpu.memory_space<vmem>>, vector<16xf32>,
        %add3A_1139 = arith.addf %get3A_1136, %get3A_1138 : vector<16xf32>
        %swap3A_1140 = arith.index_cast %add3A_1134 : i32 to index
        %swap3A_1141 = tpu.vector_load %arg7[%swap3A_1140] {strides = array<i32>} : memref<65664xf32, #tpu.memory_space<vmem>>, vector<16xf32>,
        tpu.vector_store %arg7[%swap3A_1140], %add3A_1139 {strides = array<i32>} : memref<65664xf32, #tpu.memory_space<vmem>>, vector<16xf32>,
        %add3A_1142 = arith.constant 1280 : i32
        %add3A_1143 = arith.addi %mul3A_16, %add3A_1142 : i32
        %add3A_1144 = arith.constant 32 : i32
        %add3A_1145 = arith.addi %add3A_1143, %add3A_1144 : i32
        %get3A_1146 = arith.index_cast %add3A_1145 : i32 to index
        %get3A_1147 = tpu.vector_load %arg7[%get3A_1146] {strides = array<i32>} : memref<65664xf32, #tpu.memory_space<vmem>>, vector<16xf32>,
        %get3A_1148 = arith.constant 1312 : index
        %get3A_1149 = tpu.vector_load %arg8[%get3A_1148] {strides = array<i32>} : memref<4096xf32, #tpu.memory_space<vmem>>, vector<16xf32>,
        %add3A_1150 = arith.addf %get3A_1147, %get3A_1149 : vector<16xf32>
        %swap3A_1151 = arith.index_cast %add3A_1145 : i32 to index
        %swap3A_1152 = tpu.vector_load %arg7[%swap3A_1151] {strides = array<i32>} : memref<65664xf32, #tpu.memory_space<vmem>>, vector<16xf32>,
        tpu.vector_store %arg7[%swap3A_1151], %add3A_1150 {strides = array<i32>} : memref<65664xf32, #tpu.memory_space<vmem>>, vector<16xf32>,
        %add3A_1153 = arith.constant 1280 : i32
        %add3A_1154 = arith.addi %mul3A_16, %add3A_1153 : i32
        %add3A_1155 = arith.constant 48 : i32
        %add3A_1156 = arith.addi %add3A_1154, %add3A_1155 : i32
        %get3A_1157 = arith.index_cast %add3A_1156 : i32 to index
        %get3A_1158 = tpu.vector_load %arg7[%get3A_1157] {strides = array<i32>} : memref<65664xf32, #tpu.memory_space<vmem>>, vector<16xf32>,
        %get3A_1159 = arith.constant 1328 : index
        %get3A_1160 = tpu.vector_load %arg8[%get3A_1159] {strides = array<i32>} : memref<4096xf32, #tpu.memory_space<vmem>>, vector<16xf32>,
        %add3A_1161 = arith.addf %get3A_1158, %get3A_1160 : vector<16xf32>
        %swap3A_1162 = arith.index_cast %add3A_1156 : i32 to index
        %swap3A_1163 = tpu.vector_load %arg7[%swap3A_1162] {strides = array<i32>} : memref<65664xf32, #tpu.memory_space<vmem>>, vector<16xf32>,
        tpu.vector_store %arg7[%swap3A_1162], %add3A_1161 {strides = array<i32>} : memref<65664xf32, #tpu.memory_space<vmem>>, vector<16xf32>,
        %add3A_1164 = arith.constant 1280 : i32
        %add3A_1165 = arith.addi %mul3A_16, %add3A_1164 : i32
        %add3A_1166 = arith.constant 64 : i32
        %add3A_1167 = arith.addi %add3A_1165, %add3A_1166 : i32
        %get3A_1168 = arith.index_cast %add3A_1167 : i32 to index
        %get3A_1169 = tpu.vector_load %arg7[%get3A_1168] {strides = array<i32>} : memref<65664xf32, #tpu.memory_space<vmem>>, vector<16xf32>,
        %get3A_1170 = arith.constant 1344 : index
        %get3A_1171 = tpu.vector_load %arg8[%get3A_1170] {strides = array<i32>} : memref<4096xf32, #tpu.memory_space<vmem>>, vector<16xf32>,
        %add3A_1172 = arith.addf %get3A_1169, %get3A_1171 : vector<16xf32>
        %swap3A_1173 = arith.index_cast %add3A_1167 : i32 to index
        %swap3A_1174 = tpu.vector_load %arg7[%swap3A_1173] {strides = array<i32>} : memref<65664xf32, #tpu.memory_space<vmem>>, vector<16xf32>,
        tpu.vector_store %arg7[%swap3A_1173], %add3A_1172 {strides = array<i32>} : memref<65664xf32, #tpu.memory_space<vmem>>, vector<16xf32>,
        %add3A_1175 = arith.constant 1280 : i32
        %add3A_1176 = arith.addi %mul3A_16, %add3A_1175 : i32
        %add3A_1177 = arith.constant 80 : i32
        %add3A_1178 = arith.addi %add3A_1176, %add3A_1177 : i32
        %get3A_1179 = arith.index_cast %add3A_1178 : i32 to index
        %get3A_1180 = tpu.vector_load %arg7[%get3A_1179] {strides = array<i32>} : memref<65664xf32, #tpu.memory_space<vmem>>, vector<16xf32>,
        %get3A_1181 = arith.constant 1360 : index
        %get3A_1182 = tpu.vector_load %arg8[%get3A_1181] {strides = array<i32>} : memref<4096xf32, #tpu.memory_space<vmem>>, vector<16xf32>,
        %add3A_1183 = arith.addf %get3A_1180, %get3A_1182 : vector<16xf32>
        %swap3A_1184 = arith.index_cast %add3A_1178 : i32 to index
        %swap3A_1185 = tpu.vector_load %arg7[%swap3A_1184] {strides = array<i32>} : memref<65664xf32, #tpu.memory_space<vmem>>, vector<16xf32>,
        tpu.vector_store %arg7[%swap3A_1184], %add3A_1183 {strides = array<i32>} : memref<65664xf32, #tpu.memory_space<vmem>>, vector<16xf32>,
        %add3A_1186 = arith.constant 1280 : i32
        %add3A_1187 = arith.addi %mul3A_16, %add3A_1186 : i32
        %add3A_1188 = arith.constant 96 : i32
        %add3A_1189 = arith.addi %add3A_1187, %add3A_1188 : i32
        %get3A_1190 = arith.index_cast %add3A_1189 : i32 to index
        %get3A_1191 = tpu.vector_load %arg7[%get3A_1190] {strides = array<i32>} : memref<65664xf32, #tpu.memory_space<vmem>>, vector<16xf32>,
        %get3A_1192 = arith.constant 1376 : index
        %get3A_1193 = tpu.vector_load %arg8[%get3A_1192] {strides = array<i32>} : memref<4096xf32, #tpu.memory_space<vmem>>, vector<16xf32>,
        %add3A_1194 = arith.addf %get3A_1191, %get3A_1193 : vector<16xf32>
        %swap3A_1195 = arith.index_cast %add3A_1189 : i32 to index
        %swap3A_1196 = tpu.vector_load %arg7[%swap3A_1195] {strides = array<i32>} : memref<65664xf32, #tpu.memory_space<vmem>>, vector<16xf32>,
        tpu.vector_store %arg7[%swap3A_1195], %add3A_1194 {strides = array<i32>} : memref<65664xf32, #tpu.memory_space<vmem>>, vector<16xf32>,
        %add3A_1197 = arith.constant 1280 : i32
        %add3A_1198 = arith.addi %mul3A_16, %add3A_1197 : i32
        %add3A_1199 = arith.constant 112 : i32
        %add3A_1200 = arith.addi %add3A_1198, %add3A_1199 : i32
        %get3A_1201 = arith.index_cast %add3A_1200 : i32 to index
        %get3A_1202 = tpu.vector_load %arg7[%get3A_1201] {strides = array<i32>} : memref<65664xf32, #tpu.memory_space<vmem>>, vector<16xf32>,
        %get3A_1203 = arith.constant 1392 : index
        %get3A_1204 = tpu.vector_load %arg8[%get3A_1203] {strides = array<i32>} : memref<4096xf32, #tpu.memory_space<vmem>>, vector<16xf32>,
        %add3A_1205 = arith.addf %get3A_1202, %get3A_1204 : vector<16xf32>
        %swap3A_1206 = arith.index_cast %add3A_1200 : i32 to index
        %swap3A_1207 = tpu.vector_load %arg7[%swap3A_1206] {strides = array<i32>} : memref<65664xf32, #tpu.memory_space<vmem>>, vector<16xf32>,
        tpu.vector_store %arg7[%swap3A_1206], %add3A_1205 {strides = array<i32>} : memref<65664xf32, #tpu.memory_space<vmem>>, vector<16xf32>,
        %add3A_1208 = arith.constant 1408 : i32
        %add3A_1209 = arith.addi %mul3A_16, %add3A_1208 : i32
        %add3A_1210 = arith.constant 0 : i32
        %add3A_1211 = arith.addi %add3A_1209, %add3A_1210 : i32
        %get3A_1212 = arith.index_cast %add3A_1211 : i32 to index
        %get3A_1213 = tpu.vector_load %arg7[%get3A_1212] {strides = array<i32>} : memref<65664xf32, #tpu.memory_space<vmem>>, vector<16xf32>,
        %get3A_1214 = arith.constant 1408 : index
        %get3A_1215 = tpu.vector_load %arg8[%get3A_1214] {strides = array<i32>} : memref<4096xf32, #tpu.memory_space<vmem>>, vector<16xf32>,
        %add3A_1216 = arith.addf %get3A_1213, %get3A_1215 : vector<16xf32>
        %swap3A_1217 = arith.index_cast %add3A_1211 : i32 to index
        %swap3A_1218 = tpu.vector_load %arg7[%swap3A_1217] {strides = array<i32>} : memref<65664xf32, #tpu.memory_space<vmem>>, vector<16xf32>,
        tpu.vector_store %arg7[%swap3A_1217], %add3A_1216 {strides = array<i32>} : memref<65664xf32, #tpu.memory_space<vmem>>, vector<16xf32>,
        %add3A_1219 = arith.constant 1408 : i32
        %add3A_1220 = arith.addi %mul3A_16, %add3A_1219 : i32
        %add3A_1221 = arith.constant 16 : i32
        %add3A_1222 = arith.addi %add3A_1220, %add3A_1221 : i32
        %get3A_1223 = arith.index_cast %add3A_1222 : i32 to index
        %get3A_1224 = tpu.vector_load %arg7[%get3A_1223] {strides = array<i32>} : memref<65664xf32, #tpu.memory_space<vmem>>, vector<16xf32>,
        %get3A_1225 = arith.constant 1424 : index
        %get3A_1226 = tpu.vector_load %arg8[%get3A_1225] {strides = array<i32>} : memref<4096xf32, #tpu.memory_space<vmem>>, vector<16xf32>,
        %add3A_1227 = arith.addf %get3A_1224, %get3A_1226 : vector<16xf32>
        %swap3A_1228 = arith.index_cast %add3A_1222 : i32 to index
        %swap3A_1229 = tpu.vector_load %arg7[%swap3A_1228] {strides = array<i32>} : memref<65664xf32, #tpu.memory_space<vmem>>, vector<16xf32>,
        tpu.vector_store %arg7[%swap3A_1228], %add3A_1227 {strides = array<i32>} : memref<65664xf32, #tpu.memory_space<vmem>>, vector<16xf32>,
        %add3A_1230 = arith.constant 1408 : i32
        %add3A_1231 = arith.addi %mul3A_16, %add3A_1230 : i32
        %add3A_1232 = arith.constant 32 : i32
        %add3A_1233 = arith.addi %add3A_1231, %add3A_1232 : i32
        %get3A_1234 = arith.index_cast %add3A_1233 : i32 to index
        %get3A_1235 = tpu.vector_load %arg7[%get3A_1234] {strides = array<i32>} : memref<65664xf32, #tpu.memory_space<vmem>>, vector<16xf32>,
        %get3A_1236 = arith.constant 1440 : index
        %get3A_1237 = tpu.vector_load %arg8[%get3A_1236] {strides = array<i32>} : memref<4096xf32, #tpu.memory_space<vmem>>, vector<16xf32>,
        %add3A_1238 = arith.addf %get3A_1235, %get3A_1237 : vector<16xf32>
        %swap3A_1239 = arith.index_cast %add3A_1233 : i32 to index
        %swap3A_1240 = tpu.vector_load %arg7[%swap3A_1239] {strides = array<i32>} : memref<65664xf32, #tpu.memory_space<vmem>>, vector<16xf32>,
        tpu.vector_store %arg7[%swap3A_1239], %add3A_1238 {strides = array<i32>} : memref<65664xf32, #tpu.memory_space<vmem>>, vector<16xf32>,
        %add3A_1241 = arith.constant 1408 : i32
        %add3A_1242 = arith.addi %mul3A_16, %add3A_1241 : i32
        %add3A_1243 = arith.constant 48 : i32
        %add3A_1244 = arith.addi %add3A_1242, %add3A_1243 : i32
        %get3A_1245 = arith.index_cast %add3A_1244 : i32 to index
        %get3A_1246 = tpu.vector_load %arg7[%get3A_1245] {strides = array<i32>} : memref<65664xf32, #tpu.memory_space<vmem>>, vector<16xf32>,
        %get3A_1247 = arith.constant 1456 : index
        %get3A_1248 = tpu.vector_load %arg8[%get3A_1247] {strides = array<i32>} : memref<4096xf32, #tpu.memory_space<vmem>>, vector<16xf32>,
        %add3A_1249 = arith.addf %get3A_1246, %get3A_1248 : vector<16xf32>
        %swap3A_1250 = arith.index_cast %add3A_1244 : i32 to index
        %swap3A_1251 = tpu.vector_load %arg7[%swap3A_1250] {strides = array<i32>} : memref<65664xf32, #tpu.memory_space<vmem>>, vector<16xf32>,
        tpu.vector_store %arg7[%swap3A_1250], %add3A_1249 {strides = array<i32>} : memref<65664xf32, #tpu.memory_space<vmem>>, vector<16xf32>,
        %add3A_1252 = arith.constant 1408 : i32
        %add3A_1253 = arith.addi %mul3A_16, %add3A_1252 : i32
        %add3A_1254 = arith.constant 64 : i32
        %add3A_1255 = arith.addi %add3A_1253, %add3A_1254 : i32
        %get3A_1256 = arith.index_cast %add3A_1255 : i32 to index
        %get3A_1257 = tpu.vector_load %arg7[%get3A_1256] {strides = array<i32>} : memref<65664xf32, #tpu.memory_space<vmem>>, vector<16xf32>,
        %get3A_1258 = arith.constant 1472 : index
        %get3A_1259 = tpu.vector_load %arg8[%get3A_1258] {strides = array<i32>} : memref<4096xf32, #tpu.memory_space<vmem>>, vector<16xf32>,
        %add3A_1260 = arith.addf %get3A_1257, %get3A_1259 : vector<16xf32>
        %swap3A_1261 = arith.index_cast %add3A_1255 : i32 to index
        %swap3A_1262 = tpu.vector_load %arg7[%swap3A_1261] {strides = array<i32>} : memref<65664xf32, #tpu.memory_space<vmem>>, vector<16xf32>,
        tpu.vector_store %arg7[%swap3A_1261], %add3A_1260 {strides = array<i32>} : memref<65664xf32, #tpu.memory_space<vmem>>, vector<16xf32>,
        %add3A_1263 = arith.constant 1408 : i32
        %add3A_1264 = arith.addi %mul3A_16, %add3A_1263 : i32
        %add3A_1265 = arith.constant 80 : i32
        %add3A_1266 = arith.addi %add3A_1264, %add3A_1265 : i32
        %get3A_1267 = arith.index_cast %add3A_1266 : i32 to index
        %get3A_1268 = tpu.vector_load %arg7[%get3A_1267] {strides = array<i32>} : memref<65664xf32, #tpu.memory_space<vmem>>, vector<16xf32>,
        %get3A_1269 = arith.constant 1488 : index
        %get3A_1270 = tpu.vector_load %arg8[%get3A_1269] {strides = array<i32>} : memref<4096xf32, #tpu.memory_space<vmem>>, vector<16xf32>,
        %add3A_1271 = arith.addf %get3A_1268, %get3A_1270 : vector<16xf32>
        %swap3A_1272 = arith.index_cast %add3A_1266 : i32 to index
        %swap3A_1273 = tpu.vector_load %arg7[%swap3A_1272] {strides = array<i32>} : memref<65664xf32, #tpu.memory_space<vmem>>, vector<16xf32>,
        tpu.vector_store %arg7[%swap3A_1272], %add3A_1271 {strides = array<i32>} : memref<65664xf32, #tpu.memory_space<vmem>>, vector<16xf32>,
        %add3A_1274 = arith.constant 1408 : i32
        %add3A_1275 = arith.addi %mul3A_16, %add3A_1274 : i32
        %add3A_1276 = arith.constant 96 : i32
        %add3A_1277 = arith.addi %add3A_1275, %add3A_1276 : i32
        %get3A_1278 = arith.index_cast %add3A_1277 : i32 to index
        %get3A_1279 = tpu.vector_load %arg7[%get3A_1278] {strides = array<i32>} : memref<65664xf32, #tpu.memory_space<vmem>>, vector<16xf32>,
        %get3A_1280 = arith.constant 1504 : index
        %get3A_1281 = tpu.vector_load %arg8[%get3A_1280] {strides = array<i32>} : memref<4096xf32, #tpu.memory_space<vmem>>, vector<16xf32>,
        %add3A_1282 = arith.addf %get3A_1279, %get3A_1281 : vector<16xf32>
        %swap3A_1283 = arith.index_cast %add3A_1277 : i32 to index
        %swap3A_1284 = tpu.vector_load %arg7[%swap3A_1283] {strides = array<i32>} : memref<65664xf32, #tpu.memory_space<vmem>>, vector<16xf32>,
        tpu.vector_store %arg7[%swap3A_1283], %add3A_1282 {strides = array<i32>} : memref<65664xf32, #tpu.memory_space<vmem>>, vector<16xf32>,
        %add3A_1285 = arith.constant 1408 : i32
        %add3A_1286 = arith.addi %mul3A_16, %add3A_1285 : i32
        %add3A_1287 = arith.constant 112 : i32
        %add3A_1288 = arith.addi %add3A_1286, %add3A_1287 : i32
        %get3A_1289 = arith.index_cast %add3A_1288 : i32 to index
        %get3A_1290 = tpu.vector_load %arg7[%get3A_1289] {strides = array<i32>} : memref<65664xf32, #tpu.memory_space<vmem>>, vector<16xf32>,
        %get3A_1291 = arith.constant 1520 : index
        %get3A_1292 = tpu.vector_load %arg8[%get3A_1291] {strides = array<i32>} : memref<4096xf32, #tpu.memory_space<vmem>>, vector<16xf32>,
        %add3A_1293 = arith.addf %get3A_1290, %get3A_1292 : vector<16xf32>
        %swap3A_1294 = arith.index_cast %add3A_1288 : i32 to index
        %swap3A_1295 = tpu.vector_load %arg7[%swap3A_1294] {strides = array<i32>} : memref<65664xf32, #tpu.memory_space<vmem>>, vector<16xf32>,
        tpu.vector_store %arg7[%swap3A_1294], %add3A_1293 {strides = array<i32>} : memref<65664xf32, #tpu.memory_space<vmem>>, vector<16xf32>,
        %add3A_1296 = arith.constant 1536 : i32
        %add3A_1297 = arith.addi %mul3A_16, %add3A_1296 : i32
        %add3A_1298 = arith.constant 0 : i32
        %add3A_1299 = arith.addi %add3A_1297, %add3A_1298 : i32
        %get3A_1300 = arith.index_cast %add3A_1299 : i32 to index
        %get3A_1301 = tpu.vector_load %arg7[%get3A_1300] {strides = array<i32>} : memref<65664xf32, #tpu.memory_space<vmem>>, vector<16xf32>,
        %get3A_1302 = arith.constant 1536 : index
        %get3A_1303 = tpu.vector_load %arg8[%get3A_1302] {strides = array<i32>} : memref<4096xf32, #tpu.memory_space<vmem>>, vector<16xf32>,
        %add3A_1304 = arith.addf %get3A_1301, %get3A_1303 : vector<16xf32>
        %swap3A_1305 = arith.index_cast %add3A_1299 : i32 to index
        %swap3A_1306 = tpu.vector_load %arg7[%swap3A_1305] {strides = array<i32>} : memref<65664xf32, #tpu.memory_space<vmem>>, vector<16xf32>,
        tpu.vector_store %arg7[%swap3A_1305], %add3A_1304 {strides = array<i32>} : memref<65664xf32, #tpu.memory_space<vmem>>, vector<16xf32>,
        %add3A_1307 = arith.constant 1536 : i32
        %add3A_1308 = arith.addi %mul3A_16, %add3A_1307 : i32
        %add3A_1309 = arith.constant 16 : i32
        %add3A_1310 = arith.addi %add3A_1308, %add3A_1309 : i32
        %get3A_1311 = arith.index_cast %add3A_1310 : i32 to index
        %get3A_1312 = tpu.vector_load %arg7[%get3A_1311] {strides = array<i32>} : memref<65664xf32, #tpu.memory_space<vmem>>, vector<16xf32>,
        %get3A_1313 = arith.constant 1552 : index
        %get3A_1314 = tpu.vector_load %arg8[%get3A_1313] {strides = array<i32>} : memref<4096xf32, #tpu.memory_space<vmem>>, vector<16xf32>,
        %add3A_1315 = arith.addf %get3A_1312, %get3A_1314 : vector<16xf32>
        %swap3A_1316 = arith.index_cast %add3A_1310 : i32 to index
        %swap3A_1317 = tpu.vector_load %arg7[%swap3A_1316] {strides = array<i32>} : memref<65664xf32, #tpu.memory_space<vmem>>, vector<16xf32>,
        tpu.vector_store %arg7[%swap3A_1316], %add3A_1315 {strides = array<i32>} : memref<65664xf32, #tpu.memory_space<vmem>>, vector<16xf32>,
        %add3A_1318 = arith.constant 1536 : i32
        %add3A_1319 = arith.addi %mul3A_16, %add3A_1318 : i32
        %add3A_1320 = arith.constant 32 : i32
        %add3A_1321 = arith.addi %add3A_1319, %add3A_1320 : i32
        %get3A_1322 = arith.index_cast %add3A_1321 : i32 to index
        %get3A_1323 = tpu.vector_load %arg7[%get3A_1322] {strides = array<i32>} : memref<65664xf32, #tpu.memory_space<vmem>>, vector<16xf32>,
        %get3A_1324 = arith.constant 1568 : index
        %get3A_1325 = tpu.vector_load %arg8[%get3A_1324] {strides = array<i32>} : memref<4096xf32, #tpu.memory_space<vmem>>, vector<16xf32>,
        %add3A_1326 = arith.addf %get3A_1323, %get3A_1325 : vector<16xf32>
        %swap3A_1327 = arith.index_cast %add3A_1321 : i32 to index
        %swap3A_1328 = tpu.vector_load %arg7[%swap3A_1327] {strides = array<i32>} : memref<65664xf32, #tpu.memory_space<vmem>>, vector<16xf32>,
        tpu.vector_store %arg7[%swap3A_1327], %add3A_1326 {strides = array<i32>} : memref<65664xf32, #tpu.memory_space<vmem>>, vector<16xf32>,
        %add3A_1329 = arith.constant 1536 : i32
        %add3A_1330 = arith.addi %mul3A_16, %add3A_1329 : i32
        %add3A_1331 = arith.constant 48 : i32
        %add3A_1332 = arith.addi %add3A_1330, %add3A_1331 : i32
        %get3A_1333 = arith.index_cast %add3A_1332 : i32 to index
        %get3A_1334 = tpu.vector_load %arg7[%get3A_1333] {strides = array<i32>} : memref<65664xf32, #tpu.memory_space<vmem>>, vector<16xf32>,
        %get3A_1335 = arith.constant 1584 : index
        %get3A_1336 = tpu.vector_load %arg8[%get3A_1335] {strides = array<i32>} : memref<4096xf32, #tpu.memory_space<vmem>>, vector<16xf32>,
        %add3A_1337 = arith.addf %get3A_1334, %get3A_1336 : vector<16xf32>
        %swap3A_1338 = arith.index_cast %add3A_1332 : i32 to index
        %swap3A_1339 = tpu.vector_load %arg7[%swap3A_1338] {strides = array<i32>} : memref<65664xf32, #tpu.memory_space<vmem>>, vector<16xf32>,
        tpu.vector_store %arg7[%swap3A_1338], %add3A_1337 {strides = array<i32>} : memref<65664xf32, #tpu.memory_space<vmem>>, vector<16xf32>,
        %add3A_1340 = arith.constant 1536 : i32
        %add3A_1341 = arith.addi %mul3A_16, %add3A_1340 : i32
        %add3A_1342 = arith.constant 64 : i32
        %add3A_1343 = arith.addi %add3A_1341, %add3A_1342 : i32
        %get3A_1344 = arith.index_cast %add3A_1343 : i32 to index
        %get3A_1345 = tpu.vector_load %arg7[%get3A_1344] {strides = array<i32>} : memref<65664xf32, #tpu.memory_space<vmem>>, vector<16xf32>,
        %get3A_1346 = arith.constant 1600 : index
        %get3A_1347 = tpu.vector_load %arg8[%get3A_1346] {strides = array<i32>} : memref<4096xf32, #tpu.memory_space<vmem>>, vector<16xf32>,
        %add3A_1348 = arith.addf %get3A_1345, %get3A_1347 : vector<16xf32>
        %swap3A_1349 = arith.index_cast %add3A_1343 : i32 to index
        %swap3A_1350 = tpu.vector_load %arg7[%swap3A_1349] {strides = array<i32>} : memref<65664xf32, #tpu.memory_space<vmem>>, vector<16xf32>,
        tpu.vector_store %arg7[%swap3A_1349], %add3A_1348 {strides = array<i32>} : memref<65664xf32, #tpu.memory_space<vmem>>, vector<16xf32>,
        %add3A_1351 = arith.constant 1536 : i32
        %add3A_1352 = arith.addi %mul3A_16, %add3A_1351 : i32
        %add3A_1353 = arith.constant 80 : i32
        %add3A_1354 = arith.addi %add3A_1352, %add3A_1353 : i32
        %get3A_1355 = arith.index_cast %add3A_1354 : i32 to index
        %get3A_1356 = tpu.vector_load %arg7[%get3A_1355] {strides = array<i32>} : memref<65664xf32, #tpu.memory_space<vmem>>, vector<16xf32>,
        %get3A_1357 = arith.constant 1616 : index
        %get3A_1358 = tpu.vector_load %arg8[%get3A_1357] {strides = array<i32>} : memref<4096xf32, #tpu.memory_space<vmem>>, vector<16xf32>,
        %add3A_1359 = arith.addf %get3A_1356, %get3A_1358 : vector<16xf32>
        %swap3A_1360 = arith.index_cast %add3A_1354 : i32 to index
        %swap3A_1361 = tpu.vector_load %arg7[%swap3A_1360] {strides = array<i32>} : memref<65664xf32, #tpu.memory_space<vmem>>, vector<16xf32>,
        tpu.vector_store %arg7[%swap3A_1360], %add3A_1359 {strides = array<i32>} : memref<65664xf32, #tpu.memory_space<vmem>>, vector<16xf32>,
        %add3A_1362 = arith.constant 1536 : i32
        %add3A_1363 = arith.addi %mul3A_16, %add3A_1362 : i32
        %add3A_1364 = arith.constant 96 : i32
        %add3A_1365 = arith.addi %add3A_1363, %add3A_1364 : i32
        %get3A_1366 = arith.index_cast %add3A_1365 : i32 to index
        %get3A_1367 = tpu.vector_load %arg7[%get3A_1366] {strides = array<i32>} : memref<65664xf32, #tpu.memory_space<vmem>>, vector<16xf32>,
        %get3A_1368 = arith.constant 1632 : index
        %get3A_1369 = tpu.vector_load %arg8[%get3A_1368] {strides = array<i32>} : memref<4096xf32, #tpu.memory_space<vmem>>, vector<16xf32>,
        %add3A_1370 = arith.addf %get3A_1367, %get3A_1369 : vector<16xf32>
        %swap3A_1371 = arith.index_cast %add3A_1365 : i32 to index
        %swap3A_1372 = tpu.vector_load %arg7[%swap3A_1371] {strides = array<i32>} : memref<65664xf32, #tpu.memory_space<vmem>>, vector<16xf32>,
        tpu.vector_store %arg7[%swap3A_1371], %add3A_1370 {strides = array<i32>} : memref<65664xf32, #tpu.memory_space<vmem>>, vector<16xf32>,
        %add3A_1373 = arith.constant 1536 : i32
        %add3A_1374 = arith.addi %mul3A_16, %add3A_1373 : i32
        %add3A_1375 = arith.constant 112 : i32
        %add3A_1376 = arith.addi %add3A_1374, %add3A_1375 : i32
        %get3A_1377 = arith.index_cast %add3A_1376 : i32 to index
        %get3A_1378 = tpu.vector_load %arg7[%get3A_1377] {strides = array<i32>} : memref<65664xf32, #tpu.memory_space<vmem>>, vector<16xf32>,
        %get3A_1379 = arith.constant 1648 : index
        %get3A_1380 = tpu.vector_load %arg8[%get3A_1379] {strides = array<i32>} : memref<4096xf32, #tpu.memory_space<vmem>>, vector<16xf32>,
        %add3A_1381 = arith.addf %get3A_1378, %get3A_1380 : vector<16xf32>
        %swap3A_1382 = arith.index_cast %add3A_1376 : i32 to index
        %swap3A_1383 = tpu.vector_load %arg7[%swap3A_1382] {strides = array<i32>} : memref<65664xf32, #tpu.memory_space<vmem>>, vector<16xf32>,
        tpu.vector_store %arg7[%swap3A_1382], %add3A_1381 {strides = array<i32>} : memref<65664xf32, #tpu.memory_space<vmem>>, vector<16xf32>,
        %add3A_1384 = arith.constant 1664 : i32
        %add3A_1385 = arith.addi %mul3A_16, %add3A_1384 : i32
        %add3A_1386 = arith.constant 0 : i32
        %add3A_1387 = arith.addi %add3A_1385, %add3A_1386 : i32
        %get3A_1388 = arith.index_cast %add3A_1387 : i32 to index
        %get3A_1389 = tpu.vector_load %arg7[%get3A_1388] {strides = array<i32>} : memref<65664xf32, #tpu.memory_space<vmem>>, vector<16xf32>,
        %get3A_1390 = arith.constant 1664 : index
        %get3A_1391 = tpu.vector_load %arg8[%get3A_1390] {strides = array<i32>} : memref<4096xf32, #tpu.memory_space<vmem>>, vector<16xf32>,
        %add3A_1392 = arith.addf %get3A_1389, %get3A_1391 : vector<16xf32>
        %swap3A_1393 = arith.index_cast %add3A_1387 : i32 to index
        %swap3A_1394 = tpu.vector_load %arg7[%swap3A_1393] {strides = array<i32>} : memref<65664xf32, #tpu.memory_space<vmem>>, vector<16xf32>,
        tpu.vector_store %arg7[%swap3A_1393], %add3A_1392 {strides = array<i32>} : memref<65664xf32, #tpu.memory_space<vmem>>, vector<16xf32>,
        %add3A_1395 = arith.constant 1664 : i32
        %add3A_1396 = arith.addi %mul3A_16, %add3A_1395 : i32
        %add3A_1397 = arith.constant 16 : i32
        %add3A_1398 = arith.addi %add3A_1396, %add3A_1397 : i32
        %get3A_1399 = arith.index_cast %add3A_1398 : i32 to index
        %get3A_1400 = tpu.vector_load %arg7[%get3A_1399] {strides = array<i32>} : memref<65664xf32, #tpu.memory_space<vmem>>, vector<16xf32>,
        %get3A_1401 = arith.constant 1680 : index
        %get3A_1402 = tpu.vector_load %arg8[%get3A_1401] {strides = array<i32>} : memref<4096xf32, #tpu.memory_space<vmem>>, vector<16xf32>,
        %add3A_1403 = arith.addf %get3A_1400, %get3A_1402 : vector<16xf32>
        %swap3A_1404 = arith.index_cast %add3A_1398 : i32 to index
        %swap3A_1405 = tpu.vector_load %arg7[%swap3A_1404] {strides = array<i32>} : memref<65664xf32, #tpu.memory_space<vmem>>, vector<16xf32>,
        tpu.vector_store %arg7[%swap3A_1404], %add3A_1403 {strides = array<i32>} : memref<65664xf32, #tpu.memory_space<vmem>>, vector<16xf32>,
        %add3A_1406 = arith.constant 1664 : i32
        %add3A_1407 = arith.addi %mul3A_16, %add3A_1406 : i32
        %add3A_1408 = arith.constant 32 : i32
        %add3A_1409 = arith.addi %add3A_1407, %add3A_1408 : i32
        %get3A_1410 = arith.index_cast %add3A_1409 : i32 to index
        %get3A_1411 = tpu.vector_load %arg7[%get3A_1410] {strides = array<i32>} : memref<65664xf32, #tpu.memory_space<vmem>>, vector<16xf32>,
        %get3A_1412 = arith.constant 1696 : index
        %get3A_1413 = tpu.vector_load %arg8[%get3A_1412] {strides = array<i32>} : memref<4096xf32, #tpu.memory_space<vmem>>, vector<16xf32>,
        %add3A_1414 = arith.addf %get3A_1411, %get3A_1413 : vector<16xf32>
        %swap3A_1415 = arith.index_cast %add3A_1409 : i32 to index
        %swap3A_1416 = tpu.vector_load %arg7[%swap3A_1415] {strides = array<i32>} : memref<65664xf32, #tpu.memory_space<vmem>>, vector<16xf32>,
        tpu.vector_store %arg7[%swap3A_1415], %add3A_1414 {strides = array<i32>} : memref<65664xf32, #tpu.memory_space<vmem>>, vector<16xf32>,
        %add3A_1417 = arith.constant 1664 : i32
        %add3A_1418 = arith.addi %mul3A_16, %add3A_1417 : i32
        %add3A_1419 = arith.constant 48 : i32
        %add3A_1420 = arith.addi %add3A_1418, %add3A_1419 : i32
        %get3A_1421 = arith.index_cast %add3A_1420 : i32 to index
        %get3A_1422 = tpu.vector_load %arg7[%get3A_1421] {strides = array<i32>} : memref<65664xf32, #tpu.memory_space<vmem>>, vector<16xf32>,
        %get3A_1423 = arith.constant 1712 : index
        %get3A_1424 = tpu.vector_load %arg8[%get3A_1423] {strides = array<i32>} : memref<4096xf32, #tpu.memory_space<vmem>>, vector<16xf32>,
        %add3A_1425 = arith.addf %get3A_1422, %get3A_1424 : vector<16xf32>
        %swap3A_1426 = arith.index_cast %add3A_1420 : i32 to index
        %swap3A_1427 = tpu.vector_load %arg7[%swap3A_1426] {strides = array<i32>} : memref<65664xf32, #tpu.memory_space<vmem>>, vector<16xf32>,
        tpu.vector_store %arg7[%swap3A_1426], %add3A_1425 {strides = array<i32>} : memref<65664xf32, #tpu.memory_space<vmem>>, vector<16xf32>,
        %add3A_1428 = arith.constant 1664 : i32
        %add3A_1429 = arith.addi %mul3A_16, %add3A_1428 : i32
        %add3A_1430 = arith.constant 64 : i32
        %add3A_1431 = arith.addi %add3A_1429, %add3A_1430 : i32
        %get3A_1432 = arith.index_cast %add3A_1431 : i32 to index
        %get3A_1433 = tpu.vector_load %arg7[%get3A_1432] {strides = array<i32>} : memref<65664xf32, #tpu.memory_space<vmem>>, vector<16xf32>,
        %get3A_1434 = arith.constant 1728 : index
        %get3A_1435 = tpu.vector_load %arg8[%get3A_1434] {strides = array<i32>} : memref<4096xf32, #tpu.memory_space<vmem>>, vector<16xf32>,
        %add3A_1436 = arith.addf %get3A_1433, %get3A_1435 : vector<16xf32>
        %swap3A_1437 = arith.index_cast %add3A_1431 : i32 to index
        %swap3A_1438 = tpu.vector_load %arg7[%swap3A_1437] {strides = array<i32>} : memref<65664xf32, #tpu.memory_space<vmem>>, vector<16xf32>,
        tpu.vector_store %arg7[%swap3A_1437], %add3A_1436 {strides = array<i32>} : memref<65664xf32, #tpu.memory_space<vmem>>, vector<16xf32>,
        %add3A_1439 = arith.constant 1664 : i32
        %add3A_1440 = arith.addi %mul3A_16, %add3A_1439 : i32
        %add3A_1441 = arith.constant 80 : i32
        %add3A_1442 = arith.addi %add3A_1440, %add3A_1441 : i32
        %get3A_1443 = arith.index_cast %add3A_1442 : i32 to index
        %get3A_1444 = tpu.vector_load %arg7[%get3A_1443] {strides = array<i32>} : memref<65664xf32, #tpu.memory_space<vmem>>, vector<16xf32>,
        %get3A_1445 = arith.constant 1744 : index
        %get3A_1446 = tpu.vector_load %arg8[%get3A_1445] {strides = array<i32>} : memref<4096xf32, #tpu.memory_space<vmem>>, vector<16xf32>,
        %add3A_1447 = arith.addf %get3A_1444, %get3A_1446 : vector<16xf32>
        %swap3A_1448 = arith.index_cast %add3A_1442 : i32 to index
        %swap3A_1449 = tpu.vector_load %arg7[%swap3A_1448] {strides = array<i32>} : memref<65664xf32, #tpu.memory_space<vmem>>, vector<16xf32>,
        tpu.vector_store %arg7[%swap3A_1448], %add3A_1447 {strides = array<i32>} : memref<65664xf32, #tpu.memory_space<vmem>>, vector<16xf32>,
        %add3A_1450 = arith.constant 1664 : i32
        %add3A_1451 = arith.addi %mul3A_16, %add3A_1450 : i32
        %add3A_1452 = arith.constant 96 : i32
        %add3A_1453 = arith.addi %add3A_1451, %add3A_1452 : i32
        %get3A_1454 = arith.index_cast %add3A_1453 : i32 to index
        %get3A_1455 = tpu.vector_load %arg7[%get3A_1454] {strides = array<i32>} : memref<65664xf32, #tpu.memory_space<vmem>>, vector<16xf32>,
        %get3A_1456 = arith.constant 1760 : index
        %get3A_1457 = tpu.vector_load %arg8[%get3A_1456] {strides = array<i32>} : memref<4096xf32, #tpu.memory_space<vmem>>, vector<16xf32>,
        %add3A_1458 = arith.addf %get3A_1455, %get3A_1457 : vector<16xf32>
        %swap3A_1459 = arith.index_cast %add3A_1453 : i32 to index
        %swap3A_1460 = tpu.vector_load %arg7[%swap3A_1459] {strides = array<i32>} : memref<65664xf32, #tpu.memory_space<vmem>>, vector<16xf32>,
        tpu.vector_store %arg7[%swap3A_1459], %add3A_1458 {strides = array<i32>} : memref<65664xf32, #tpu.memory_space<vmem>>, vector<16xf32>,
        %add3A_1461 = arith.constant 1664 : i32
        %add3A_1462 = arith.addi %mul3A_16, %add3A_1461 : i32
        %add3A_1463 = arith.constant 112 : i32
        %add3A_1464 = arith.addi %add3A_1462, %add3A_1463 : i32
        %get3A_1465 = arith.index_cast %add3A_1464 : i32 to index
        %get3A_1466 = tpu.vector_load %arg7[%get3A_1465] {strides = array<i32>} : memref<65664xf32, #tpu.memory_space<vmem>>, vector<16xf32>,
        %get3A_1467 = arith.constant 1776 : index
        %get3A_1468 = tpu.vector_load %arg8[%get3A_1467] {strides = array<i32>} : memref<4096xf32, #tpu.memory_space<vmem>>, vector<16xf32>,
        %add3A_1469 = arith.addf %get3A_1466, %get3A_1468 : vector<16xf32>
        %swap3A_1470 = arith.index_cast %add3A_1464 : i32 to index
        %swap3A_1471 = tpu.vector_load %arg7[%swap3A_1470] {strides = array<i32>} : memref<65664xf32, #tpu.memory_space<vmem>>, vector<16xf32>,
        tpu.vector_store %arg7[%swap3A_1470], %add3A_1469 {strides = array<i32>} : memref<65664xf32, #tpu.memory_space<vmem>>, vector<16xf32>,
        %add3A_1472 = arith.constant 1792 : i32
        %add3A_1473 = arith.addi %mul3A_16, %add3A_1472 : i32
        %add3A_1474 = arith.constant 0 : i32
        %add3A_1475 = arith.addi %add3A_1473, %add3A_1474 : i32
        %get3A_1476 = arith.index_cast %add3A_1475 : i32 to index
        %get3A_1477 = tpu.vector_load %arg7[%get3A_1476] {strides = array<i32>} : memref<65664xf32, #tpu.memory_space<vmem>>, vector<16xf32>,
        %get3A_1478 = arith.constant 1792 : index
        %get3A_1479 = tpu.vector_load %arg8[%get3A_1478] {strides = array<i32>} : memref<4096xf32, #tpu.memory_space<vmem>>, vector<16xf32>,
        %add3A_1480 = arith.addf %get3A_1477, %get3A_1479 : vector<16xf32>
        %swap3A_1481 = arith.index_cast %add3A_1475 : i32 to index
        %swap3A_1482 = tpu.vector_load %arg7[%swap3A_1481] {strides = array<i32>} : memref<65664xf32, #tpu.memory_space<vmem>>, vector<16xf32>,
        tpu.vector_store %arg7[%swap3A_1481], %add3A_1480 {strides = array<i32>} : memref<65664xf32, #tpu.memory_space<vmem>>, vector<16xf32>,
        %add3A_1483 = arith.constant 1792 : i32
        %add3A_1484 = arith.addi %mul3A_16, %add3A_1483 : i32
        %add3A_1485 = arith.constant 16 : i32
        %add3A_1486 = arith.addi %add3A_1484, %add3A_1485 : i32
        %get3A_1487 = arith.index_cast %add3A_1486 : i32 to index
        %get3A_1488 = tpu.vector_load %arg7[%get3A_1487] {strides = array<i32>} : memref<65664xf32, #tpu.memory_space<vmem>>, vector<16xf32>,
        %get3A_1489 = arith.constant 1808 : index
        %get3A_1490 = tpu.vector_load %arg8[%get3A_1489] {strides = array<i32>} : memref<4096xf32, #tpu.memory_space<vmem>>, vector<16xf32>,
        %add3A_1491 = arith.addf %get3A_1488, %get3A_1490 : vector<16xf32>
        %swap3A_1492 = arith.index_cast %add3A_1486 : i32 to index
        %swap3A_1493 = tpu.vector_load %arg7[%swap3A_1492] {strides = array<i32>} : memref<65664xf32, #tpu.memory_space<vmem>>, vector<16xf32>,
        tpu.vector_store %arg7[%swap3A_1492], %add3A_1491 {strides = array<i32>} : memref<65664xf32, #tpu.memory_space<vmem>>, vector<16xf32>,
        %add3A_1494 = arith.constant 1792 : i32
        %add3A_1495 = arith.addi %mul3A_16, %add3A_1494 : i32
        %add3A_1496 = arith.constant 32 : i32
        %add3A_1497 = arith.addi %add3A_1495, %add3A_1496 : i32
        %get3A_1498 = arith.index_cast %add3A_1497 : i32 to index
        %get3A_1499 = tpu.vector_load %arg7[%get3A_1498] {strides = array<i32>} : memref<65664xf32, #tpu.memory_space<vmem>>, vector<16xf32>,
        %get3A_1500 = arith.constant 1824 : index
        %get3A_1501 = tpu.vector_load %arg8[%get3A_1500] {strides = array<i32>} : memref<4096xf32, #tpu.memory_space<vmem>>, vector<16xf32>,
        %add3A_1502 = arith.addf %get3A_1499, %get3A_1501 : vector<16xf32>
        %swap3A_1503 = arith.index_cast %add3A_1497 : i32 to index
        %swap3A_1504 = tpu.vector_load %arg7[%swap3A_1503] {strides = array<i32>} : memref<65664xf32, #tpu.memory_space<vmem>>, vector<16xf32>,
        tpu.vector_store %arg7[%swap3A_1503], %add3A_1502 {strides = array<i32>} : memref<65664xf32, #tpu.memory_space<vmem>>, vector<16xf32>,
        %add3A_1505 = arith.constant 1792 : i32
        %add3A_1506 = arith.addi %mul3A_16, %add3A_1505 : i32
        %add3A_1507 = arith.constant 48 : i32
        %add3A_1508 = arith.addi %add3A_1506, %add3A_1507 : i32
        %get3A_1509 = arith.index_cast %add3A_1508 : i32 to index
        %get3A_1510 = tpu.vector_load %arg7[%get3A_1509] {strides = array<i32>} : memref<65664xf32, #tpu.memory_space<vmem>>, vector<16xf32>,
        %get3A_1511 = arith.constant 1840 : index
        %get3A_1512 = tpu.vector_load %arg8[%get3A_1511] {strides = array<i32>} : memref<4096xf32, #tpu.memory_space<vmem>>, vector<16xf32>,
        %add3A_1513 = arith.addf %get3A_1510, %get3A_1512 : vector<16xf32>
        %swap3A_1514 = arith.index_cast %add3A_1508 : i32 to index
        %swap3A_1515 = tpu.vector_load %arg7[%swap3A_1514] {strides = array<i32>} : memref<65664xf32, #tpu.memory_space<vmem>>, vector<16xf32>,
        tpu.vector_store %arg7[%swap3A_1514], %add3A_1513 {strides = array<i32>} : memref<65664xf32, #tpu.memory_space<vmem>>, vector<16xf32>,
        %add3A_1516 = arith.constant 1792 : i32
        %add3A_1517 = arith.addi %mul3A_16, %add3A_1516 : i32
        %add3A_1518 = arith.constant 64 : i32
        %add3A_1519 = arith.addi %add3A_1517, %add3A_1518 : i32
        %get3A_1520 = arith.index_cast %add3A_1519 : i32 to index
        %get3A_1521 = tpu.vector_load %arg7[%get3A_1520] {strides = array<i32>} : memref<65664xf32, #tpu.memory_space<vmem>>, vector<16xf32>,
        %get3A_1522 = arith.constant 1856 : index
        %get3A_1523 = tpu.vector_load %arg8[%get3A_1522] {strides = array<i32>} : memref<4096xf32, #tpu.memory_space<vmem>>, vector<16xf32>,
        %add3A_1524 = arith.addf %get3A_1521, %get3A_1523 : vector<16xf32>
        %swap3A_1525 = arith.index_cast %add3A_1519 : i32 to index
        %swap3A_1526 = tpu.vector_load %arg7[%swap3A_1525] {strides = array<i32>} : memref<65664xf32, #tpu.memory_space<vmem>>, vector<16xf32>,
        tpu.vector_store %arg7[%swap3A_1525], %add3A_1524 {strides = array<i32>} : memref<65664xf32, #tpu.memory_space<vmem>>, vector<16xf32>,
        %add3A_1527 = arith.constant 1792 : i32
        %add3A_1528 = arith.addi %mul3A_16, %add3A_1527 : i32
        %add3A_1529 = arith.constant 80 : i32
        %add3A_1530 = arith.addi %add3A_1528, %add3A_1529 : i32
        %get3A_1531 = arith.index_cast %add3A_1530 : i32 to index
        %get3A_1532 = tpu.vector_load %arg7[%get3A_1531] {strides = array<i32>} : memref<65664xf32, #tpu.memory_space<vmem>>, vector<16xf32>,
        %get3A_1533 = arith.constant 1872 : index
        %get3A_1534 = tpu.vector_load %arg8[%get3A_1533] {strides = array<i32>} : memref<4096xf32, #tpu.memory_space<vmem>>, vector<16xf32>,
        %add3A_1535 = arith.addf %get3A_1532, %get3A_1534 : vector<16xf32>
        %swap3A_1536 = arith.index_cast %add3A_1530 : i32 to index
        %swap3A_1537 = tpu.vector_load %arg7[%swap3A_1536] {strides = array<i32>} : memref<65664xf32, #tpu.memory_space<vmem>>, vector<16xf32>,
        tpu.vector_store %arg7[%swap3A_1536], %add3A_1535 {strides = array<i32>} : memref<65664xf32, #tpu.memory_space<vmem>>, vector<16xf32>,
        %add3A_1538 = arith.constant 1792 : i32
        %add3A_1539 = arith.addi %mul3A_16, %add3A_1538 : i32
        %add3A_1540 = arith.constant 96 : i32
        %add3A_1541 = arith.addi %add3A_1539, %add3A_1540 : i32
        %get3A_1542 = arith.index_cast %add3A_1541 : i32 to index
        %get3A_1543 = tpu.vector_load %arg7[%get3A_1542] {strides = array<i32>} : memref<65664xf32, #tpu.memory_space<vmem>>, vector<16xf32>,
        %get3A_1544 = arith.constant 1888 : index
        %get3A_1545 = tpu.vector_load %arg8[%get3A_1544] {strides = array<i32>} : memref<4096xf32, #tpu.memory_space<vmem>>, vector<16xf32>,
        %add3A_1546 = arith.addf %get3A_1543, %get3A_1545 : vector<16xf32>
        %swap3A_1547 = arith.index_cast %add3A_1541 : i32 to index
        %swap3A_1548 = tpu.vector_load %arg7[%swap3A_1547] {strides = array<i32>} : memref<65664xf32, #tpu.memory_space<vmem>>, vector<16xf32>,
        tpu.vector_store %arg7[%swap3A_1547], %add3A_1546 {strides = array<i32>} : memref<65664xf32, #tpu.memory_space<vmem>>, vector<16xf32>,
        %add3A_1549 = arith.constant 1792 : i32
        %add3A_1550 = arith.addi %mul3A_16, %add3A_1549 : i32
        %add3A_1551 = arith.constant 112 : i32
        %add3A_1552 = arith.addi %add3A_1550, %add3A_1551 : i32
        %get3A_1553 = arith.index_cast %add3A_1552 : i32 to index
        %get3A_1554 = tpu.vector_load %arg7[%get3A_1553] {strides = array<i32>} : memref<65664xf32, #tpu.memory_space<vmem>>, vector<16xf32>,
        %get3A_1555 = arith.constant 1904 : index
        %get3A_1556 = tpu.vector_load %arg8[%get3A_1555] {strides = array<i32>} : memref<4096xf32, #tpu.memory_space<vmem>>, vector<16xf32>,
        %add3A_1557 = arith.addf %get3A_1554, %get3A_1556 : vector<16xf32>
        %swap3A_1558 = arith.index_cast %add3A_1552 : i32 to index
        %swap3A_1559 = tpu.vector_load %arg7[%swap3A_1558] {strides = array<i32>} : memref<65664xf32, #tpu.memory_space<vmem>>, vector<16xf32>,
        tpu.vector_store %arg7[%swap3A_1558], %add3A_1557 {strides = array<i32>} : memref<65664xf32, #tpu.memory_space<vmem>>, vector<16xf32>,
        %add3A_1560 = arith.constant 1920 : i32
        %add3A_1561 = arith.addi %mul3A_16, %add3A_1560 : i32
        %add3A_1562 = arith.constant 0 : i32
        %add3A_1563 = arith.addi %add3A_1561, %add3A_1562 : i32
        %get3A_1564 = arith.index_cast %add3A_1563 : i32 to index
        %get3A_1565 = tpu.vector_load %arg7[%get3A_1564] {strides = array<i32>} : memref<65664xf32, #tpu.memory_space<vmem>>, vector<16xf32>,
        %get3A_1566 = arith.constant 1920 : index
        %get3A_1567 = tpu.vector_load %arg8[%get3A_1566] {strides = array<i32>} : memref<4096xf32, #tpu.memory_space<vmem>>, vector<16xf32>,
        %add3A_1568 = arith.addf %get3A_1565, %get3A_1567 : vector<16xf32>
        %swap3A_1569 = arith.index_cast %add3A_1563 : i32 to index
        %swap3A_1570 = tpu.vector_load %arg7[%swap3A_1569] {strides = array<i32>} : memref<65664xf32, #tpu.memory_space<vmem>>, vector<16xf32>,
        tpu.vector_store %arg7[%swap3A_1569], %add3A_1568 {strides = array<i32>} : memref<65664xf32, #tpu.memory_space<vmem>>, vector<16xf32>,
        %add3A_1571 = arith.constant 1920 : i32
        %add3A_1572 = arith.addi %mul3A_16, %add3A_1571 : i32
        %add3A_1573 = arith.constant 16 : i32
        %add3A_1574 = arith.addi %add3A_1572, %add3A_1573 : i32
        %get3A_1575 = arith.index_cast %add3A_1574 : i32 to index
        %get3A_1576 = tpu.vector_load %arg7[%get3A_1575] {strides = array<i32>} : memref<65664xf32, #tpu.memory_space<vmem>>, vector<16xf32>,
        %get3A_1577 = arith.constant 1936 : index
        %get3A_1578 = tpu.vector_load %arg8[%get3A_1577] {strides = array<i32>} : memref<4096xf32, #tpu.memory_space<vmem>>, vector<16xf32>,
        %add3A_1579 = arith.addf %get3A_1576, %get3A_1578 : vector<16xf32>
        %swap3A_1580 = arith.index_cast %add3A_1574 : i32 to index
        %swap3A_1581 = tpu.vector_load %arg7[%swap3A_1580] {strides = array<i32>} : memref<65664xf32, #tpu.memory_space<vmem>>, vector<16xf32>,
        tpu.vector_store %arg7[%swap3A_1580], %add3A_1579 {strides = array<i32>} : memref<65664xf32, #tpu.memory_space<vmem>>, vector<16xf32>,
        %add3A_1582 = arith.constant 1920 : i32
        %add3A_1583 = arith.addi %mul3A_16, %add3A_1582 : i32
        %add3A_1584 = arith.constant 32 : i32
        %add3A_1585 = arith.addi %add3A_1583, %add3A_1584 : i32
        %get3A_1586 = arith.index_cast %add3A_1585 : i32 to index
        %get3A_1587 = tpu.vector_load %arg7[%get3A_1586] {strides = array<i32>} : memref<65664xf32, #tpu.memory_space<vmem>>, vector<16xf32>,
        %get3A_1588 = arith.constant 1952 : index
        %get3A_1589 = tpu.vector_load %arg8[%get3A_1588] {strides = array<i32>} : memref<4096xf32, #tpu.memory_space<vmem>>, vector<16xf32>,
        %add3A_1590 = arith.addf %get3A_1587, %get3A_1589 : vector<16xf32>
        %swap3A_1591 = arith.index_cast %add3A_1585 : i32 to index
        %swap3A_1592 = tpu.vector_load %arg7[%swap3A_1591] {strides = array<i32>} : memref<65664xf32, #tpu.memory_space<vmem>>, vector<16xf32>,
        tpu.vector_store %arg7[%swap3A_1591], %add3A_1590 {strides = array<i32>} : memref<65664xf32, #tpu.memory_space<vmem>>, vector<16xf32>,
        %add3A_1593 = arith.constant 1920 : i32
        %add3A_1594 = arith.addi %mul3A_16, %add3A_1593 : i32
        %add3A_1595 = arith.constant 48 : i32
        %add3A_1596 = arith.addi %add3A_1594, %add3A_1595 : i32
        %get3A_1597 = arith.index_cast %add3A_1596 : i32 to index
        %get3A_1598 = tpu.vector_load %arg7[%get3A_1597] {strides = array<i32>} : memref<65664xf32, #tpu.memory_space<vmem>>, vector<16xf32>,
        %get3A_1599 = arith.constant 1968 : index
        %get3A_1600 = tpu.vector_load %arg8[%get3A_1599] {strides = array<i32>} : memref<4096xf32, #tpu.memory_space<vmem>>, vector<16xf32>,
        %add3A_1601 = arith.addf %get3A_1598, %get3A_1600 : vector<16xf32>
        %swap3A_1602 = arith.index_cast %add3A_1596 : i32 to index
        %swap3A_1603 = tpu.vector_load %arg7[%swap3A_1602] {strides = array<i32>} : memref<65664xf32, #tpu.memory_space<vmem>>, vector<16xf32>,
        tpu.vector_store %arg7[%swap3A_1602], %add3A_1601 {strides = array<i32>} : memref<65664xf32, #tpu.memory_space<vmem>>, vector<16xf32>,
        %add3A_1604 = arith.constant 1920 : i32
        %add3A_1605 = arith.addi %mul3A_16, %add3A_1604 : i32
        %add3A_1606 = arith.constant 64 : i32
        %add3A_1607 = arith.addi %add3A_1605, %add3A_1606 : i32
        %get3A_1608 = arith.index_cast %add3A_1607 : i32 to index
        %get3A_1609 = tpu.vector_load %arg7[%get3A_1608] {strides = array<i32>} : memref<65664xf32, #tpu.memory_space<vmem>>, vector<16xf32>,
        %get3A_1610 = arith.constant 1984 : index
        %get3A_1611 = tpu.vector_load %arg8[%get3A_1610] {strides = array<i32>} : memref<4096xf32, #tpu.memory_space<vmem>>, vector<16xf32>,
        %add3A_1612 = arith.addf %get3A_1609, %get3A_1611 : vector<16xf32>
        %swap3A_1613 = arith.index_cast %add3A_1607 : i32 to index
        %swap3A_1614 = tpu.vector_load %arg7[%swap3A_1613] {strides = array<i32>} : memref<65664xf32, #tpu.memory_space<vmem>>, vector<16xf32>,
        tpu.vector_store %arg7[%swap3A_1613], %add3A_1612 {strides = array<i32>} : memref<65664xf32, #tpu.memory_space<vmem>>, vector<16xf32>,
        %add3A_1615 = arith.constant 1920 : i32
        %add3A_1616 = arith.addi %mul3A_16, %add3A_1615 : i32
        %add3A_1617 = arith.constant 80 : i32
        %add3A_1618 = arith.addi %add3A_1616, %add3A_1617 : i32
        %get3A_1619 = arith.index_cast %add3A_1618 : i32 to index
        %get3A_1620 = tpu.vector_load %arg7[%get3A_1619] {strides = array<i32>} : memref<65664xf32, #tpu.memory_space<vmem>>, vector<16xf32>,
        %get3A_1621 = arith.constant 2000 : index
        %get3A_1622 = tpu.vector_load %arg8[%get3A_1621] {strides = array<i32>} : memref<4096xf32, #tpu.memory_space<vmem>>, vector<16xf32>,
        %add3A_1623 = arith.addf %get3A_1620, %get3A_1622 : vector<16xf32>
        %swap3A_1624 = arith.index_cast %add3A_1618 : i32 to index
        %swap3A_1625 = tpu.vector_load %arg7[%swap3A_1624] {strides = array<i32>} : memref<65664xf32, #tpu.memory_space<vmem>>, vector<16xf32>,
        tpu.vector_store %arg7[%swap3A_1624], %add3A_1623 {strides = array<i32>} : memref<65664xf32, #tpu.memory_space<vmem>>, vector<16xf32>,
        %add3A_1626 = arith.constant 1920 : i32
        %add3A_1627 = arith.addi %mul3A_16, %add3A_1626 : i32
        %add3A_1628 = arith.constant 96 : i32
        %add3A_1629 = arith.addi %add3A_1627, %add3A_1628 : i32
        %get3A_1630 = arith.index_cast %add3A_1629 : i32 to index
        %get3A_1631 = tpu.vector_load %arg7[%get3A_1630] {strides = array<i32>} : memref<65664xf32, #tpu.memory_space<vmem>>, vector<16xf32>,
        %get3A_1632 = arith.constant 2016 : index
        %get3A_1633 = tpu.vector_load %arg8[%get3A_1632] {strides = array<i32>} : memref<4096xf32, #tpu.memory_space<vmem>>, vector<16xf32>,
        %add3A_1634 = arith.addf %get3A_1631, %get3A_1633 : vector<16xf32>
        %swap3A_1635 = arith.index_cast %add3A_1629 : i32 to index
        %swap3A_1636 = tpu.vector_load %arg7[%swap3A_1635] {strides = array<i32>} : memref<65664xf32, #tpu.memory_space<vmem>>, vector<16xf32>,
        tpu.vector_store %arg7[%swap3A_1635], %add3A_1634 {strides = array<i32>} : memref<65664xf32, #tpu.memory_space<vmem>>, vector<16xf32>,
        %add3A_1637 = arith.constant 1920 : i32
        %add3A_1638 = arith.addi %mul3A_16, %add3A_1637 : i32
        %add3A_1639 = arith.constant 112 : i32
        %add3A_1640 = arith.addi %add3A_1638, %add3A_1639 : i32
        %get3A_1641 = arith.index_cast %add3A_1640 : i32 to index
        %get3A_1642 = tpu.vector_load %arg7[%get3A_1641] {strides = array<i32>} : memref<65664xf32, #tpu.memory_space<vmem>>, vector<16xf32>,
        %get3A_1643 = arith.constant 2032 : index
        %get3A_1644 = tpu.vector_load %arg8[%get3A_1643] {strides = array<i32>} : memref<4096xf32, #tpu.memory_space<vmem>>, vector<16xf32>,
        %add3A_1645 = arith.addf %get3A_1642, %get3A_1644 : vector<16xf32>
        %swap3A_1646 = arith.index_cast %add3A_1640 : i32 to index
        %swap3A_1647 = tpu.vector_load %arg7[%swap3A_1646] {strides = array<i32>} : memref<65664xf32, #tpu.memory_space<vmem>>, vector<16xf32>,
        tpu.vector_store %arg7[%swap3A_1646], %add3A_1645 {strides = array<i32>} : memref<65664xf32, #tpu.memory_space<vmem>>, vector<16xf32>,
        %add3A_1648 = arith.constant 2048 : i32
        %add3A_1649 = arith.addi %mul3A_16, %add3A_1648 : i32
        %add3A_1650 = arith.constant 0 : i32
        %add3A_1651 = arith.addi %add3A_1649, %add3A_1650 : i32
        %get3A_1652 = arith.index_cast %add3A_1651 : i32 to index
        %get3A_1653 = tpu.vector_load %arg7[%get3A_1652] {strides = array<i32>} : memref<65664xf32, #tpu.memory_space<vmem>>, vector<16xf32>,
        %get3A_1654 = arith.constant 2048 : index
        %get3A_1655 = tpu.vector_load %arg8[%get3A_1654] {strides = array<i32>} : memref<4096xf32, #tpu.memory_space<vmem>>, vector<16xf32>,
        %add3A_1656 = arith.addf %get3A_1653, %get3A_1655 : vector<16xf32>
        %swap3A_1657 = arith.index_cast %add3A_1651 : i32 to index
        %swap3A_1658 = tpu.vector_load %arg7[%swap3A_1657] {strides = array<i32>} : memref<65664xf32, #tpu.memory_space<vmem>>, vector<16xf32>,
        tpu.vector_store %arg7[%swap3A_1657], %add3A_1656 {strides = array<i32>} : memref<65664xf32, #tpu.memory_space<vmem>>, vector<16xf32>,
        %add3A_1659 = arith.constant 2048 : i32
        %add3A_1660 = arith.addi %mul3A_16, %add3A_1659 : i32
        %add3A_1661 = arith.constant 16 : i32
        %add3A_1662 = arith.addi %add3A_1660, %add3A_1661 : i32
        %get3A_1663 = arith.index_cast %add3A_1662 : i32 to index
        %get3A_1664 = tpu.vector_load %arg7[%get3A_1663] {strides = array<i32>} : memref<65664xf32, #tpu.memory_space<vmem>>, vector<16xf32>,
        %get3A_1665 = arith.constant 2064 : index
        %get3A_1666 = tpu.vector_load %arg8[%get3A_1665] {strides = array<i32>} : memref<4096xf32, #tpu.memory_space<vmem>>, vector<16xf32>,
        %add3A_1667 = arith.addf %get3A_1664, %get3A_1666 : vector<16xf32>
        %swap3A_1668 = arith.index_cast %add3A_1662 : i32 to index
        %swap3A_1669 = tpu.vector_load %arg7[%swap3A_1668] {strides = array<i32>} : memref<65664xf32, #tpu.memory_space<vmem>>, vector<16xf32>,
        tpu.vector_store %arg7[%swap3A_1668], %add3A_1667 {strides = array<i32>} : memref<65664xf32, #tpu.memory_space<vmem>>, vector<16xf32>,
        %add3A_1670 = arith.constant 2048 : i32
        %add3A_1671 = arith.addi %mul3A_16, %add3A_1670 : i32
        %add3A_1672 = arith.constant 32 : i32
        %add3A_1673 = arith.addi %add3A_1671, %add3A_1672 : i32
        %get3A_1674 = arith.index_cast %add3A_1673 : i32 to index
        %get3A_1675 = tpu.vector_load %arg7[%get3A_1674] {strides = array<i32>} : memref<65664xf32, #tpu.memory_space<vmem>>, vector<16xf32>,
        %get3A_1676 = arith.constant 2080 : index
        %get3A_1677 = tpu.vector_load %arg8[%get3A_1676] {strides = array<i32>} : memref<4096xf32, #tpu.memory_space<vmem>>, vector<16xf32>,
        %add3A_1678 = arith.addf %get3A_1675, %get3A_1677 : vector<16xf32>
        %swap3A_1679 = arith.index_cast %add3A_1673 : i32 to index
        %swap3A_1680 = tpu.vector_load %arg7[%swap3A_1679] {strides = array<i32>} : memref<65664xf32, #tpu.memory_space<vmem>>, vector<16xf32>,
        tpu.vector_store %arg7[%swap3A_1679], %add3A_1678 {strides = array<i32>} : memref<65664xf32, #tpu.memory_space<vmem>>, vector<16xf32>,
        %add3A_1681 = arith.constant 2048 : i32
        %add3A_1682 = arith.addi %mul3A_16, %add3A_1681 : i32
        %add3A_1683 = arith.constant 48 : i32
        %add3A_1684 = arith.addi %add3A_1682, %add3A_1683 : i32
        %get3A_1685 = arith.index_cast %add3A_1684 : i32 to index
        %get3A_1686 = tpu.vector_load %arg7[%get3A_1685] {strides = array<i32>} : memref<65664xf32, #tpu.memory_space<vmem>>, vector<16xf32>,
        %get3A_1687 = arith.constant 2096 : index
        %get3A_1688 = tpu.vector_load %arg8[%get3A_1687] {strides = array<i32>} : memref<4096xf32, #tpu.memory_space<vmem>>, vector<16xf32>,
        %add3A_1689 = arith.addf %get3A_1686, %get3A_1688 : vector<16xf32>
        %swap3A_1690 = arith.index_cast %add3A_1684 : i32 to index
        %swap3A_1691 = tpu.vector_load %arg7[%swap3A_1690] {strides = array<i32>} : memref<65664xf32, #tpu.memory_space<vmem>>, vector<16xf32>,
        tpu.vector_store %arg7[%swap3A_1690], %add3A_1689 {strides = array<i32>} : memref<65664xf32, #tpu.memory_space<vmem>>, vector<16xf32>,
        %add3A_1692 = arith.constant 2048 : i32
        %add3A_1693 = arith.addi %mul3A_16, %add3A_1692 : i32
        %add3A_1694 = arith.constant 64 : i32
        %add3A_1695 = arith.addi %add3A_1693, %add3A_1694 : i32
        %get3A_1696 = arith.index_cast %add3A_1695 : i32 to index
        %get3A_1697 = tpu.vector_load %arg7[%get3A_1696] {strides = array<i32>} : memref<65664xf32, #tpu.memory_space<vmem>>, vector<16xf32>,
        %get3A_1698 = arith.constant 2112 : index
        %get3A_1699 = tpu.vector_load %arg8[%get3A_1698] {strides = array<i32>} : memref<4096xf32, #tpu.memory_space<vmem>>, vector<16xf32>,
        %add3A_1700 = arith.addf %get3A_1697, %get3A_1699 : vector<16xf32>
        %swap3A_1701 = arith.index_cast %add3A_1695 : i32 to index
        %swap3A_1702 = tpu.vector_load %arg7[%swap3A_1701] {strides = array<i32>} : memref<65664xf32, #tpu.memory_space<vmem>>, vector<16xf32>,
        tpu.vector_store %arg7[%swap3A_1701], %add3A_1700 {strides = array<i32>} : memref<65664xf32, #tpu.memory_space<vmem>>, vector<16xf32>,
        %add3A_1703 = arith.constant 2048 : i32
        %add3A_1704 = arith.addi %mul3A_16, %add3A_1703 : i32
        %add3A_1705 = arith.constant 80 : i32
        %add3A_1706 = arith.addi %add3A_1704, %add3A_1705 : i32
        %get3A_1707 = arith.index_cast %add3A_1706 : i32 to index
        %get3A_1708 = tpu.vector_load %arg7[%get3A_1707] {strides = array<i32>} : memref<65664xf32, #tpu.memory_space<vmem>>, vector<16xf32>,
        %get3A_1709 = arith.constant 2128 : index
        %get3A_1710 = tpu.vector_load %arg8[%get3A_1709] {strides = array<i32>} : memref<4096xf32, #tpu.memory_space<vmem>>, vector<16xf32>,
        %add3A_1711 = arith.addf %get3A_1708, %get3A_1710 : vector<16xf32>
        %swap3A_1712 = arith.index_cast %add3A_1706 : i32 to index
        %swap3A_1713 = tpu.vector_load %arg7[%swap3A_1712] {strides = array<i32>} : memref<65664xf32, #tpu.memory_space<vmem>>, vector<16xf32>,
        tpu.vector_store %arg7[%swap3A_1712], %add3A_1711 {strides = array<i32>} : memref<65664xf32, #tpu.memory_space<vmem>>, vector<16xf32>,
        %add3A_1714 = arith.constant 2048 : i32
        %add3A_1715 = arith.addi %mul3A_16, %add3A_1714 : i32
        %add3A_1716 = arith.constant 96 : i32
        %add3A_1717 = arith.addi %add3A_1715, %add3A_1716 : i32
        %get3A_1718 = arith.index_cast %add3A_1717 : i32 to index
        %get3A_1719 = tpu.vector_load %arg7[%get3A_1718] {strides = array<i32>} : memref<65664xf32, #tpu.memory_space<vmem>>, vector<16xf32>,
        %get3A_1720 = arith.constant 2144 : index
        %get3A_1721 = tpu.vector_load %arg8[%get3A_1720] {strides = array<i32>} : memref<4096xf32, #tpu.memory_space<vmem>>, vector<16xf32>,
        %add3A_1722 = arith.addf %get3A_1719, %get3A_1721 : vector<16xf32>
        %swap3A_1723 = arith.index_cast %add3A_1717 : i32 to index
        %swap3A_1724 = tpu.vector_load %arg7[%swap3A_1723] {strides = array<i32>} : memref<65664xf32, #tpu.memory_space<vmem>>, vector<16xf32>,
        tpu.vector_store %arg7[%swap3A_1723], %add3A_1722 {strides = array<i32>} : memref<65664xf32, #tpu.memory_space<vmem>>, vector<16xf32>,
        %add3A_1725 = arith.constant 2048 : i32
        %add3A_1726 = arith.addi %mul3A_16, %add3A_1725 : i32
        %add3A_1727 = arith.constant 112 : i32
        %add3A_1728 = arith.addi %add3A_1726, %add3A_1727 : i32
        %get3A_1729 = arith.index_cast %add3A_1728 : i32 to index
        %get3A_1730 = tpu.vector_load %arg7[%get3A_1729] {strides = array<i32>} : memref<65664xf32, #tpu.memory_space<vmem>>, vector<16xf32>,
        %get3A_1731 = arith.constant 2160 : index
        %get3A_1732 = tpu.vector_load %arg8[%get3A_1731] {strides = array<i32>} : memref<4096xf32, #tpu.memory_space<vmem>>, vector<16xf32>,
        %add3A_1733 = arith.addf %get3A_1730, %get3A_1732 : vector<16xf32>
        %swap3A_1734 = arith.index_cast %add3A_1728 : i32 to index
        %swap3A_1735 = tpu.vector_load %arg7[%swap3A_1734] {strides = array<i32>} : memref<65664xf32, #tpu.memory_space<vmem>>, vector<16xf32>,
        tpu.vector_store %arg7[%swap3A_1734], %add3A_1733 {strides = array<i32>} : memref<65664xf32, #tpu.memory_space<vmem>>, vector<16xf32>,
        %add3A_1736 = arith.constant 2176 : i32
        %add3A_1737 = arith.addi %mul3A_16, %add3A_1736 : i32
        %add3A_1738 = arith.constant 0 : i32
        %add3A_1739 = arith.addi %add3A_1737, %add3A_1738 : i32
        %get3A_1740 = arith.index_cast %add3A_1739 : i32 to index
        %get3A_1741 = tpu.vector_load %arg7[%get3A_1740] {strides = array<i32>} : memref<65664xf32, #tpu.memory_space<vmem>>, vector<16xf32>,
        %get3A_1742 = arith.constant 2176 : index
        %get3A_1743 = tpu.vector_load %arg8[%get3A_1742] {strides = array<i32>} : memref<4096xf32, #tpu.memory_space<vmem>>, vector<16xf32>,
        %add3A_1744 = arith.addf %get3A_1741, %get3A_1743 : vector<16xf32>
        %swap3A_1745 = arith.index_cast %add3A_1739 : i32 to index
        %swap3A_1746 = tpu.vector_load %arg7[%swap3A_1745] {strides = array<i32>} : memref<65664xf32, #tpu.memory_space<vmem>>, vector<16xf32>,
        tpu.vector_store %arg7[%swap3A_1745], %add3A_1744 {strides = array<i32>} : memref<65664xf32, #tpu.memory_space<vmem>>, vector<16xf32>,
        %add3A_1747 = arith.constant 2176 : i32
        %add3A_1748 = arith.addi %mul3A_16, %add3A_1747 : i32
        %add3A_1749 = arith.constant 16 : i32
        %add3A_1750 = arith.addi %add3A_1748, %add3A_1749 : i32
        %get3A_1751 = arith.index_cast %add3A_1750 : i32 to index
        %get3A_1752 = tpu.vector_load %arg7[%get3A_1751] {strides = array<i32>} : memref<65664xf32, #tpu.memory_space<vmem>>, vector<16xf32>,
        %get3A_1753 = arith.constant 2192 : index
        %get3A_1754 = tpu.vector_load %arg8[%get3A_1753] {strides = array<i32>} : memref<4096xf32, #tpu.memory_space<vmem>>, vector<16xf32>,
        %add3A_1755 = arith.addf %get3A_1752, %get3A_1754 : vector<16xf32>
        %swap3A_1756 = arith.index_cast %add3A_1750 : i32 to index
        %swap3A_1757 = tpu.vector_load %arg7[%swap3A_1756] {strides = array<i32>} : memref<65664xf32, #tpu.memory_space<vmem>>, vector<16xf32>,
        tpu.vector_store %arg7[%swap3A_1756], %add3A_1755 {strides = array<i32>} : memref<65664xf32, #tpu.memory_space<vmem>>, vector<16xf32>,
        %add3A_1758 = arith.constant 2176 : i32
        %add3A_1759 = arith.addi %mul3A_16, %add3A_1758 : i32
        %add3A_1760 = arith.constant 32 : i32
        %add3A_1761 = arith.addi %add3A_1759, %add3A_1760 : i32
        %get3A_1762 = arith.index_cast %add3A_1761 : i32 to index
        %get3A_1763 = tpu.vector_load %arg7[%get3A_1762] {strides = array<i32>} : memref<65664xf32, #tpu.memory_space<vmem>>, vector<16xf32>,
        %get3A_1764 = arith.constant 2208 : index
        %get3A_1765 = tpu.vector_load %arg8[%get3A_1764] {strides = array<i32>} : memref<4096xf32, #tpu.memory_space<vmem>>, vector<16xf32>,
        %add3A_1766 = arith.addf %get3A_1763, %get3A_1765 : vector<16xf32>
        %swap3A_1767 = arith.index_cast %add3A_1761 : i32 to index
        %swap3A_1768 = tpu.vector_load %arg7[%swap3A_1767] {strides = array<i32>} : memref<65664xf32, #tpu.memory_space<vmem>>, vector<16xf32>,
        tpu.vector_store %arg7[%swap3A_1767], %add3A_1766 {strides = array<i32>} : memref<65664xf32, #tpu.memory_space<vmem>>, vector<16xf32>,
        %add3A_1769 = arith.constant 2176 : i32
        %add3A_1770 = arith.addi %mul3A_16, %add3A_1769 : i32
        %add3A_1771 = arith.constant 48 : i32
        %add3A_1772 = arith.addi %add3A_1770, %add3A_1771 : i32
        %get3A_1773 = arith.index_cast %add3A_1772 : i32 to index
        %get3A_1774 = tpu.vector_load %arg7[%get3A_1773] {strides = array<i32>} : memref<65664xf32, #tpu.memory_space<vmem>>, vector<16xf32>,
        %get3A_1775 = arith.constant 2224 : index
        %get3A_1776 = tpu.vector_load %arg8[%get3A_1775] {strides = array<i32>} : memref<4096xf32, #tpu.memory_space<vmem>>, vector<16xf32>,
        %add3A_1777 = arith.addf %get3A_1774, %get3A_1776 : vector<16xf32>
        %swap3A_1778 = arith.index_cast %add3A_1772 : i32 to index
        %swap3A_1779 = tpu.vector_load %arg7[%swap3A_1778] {strides = array<i32>} : memref<65664xf32, #tpu.memory_space<vmem>>, vector<16xf32>,
        tpu.vector_store %arg7[%swap3A_1778], %add3A_1777 {strides = array<i32>} : memref<65664xf32, #tpu.memory_space<vmem>>, vector<16xf32>,
        %add3A_1780 = arith.constant 2176 : i32
        %add3A_1781 = arith.addi %mul3A_16, %add3A_1780 : i32
        %add3A_1782 = arith.constant 64 : i32
        %add3A_1783 = arith.addi %add3A_1781, %add3A_1782 : i32
        %get3A_1784 = arith.index_cast %add3A_1783 : i32 to index
        %get3A_1785 = tpu.vector_load %arg7[%get3A_1784] {strides = array<i32>} : memref<65664xf32, #tpu.memory_space<vmem>>, vector<16xf32>,
        %get3A_1786 = arith.constant 2240 : index
        %get3A_1787 = tpu.vector_load %arg8[%get3A_1786] {strides = array<i32>} : memref<4096xf32, #tpu.memory_space<vmem>>, vector<16xf32>,
        %add3A_1788 = arith.addf %get3A_1785, %get3A_1787 : vector<16xf32>
        %swap3A_1789 = arith.index_cast %add3A_1783 : i32 to index
        %swap3A_1790 = tpu.vector_load %arg7[%swap3A_1789] {strides = array<i32>} : memref<65664xf32, #tpu.memory_space<vmem>>, vector<16xf32>,
        tpu.vector_store %arg7[%swap3A_1789], %add3A_1788 {strides = array<i32>} : memref<65664xf32, #tpu.memory_space<vmem>>, vector<16xf32>,
        %add3A_1791 = arith.constant 2176 : i32
        %add3A_1792 = arith.addi %mul3A_16, %add3A_1791 : i32
        %add3A_1793 = arith.constant 80 : i32
        %add3A_1794 = arith.addi %add3A_1792, %add3A_1793 : i32
        %get3A_1795 = arith.index_cast %add3A_1794 : i32 to index
        %get3A_1796 = tpu.vector_load %arg7[%get3A_1795] {strides = array<i32>} : memref<65664xf32, #tpu.memory_space<vmem>>, vector<16xf32>,
        %get3A_1797 = arith.constant 2256 : index
        %get3A_1798 = tpu.vector_load %arg8[%get3A_1797] {strides = array<i32>} : memref<4096xf32, #tpu.memory_space<vmem>>, vector<16xf32>,
        %add3A_1799 = arith.addf %get3A_1796, %get3A_1798 : vector<16xf32>
        %swap3A_1800 = arith.index_cast %add3A_1794 : i32 to index
        %swap3A_1801 = tpu.vector_load %arg7[%swap3A_1800] {strides = array<i32>} : memref<65664xf32, #tpu.memory_space<vmem>>, vector<16xf32>,
        tpu.vector_store %arg7[%swap3A_1800], %add3A_1799 {strides = array<i32>} : memref<65664xf32, #tpu.memory_space<vmem>>, vector<16xf32>,
        %add3A_1802 = arith.constant 2176 : i32
        %add3A_1803 = arith.addi %mul3A_16, %add3A_1802 : i32
        %add3A_1804 = arith.constant 96 : i32
        %add3A_1805 = arith.addi %add3A_1803, %add3A_1804 : i32
        %get3A_1806 = arith.index_cast %add3A_1805 : i32 to index
        %get3A_1807 = tpu.vector_load %arg7[%get3A_1806] {strides = array<i32>} : memref<65664xf32, #tpu.memory_space<vmem>>, vector<16xf32>,
        %get3A_1808 = arith.constant 2272 : index
        %get3A_1809 = tpu.vector_load %arg8[%get3A_1808] {strides = array<i32>} : memref<4096xf32, #tpu.memory_space<vmem>>, vector<16xf32>,
        %add3A_1810 = arith.addf %get3A_1807, %get3A_1809 : vector<16xf32>
        %swap3A_1811 = arith.index_cast %add3A_1805 : i32 to index
        %swap3A_1812 = tpu.vector_load %arg7[%swap3A_1811] {strides = array<i32>} : memref<65664xf32, #tpu.memory_space<vmem>>, vector<16xf32>,
        tpu.vector_store %arg7[%swap3A_1811], %add3A_1810 {strides = array<i32>} : memref<65664xf32, #tpu.memory_space<vmem>>, vector<16xf32>,
        %add3A_1813 = arith.constant 2176 : i32
        %add3A_1814 = arith.addi %mul3A_16, %add3A_1813 : i32
        %add3A_1815 = arith.constant 112 : i32
        %add3A_1816 = arith.addi %add3A_1814, %add3A_1815 : i32
        %get3A_1817 = arith.index_cast %add3A_1816 : i32 to index
        %get3A_1818 = tpu.vector_load %arg7[%get3A_1817] {strides = array<i32>} : memref<65664xf32, #tpu.memory_space<vmem>>, vector<16xf32>,
        %get3A_1819 = arith.constant 2288 : index
        %get3A_1820 = tpu.vector_load %arg8[%get3A_1819] {strides = array<i32>} : memref<4096xf32, #tpu.memory_space<vmem>>, vector<16xf32>,
        %add3A_1821 = arith.addf %get3A_1818, %get3A_1820 : vector<16xf32>
        %swap3A_1822 = arith.index_cast %add3A_1816 : i32 to index
        %swap3A_1823 = tpu.vector_load %arg7[%swap3A_1822] {strides = array<i32>} : memref<65664xf32, #tpu.memory_space<vmem>>, vector<16xf32>,
        tpu.vector_store %arg7[%swap3A_1822], %add3A_1821 {strides = array<i32>} : memref<65664xf32, #tpu.memory_space<vmem>>, vector<16xf32>,
        %add3A_1824 = arith.constant 2304 : i32
        %add3A_1825 = arith.addi %mul3A_16, %add3A_1824 : i32
        %add3A_1826 = arith.constant 0 : i32
        %add3A_1827 = arith.addi %add3A_1825, %add3A_1826 : i32
        %get3A_1828 = arith.index_cast %add3A_1827 : i32 to index
        %get3A_1829 = tpu.vector_load %arg7[%get3A_1828] {strides = array<i32>} : memref<65664xf32, #tpu.memory_space<vmem>>, vector<16xf32>,
        %get3A_1830 = arith.constant 2304 : index
        %get3A_1831 = tpu.vector_load %arg8[%get3A_1830] {strides = array<i32>} : memref<4096xf32, #tpu.memory_space<vmem>>, vector<16xf32>,
        %add3A_1832 = arith.addf %get3A_1829, %get3A_1831 : vector<16xf32>
        %swap3A_1833 = arith.index_cast %add3A_1827 : i32 to index
        %swap3A_1834 = tpu.vector_load %arg7[%swap3A_1833] {strides = array<i32>} : memref<65664xf32, #tpu.memory_space<vmem>>, vector<16xf32>,
        tpu.vector_store %arg7[%swap3A_1833], %add3A_1832 {strides = array<i32>} : memref<65664xf32, #tpu.memory_space<vmem>>, vector<16xf32>,
        %add3A_1835 = arith.constant 2304 : i32
        %add3A_1836 = arith.addi %mul3A_16, %add3A_1835 : i32
        %add3A_1837 = arith.constant 16 : i32
        %add3A_1838 = arith.addi %add3A_1836, %add3A_1837 : i32
        %get3A_1839 = arith.index_cast %add3A_1838 : i32 to index
        %get3A_1840 = tpu.vector_load %arg7[%get3A_1839] {strides = array<i32>} : memref<65664xf32, #tpu.memory_space<vmem>>, vector<16xf32>,
        %get3A_1841 = arith.constant 2320 : index
        %get3A_1842 = tpu.vector_load %arg8[%get3A_1841] {strides = array<i32>} : memref<4096xf32, #tpu.memory_space<vmem>>, vector<16xf32>,
        %add3A_1843 = arith.addf %get3A_1840, %get3A_1842 : vector<16xf32>
        %swap3A_1844 = arith.index_cast %add3A_1838 : i32 to index
        %swap3A_1845 = tpu.vector_load %arg7[%swap3A_1844] {strides = array<i32>} : memref<65664xf32, #tpu.memory_space<vmem>>, vector<16xf32>,
        tpu.vector_store %arg7[%swap3A_1844], %add3A_1843 {strides = array<i32>} : memref<65664xf32, #tpu.memory_space<vmem>>, vector<16xf32>,
        %add3A_1846 = arith.constant 2304 : i32
        %add3A_1847 = arith.addi %mul3A_16, %add3A_1846 : i32
        %add3A_1848 = arith.constant 32 : i32
        %add3A_1849 = arith.addi %add3A_1847, %add3A_1848 : i32
        %get3A_1850 = arith.index_cast %add3A_1849 : i32 to index
        %get3A_1851 = tpu.vector_load %arg7[%get3A_1850] {strides = array<i32>} : memref<65664xf32, #tpu.memory_space<vmem>>, vector<16xf32>,
        %get3A_1852 = arith.constant 2336 : index
        %get3A_1853 = tpu.vector_load %arg8[%get3A_1852] {strides = array<i32>} : memref<4096xf32, #tpu.memory_space<vmem>>, vector<16xf32>,
        %add3A_1854 = arith.addf %get3A_1851, %get3A_1853 : vector<16xf32>
        %swap3A_1855 = arith.index_cast %add3A_1849 : i32 to index
        %swap3A_1856 = tpu.vector_load %arg7[%swap3A_1855] {strides = array<i32>} : memref<65664xf32, #tpu.memory_space<vmem>>, vector<16xf32>,
        tpu.vector_store %arg7[%swap3A_1855], %add3A_1854 {strides = array<i32>} : memref<65664xf32, #tpu.memory_space<vmem>>, vector<16xf32>,
        %add3A_1857 = arith.constant 2304 : i32
        %add3A_1858 = arith.addi %mul3A_16, %add3A_1857 : i32
        %add3A_1859 = arith.constant 48 : i32
        %add3A_1860 = arith.addi %add3A_1858, %add3A_1859 : i32
        %get3A_1861 = arith.index_cast %add3A_1860 : i32 to index
        %get3A_1862 = tpu.vector_load %arg7[%get3A_1861] {strides = array<i32>} : memref<65664xf32, #tpu.memory_space<vmem>>, vector<16xf32>,
        %get3A_1863 = arith.constant 2352 : index
        %get3A_1864 = tpu.vector_load %arg8[%get3A_1863] {strides = array<i32>} : memref<4096xf32, #tpu.memory_space<vmem>>, vector<16xf32>,
        %add3A_1865 = arith.addf %get3A_1862, %get3A_1864 : vector<16xf32>
        %swap3A_1866 = arith.index_cast %add3A_1860 : i32 to index
        %swap3A_1867 = tpu.vector_load %arg7[%swap3A_1866] {strides = array<i32>} : memref<65664xf32, #tpu.memory_space<vmem>>, vector<16xf32>,
        tpu.vector_store %arg7[%swap3A_1866], %add3A_1865 {strides = array<i32>} : memref<65664xf32, #tpu.memory_space<vmem>>, vector<16xf32>,
        %add3A_1868 = arith.constant 2304 : i32
        %add3A_1869 = arith.addi %mul3A_16, %add3A_1868 : i32
        %add3A_1870 = arith.constant 64 : i32
        %add3A_1871 = arith.addi %add3A_1869, %add3A_1870 : i32
        %get3A_1872 = arith.index_cast %add3A_1871 : i32 to index
        %get3A_1873 = tpu.vector_load %arg7[%get3A_1872] {strides = array<i32>} : memref<65664xf32, #tpu.memory_space<vmem>>, vector<16xf32>,
        %get3A_1874 = arith.constant 2368 : index
        %get3A_1875 = tpu.vector_load %arg8[%get3A_1874] {strides = array<i32>} : memref<4096xf32, #tpu.memory_space<vmem>>, vector<16xf32>,
        %add3A_1876 = arith.addf %get3A_1873, %get3A_1875 : vector<16xf32>
        %swap3A_1877 = arith.index_cast %add3A_1871 : i32 to index
        %swap3A_1878 = tpu.vector_load %arg7[%swap3A_1877] {strides = array<i32>} : memref<65664xf32, #tpu.memory_space<vmem>>, vector<16xf32>,
        tpu.vector_store %arg7[%swap3A_1877], %add3A_1876 {strides = array<i32>} : memref<65664xf32, #tpu.memory_space<vmem>>, vector<16xf32>,
        %add3A_1879 = arith.constant 2304 : i32
        %add3A_1880 = arith.addi %mul3A_16, %add3A_1879 : i32
        %add3A_1881 = arith.constant 80 : i32
        %add3A_1882 = arith.addi %add3A_1880, %add3A_1881 : i32
        %get3A_1883 = arith.index_cast %add3A_1882 : i32 to index
        %get3A_1884 = tpu.vector_load %arg7[%get3A_1883] {strides = array<i32>} : memref<65664xf32, #tpu.memory_space<vmem>>, vector<16xf32>,
        %get3A_1885 = arith.constant 2384 : index
        %get3A_1886 = tpu.vector_load %arg8[%get3A_1885] {strides = array<i32>} : memref<4096xf32, #tpu.memory_space<vmem>>, vector<16xf32>,
        %add3A_1887 = arith.addf %get3A_1884, %get3A_1886 : vector<16xf32>
        %swap3A_1888 = arith.index_cast %add3A_1882 : i32 to index
        %swap3A_1889 = tpu.vector_load %arg7[%swap3A_1888] {strides = array<i32>} : memref<65664xf32, #tpu.memory_space<vmem>>, vector<16xf32>,
        tpu.vector_store %arg7[%swap3A_1888], %add3A_1887 {strides = array<i32>} : memref<65664xf32, #tpu.memory_space<vmem>>, vector<16xf32>,
        %add3A_1890 = arith.constant 2304 : i32
        %add3A_1891 = arith.addi %mul3A_16, %add3A_1890 : i32
        %add3A_1892 = arith.constant 96 : i32
        %add3A_1893 = arith.addi %add3A_1891, %add3A_1892 : i32
        %get3A_1894 = arith.index_cast %add3A_1893 : i32 to index
        %get3A_1895 = tpu.vector_load %arg7[%get3A_1894] {strides = array<i32>} : memref<65664xf32, #tpu.memory_space<vmem>>, vector<16xf32>,
        %get3A_1896 = arith.constant 2400 : index
        %get3A_1897 = tpu.vector_load %arg8[%get3A_1896] {strides = array<i32>} : memref<4096xf32, #tpu.memory_space<vmem>>, vector<16xf32>,
        %add3A_1898 = arith.addf %get3A_1895, %get3A_1897 : vector<16xf32>
        %swap3A_1899 = arith.index_cast %add3A_1893 : i32 to index
        %swap3A_1900 = tpu.vector_load %arg7[%swap3A_1899] {strides = array<i32>} : memref<65664xf32, #tpu.memory_space<vmem>>, vector<16xf32>,
        tpu.vector_store %arg7[%swap3A_1899], %add3A_1898 {strides = array<i32>} : memref<65664xf32, #tpu.memory_space<vmem>>, vector<16xf32>,
        %add3A_1901 = arith.constant 2304 : i32
        %add3A_1902 = arith.addi %mul3A_16, %add3A_1901 : i32
        %add3A_1903 = arith.constant 112 : i32
        %add3A_1904 = arith.addi %add3A_1902, %add3A_1903 : i32
        %get3A_1905 = arith.index_cast %add3A_1904 : i32 to index
        %get3A_1906 = tpu.vector_load %arg7[%get3A_1905] {strides = array<i32>} : memref<65664xf32, #tpu.memory_space<vmem>>, vector<16xf32>,
        %get3A_1907 = arith.constant 2416 : index
        %get3A_1908 = tpu.vector_load %arg8[%get3A_1907] {strides = array<i32>} : memref<4096xf32, #tpu.memory_space<vmem>>, vector<16xf32>,
        %add3A_1909 = arith.addf %get3A_1906, %get3A_1908 : vector<16xf32>
        %swap3A_1910 = arith.index_cast %add3A_1904 : i32 to index
        %swap3A_1911 = tpu.vector_load %arg7[%swap3A_1910] {strides = array<i32>} : memref<65664xf32, #tpu.memory_space<vmem>>, vector<16xf32>,
        tpu.vector_store %arg7[%swap3A_1910], %add3A_1909 {strides = array<i32>} : memref<65664xf32, #tpu.memory_space<vmem>>, vector<16xf32>,
        %add3A_1912 = arith.constant 2432 : i32
        %add3A_1913 = arith.addi %mul3A_16, %add3A_1912 : i32
        %add3A_1914 = arith.constant 0 : i32
        %add3A_1915 = arith.addi %add3A_1913, %add3A_1914 : i32
        %get3A_1916 = arith.index_cast %add3A_1915 : i32 to index
        %get3A_1917 = tpu.vector_load %arg7[%get3A_1916] {strides = array<i32>} : memref<65664xf32, #tpu.memory_space<vmem>>, vector<16xf32>,
        %get3A_1918 = arith.constant 2432 : index
        %get3A_1919 = tpu.vector_load %arg8[%get3A_1918] {strides = array<i32>} : memref<4096xf32, #tpu.memory_space<vmem>>, vector<16xf32>,
        %add3A_1920 = arith.addf %get3A_1917, %get3A_1919 : vector<16xf32>
        %swap3A_1921 = arith.index_cast %add3A_1915 : i32 to index
        %swap3A_1922 = tpu.vector_load %arg7[%swap3A_1921] {strides = array<i32>} : memref<65664xf32, #tpu.memory_space<vmem>>, vector<16xf32>,
        tpu.vector_store %arg7[%swap3A_1921], %add3A_1920 {strides = array<i32>} : memref<65664xf32, #tpu.memory_space<vmem>>, vector<16xf32>,
        %add3A_1923 = arith.constant 2432 : i32
        %add3A_1924 = arith.addi %mul3A_16, %add3A_1923 : i32
        %add3A_1925 = arith.constant 16 : i32
        %add3A_1926 = arith.addi %add3A_1924, %add3A_1925 : i32
        %get3A_1927 = arith.index_cast %add3A_1926 : i32 to index
        %get3A_1928 = tpu.vector_load %arg7[%get3A_1927] {strides = array<i32>} : memref<65664xf32, #tpu.memory_space<vmem>>, vector<16xf32>,
        %get3A_1929 = arith.constant 2448 : index
        %get3A_1930 = tpu.vector_load %arg8[%get3A_1929] {strides = array<i32>} : memref<4096xf32, #tpu.memory_space<vmem>>, vector<16xf32>,
        %add3A_1931 = arith.addf %get3A_1928, %get3A_1930 : vector<16xf32>
        %swap3A_1932 = arith.index_cast %add3A_1926 : i32 to index
        %swap3A_1933 = tpu.vector_load %arg7[%swap3A_1932] {strides = array<i32>} : memref<65664xf32, #tpu.memory_space<vmem>>, vector<16xf32>,
        tpu.vector_store %arg7[%swap3A_1932], %add3A_1931 {strides = array<i32>} : memref<65664xf32, #tpu.memory_space<vmem>>, vector<16xf32>,
        %add3A_1934 = arith.constant 2432 : i32
        %add3A_1935 = arith.addi %mul3A_16, %add3A_1934 : i32
        %add3A_1936 = arith.constant 32 : i32
        %add3A_1937 = arith.addi %add3A_1935, %add3A_1936 : i32
        %get3A_1938 = arith.index_cast %add3A_1937 : i32 to index
        %get3A_1939 = tpu.vector_load %arg7[%get3A_1938] {strides = array<i32>} : memref<65664xf32, #tpu.memory_space<vmem>>, vector<16xf32>,
        %get3A_1940 = arith.constant 2464 : index
        %get3A_1941 = tpu.vector_load %arg8[%get3A_1940] {strides = array<i32>} : memref<4096xf32, #tpu.memory_space<vmem>>, vector<16xf32>,
        %add3A_1942 = arith.addf %get3A_1939, %get3A_1941 : vector<16xf32>
        %swap3A_1943 = arith.index_cast %add3A_1937 : i32 to index
        %swap3A_1944 = tpu.vector_load %arg7[%swap3A_1943] {strides = array<i32>} : memref<65664xf32, #tpu.memory_space<vmem>>, vector<16xf32>,
        tpu.vector_store %arg7[%swap3A_1943], %add3A_1942 {strides = array<i32>} : memref<65664xf32, #tpu.memory_space<vmem>>, vector<16xf32>,
        %add3A_1945 = arith.constant 2432 : i32
        %add3A_1946 = arith.addi %mul3A_16, %add3A_1945 : i32
        %add3A_1947 = arith.constant 48 : i32
        %add3A_1948 = arith.addi %add3A_1946, %add3A_1947 : i32
        %get3A_1949 = arith.index_cast %add3A_1948 : i32 to index
        %get3A_1950 = tpu.vector_load %arg7[%get3A_1949] {strides = array<i32>} : memref<65664xf32, #tpu.memory_space<vmem>>, vector<16xf32>,
        %get3A_1951 = arith.constant 2480 : index
        %get3A_1952 = tpu.vector_load %arg8[%get3A_1951] {strides = array<i32>} : memref<4096xf32, #tpu.memory_space<vmem>>, vector<16xf32>,
        %add3A_1953 = arith.addf %get3A_1950, %get3A_1952 : vector<16xf32>
        %swap3A_1954 = arith.index_cast %add3A_1948 : i32 to index
        %swap3A_1955 = tpu.vector_load %arg7[%swap3A_1954] {strides = array<i32>} : memref<65664xf32, #tpu.memory_space<vmem>>, vector<16xf32>,
        tpu.vector_store %arg7[%swap3A_1954], %add3A_1953 {strides = array<i32>} : memref<65664xf32, #tpu.memory_space<vmem>>, vector<16xf32>,
        %add3A_1956 = arith.constant 2432 : i32
        %add3A_1957 = arith.addi %mul3A_16, %add3A_1956 : i32
        %add3A_1958 = arith.constant 64 : i32
        %add3A_1959 = arith.addi %add3A_1957, %add3A_1958 : i32
        %get3A_1960 = arith.index_cast %add3A_1959 : i32 to index
        %get3A_1961 = tpu.vector_load %arg7[%get3A_1960] {strides = array<i32>} : memref<65664xf32, #tpu.memory_space<vmem>>, vector<16xf32>,
        %get3A_1962 = arith.constant 2496 : index
        %get3A_1963 = tpu.vector_load %arg8[%get3A_1962] {strides = array<i32>} : memref<4096xf32, #tpu.memory_space<vmem>>, vector<16xf32>,
        %add3A_1964 = arith.addf %get3A_1961, %get3A_1963 : vector<16xf32>
        %swap3A_1965 = arith.index_cast %add3A_1959 : i32 to index
        %swap3A_1966 = tpu.vector_load %arg7[%swap3A_1965] {strides = array<i32>} : memref<65664xf32, #tpu.memory_space<vmem>>, vector<16xf32>,
        tpu.vector_store %arg7[%swap3A_1965], %add3A_1964 {strides = array<i32>} : memref<65664xf32, #tpu.memory_space<vmem>>, vector<16xf32>,
        %add3A_1967 = arith.constant 2432 : i32
        %add3A_1968 = arith.addi %mul3A_16, %add3A_1967 : i32
        %add3A_1969 = arith.constant 80 : i32
        %add3A_1970 = arith.addi %add3A_1968, %add3A_1969 : i32
        %get3A_1971 = arith.index_cast %add3A_1970 : i32 to index
        %get3A_1972 = tpu.vector_load %arg7[%get3A_1971] {strides = array<i32>} : memref<65664xf32, #tpu.memory_space<vmem>>, vector<16xf32>,
        %get3A_1973 = arith.constant 2512 : index
        %get3A_1974 = tpu.vector_load %arg8[%get3A_1973] {strides = array<i32>} : memref<4096xf32, #tpu.memory_space<vmem>>, vector<16xf32>,
        %add3A_1975 = arith.addf %get3A_1972, %get3A_1974 : vector<16xf32>
        %swap3A_1976 = arith.index_cast %add3A_1970 : i32 to index
        %swap3A_1977 = tpu.vector_load %arg7[%swap3A_1976] {strides = array<i32>} : memref<65664xf32, #tpu.memory_space<vmem>>, vector<16xf32>,
        tpu.vector_store %arg7[%swap3A_1976], %add3A_1975 {strides = array<i32>} : memref<65664xf32, #tpu.memory_space<vmem>>, vector<16xf32>,
        %add3A_1978 = arith.constant 2432 : i32
        %add3A_1979 = arith.addi %mul3A_16, %add3A_1978 : i32
        %add3A_1980 = arith.constant 96 : i32
        %add3A_1981 = arith.addi %add3A_1979, %add3A_1980 : i32
        %get3A_1982 = arith.index_cast %add3A_1981 : i32 to index
        %get3A_1983 = tpu.vector_load %arg7[%get3A_1982] {strides = array<i32>} : memref<65664xf32, #tpu.memory_space<vmem>>, vector<16xf32>,
        %get3A_1984 = arith.constant 2528 : index
        %get3A_1985 = tpu.vector_load %arg8[%get3A_1984] {strides = array<i32>} : memref<4096xf32, #tpu.memory_space<vmem>>, vector<16xf32>,
        %add3A_1986 = arith.addf %get3A_1983, %get3A_1985 : vector<16xf32>
        %swap3A_1987 = arith.index_cast %add3A_1981 : i32 to index
        %swap3A_1988 = tpu.vector_load %arg7[%swap3A_1987] {strides = array<i32>} : memref<65664xf32, #tpu.memory_space<vmem>>, vector<16xf32>,
        tpu.vector_store %arg7[%swap3A_1987], %add3A_1986 {strides = array<i32>} : memref<65664xf32, #tpu.memory_space<vmem>>, vector<16xf32>,
        %add3A_1989 = arith.constant 2432 : i32
        %add3A_1990 = arith.addi %mul3A_16, %add3A_1989 : i32
        %add3A_1991 = arith.constant 112 : i32
        %add3A_1992 = arith.addi %add3A_1990, %add3A_1991 : i32
        %get3A_1993 = arith.index_cast %add3A_1992 : i32 to index
        %get3A_1994 = tpu.vector_load %arg7[%get3A_1993] {strides = array<i32>} : memref<65664xf32, #tpu.memory_space<vmem>>, vector<16xf32>,
        %get3A_1995 = arith.constant 2544 : index
        %get3A_1996 = tpu.vector_load %arg8[%get3A_1995] {strides = array<i32>} : memref<4096xf32, #tpu.memory_space<vmem>>, vector<16xf32>,
        %add3A_1997 = arith.addf %get3A_1994, %get3A_1996 : vector<16xf32>
        %swap3A_1998 = arith.index_cast %add3A_1992 : i32 to index
        %swap3A_1999 = tpu.vector_load %arg7[%swap3A_1998] {strides = array<i32>} : memref<65664xf32, #tpu.memory_space<vmem>>, vector<16xf32>,
        tpu.vector_store %arg7[%swap3A_1998], %add3A_1997 {strides = array<i32>} : memref<65664xf32, #tpu.memory_space<vmem>>, vector<16xf32>,
        %add3A_2000 = arith.constant 2560 : i32
        %add3A_2001 = arith.addi %mul3A_16, %add3A_2000 : i32
        %add3A_2002 = arith.constant 0 : i32
        %add3A_2003 = arith.addi %add3A_2001, %add3A_2002 : i32
        %get3A_2004 = arith.index_cast %add3A_2003 : i32 to index
        %get3A_2005 = tpu.vector_load %arg7[%get3A_2004] {strides = array<i32>} : memref<65664xf32, #tpu.memory_space<vmem>>, vector<16xf32>,
        %get3A_2006 = arith.constant 2560 : index
        %get3A_2007 = tpu.vector_load %arg8[%get3A_2006] {strides = array<i32>} : memref<4096xf32, #tpu.memory_space<vmem>>, vector<16xf32>,
        %add3A_2008 = arith.addf %get3A_2005, %get3A_2007 : vector<16xf32>
        %swap3A_2009 = arith.index_cast %add3A_2003 : i32 to index
        %swap3A_2010 = tpu.vector_load %arg7[%swap3A_2009] {strides = array<i32>} : memref<65664xf32, #tpu.memory_space<vmem>>, vector<16xf32>,
        tpu.vector_store %arg7[%swap3A_2009], %add3A_2008 {strides = array<i32>} : memref<65664xf32, #tpu.memory_space<vmem>>, vector<16xf32>,
        %add3A_2011 = arith.constant 2560 : i32
        %add3A_2012 = arith.addi %mul3A_16, %add3A_2011 : i32
        %add3A_2013 = arith.constant 16 : i32
        %add3A_2014 = arith.addi %add3A_2012, %add3A_2013 : i32
        %get3A_2015 = arith.index_cast %add3A_2014 : i32 to index
        %get3A_2016 = tpu.vector_load %arg7[%get3A_2015] {strides = array<i32>} : memref<65664xf32, #tpu.memory_space<vmem>>, vector<16xf32>,
        %get3A_2017 = arith.constant 2576 : index
        %get3A_2018 = tpu.vector_load %arg8[%get3A_2017] {strides = array<i32>} : memref<4096xf32, #tpu.memory_space<vmem>>, vector<16xf32>,
        %add3A_2019 = arith.addf %get3A_2016, %get3A_2018 : vector<16xf32>
        %swap3A_2020 = arith.index_cast %add3A_2014 : i32 to index
        %swap3A_2021 = tpu.vector_load %arg7[%swap3A_2020] {strides = array<i32>} : memref<65664xf32, #tpu.memory_space<vmem>>, vector<16xf32>,
        tpu.vector_store %arg7[%swap3A_2020], %add3A_2019 {strides = array<i32>} : memref<65664xf32, #tpu.memory_space<vmem>>, vector<16xf32>,
        %add3A_2022 = arith.constant 2560 : i32
        %add3A_2023 = arith.addi %mul3A_16, %add3A_2022 : i32
        %add3A_2024 = arith.constant 32 : i32
        %add3A_2025 = arith.addi %add3A_2023, %add3A_2024 : i32
        %get3A_2026 = arith.index_cast %add3A_2025 : i32 to index
        %get3A_2027 = tpu.vector_load %arg7[%get3A_2026] {strides = array<i32>} : memref<65664xf32, #tpu.memory_space<vmem>>, vector<16xf32>,
        %get3A_2028 = arith.constant 2592 : index
        %get3A_2029 = tpu.vector_load %arg8[%get3A_2028] {strides = array<i32>} : memref<4096xf32, #tpu.memory_space<vmem>>, vector<16xf32>,
        %add3A_2030 = arith.addf %get3A_2027, %get3A_2029 : vector<16xf32>
        %swap3A_2031 = arith.index_cast %add3A_2025 : i32 to index
        %swap3A_2032 = tpu.vector_load %arg7[%swap3A_2031] {strides = array<i32>} : memref<65664xf32, #tpu.memory_space<vmem>>, vector<16xf32>,
        tpu.vector_store %arg7[%swap3A_2031], %add3A_2030 {strides = array<i32>} : memref<65664xf32, #tpu.memory_space<vmem>>, vector<16xf32>,
        %add3A_2033 = arith.constant 2560 : i32
        %add3A_2034 = arith.addi %mul3A_16, %add3A_2033 : i32
        %add3A_2035 = arith.constant 48 : i32
        %add3A_2036 = arith.addi %add3A_2034, %add3A_2035 : i32
        %get3A_2037 = arith.index_cast %add3A_2036 : i32 to index
        %get3A_2038 = tpu.vector_load %arg7[%get3A_2037] {strides = array<i32>} : memref<65664xf32, #tpu.memory_space<vmem>>, vector<16xf32>,
        %get3A_2039 = arith.constant 2608 : index
        %get3A_2040 = tpu.vector_load %arg8[%get3A_2039] {strides = array<i32>} : memref<4096xf32, #tpu.memory_space<vmem>>, vector<16xf32>,
        %add3A_2041 = arith.addf %get3A_2038, %get3A_2040 : vector<16xf32>
        %swap3A_2042 = arith.index_cast %add3A_2036 : i32 to index
        %swap3A_2043 = tpu.vector_load %arg7[%swap3A_2042] {strides = array<i32>} : memref<65664xf32, #tpu.memory_space<vmem>>, vector<16xf32>,
        tpu.vector_store %arg7[%swap3A_2042], %add3A_2041 {strides = array<i32>} : memref<65664xf32, #tpu.memory_space<vmem>>, vector<16xf32>,
        %add3A_2044 = arith.constant 2560 : i32
        %add3A_2045 = arith.addi %mul3A_16, %add3A_2044 : i32
        %add3A_2046 = arith.constant 64 : i32
        %add3A_2047 = arith.addi %add3A_2045, %add3A_2046 : i32
        %get3A_2048 = arith.index_cast %add3A_2047 : i32 to index
        %get3A_2049 = tpu.vector_load %arg7[%get3A_2048] {strides = array<i32>} : memref<65664xf32, #tpu.memory_space<vmem>>, vector<16xf32>,
        %get3A_2050 = arith.constant 2624 : index
        %get3A_2051 = tpu.vector_load %arg8[%get3A_2050] {strides = array<i32>} : memref<4096xf32, #tpu.memory_space<vmem>>, vector<16xf32>,
        %add3A_2052 = arith.addf %get3A_2049, %get3A_2051 : vector<16xf32>
        %swap3A_2053 = arith.index_cast %add3A_2047 : i32 to index
        %swap3A_2054 = tpu.vector_load %arg7[%swap3A_2053] {strides = array<i32>} : memref<65664xf32, #tpu.memory_space<vmem>>, vector<16xf32>,
        tpu.vector_store %arg7[%swap3A_2053], %add3A_2052 {strides = array<i32>} : memref<65664xf32, #tpu.memory_space<vmem>>, vector<16xf32>,
        %add3A_2055 = arith.constant 2560 : i32
        %add3A_2056 = arith.addi %mul3A_16, %add3A_2055 : i32
        %add3A_2057 = arith.constant 80 : i32
        %add3A_2058 = arith.addi %add3A_2056, %add3A_2057 : i32
        %get3A_2059 = arith.index_cast %add3A_2058 : i32 to index
        %get3A_2060 = tpu.vector_load %arg7[%get3A_2059] {strides = array<i32>} : memref<65664xf32, #tpu.memory_space<vmem>>, vector<16xf32>,
        %get3A_2061 = arith.constant 2640 : index
        %get3A_2062 = tpu.vector_load %arg8[%get3A_2061] {strides = array<i32>} : memref<4096xf32, #tpu.memory_space<vmem>>, vector<16xf32>,
        %add3A_2063 = arith.addf %get3A_2060, %get3A_2062 : vector<16xf32>
        %swap3A_2064 = arith.index_cast %add3A_2058 : i32 to index
        %swap3A_2065 = tpu.vector_load %arg7[%swap3A_2064] {strides = array<i32>} : memref<65664xf32, #tpu.memory_space<vmem>>, vector<16xf32>,
        tpu.vector_store %arg7[%swap3A_2064], %add3A_2063 {strides = array<i32>} : memref<65664xf32, #tpu.memory_space<vmem>>, vector<16xf32>,
        %add3A_2066 = arith.constant 2560 : i32
        %add3A_2067 = arith.addi %mul3A_16, %add3A_2066 : i32
        %add3A_2068 = arith.constant 96 : i32
        %add3A_2069 = arith.addi %add3A_2067, %add3A_2068 : i32
        %get3A_2070 = arith.index_cast %add3A_2069 : i32 to index
        %get3A_2071 = tpu.vector_load %arg7[%get3A_2070] {strides = array<i32>} : memref<65664xf32, #tpu.memory_space<vmem>>, vector<16xf32>,
        %get3A_2072 = arith.constant 2656 : index
        %get3A_2073 = tpu.vector_load %arg8[%get3A_2072] {strides = array<i32>} : memref<4096xf32, #tpu.memory_space<vmem>>, vector<16xf32>,
        %add3A_2074 = arith.addf %get3A_2071, %get3A_2073 : vector<16xf32>
        %swap3A_2075 = arith.index_cast %add3A_2069 : i32 to index
        %swap3A_2076 = tpu.vector_load %arg7[%swap3A_2075] {strides = array<i32>} : memref<65664xf32, #tpu.memory_space<vmem>>, vector<16xf32>,
        tpu.vector_store %arg7[%swap3A_2075], %add3A_2074 {strides = array<i32>} : memref<65664xf32, #tpu.memory_space<vmem>>, vector<16xf32>,
        %add3A_2077 = arith.constant 2560 : i32
        %add3A_2078 = arith.addi %mul3A_16, %add3A_2077 : i32
        %add3A_2079 = arith.constant 112 : i32
        %add3A_2080 = arith.addi %add3A_2078, %add3A_2079 : i32
        %get3A_2081 = arith.index_cast %add3A_2080 : i32 to index
        %get3A_2082 = tpu.vector_load %arg7[%get3A_2081] {strides = array<i32>} : memref<65664xf32, #tpu.memory_space<vmem>>, vector<16xf32>,
        %get3A_2083 = arith.constant 2672 : index
        %get3A_2084 = tpu.vector_load %arg8[%get3A_2083] {strides = array<i32>} : memref<4096xf32, #tpu.memory_space<vmem>>, vector<16xf32>,
        %add3A_2085 = arith.addf %get3A_2082, %get3A_2084 : vector<16xf32>
        %swap3A_2086 = arith.index_cast %add3A_2080 : i32 to index
        %swap3A_2087 = tpu.vector_load %arg7[%swap3A_2086] {strides = array<i32>} : memref<65664xf32, #tpu.memory_space<vmem>>, vector<16xf32>,
        tpu.vector_store %arg7[%swap3A_2086], %add3A_2085 {strides = array<i32>} : memref<65664xf32, #tpu.memory_space<vmem>>, vector<16xf32>,
        %add3A_2088 = arith.constant 2688 : i32
        %add3A_2089 = arith.addi %mul3A_16, %add3A_2088 : i32
        %add3A_2090 = arith.constant 0 : i32
        %add3A_2091 = arith.addi %add3A_2089, %add3A_2090 : i32
        %get3A_2092 = arith.index_cast %add3A_2091 : i32 to index
        %get3A_2093 = tpu.vector_load %arg7[%get3A_2092] {strides = array<i32>} : memref<65664xf32, #tpu.memory_space<vmem>>, vector<16xf32>,
        %get3A_2094 = arith.constant 2688 : index
        %get3A_2095 = tpu.vector_load %arg8[%get3A_2094] {strides = array<i32>} : memref<4096xf32, #tpu.memory_space<vmem>>, vector<16xf32>,
        %add3A_2096 = arith.addf %get3A_2093, %get3A_2095 : vector<16xf32>
        %swap3A_2097 = arith.index_cast %add3A_2091 : i32 to index
        %swap3A_2098 = tpu.vector_load %arg7[%swap3A_2097] {strides = array<i32>} : memref<65664xf32, #tpu.memory_space<vmem>>, vector<16xf32>,
        tpu.vector_store %arg7[%swap3A_2097], %add3A_2096 {strides = array<i32>} : memref<65664xf32, #tpu.memory_space<vmem>>, vector<16xf32>,
        %add3A_2099 = arith.constant 2688 : i32
        %add3A_2100 = arith.addi %mul3A_16, %add3A_2099 : i32
        %add3A_2101 = arith.constant 16 : i32
        %add3A_2102 = arith.addi %add3A_2100, %add3A_2101 : i32
        %get3A_2103 = arith.index_cast %add3A_2102 : i32 to index
        %get3A_2104 = tpu.vector_load %arg7[%get3A_2103] {strides = array<i32>} : memref<65664xf32, #tpu.memory_space<vmem>>, vector<16xf32>,
        %get3A_2105 = arith.constant 2704 : index
        %get3A_2106 = tpu.vector_load %arg8[%get3A_2105] {strides = array<i32>} : memref<4096xf32, #tpu.memory_space<vmem>>, vector<16xf32>,
        %add3A_2107 = arith.addf %get3A_2104, %get3A_2106 : vector<16xf32>
        %swap3A_2108 = arith.index_cast %add3A_2102 : i32 to index
        %swap3A_2109 = tpu.vector_load %arg7[%swap3A_2108] {strides = array<i32>} : memref<65664xf32, #tpu.memory_space<vmem>>, vector<16xf32>,
        tpu.vector_store %arg7[%swap3A_2108], %add3A_2107 {strides = array<i32>} : memref<65664xf32, #tpu.memory_space<vmem>>, vector<16xf32>,
        %add3A_2110 = arith.constant 2688 : i32
        %add3A_2111 = arith.addi %mul3A_16, %add3A_2110 : i32
        %add3A_2112 = arith.constant 32 : i32
        %add3A_2113 = arith.addi %add3A_2111, %add3A_2112 : i32
        %get3A_2114 = arith.index_cast %add3A_2113 : i32 to index
        %get3A_2115 = tpu.vector_load %arg7[%get3A_2114] {strides = array<i32>} : memref<65664xf32, #tpu.memory_space<vmem>>, vector<16xf32>,
        %get3A_2116 = arith.constant 2720 : index
        %get3A_2117 = tpu.vector_load %arg8[%get3A_2116] {strides = array<i32>} : memref<4096xf32, #tpu.memory_space<vmem>>, vector<16xf32>,
        %add3A_2118 = arith.addf %get3A_2115, %get3A_2117 : vector<16xf32>
        %swap3A_2119 = arith.index_cast %add3A_2113 : i32 to index
        %swap3A_2120 = tpu.vector_load %arg7[%swap3A_2119] {strides = array<i32>} : memref<65664xf32, #tpu.memory_space<vmem>>, vector<16xf32>,
        tpu.vector_store %arg7[%swap3A_2119], %add3A_2118 {strides = array<i32>} : memref<65664xf32, #tpu.memory_space<vmem>>, vector<16xf32>,
        %add3A_2121 = arith.constant 2688 : i32
        %add3A_2122 = arith.addi %mul3A_16, %add3A_2121 : i32
        %add3A_2123 = arith.constant 48 : i32
        %add3A_2124 = arith.addi %add3A_2122, %add3A_2123 : i32
        %get3A_2125 = arith.index_cast %add3A_2124 : i32 to index
        %get3A_2126 = tpu.vector_load %arg7[%get3A_2125] {strides = array<i32>} : memref<65664xf32, #tpu.memory_space<vmem>>, vector<16xf32>,
        %get3A_2127 = arith.constant 2736 : index
        %get3A_2128 = tpu.vector_load %arg8[%get3A_2127] {strides = array<i32>} : memref<4096xf32, #tpu.memory_space<vmem>>, vector<16xf32>,
        %add3A_2129 = arith.addf %get3A_2126, %get3A_2128 : vector<16xf32>
        %swap3A_2130 = arith.index_cast %add3A_2124 : i32 to index
        %swap3A_2131 = tpu.vector_load %arg7[%swap3A_2130] {strides = array<i32>} : memref<65664xf32, #tpu.memory_space<vmem>>, vector<16xf32>,
        tpu.vector_store %arg7[%swap3A_2130], %add3A_2129 {strides = array<i32>} : memref<65664xf32, #tpu.memory_space<vmem>>, vector<16xf32>,
        %add3A_2132 = arith.constant 2688 : i32
        %add3A_2133 = arith.addi %mul3A_16, %add3A_2132 : i32
        %add3A_2134 = arith.constant 64 : i32
        %add3A_2135 = arith.addi %add3A_2133, %add3A_2134 : i32
        %get3A_2136 = arith.index_cast %add3A_2135 : i32 to index
        %get3A_2137 = tpu.vector_load %arg7[%get3A_2136] {strides = array<i32>} : memref<65664xf32, #tpu.memory_space<vmem>>, vector<16xf32>,
        %get3A_2138 = arith.constant 2752 : index
        %get3A_2139 = tpu.vector_load %arg8[%get3A_2138] {strides = array<i32>} : memref<4096xf32, #tpu.memory_space<vmem>>, vector<16xf32>,
        %add3A_2140 = arith.addf %get3A_2137, %get3A_2139 : vector<16xf32>
        %swap3A_2141 = arith.index_cast %add3A_2135 : i32 to index
        %swap3A_2142 = tpu.vector_load %arg7[%swap3A_2141] {strides = array<i32>} : memref<65664xf32, #tpu.memory_space<vmem>>, vector<16xf32>,
        tpu.vector_store %arg7[%swap3A_2141], %add3A_2140 {strides = array<i32>} : memref<65664xf32, #tpu.memory_space<vmem>>, vector<16xf32>,
        %add3A_2143 = arith.constant 2688 : i32
        %add3A_2144 = arith.addi %mul3A_16, %add3A_2143 : i32
        %add3A_2145 = arith.constant 80 : i32
        %add3A_2146 = arith.addi %add3A_2144, %add3A_2145 : i32
        %get3A_2147 = arith.index_cast %add3A_2146 : i32 to index
        %get3A_2148 = tpu.vector_load %arg7[%get3A_2147] {strides = array<i32>} : memref<65664xf32, #tpu.memory_space<vmem>>, vector<16xf32>,
        %get3A_2149 = arith.constant 2768 : index
        %get3A_2150 = tpu.vector_load %arg8[%get3A_2149] {strides = array<i32>} : memref<4096xf32, #tpu.memory_space<vmem>>, vector<16xf32>,
        %add3A_2151 = arith.addf %get3A_2148, %get3A_2150 : vector<16xf32>
        %swap3A_2152 = arith.index_cast %add3A_2146 : i32 to index
        %swap3A_2153 = tpu.vector_load %arg7[%swap3A_2152] {strides = array<i32>} : memref<65664xf32, #tpu.memory_space<vmem>>, vector<16xf32>,
        tpu.vector_store %arg7[%swap3A_2152], %add3A_2151 {strides = array<i32>} : memref<65664xf32, #tpu.memory_space<vmem>>, vector<16xf32>,
        %add3A_2154 = arith.constant 2688 : i32
        %add3A_2155 = arith.addi %mul3A_16, %add3A_2154 : i32
        %add3A_2156 = arith.constant 96 : i32
        %add3A_2157 = arith.addi %add3A_2155, %add3A_2156 : i32
        %get3A_2158 = arith.index_cast %add3A_2157 : i32 to index
        %get3A_2159 = tpu.vector_load %arg7[%get3A_2158] {strides = array<i32>} : memref<65664xf32, #tpu.memory_space<vmem>>, vector<16xf32>,
        %get3A_2160 = arith.constant 2784 : index
        %get3A_2161 = tpu.vector_load %arg8[%get3A_2160] {strides = array<i32>} : memref<4096xf32, #tpu.memory_space<vmem>>, vector<16xf32>,
        %add3A_2162 = arith.addf %get3A_2159, %get3A_2161 : vector<16xf32>
        %swap3A_2163 = arith.index_cast %add3A_2157 : i32 to index
        %swap3A_2164 = tpu.vector_load %arg7[%swap3A_2163] {strides = array<i32>} : memref<65664xf32, #tpu.memory_space<vmem>>, vector<16xf32>,
        tpu.vector_store %arg7[%swap3A_2163], %add3A_2162 {strides = array<i32>} : memref<65664xf32, #tpu.memory_space<vmem>>, vector<16xf32>,
        %add3A_2165 = arith.constant 2688 : i32
        %add3A_2166 = arith.addi %mul3A_16, %add3A_2165 : i32
        %add3A_2167 = arith.constant 112 : i32
        %add3A_2168 = arith.addi %add3A_2166, %add3A_2167 : i32
        %get3A_2169 = arith.index_cast %add3A_2168 : i32 to index
        %get3A_2170 = tpu.vector_load %arg7[%get3A_2169] {strides = array<i32>} : memref<65664xf32, #tpu.memory_space<vmem>>, vector<16xf32>,
        %get3A_2171 = arith.constant 2800 : index
        %get3A_2172 = tpu.vector_load %arg8[%get3A_2171] {strides = array<i32>} : memref<4096xf32, #tpu.memory_space<vmem>>, vector<16xf32>,
        %add3A_2173 = arith.addf %get3A_2170, %get3A_2172 : vector<16xf32>
        %swap3A_2174 = arith.index_cast %add3A_2168 : i32 to index
        %swap3A_2175 = tpu.vector_load %arg7[%swap3A_2174] {strides = array<i32>} : memref<65664xf32, #tpu.memory_space<vmem>>, vector<16xf32>,
        tpu.vector_store %arg7[%swap3A_2174], %add3A_2173 {strides = array<i32>} : memref<65664xf32, #tpu.memory_space<vmem>>, vector<16xf32>,
        %add3A_2176 = arith.constant 2816 : i32
        %add3A_2177 = arith.addi %mul3A_16, %add3A_2176 : i32
        %add3A_2178 = arith.constant 0 : i32
        %add3A_2179 = arith.addi %add3A_2177, %add3A_2178 : i32
        %get3A_2180 = arith.index_cast %add3A_2179 : i32 to index
        %get3A_2181 = tpu.vector_load %arg7[%get3A_2180] {strides = array<i32>} : memref<65664xf32, #tpu.memory_space<vmem>>, vector<16xf32>,
        %get3A_2182 = arith.constant 2816 : index
        %get3A_2183 = tpu.vector_load %arg8[%get3A_2182] {strides = array<i32>} : memref<4096xf32, #tpu.memory_space<vmem>>, vector<16xf32>,
        %add3A_2184 = arith.addf %get3A_2181, %get3A_2183 : vector<16xf32>
        %swap3A_2185 = arith.index_cast %add3A_2179 : i32 to index
        %swap3A_2186 = tpu.vector_load %arg7[%swap3A_2185] {strides = array<i32>} : memref<65664xf32, #tpu.memory_space<vmem>>, vector<16xf32>,
        tpu.vector_store %arg7[%swap3A_2185], %add3A_2184 {strides = array<i32>} : memref<65664xf32, #tpu.memory_space<vmem>>, vector<16xf32>,
        %add3A_2187 = arith.constant 2816 : i32
        %add3A_2188 = arith.addi %mul3A_16, %add3A_2187 : i32
        %add3A_2189 = arith.constant 16 : i32
        %add3A_2190 = arith.addi %add3A_2188, %add3A_2189 : i32
        %get3A_2191 = arith.index_cast %add3A_2190 : i32 to index
        %get3A_2192 = tpu.vector_load %arg7[%get3A_2191] {strides = array<i32>} : memref<65664xf32, #tpu.memory_space<vmem>>, vector<16xf32>,
        %get3A_2193 = arith.constant 2832 : index
        %get3A_2194 = tpu.vector_load %arg8[%get3A_2193] {strides = array<i32>} : memref<4096xf32, #tpu.memory_space<vmem>>, vector<16xf32>,
        %add3A_2195 = arith.addf %get3A_2192, %get3A_2194 : vector<16xf32>
        %swap3A_2196 = arith.index_cast %add3A_2190 : i32 to index
        %swap3A_2197 = tpu.vector_load %arg7[%swap3A_2196] {strides = array<i32>} : memref<65664xf32, #tpu.memory_space<vmem>>, vector<16xf32>,
        tpu.vector_store %arg7[%swap3A_2196], %add3A_2195 {strides = array<i32>} : memref<65664xf32, #tpu.memory_space<vmem>>, vector<16xf32>,
        %add3A_2198 = arith.constant 2816 : i32
        %add3A_2199 = arith.addi %mul3A_16, %add3A_2198 : i32
        %add3A_2200 = arith.constant 32 : i32
        %add3A_2201 = arith.addi %add3A_2199, %add3A_2200 : i32
        %get3A_2202 = arith.index_cast %add3A_2201 : i32 to index
        %get3A_2203 = tpu.vector_load %arg7[%get3A_2202] {strides = array<i32>} : memref<65664xf32, #tpu.memory_space<vmem>>, vector<16xf32>,
        %get3A_2204 = arith.constant 2848 : index
        %get3A_2205 = tpu.vector_load %arg8[%get3A_2204] {strides = array<i32>} : memref<4096xf32, #tpu.memory_space<vmem>>, vector<16xf32>,
        %add3A_2206 = arith.addf %get3A_2203, %get3A_2205 : vector<16xf32>
        %swap3A_2207 = arith.index_cast %add3A_2201 : i32 to index
        %swap3A_2208 = tpu.vector_load %arg7[%swap3A_2207] {strides = array<i32>} : memref<65664xf32, #tpu.memory_space<vmem>>, vector<16xf32>,
        tpu.vector_store %arg7[%swap3A_2207], %add3A_2206 {strides = array<i32>} : memref<65664xf32, #tpu.memory_space<vmem>>, vector<16xf32>,
        %add3A_2209 = arith.constant 2816 : i32
        %add3A_2210 = arith.addi %mul3A_16, %add3A_2209 : i32
        %add3A_2211 = arith.constant 48 : i32
        %add3A_2212 = arith.addi %add3A_2210, %add3A_2211 : i32
        %get3A_2213 = arith.index_cast %add3A_2212 : i32 to index
        %get3A_2214 = tpu.vector_load %arg7[%get3A_2213] {strides = array<i32>} : memref<65664xf32, #tpu.memory_space<vmem>>, vector<16xf32>,
        %get3A_2215 = arith.constant 2864 : index
        %get3A_2216 = tpu.vector_load %arg8[%get3A_2215] {strides = array<i32>} : memref<4096xf32, #tpu.memory_space<vmem>>, vector<16xf32>,
        %add3A_2217 = arith.addf %get3A_2214, %get3A_2216 : vector<16xf32>
        %swap3A_2218 = arith.index_cast %add3A_2212 : i32 to index
        %swap3A_2219 = tpu.vector_load %arg7[%swap3A_2218] {strides = array<i32>} : memref<65664xf32, #tpu.memory_space<vmem>>, vector<16xf32>,
        tpu.vector_store %arg7[%swap3A_2218], %add3A_2217 {strides = array<i32>} : memref<65664xf32, #tpu.memory_space<vmem>>, vector<16xf32>,
        %add3A_2220 = arith.constant 2816 : i32
        %add3A_2221 = arith.addi %mul3A_16, %add3A_2220 : i32
        %add3A_2222 = arith.constant 64 : i32
        %add3A_2223 = arith.addi %add3A_2221, %add3A_2222 : i32
        %get3A_2224 = arith.index_cast %add3A_2223 : i32 to index
        %get3A_2225 = tpu.vector_load %arg7[%get3A_2224] {strides = array<i32>} : memref<65664xf32, #tpu.memory_space<vmem>>, vector<16xf32>,
        %get3A_2226 = arith.constant 2880 : index
        %get3A_2227 = tpu.vector_load %arg8[%get3A_2226] {strides = array<i32>} : memref<4096xf32, #tpu.memory_space<vmem>>, vector<16xf32>,
        %add3A_2228 = arith.addf %get3A_2225, %get3A_2227 : vector<16xf32>
        %swap3A_2229 = arith.index_cast %add3A_2223 : i32 to index
        %swap3A_2230 = tpu.vector_load %arg7[%swap3A_2229] {strides = array<i32>} : memref<65664xf32, #tpu.memory_space<vmem>>, vector<16xf32>,
        tpu.vector_store %arg7[%swap3A_2229], %add3A_2228 {strides = array<i32>} : memref<65664xf32, #tpu.memory_space<vmem>>, vector<16xf32>,
        %add3A_2231 = arith.constant 2816 : i32
        %add3A_2232 = arith.addi %mul3A_16, %add3A_2231 : i32
        %add3A_2233 = arith.constant 80 : i32
        %add3A_2234 = arith.addi %add3A_2232, %add3A_2233 : i32
        %get3A_2235 = arith.index_cast %add3A_2234 : i32 to index
        %get3A_2236 = tpu.vector_load %arg7[%get3A_2235] {strides = array<i32>} : memref<65664xf32, #tpu.memory_space<vmem>>, vector<16xf32>,
        %get3A_2237 = arith.constant 2896 : index
        %get3A_2238 = tpu.vector_load %arg8[%get3A_2237] {strides = array<i32>} : memref<4096xf32, #tpu.memory_space<vmem>>, vector<16xf32>,
        %add3A_2239 = arith.addf %get3A_2236, %get3A_2238 : vector<16xf32>
        %swap3A_2240 = arith.index_cast %add3A_2234 : i32 to index
        %swap3A_2241 = tpu.vector_load %arg7[%swap3A_2240] {strides = array<i32>} : memref<65664xf32, #tpu.memory_space<vmem>>, vector<16xf32>,
        tpu.vector_store %arg7[%swap3A_2240], %add3A_2239 {strides = array<i32>} : memref<65664xf32, #tpu.memory_space<vmem>>, vector<16xf32>,
        %add3A_2242 = arith.constant 2816 : i32
        %add3A_2243 = arith.addi %mul3A_16, %add3A_2242 : i32
        %add3A_2244 = arith.constant 96 : i32
        %add3A_2245 = arith.addi %add3A_2243, %add3A_2244 : i32
        %get3A_2246 = arith.index_cast %add3A_2245 : i32 to index
        %get3A_2247 = tpu.vector_load %arg7[%get3A_2246] {strides = array<i32>} : memref<65664xf32, #tpu.memory_space<vmem>>, vector<16xf32>,
        %get3A_2248 = arith.constant 2912 : index
        %get3A_2249 = tpu.vector_load %arg8[%get3A_2248] {strides = array<i32>} : memref<4096xf32, #tpu.memory_space<vmem>>, vector<16xf32>,
        %add3A_2250 = arith.addf %get3A_2247, %get3A_2249 : vector<16xf32>
        %swap3A_2251 = arith.index_cast %add3A_2245 : i32 to index
        %swap3A_2252 = tpu.vector_load %arg7[%swap3A_2251] {strides = array<i32>} : memref<65664xf32, #tpu.memory_space<vmem>>, vector<16xf32>,
        tpu.vector_store %arg7[%swap3A_2251], %add3A_2250 {strides = array<i32>} : memref<65664xf32, #tpu.memory_space<vmem>>, vector<16xf32>,
        %add3A_2253 = arith.constant 2816 : i32
        %add3A_2254 = arith.addi %mul3A_16, %add3A_2253 : i32
        %add3A_2255 = arith.constant 112 : i32
        %add3A_2256 = arith.addi %add3A_2254, %add3A_2255 : i32
        %get3A_2257 = arith.index_cast %add3A_2256 : i32 to index
        %get3A_2258 = tpu.vector_load %arg7[%get3A_2257] {strides = array<i32>} : memref<65664xf32, #tpu.memory_space<vmem>>, vector<16xf32>,
        %get3A_2259 = arith.constant 2928 : index
        %get3A_2260 = tpu.vector_load %arg8[%get3A_2259] {strides = array<i32>} : memref<4096xf32, #tpu.memory_space<vmem>>, vector<16xf32>,
        %add3A_2261 = arith.addf %get3A_2258, %get3A_2260 : vector<16xf32>
        %swap3A_2262 = arith.index_cast %add3A_2256 : i32 to index
        %swap3A_2263 = tpu.vector_load %arg7[%swap3A_2262] {strides = array<i32>} : memref<65664xf32, #tpu.memory_space<vmem>>, vector<16xf32>,
        tpu.vector_store %arg7[%swap3A_2262], %add3A_2261 {strides = array<i32>} : memref<65664xf32, #tpu.memory_space<vmem>>, vector<16xf32>,
        %add3A_2264 = arith.constant 2944 : i32
        %add3A_2265 = arith.addi %mul3A_16, %add3A_2264 : i32
        %add3A_2266 = arith.constant 0 : i32
        %add3A_2267 = arith.addi %add3A_2265, %add3A_2266 : i32
        %get3A_2268 = arith.index_cast %add3A_2267 : i32 to index
        %get3A_2269 = tpu.vector_load %arg7[%get3A_2268] {strides = array<i32>} : memref<65664xf32, #tpu.memory_space<vmem>>, vector<16xf32>,
        %get3A_2270 = arith.constant 2944 : index
        %get3A_2271 = tpu.vector_load %arg8[%get3A_2270] {strides = array<i32>} : memref<4096xf32, #tpu.memory_space<vmem>>, vector<16xf32>,
        %add3A_2272 = arith.addf %get3A_2269, %get3A_2271 : vector<16xf32>
        %swap3A_2273 = arith.index_cast %add3A_2267 : i32 to index
        %swap3A_2274 = tpu.vector_load %arg7[%swap3A_2273] {strides = array<i32>} : memref<65664xf32, #tpu.memory_space<vmem>>, vector<16xf32>,
        tpu.vector_store %arg7[%swap3A_2273], %add3A_2272 {strides = array<i32>} : memref<65664xf32, #tpu.memory_space<vmem>>, vector<16xf32>,
        %add3A_2275 = arith.constant 2944 : i32
        %add3A_2276 = arith.addi %mul3A_16, %add3A_2275 : i32
        %add3A_2277 = arith.constant 16 : i32
        %add3A_2278 = arith.addi %add3A_2276, %add3A_2277 : i32
        %get3A_2279 = arith.index_cast %add3A_2278 : i32 to index
        %get3A_2280 = tpu.vector_load %arg7[%get3A_2279] {strides = array<i32>} : memref<65664xf32, #tpu.memory_space<vmem>>, vector<16xf32>,
        %get3A_2281 = arith.constant 2960 : index
        %get3A_2282 = tpu.vector_load %arg8[%get3A_2281] {strides = array<i32>} : memref<4096xf32, #tpu.memory_space<vmem>>, vector<16xf32>,
        %add3A_2283 = arith.addf %get3A_2280, %get3A_2282 : vector<16xf32>
        %swap3A_2284 = arith.index_cast %add3A_2278 : i32 to index
        %swap3A_2285 = tpu.vector_load %arg7[%swap3A_2284] {strides = array<i32>} : memref<65664xf32, #tpu.memory_space<vmem>>, vector<16xf32>,
        tpu.vector_store %arg7[%swap3A_2284], %add3A_2283 {strides = array<i32>} : memref<65664xf32, #tpu.memory_space<vmem>>, vector<16xf32>,
        %add3A_2286 = arith.constant 2944 : i32
        %add3A_2287 = arith.addi %mul3A_16, %add3A_2286 : i32
        %add3A_2288 = arith.constant 32 : i32
        %add3A_2289 = arith.addi %add3A_2287, %add3A_2288 : i32
        %get3A_2290 = arith.index_cast %add3A_2289 : i32 to index
        %get3A_2291 = tpu.vector_load %arg7[%get3A_2290] {strides = array<i32>} : memref<65664xf32, #tpu.memory_space<vmem>>, vector<16xf32>,
        %get3A_2292 = arith.constant 2976 : index
        %get3A_2293 = tpu.vector_load %arg8[%get3A_2292] {strides = array<i32>} : memref<4096xf32, #tpu.memory_space<vmem>>, vector<16xf32>,
        %add3A_2294 = arith.addf %get3A_2291, %get3A_2293 : vector<16xf32>
        %swap3A_2295 = arith.index_cast %add3A_2289 : i32 to index
        %swap3A_2296 = tpu.vector_load %arg7[%swap3A_2295] {strides = array<i32>} : memref<65664xf32, #tpu.memory_space<vmem>>, vector<16xf32>,
        tpu.vector_store %arg7[%swap3A_2295], %add3A_2294 {strides = array<i32>} : memref<65664xf32, #tpu.memory_space<vmem>>, vector<16xf32>,
        %add3A_2297 = arith.constant 2944 : i32
        %add3A_2298 = arith.addi %mul3A_16, %add3A_2297 : i32
        %add3A_2299 = arith.constant 48 : i32
        %add3A_2300 = arith.addi %add3A_2298, %add3A_2299 : i32
        %get3A_2301 = arith.index_cast %add3A_2300 : i32 to index
        %get3A_2302 = tpu.vector_load %arg7[%get3A_2301] {strides = array<i32>} : memref<65664xf32, #tpu.memory_space<vmem>>, vector<16xf32>,
        %get3A_2303 = arith.constant 2992 : index
        %get3A_2304 = tpu.vector_load %arg8[%get3A_2303] {strides = array<i32>} : memref<4096xf32, #tpu.memory_space<vmem>>, vector<16xf32>,
        %add3A_2305 = arith.addf %get3A_2302, %get3A_2304 : vector<16xf32>
        %swap3A_2306 = arith.index_cast %add3A_2300 : i32 to index
        %swap3A_2307 = tpu.vector_load %arg7[%swap3A_2306] {strides = array<i32>} : memref<65664xf32, #tpu.memory_space<vmem>>, vector<16xf32>,
        tpu.vector_store %arg7[%swap3A_2306], %add3A_2305 {strides = array<i32>} : memref<65664xf32, #tpu.memory_space<vmem>>, vector<16xf32>,
        %add3A_2308 = arith.constant 2944 : i32
        %add3A_2309 = arith.addi %mul3A_16, %add3A_2308 : i32
        %add3A_2310 = arith.constant 64 : i32
        %add3A_2311 = arith.addi %add3A_2309, %add3A_2310 : i32
        %get3A_2312 = arith.index_cast %add3A_2311 : i32 to index
        %get3A_2313 = tpu.vector_load %arg7[%get3A_2312] {strides = array<i32>} : memref<65664xf32, #tpu.memory_space<vmem>>, vector<16xf32>,
        %get3A_2314 = arith.constant 3008 : index
        %get3A_2315 = tpu.vector_load %arg8[%get3A_2314] {strides = array<i32>} : memref<4096xf32, #tpu.memory_space<vmem>>, vector<16xf32>,
        %add3A_2316 = arith.addf %get3A_2313, %get3A_2315 : vector<16xf32>
        %swap3A_2317 = arith.index_cast %add3A_2311 : i32 to index
        %swap3A_2318 = tpu.vector_load %arg7[%swap3A_2317] {strides = array<i32>} : memref<65664xf32, #tpu.memory_space<vmem>>, vector<16xf32>,
        tpu.vector_store %arg7[%swap3A_2317], %add3A_2316 {strides = array<i32>} : memref<65664xf32, #tpu.memory_space<vmem>>, vector<16xf32>,
        %add3A_2319 = arith.constant 2944 : i32
        %add3A_2320 = arith.addi %mul3A_16, %add3A_2319 : i32
        %add3A_2321 = arith.constant 80 : i32
        %add3A_2322 = arith.addi %add3A_2320, %add3A_2321 : i32
        %get3A_2323 = arith.index_cast %add3A_2322 : i32 to index
        %get3A_2324 = tpu.vector_load %arg7[%get3A_2323] {strides = array<i32>} : memref<65664xf32, #tpu.memory_space<vmem>>, vector<16xf32>,
        %get3A_2325 = arith.constant 3024 : index
        %get3A_2326 = tpu.vector_load %arg8[%get3A_2325] {strides = array<i32>} : memref<4096xf32, #tpu.memory_space<vmem>>, vector<16xf32>,
        %add3A_2327 = arith.addf %get3A_2324, %get3A_2326 : vector<16xf32>
        %swap3A_2328 = arith.index_cast %add3A_2322 : i32 to index
        %swap3A_2329 = tpu.vector_load %arg7[%swap3A_2328] {strides = array<i32>} : memref<65664xf32, #tpu.memory_space<vmem>>, vector<16xf32>,
        tpu.vector_store %arg7[%swap3A_2328], %add3A_2327 {strides = array<i32>} : memref<65664xf32, #tpu.memory_space<vmem>>, vector<16xf32>,
        %add3A_2330 = arith.constant 2944 : i32
        %add3A_2331 = arith.addi %mul3A_16, %add3A_2330 : i32
        %add3A_2332 = arith.constant 96 : i32
        %add3A_2333 = arith.addi %add3A_2331, %add3A_2332 : i32
        %get3A_2334 = arith.index_cast %add3A_2333 : i32 to index
        %get3A_2335 = tpu.vector_load %arg7[%get3A_2334] {strides = array<i32>} : memref<65664xf32, #tpu.memory_space<vmem>>, vector<16xf32>,
        %get3A_2336 = arith.constant 3040 : index
        %get3A_2337 = tpu.vector_load %arg8[%get3A_2336] {strides = array<i32>} : memref<4096xf32, #tpu.memory_space<vmem>>, vector<16xf32>,
        %add3A_2338 = arith.addf %get3A_2335, %get3A_2337 : vector<16xf32>
        %swap3A_2339 = arith.index_cast %add3A_2333 : i32 to index
        %swap3A_2340 = tpu.vector_load %arg7[%swap3A_2339] {strides = array<i32>} : memref<65664xf32, #tpu.memory_space<vmem>>, vector<16xf32>,
        tpu.vector_store %arg7[%swap3A_2339], %add3A_2338 {strides = array<i32>} : memref<65664xf32, #tpu.memory_space<vmem>>, vector<16xf32>,
        %add3A_2341 = arith.constant 2944 : i32
        %add3A_2342 = arith.addi %mul3A_16, %add3A_2341 : i32
        %add3A_2343 = arith.constant 112 : i32
        %add3A_2344 = arith.addi %add3A_2342, %add3A_2343 : i32
        %get3A_2345 = arith.index_cast %add3A_2344 : i32 to index
        %get3A_2346 = tpu.vector_load %arg7[%get3A_2345] {strides = array<i32>} : memref<65664xf32, #tpu.memory_space<vmem>>, vector<16xf32>,
        %get3A_2347 = arith.constant 3056 : index
        %get3A_2348 = tpu.vector_load %arg8[%get3A_2347] {strides = array<i32>} : memref<4096xf32, #tpu.memory_space<vmem>>, vector<16xf32>,
        %add3A_2349 = arith.addf %get3A_2346, %get3A_2348 : vector<16xf32>
        %swap3A_2350 = arith.index_cast %add3A_2344 : i32 to index
        %swap3A_2351 = tpu.vector_load %arg7[%swap3A_2350] {strides = array<i32>} : memref<65664xf32, #tpu.memory_space<vmem>>, vector<16xf32>,
        tpu.vector_store %arg7[%swap3A_2350], %add3A_2349 {strides = array<i32>} : memref<65664xf32, #tpu.memory_space<vmem>>, vector<16xf32>,
        %add3A_2352 = arith.constant 3072 : i32
        %add3A_2353 = arith.addi %mul3A_16, %add3A_2352 : i32
        %add3A_2354 = arith.constant 0 : i32
        %add3A_2355 = arith.addi %add3A_2353, %add3A_2354 : i32
        %get3A_2356 = arith.index_cast %add3A_2355 : i32 to index
        %get3A_2357 = tpu.vector_load %arg7[%get3A_2356] {strides = array<i32>} : memref<65664xf32, #tpu.memory_space<vmem>>, vector<16xf32>,
        %get3A_2358 = arith.constant 3072 : index
        %get3A_2359 = tpu.vector_load %arg8[%get3A_2358] {strides = array<i32>} : memref<4096xf32, #tpu.memory_space<vmem>>, vector<16xf32>,
        %add3A_2360 = arith.addf %get3A_2357, %get3A_2359 : vector<16xf32>
        %swap3A_2361 = arith.index_cast %add3A_2355 : i32 to index
        %swap3A_2362 = tpu.vector_load %arg7[%swap3A_2361] {strides = array<i32>} : memref<65664xf32, #tpu.memory_space<vmem>>, vector<16xf32>,
        tpu.vector_store %arg7[%swap3A_2361], %add3A_2360 {strides = array<i32>} : memref<65664xf32, #tpu.memory_space<vmem>>, vector<16xf32>,
        %add3A_2363 = arith.constant 3072 : i32
        %add3A_2364 = arith.addi %mul3A_16, %add3A_2363 : i32
        %add3A_2365 = arith.constant 16 : i32
        %add3A_2366 = arith.addi %add3A_2364, %add3A_2365 : i32
        %get3A_2367 = arith.index_cast %add3A_2366 : i32 to index
        %get3A_2368 = tpu.vector_load %arg7[%get3A_2367] {strides = array<i32>} : memref<65664xf32, #tpu.memory_space<vmem>>, vector<16xf32>,
        %get3A_2369 = arith.constant 3088 : index
        %get3A_2370 = tpu.vector_load %arg8[%get3A_2369] {strides = array<i32>} : memref<4096xf32, #tpu.memory_space<vmem>>, vector<16xf32>,
        %add3A_2371 = arith.addf %get3A_2368, %get3A_2370 : vector<16xf32>
        %swap3A_2372 = arith.index_cast %add3A_2366 : i32 to index
        %swap3A_2373 = tpu.vector_load %arg7[%swap3A_2372] {strides = array<i32>} : memref<65664xf32, #tpu.memory_space<vmem>>, vector<16xf32>,
        tpu.vector_store %arg7[%swap3A_2372], %add3A_2371 {strides = array<i32>} : memref<65664xf32, #tpu.memory_space<vmem>>, vector<16xf32>,
        %add3A_2374 = arith.constant 3072 : i32
        %add3A_2375 = arith.addi %mul3A_16, %add3A_2374 : i32
        %add3A_2376 = arith.constant 32 : i32
        %add3A_2377 = arith.addi %add3A_2375, %add3A_2376 : i32
        %get3A_2378 = arith.index_cast %add3A_2377 : i32 to index
        %get3A_2379 = tpu.vector_load %arg7[%get3A_2378] {strides = array<i32>} : memref<65664xf32, #tpu.memory_space<vmem>>, vector<16xf32>,
        %get3A_2380 = arith.constant 3104 : index
        %get3A_2381 = tpu.vector_load %arg8[%get3A_2380] {strides = array<i32>} : memref<4096xf32, #tpu.memory_space<vmem>>, vector<16xf32>,
        %add3A_2382 = arith.addf %get3A_2379, %get3A_2381 : vector<16xf32>
        %swap3A_2383 = arith.index_cast %add3A_2377 : i32 to index
        %swap3A_2384 = tpu.vector_load %arg7[%swap3A_2383] {strides = array<i32>} : memref<65664xf32, #tpu.memory_space<vmem>>, vector<16xf32>,
        tpu.vector_store %arg7[%swap3A_2383], %add3A_2382 {strides = array<i32>} : memref<65664xf32, #tpu.memory_space<vmem>>, vector<16xf32>,
        %add3A_2385 = arith.constant 3072 : i32
        %add3A_2386 = arith.addi %mul3A_16, %add3A_2385 : i32
        %add3A_2387 = arith.constant 48 : i32
        %add3A_2388 = arith.addi %add3A_2386, %add3A_2387 : i32
        %get3A_2389 = arith.index_cast %add3A_2388 : i32 to index
        %get3A_2390 = tpu.vector_load %arg7[%get3A_2389] {strides = array<i32>} : memref<65664xf32, #tpu.memory_space<vmem>>, vector<16xf32>,
        %get3A_2391 = arith.constant 3120 : index
        %get3A_2392 = tpu.vector_load %arg8[%get3A_2391] {strides = array<i32>} : memref<4096xf32, #tpu.memory_space<vmem>>, vector<16xf32>,
        %add3A_2393 = arith.addf %get3A_2390, %get3A_2392 : vector<16xf32>
        %swap3A_2394 = arith.index_cast %add3A_2388 : i32 to index
        %swap3A_2395 = tpu.vector_load %arg7[%swap3A_2394] {strides = array<i32>} : memref<65664xf32, #tpu.memory_space<vmem>>, vector<16xf32>,
        tpu.vector_store %arg7[%swap3A_2394], %add3A_2393 {strides = array<i32>} : memref<65664xf32, #tpu.memory_space<vmem>>, vector<16xf32>,
        %add3A_2396 = arith.constant 3072 : i32
        %add3A_2397 = arith.addi %mul3A_16, %add3A_2396 : i32
        %add3A_2398 = arith.constant 64 : i32
        %add3A_2399 = arith.addi %add3A_2397, %add3A_2398 : i32
        %get3A_2400 = arith.index_cast %add3A_2399 : i32 to index
        %get3A_2401 = tpu.vector_load %arg7[%get3A_2400] {strides = array<i32>} : memref<65664xf32, #tpu.memory_space<vmem>>, vector<16xf32>,
        %get3A_2402 = arith.constant 3136 : index
        %get3A_2403 = tpu.vector_load %arg8[%get3A_2402] {strides = array<i32>} : memref<4096xf32, #tpu.memory_space<vmem>>, vector<16xf32>,
        %add3A_2404 = arith.addf %get3A_2401, %get3A_2403 : vector<16xf32>
        %swap3A_2405 = arith.index_cast %add3A_2399 : i32 to index
        %swap3A_2406 = tpu.vector_load %arg7[%swap3A_2405] {strides = array<i32>} : memref<65664xf32, #tpu.memory_space<vmem>>, vector<16xf32>,
        tpu.vector_store %arg7[%swap3A_2405], %add3A_2404 {strides = array<i32>} : memref<65664xf32, #tpu.memory_space<vmem>>, vector<16xf32>,
        %add3A_2407 = arith.constant 3072 : i32
        %add3A_2408 = arith.addi %mul3A_16, %add3A_2407 : i32
        %add3A_2409 = arith.constant 80 : i32
        %add3A_2410 = arith.addi %add3A_2408, %add3A_2409 : i32
        %get3A_2411 = arith.index_cast %add3A_2410 : i32 to index
        %get3A_2412 = tpu.vector_load %arg7[%get3A_2411] {strides = array<i32>} : memref<65664xf32, #tpu.memory_space<vmem>>, vector<16xf32>,
        %get3A_2413 = arith.constant 3152 : index
        %get3A_2414 = tpu.vector_load %arg8[%get3A_2413] {strides = array<i32>} : memref<4096xf32, #tpu.memory_space<vmem>>, vector<16xf32>,
        %add3A_2415 = arith.addf %get3A_2412, %get3A_2414 : vector<16xf32>
        %swap3A_2416 = arith.index_cast %add3A_2410 : i32 to index
        %swap3A_2417 = tpu.vector_load %arg7[%swap3A_2416] {strides = array<i32>} : memref<65664xf32, #tpu.memory_space<vmem>>, vector<16xf32>,
        tpu.vector_store %arg7[%swap3A_2416], %add3A_2415 {strides = array<i32>} : memref<65664xf32, #tpu.memory_space<vmem>>, vector<16xf32>,
        %add3A_2418 = arith.constant 3072 : i32
        %add3A_2419 = arith.addi %mul3A_16, %add3A_2418 : i32
        %add3A_2420 = arith.constant 96 : i32
        %add3A_2421 = arith.addi %add3A_2419, %add3A_2420 : i32
        %get3A_2422 = arith.index_cast %add3A_2421 : i32 to index
        %get3A_2423 = tpu.vector_load %arg7[%get3A_2422] {strides = array<i32>} : memref<65664xf32, #tpu.memory_space<vmem>>, vector<16xf32>,
        %get3A_2424 = arith.constant 3168 : index
        %get3A_2425 = tpu.vector_load %arg8[%get3A_2424] {strides = array<i32>} : memref<4096xf32, #tpu.memory_space<vmem>>, vector<16xf32>,
        %add3A_2426 = arith.addf %get3A_2423, %get3A_2425 : vector<16xf32>
        %swap3A_2427 = arith.index_cast %add3A_2421 : i32 to index
        %swap3A_2428 = tpu.vector_load %arg7[%swap3A_2427] {strides = array<i32>} : memref<65664xf32, #tpu.memory_space<vmem>>, vector<16xf32>,
        tpu.vector_store %arg7[%swap3A_2427], %add3A_2426 {strides = array<i32>} : memref<65664xf32, #tpu.memory_space<vmem>>, vector<16xf32>,
        %add3A_2429 = arith.constant 3072 : i32
        %add3A_2430 = arith.addi %mul3A_16, %add3A_2429 : i32
        %add3A_2431 = arith.constant 112 : i32
        %add3A_2432 = arith.addi %add3A_2430, %add3A_2431 : i32
        %get3A_2433 = arith.index_cast %add3A_2432 : i32 to index
        %get3A_2434 = tpu.vector_load %arg7[%get3A_2433] {strides = array<i32>} : memref<65664xf32, #tpu.memory_space<vmem>>, vector<16xf32>,
        %get3A_2435 = arith.constant 3184 : index
        %get3A_2436 = tpu.vector_load %arg8[%get3A_2435] {strides = array<i32>} : memref<4096xf32, #tpu.memory_space<vmem>>, vector<16xf32>,
        %add3A_2437 = arith.addf %get3A_2434, %get3A_2436 : vector<16xf32>
        %swap3A_2438 = arith.index_cast %add3A_2432 : i32 to index
        %swap3A_2439 = tpu.vector_load %arg7[%swap3A_2438] {strides = array<i32>} : memref<65664xf32, #tpu.memory_space<vmem>>, vector<16xf32>,
        tpu.vector_store %arg7[%swap3A_2438], %add3A_2437 {strides = array<i32>} : memref<65664xf32, #tpu.memory_space<vmem>>, vector<16xf32>,
        %add3A_2440 = arith.constant 3200 : i32
        %add3A_2441 = arith.addi %mul3A_16, %add3A_2440 : i32
        %add3A_2442 = arith.constant 0 : i32
        %add3A_2443 = arith.addi %add3A_2441, %add3A_2442 : i32
        %get3A_2444 = arith.index_cast %add3A_2443 : i32 to index
        %get3A_2445 = tpu.vector_load %arg7[%get3A_2444] {strides = array<i32>} : memref<65664xf32, #tpu.memory_space<vmem>>, vector<16xf32>,
        %get3A_2446 = arith.constant 3200 : index
        %get3A_2447 = tpu.vector_load %arg8[%get3A_2446] {strides = array<i32>} : memref<4096xf32, #tpu.memory_space<vmem>>, vector<16xf32>,
        %add3A_2448 = arith.addf %get3A_2445, %get3A_2447 : vector<16xf32>
        %swap3A_2449 = arith.index_cast %add3A_2443 : i32 to index
        %swap3A_2450 = tpu.vector_load %arg7[%swap3A_2449] {strides = array<i32>} : memref<65664xf32, #tpu.memory_space<vmem>>, vector<16xf32>,
        tpu.vector_store %arg7[%swap3A_2449], %add3A_2448 {strides = array<i32>} : memref<65664xf32, #tpu.memory_space<vmem>>, vector<16xf32>,
        %add3A_2451 = arith.constant 3200 : i32
        %add3A_2452 = arith.addi %mul3A_16, %add3A_2451 : i32
        %add3A_2453 = arith.constant 16 : i32
        %add3A_2454 = arith.addi %add3A_2452, %add3A_2453 : i32
        %get3A_2455 = arith.index_cast %add3A_2454 : i32 to index
        %get3A_2456 = tpu.vector_load %arg7[%get3A_2455] {strides = array<i32>} : memref<65664xf32, #tpu.memory_space<vmem>>, vector<16xf32>,
        %get3A_2457 = arith.constant 3216 : index
        %get3A_2458 = tpu.vector_load %arg8[%get3A_2457] {strides = array<i32>} : memref<4096xf32, #tpu.memory_space<vmem>>, vector<16xf32>,
        %add3A_2459 = arith.addf %get3A_2456, %get3A_2458 : vector<16xf32>
        %swap3A_2460 = arith.index_cast %add3A_2454 : i32 to index
        %swap3A_2461 = tpu.vector_load %arg7[%swap3A_2460] {strides = array<i32>} : memref<65664xf32, #tpu.memory_space<vmem>>, vector<16xf32>,
        tpu.vector_store %arg7[%swap3A_2460], %add3A_2459 {strides = array<i32>} : memref<65664xf32, #tpu.memory_space<vmem>>, vector<16xf32>,
        %add3A_2462 = arith.constant 3200 : i32
        %add3A_2463 = arith.addi %mul3A_16, %add3A_2462 : i32
        %add3A_2464 = arith.constant 32 : i32
        %add3A_2465 = arith.addi %add3A_2463, %add3A_2464 : i32
        %get3A_2466 = arith.index_cast %add3A_2465 : i32 to index
        %get3A_2467 = tpu.vector_load %arg7[%get3A_2466] {strides = array<i32>} : memref<65664xf32, #tpu.memory_space<vmem>>, vector<16xf32>,
        %get3A_2468 = arith.constant 3232 : index
        %get3A_2469 = tpu.vector_load %arg8[%get3A_2468] {strides = array<i32>} : memref<4096xf32, #tpu.memory_space<vmem>>, vector<16xf32>,
        %add3A_2470 = arith.addf %get3A_2467, %get3A_2469 : vector<16xf32>
        %swap3A_2471 = arith.index_cast %add3A_2465 : i32 to index
        %swap3A_2472 = tpu.vector_load %arg7[%swap3A_2471] {strides = array<i32>} : memref<65664xf32, #tpu.memory_space<vmem>>, vector<16xf32>,
        tpu.vector_store %arg7[%swap3A_2471], %add3A_2470 {strides = array<i32>} : memref<65664xf32, #tpu.memory_space<vmem>>, vector<16xf32>,
        %add3A_2473 = arith.constant 3200 : i32
        %add3A_2474 = arith.addi %mul3A_16, %add3A_2473 : i32
        %add3A_2475 = arith.constant 48 : i32
        %add3A_2476 = arith.addi %add3A_2474, %add3A_2475 : i32
        %get3A_2477 = arith.index_cast %add3A_2476 : i32 to index
        %get3A_2478 = tpu.vector_load %arg7[%get3A_2477] {strides = array<i32>} : memref<65664xf32, #tpu.memory_space<vmem>>, vector<16xf32>,
        %get3A_2479 = arith.constant 3248 : index
        %get3A_2480 = tpu.vector_load %arg8[%get3A_2479] {strides = array<i32>} : memref<4096xf32, #tpu.memory_space<vmem>>, vector<16xf32>,
        %add3A_2481 = arith.addf %get3A_2478, %get3A_2480 : vector<16xf32>
        %swap3A_2482 = arith.index_cast %add3A_2476 : i32 to index
        %swap3A_2483 = tpu.vector_load %arg7[%swap3A_2482] {strides = array<i32>} : memref<65664xf32, #tpu.memory_space<vmem>>, vector<16xf32>,
        tpu.vector_store %arg7[%swap3A_2482], %add3A_2481 {strides = array<i32>} : memref<65664xf32, #tpu.memory_space<vmem>>, vector<16xf32>,
        %add3A_2484 = arith.constant 3200 : i32
        %add3A_2485 = arith.addi %mul3A_16, %add3A_2484 : i32
        %add3A_2486 = arith.constant 64 : i32
        %add3A_2487 = arith.addi %add3A_2485, %add3A_2486 : i32
        %get3A_2488 = arith.index_cast %add3A_2487 : i32 to index
        %get3A_2489 = tpu.vector_load %arg7[%get3A_2488] {strides = array<i32>} : memref<65664xf32, #tpu.memory_space<vmem>>, vector<16xf32>,
        %get3A_2490 = arith.constant 3264 : index
        %get3A_2491 = tpu.vector_load %arg8[%get3A_2490] {strides = array<i32>} : memref<4096xf32, #tpu.memory_space<vmem>>, vector<16xf32>,
        %add3A_2492 = arith.addf %get3A_2489, %get3A_2491 : vector<16xf32>
        %swap3A_2493 = arith.index_cast %add3A_2487 : i32 to index
        %swap3A_2494 = tpu.vector_load %arg7[%swap3A_2493] {strides = array<i32>} : memref<65664xf32, #tpu.memory_space<vmem>>, vector<16xf32>,
        tpu.vector_store %arg7[%swap3A_2493], %add3A_2492 {strides = array<i32>} : memref<65664xf32, #tpu.memory_space<vmem>>, vector<16xf32>,
        %add3A_2495 = arith.constant 3200 : i32
        %add3A_2496 = arith.addi %mul3A_16, %add3A_2495 : i32
        %add3A_2497 = arith.constant 80 : i32
        %add3A_2498 = arith.addi %add3A_2496, %add3A_2497 : i32
        %get3A_2499 = arith.index_cast %add3A_2498 : i32 to index
        %get3A_2500 = tpu.vector_load %arg7[%get3A_2499] {strides = array<i32>} : memref<65664xf32, #tpu.memory_space<vmem>>, vector<16xf32>,
        %get3A_2501 = arith.constant 3280 : index
        %get3A_2502 = tpu.vector_load %arg8[%get3A_2501] {strides = array<i32>} : memref<4096xf32, #tpu.memory_space<vmem>>, vector<16xf32>,
        %add3A_2503 = arith.addf %get3A_2500, %get3A_2502 : vector<16xf32>
        %swap3A_2504 = arith.index_cast %add3A_2498 : i32 to index
        %swap3A_2505 = tpu.vector_load %arg7[%swap3A_2504] {strides = array<i32>} : memref<65664xf32, #tpu.memory_space<vmem>>, vector<16xf32>,
        tpu.vector_store %arg7[%swap3A_2504], %add3A_2503 {strides = array<i32>} : memref<65664xf32, #tpu.memory_space<vmem>>, vector<16xf32>,
        %add3A_2506 = arith.constant 3200 : i32
        %add3A_2507 = arith.addi %mul3A_16, %add3A_2506 : i32
        %add3A_2508 = arith.constant 96 : i32
        %add3A_2509 = arith.addi %add3A_2507, %add3A_2508 : i32
        %get3A_2510 = arith.index_cast %add3A_2509 : i32 to index
        %get3A_2511 = tpu.vector_load %arg7[%get3A_2510] {strides = array<i32>} : memref<65664xf32, #tpu.memory_space<vmem>>, vector<16xf32>,
        %get3A_2512 = arith.constant 3296 : index
        %get3A_2513 = tpu.vector_load %arg8[%get3A_2512] {strides = array<i32>} : memref<4096xf32, #tpu.memory_space<vmem>>, vector<16xf32>,
        %add3A_2514 = arith.addf %get3A_2511, %get3A_2513 : vector<16xf32>
        %swap3A_2515 = arith.index_cast %add3A_2509 : i32 to index
        %swap3A_2516 = tpu.vector_load %arg7[%swap3A_2515] {strides = array<i32>} : memref<65664xf32, #tpu.memory_space<vmem>>, vector<16xf32>,
        tpu.vector_store %arg7[%swap3A_2515], %add3A_2514 {strides = array<i32>} : memref<65664xf32, #tpu.memory_space<vmem>>, vector<16xf32>,
        %add3A_2517 = arith.constant 3200 : i32
        %add3A_2518 = arith.addi %mul3A_16, %add3A_2517 : i32
        %add3A_2519 = arith.constant 112 : i32
        %add3A_2520 = arith.addi %add3A_2518, %add3A_2519 : i32
        %get3A_2521 = arith.index_cast %add3A_2520 : i32 to index
        %get3A_2522 = tpu.vector_load %arg7[%get3A_2521] {strides = array<i32>} : memref<65664xf32, #tpu.memory_space<vmem>>, vector<16xf32>,
        %get3A_2523 = arith.constant 3312 : index
        %get3A_2524 = tpu.vector_load %arg8[%get3A_2523] {strides = array<i32>} : memref<4096xf32, #tpu.memory_space<vmem>>, vector<16xf32>,
        %add3A_2525 = arith.addf %get3A_2522, %get3A_2524 : vector<16xf32>
        %swap3A_2526 = arith.index_cast %add3A_2520 : i32 to index
        %swap3A_2527 = tpu.vector_load %arg7[%swap3A_2526] {strides = array<i32>} : memref<65664xf32, #tpu.memory_space<vmem>>, vector<16xf32>,
        tpu.vector_store %arg7[%swap3A_2526], %add3A_2525 {strides = array<i32>} : memref<65664xf32, #tpu.memory_space<vmem>>, vector<16xf32>,
        %add3A_2528 = arith.constant 3328 : i32
        %add3A_2529 = arith.addi %mul3A_16, %add3A_2528 : i32
        %add3A_2530 = arith.constant 0 : i32
        %add3A_2531 = arith.addi %add3A_2529, %add3A_2530 : i32
        %get3A_2532 = arith.index_cast %add3A_2531 : i32 to index
        %get3A_2533 = tpu.vector_load %arg7[%get3A_2532] {strides = array<i32>} : memref<65664xf32, #tpu.memory_space<vmem>>, vector<16xf32>,
        %get3A_2534 = arith.constant 3328 : index
        %get3A_2535 = tpu.vector_load %arg8[%get3A_2534] {strides = array<i32>} : memref<4096xf32, #tpu.memory_space<vmem>>, vector<16xf32>,
        %add3A_2536 = arith.addf %get3A_2533, %get3A_2535 : vector<16xf32>
        %swap3A_2537 = arith.index_cast %add3A_2531 : i32 to index
        %swap3A_2538 = tpu.vector_load %arg7[%swap3A_2537] {strides = array<i32>} : memref<65664xf32, #tpu.memory_space<vmem>>, vector<16xf32>,
        tpu.vector_store %arg7[%swap3A_2537], %add3A_2536 {strides = array<i32>} : memref<65664xf32, #tpu.memory_space<vmem>>, vector<16xf32>,
        %add3A_2539 = arith.constant 3328 : i32
        %add3A_2540 = arith.addi %mul3A_16, %add3A_2539 : i32
        %add3A_2541 = arith.constant 16 : i32
        %add3A_2542 = arith.addi %add3A_2540, %add3A_2541 : i32
        %get3A_2543 = arith.index_cast %add3A_2542 : i32 to index
        %get3A_2544 = tpu.vector_load %arg7[%get3A_2543] {strides = array<i32>} : memref<65664xf32, #tpu.memory_space<vmem>>, vector<16xf32>,
        %get3A_2545 = arith.constant 3344 : index
        %get3A_2546 = tpu.vector_load %arg8[%get3A_2545] {strides = array<i32>} : memref<4096xf32, #tpu.memory_space<vmem>>, vector<16xf32>,
        %add3A_2547 = arith.addf %get3A_2544, %get3A_2546 : vector<16xf32>
        %swap3A_2548 = arith.index_cast %add3A_2542 : i32 to index
        %swap3A_2549 = tpu.vector_load %arg7[%swap3A_2548] {strides = array<i32>} : memref<65664xf32, #tpu.memory_space<vmem>>, vector<16xf32>,
        tpu.vector_store %arg7[%swap3A_2548], %add3A_2547 {strides = array<i32>} : memref<65664xf32, #tpu.memory_space<vmem>>, vector<16xf32>,
        %add3A_2550 = arith.constant 3328 : i32
        %add3A_2551 = arith.addi %mul3A_16, %add3A_2550 : i32
        %add3A_2552 = arith.constant 32 : i32
        %add3A_2553 = arith.addi %add3A_2551, %add3A_2552 : i32
        %get3A_2554 = arith.index_cast %add3A_2553 : i32 to index
        %get3A_2555 = tpu.vector_load %arg7[%get3A_2554] {strides = array<i32>} : memref<65664xf32, #tpu.memory_space<vmem>>, vector<16xf32>,
        %get3A_2556 = arith.constant 3360 : index
        %get3A_2557 = tpu.vector_load %arg8[%get3A_2556] {strides = array<i32>} : memref<4096xf32, #tpu.memory_space<vmem>>, vector<16xf32>,
        %add3A_2558 = arith.addf %get3A_2555, %get3A_2557 : vector<16xf32>
        %swap3A_2559 = arith.index_cast %add3A_2553 : i32 to index
        %swap3A_2560 = tpu.vector_load %arg7[%swap3A_2559] {strides = array<i32>} : memref<65664xf32, #tpu.memory_space<vmem>>, vector<16xf32>,
        tpu.vector_store %arg7[%swap3A_2559], %add3A_2558 {strides = array<i32>} : memref<65664xf32, #tpu.memory_space<vmem>>, vector<16xf32>,
        %add3A_2561 = arith.constant 3328 : i32
        %add3A_2562 = arith.addi %mul3A_16, %add3A_2561 : i32
        %add3A_2563 = arith.constant 48 : i32
        %add3A_2564 = arith.addi %add3A_2562, %add3A_2563 : i32
        %get3A_2565 = arith.index_cast %add3A_2564 : i32 to index
        %get3A_2566 = tpu.vector_load %arg7[%get3A_2565] {strides = array<i32>} : memref<65664xf32, #tpu.memory_space<vmem>>, vector<16xf32>,
        %get3A_2567 = arith.constant 3376 : index
        %get3A_2568 = tpu.vector_load %arg8[%get3A_2567] {strides = array<i32>} : memref<4096xf32, #tpu.memory_space<vmem>>, vector<16xf32>,
        %add3A_2569 = arith.addf %get3A_2566, %get3A_2568 : vector<16xf32>
        %swap3A_2570 = arith.index_cast %add3A_2564 : i32 to index
        %swap3A_2571 = tpu.vector_load %arg7[%swap3A_2570] {strides = array<i32>} : memref<65664xf32, #tpu.memory_space<vmem>>, vector<16xf32>,
        tpu.vector_store %arg7[%swap3A_2570], %add3A_2569 {strides = array<i32>} : memref<65664xf32, #tpu.memory_space<vmem>>, vector<16xf32>,
        %add3A_2572 = arith.constant 3328 : i32
        %add3A_2573 = arith.addi %mul3A_16, %add3A_2572 : i32
        %add3A_2574 = arith.constant 64 : i32
        %add3A_2575 = arith.addi %add3A_2573, %add3A_2574 : i32
        %get3A_2576 = arith.index_cast %add3A_2575 : i32 to index
        %get3A_2577 = tpu.vector_load %arg7[%get3A_2576] {strides = array<i32>} : memref<65664xf32, #tpu.memory_space<vmem>>, vector<16xf32>,
        %get3A_2578 = arith.constant 3392 : index
        %get3A_2579 = tpu.vector_load %arg8[%get3A_2578] {strides = array<i32>} : memref<4096xf32, #tpu.memory_space<vmem>>, vector<16xf32>,
        %add3A_2580 = arith.addf %get3A_2577, %get3A_2579 : vector<16xf32>
        %swap3A_2581 = arith.index_cast %add3A_2575 : i32 to index
        %swap3A_2582 = tpu.vector_load %arg7[%swap3A_2581] {strides = array<i32>} : memref<65664xf32, #tpu.memory_space<vmem>>, vector<16xf32>,
        tpu.vector_store %arg7[%swap3A_2581], %add3A_2580 {strides = array<i32>} : memref<65664xf32, #tpu.memory_space<vmem>>, vector<16xf32>,
        %add3A_2583 = arith.constant 3328 : i32
        %add3A_2584 = arith.addi %mul3A_16, %add3A_2583 : i32
        %add3A_2585 = arith.constant 80 : i32
        %add3A_2586 = arith.addi %add3A_2584, %add3A_2585 : i32
        %get3A_2587 = arith.index_cast %add3A_2586 : i32 to index
        %get3A_2588 = tpu.vector_load %arg7[%get3A_2587] {strides = array<i32>} : memref<65664xf32, #tpu.memory_space<vmem>>, vector<16xf32>,
        %get3A_2589 = arith.constant 3408 : index
        %get3A_2590 = tpu.vector_load %arg8[%get3A_2589] {strides = array<i32>} : memref<4096xf32, #tpu.memory_space<vmem>>, vector<16xf32>,
        %add3A_2591 = arith.addf %get3A_2588, %get3A_2590 : vector<16xf32>
        %swap3A_2592 = arith.index_cast %add3A_2586 : i32 to index
        %swap3A_2593 = tpu.vector_load %arg7[%swap3A_2592] {strides = array<i32>} : memref<65664xf32, #tpu.memory_space<vmem>>, vector<16xf32>,
        tpu.vector_store %arg7[%swap3A_2592], %add3A_2591 {strides = array<i32>} : memref<65664xf32, #tpu.memory_space<vmem>>, vector<16xf32>,
        %add3A_2594 = arith.constant 3328 : i32
        %add3A_2595 = arith.addi %mul3A_16, %add3A_2594 : i32
        %add3A_2596 = arith.constant 96 : i32
        %add3A_2597 = arith.addi %add3A_2595, %add3A_2596 : i32
        %get3A_2598 = arith.index_cast %add3A_2597 : i32 to index
        %get3A_2599 = tpu.vector_load %arg7[%get3A_2598] {strides = array<i32>} : memref<65664xf32, #tpu.memory_space<vmem>>, vector<16xf32>,
        %get3A_2600 = arith.constant 3424 : index
        %get3A_2601 = tpu.vector_load %arg8[%get3A_2600] {strides = array<i32>} : memref<4096xf32, #tpu.memory_space<vmem>>, vector<16xf32>,
        %add3A_2602 = arith.addf %get3A_2599, %get3A_2601 : vector<16xf32>
        %swap3A_2603 = arith.index_cast %add3A_2597 : i32 to index
        %swap3A_2604 = tpu.vector_load %arg7[%swap3A_2603] {strides = array<i32>} : memref<65664xf32, #tpu.memory_space<vmem>>, vector<16xf32>,
        tpu.vector_store %arg7[%swap3A_2603], %add3A_2602 {strides = array<i32>} : memref<65664xf32, #tpu.memory_space<vmem>>, vector<16xf32>,
        %add3A_2605 = arith.constant 3328 : i32
        %add3A_2606 = arith.addi %mul3A_16, %add3A_2605 : i32
        %add3A_2607 = arith.constant 112 : i32
        %add3A_2608 = arith.addi %add3A_2606, %add3A_2607 : i32
        %get3A_2609 = arith.index_cast %add3A_2608 : i32 to index
        %get3A_2610 = tpu.vector_load %arg7[%get3A_2609] {strides = array<i32>} : memref<65664xf32, #tpu.memory_space<vmem>>, vector<16xf32>,
        %get3A_2611 = arith.constant 3440 : index
        %get3A_2612 = tpu.vector_load %arg8[%get3A_2611] {strides = array<i32>} : memref<4096xf32, #tpu.memory_space<vmem>>, vector<16xf32>,
        %add3A_2613 = arith.addf %get3A_2610, %get3A_2612 : vector<16xf32>
        %swap3A_2614 = arith.index_cast %add3A_2608 : i32 to index
        %swap3A_2615 = tpu.vector_load %arg7[%swap3A_2614] {strides = array<i32>} : memref<65664xf32, #tpu.memory_space<vmem>>, vector<16xf32>,
        tpu.vector_store %arg7[%swap3A_2614], %add3A_2613 {strides = array<i32>} : memref<65664xf32, #tpu.memory_space<vmem>>, vector<16xf32>,
        %add3A_2616 = arith.constant 3456 : i32
        %add3A_2617 = arith.addi %mul3A_16, %add3A_2616 : i32
        %add3A_2618 = arith.constant 0 : i32
        %add3A_2619 = arith.addi %add3A_2617, %add3A_2618 : i32
        %get3A_2620 = arith.index_cast %add3A_2619 : i32 to index
        %get3A_2621 = tpu.vector_load %arg7[%get3A_2620] {strides = array<i32>} : memref<65664xf32, #tpu.memory_space<vmem>>, vector<16xf32>,
        %get3A_2622 = arith.constant 3456 : index
        %get3A_2623 = tpu.vector_load %arg8[%get3A_2622] {strides = array<i32>} : memref<4096xf32, #tpu.memory_space<vmem>>, vector<16xf32>,
        %add3A_2624 = arith.addf %get3A_2621, %get3A_2623 : vector<16xf32>
        %swap3A_2625 = arith.index_cast %add3A_2619 : i32 to index
        %swap3A_2626 = tpu.vector_load %arg7[%swap3A_2625] {strides = array<i32>} : memref<65664xf32, #tpu.memory_space<vmem>>, vector<16xf32>,
        tpu.vector_store %arg7[%swap3A_2625], %add3A_2624 {strides = array<i32>} : memref<65664xf32, #tpu.memory_space<vmem>>, vector<16xf32>,
        %add3A_2627 = arith.constant 3456 : i32
        %add3A_2628 = arith.addi %mul3A_16, %add3A_2627 : i32
        %add3A_2629 = arith.constant 16 : i32
        %add3A_2630 = arith.addi %add3A_2628, %add3A_2629 : i32
        %get3A_2631 = arith.index_cast %add3A_2630 : i32 to index
        %get3A_2632 = tpu.vector_load %arg7[%get3A_2631] {strides = array<i32>} : memref<65664xf32, #tpu.memory_space<vmem>>, vector<16xf32>,
        %get3A_2633 = arith.constant 3472 : index
        %get3A_2634 = tpu.vector_load %arg8[%get3A_2633] {strides = array<i32>} : memref<4096xf32, #tpu.memory_space<vmem>>, vector<16xf32>,
        %add3A_2635 = arith.addf %get3A_2632, %get3A_2634 : vector<16xf32>
        %swap3A_2636 = arith.index_cast %add3A_2630 : i32 to index
        %swap3A_2637 = tpu.vector_load %arg7[%swap3A_2636] {strides = array<i32>} : memref<65664xf32, #tpu.memory_space<vmem>>, vector<16xf32>,
        tpu.vector_store %arg7[%swap3A_2636], %add3A_2635 {strides = array<i32>} : memref<65664xf32, #tpu.memory_space<vmem>>, vector<16xf32>,
        %add3A_2638 = arith.constant 3456 : i32
        %add3A_2639 = arith.addi %mul3A_16, %add3A_2638 : i32
        %add3A_2640 = arith.constant 32 : i32
        %add3A_2641 = arith.addi %add3A_2639, %add3A_2640 : i32
        %get3A_2642 = arith.index_cast %add3A_2641 : i32 to index
        %get3A_2643 = tpu.vector_load %arg7[%get3A_2642] {strides = array<i32>} : memref<65664xf32, #tpu.memory_space<vmem>>, vector<16xf32>,
        %get3A_2644 = arith.constant 3488 : index
        %get3A_2645 = tpu.vector_load %arg8[%get3A_2644] {strides = array<i32>} : memref<4096xf32, #tpu.memory_space<vmem>>, vector<16xf32>,
        %add3A_2646 = arith.addf %get3A_2643, %get3A_2645 : vector<16xf32>
        %swap3A_2647 = arith.index_cast %add3A_2641 : i32 to index
        %swap3A_2648 = tpu.vector_load %arg7[%swap3A_2647] {strides = array<i32>} : memref<65664xf32, #tpu.memory_space<vmem>>, vector<16xf32>,
        tpu.vector_store %arg7[%swap3A_2647], %add3A_2646 {strides = array<i32>} : memref<65664xf32, #tpu.memory_space<vmem>>, vector<16xf32>,
        %add3A_2649 = arith.constant 3456 : i32
        %add3A_2650 = arith.addi %mul3A_16, %add3A_2649 : i32
        %add3A_2651 = arith.constant 48 : i32
        %add3A_2652 = arith.addi %add3A_2650, %add3A_2651 : i32
        %get3A_2653 = arith.index_cast %add3A_2652 : i32 to index
        %get3A_2654 = tpu.vector_load %arg7[%get3A_2653] {strides = array<i32>} : memref<65664xf32, #tpu.memory_space<vmem>>, vector<16xf32>,
        %get3A_2655 = arith.constant 3504 : index
        %get3A_2656 = tpu.vector_load %arg8[%get3A_2655] {strides = array<i32>} : memref<4096xf32, #tpu.memory_space<vmem>>, vector<16xf32>,
        %add3A_2657 = arith.addf %get3A_2654, %get3A_2656 : vector<16xf32>
        %swap3A_2658 = arith.index_cast %add3A_2652 : i32 to index
        %swap3A_2659 = tpu.vector_load %arg7[%swap3A_2658] {strides = array<i32>} : memref<65664xf32, #tpu.memory_space<vmem>>, vector<16xf32>,
        tpu.vector_store %arg7[%swap3A_2658], %add3A_2657 {strides = array<i32>} : memref<65664xf32, #tpu.memory_space<vmem>>, vector<16xf32>,
        %add3A_2660 = arith.constant 3456 : i32
        %add3A_2661 = arith.addi %mul3A_16, %add3A_2660 : i32
        %add3A_2662 = arith.constant 64 : i32
        %add3A_2663 = arith.addi %add3A_2661, %add3A_2662 : i32
        %get3A_2664 = arith.index_cast %add3A_2663 : i32 to index
        %get3A_2665 = tpu.vector_load %arg7[%get3A_2664] {strides = array<i32>} : memref<65664xf32, #tpu.memory_space<vmem>>, vector<16xf32>,
        %get3A_2666 = arith.constant 3520 : index
        %get3A_2667 = tpu.vector_load %arg8[%get3A_2666] {strides = array<i32>} : memref<4096xf32, #tpu.memory_space<vmem>>, vector<16xf32>,
        %add3A_2668 = arith.addf %get3A_2665, %get3A_2667 : vector<16xf32>
        %swap3A_2669 = arith.index_cast %add3A_2663 : i32 to index
        %swap3A_2670 = tpu.vector_load %arg7[%swap3A_2669] {strides = array<i32>} : memref<65664xf32, #tpu.memory_space<vmem>>, vector<16xf32>,
        tpu.vector_store %arg7[%swap3A_2669], %add3A_2668 {strides = array<i32>} : memref<65664xf32, #tpu.memory_space<vmem>>, vector<16xf32>,
        %add3A_2671 = arith.constant 3456 : i32
        %add3A_2672 = arith.addi %mul3A_16, %add3A_2671 : i32
        %add3A_2673 = arith.constant 80 : i32
        %add3A_2674 = arith.addi %add3A_2672, %add3A_2673 : i32
        %get3A_2675 = arith.index_cast %add3A_2674 : i32 to index
        %get3A_2676 = tpu.vector_load %arg7[%get3A_2675] {strides = array<i32>} : memref<65664xf32, #tpu.memory_space<vmem>>, vector<16xf32>,
        %get3A_2677 = arith.constant 3536 : index
        %get3A_2678 = tpu.vector_load %arg8[%get3A_2677] {strides = array<i32>} : memref<4096xf32, #tpu.memory_space<vmem>>, vector<16xf32>,
        %add3A_2679 = arith.addf %get3A_2676, %get3A_2678 : vector<16xf32>
        %swap3A_2680 = arith.index_cast %add3A_2674 : i32 to index
        %swap3A_2681 = tpu.vector_load %arg7[%swap3A_2680] {strides = array<i32>} : memref<65664xf32, #tpu.memory_space<vmem>>, vector<16xf32>,
        tpu.vector_store %arg7[%swap3A_2680], %add3A_2679 {strides = array<i32>} : memref<65664xf32, #tpu.memory_space<vmem>>, vector<16xf32>,
        %add3A_2682 = arith.constant 3456 : i32
        %add3A_2683 = arith.addi %mul3A_16, %add3A_2682 : i32
        %add3A_2684 = arith.constant 96 : i32
        %add3A_2685 = arith.addi %add3A_2683, %add3A_2684 : i32
        %get3A_2686 = arith.index_cast %add3A_2685 : i32 to index
        %get3A_2687 = tpu.vector_load %arg7[%get3A_2686] {strides = array<i32>} : memref<65664xf32, #tpu.memory_space<vmem>>, vector<16xf32>,
        %get3A_2688 = arith.constant 3552 : index
        %get3A_2689 = tpu.vector_load %arg8[%get3A_2688] {strides = array<i32>} : memref<4096xf32, #tpu.memory_space<vmem>>, vector<16xf32>,
        %add3A_2690 = arith.addf %get3A_2687, %get3A_2689 : vector<16xf32>
        %swap3A_2691 = arith.index_cast %add3A_2685 : i32 to index
        %swap3A_2692 = tpu.vector_load %arg7[%swap3A_2691] {strides = array<i32>} : memref<65664xf32, #tpu.memory_space<vmem>>, vector<16xf32>,
        tpu.vector_store %arg7[%swap3A_2691], %add3A_2690 {strides = array<i32>} : memref<65664xf32, #tpu.memory_space<vmem>>, vector<16xf32>,
        %add3A_2693 = arith.constant 3456 : i32
        %add3A_2694 = arith.addi %mul3A_16, %add3A_2693 : i32
        %add3A_2695 = arith.constant 112 : i32
        %add3A_2696 = arith.addi %add3A_2694, %add3A_2695 : i32
        %get3A_2697 = arith.index_cast %add3A_2696 : i32 to index
        %get3A_2698 = tpu.vector_load %arg7[%get3A_2697] {strides = array<i32>} : memref<65664xf32, #tpu.memory_space<vmem>>, vector<16xf32>,
        %get3A_2699 = arith.constant 3568 : index
        %get3A_2700 = tpu.vector_load %arg8[%get3A_2699] {strides = array<i32>} : memref<4096xf32, #tpu.memory_space<vmem>>, vector<16xf32>,
        %add3A_2701 = arith.addf %get3A_2698, %get3A_2700 : vector<16xf32>
        %swap3A_2702 = arith.index_cast %add3A_2696 : i32 to index
        %swap3A_2703 = tpu.vector_load %arg7[%swap3A_2702] {strides = array<i32>} : memref<65664xf32, #tpu.memory_space<vmem>>, vector<16xf32>,
        tpu.vector_store %arg7[%swap3A_2702], %add3A_2701 {strides = array<i32>} : memref<65664xf32, #tpu.memory_space<vmem>>, vector<16xf32>,
        %add3A_2704 = arith.constant 3584 : i32
        %add3A_2705 = arith.addi %mul3A_16, %add3A_2704 : i32
        %add3A_2706 = arith.constant 0 : i32
        %add3A_2707 = arith.addi %add3A_2705, %add3A_2706 : i32
        %get3A_2708 = arith.index_cast %add3A_2707 : i32 to index
        %get3A_2709 = tpu.vector_load %arg7[%get3A_2708] {strides = array<i32>} : memref<65664xf32, #tpu.memory_space<vmem>>, vector<16xf32>,
        %get3A_2710 = arith.constant 3584 : index
        %get3A_2711 = tpu.vector_load %arg8[%get3A_2710] {strides = array<i32>} : memref<4096xf32, #tpu.memory_space<vmem>>, vector<16xf32>,
        %add3A_2712 = arith.addf %get3A_2709, %get3A_2711 : vector<16xf32>
        %swap3A_2713 = arith.index_cast %add3A_2707 : i32 to index
        %swap3A_2714 = tpu.vector_load %arg7[%swap3A_2713] {strides = array<i32>} : memref<65664xf32, #tpu.memory_space<vmem>>, vector<16xf32>,
        tpu.vector_store %arg7[%swap3A_2713], %add3A_2712 {strides = array<i32>} : memref<65664xf32, #tpu.memory_space<vmem>>, vector<16xf32>,
        %add3A_2715 = arith.constant 3584 : i32
        %add3A_2716 = arith.addi %mul3A_16, %add3A_2715 : i32
        %add3A_2717 = arith.constant 16 : i32
        %add3A_2718 = arith.addi %add3A_2716, %add3A_2717 : i32
        %get3A_2719 = arith.index_cast %add3A_2718 : i32 to index
        %get3A_2720 = tpu.vector_load %arg7[%get3A_2719] {strides = array<i32>} : memref<65664xf32, #tpu.memory_space<vmem>>, vector<16xf32>,
        %get3A_2721 = arith.constant 3600 : index
        %get3A_2722 = tpu.vector_load %arg8[%get3A_2721] {strides = array<i32>} : memref<4096xf32, #tpu.memory_space<vmem>>, vector<16xf32>,
        %add3A_2723 = arith.addf %get3A_2720, %get3A_2722 : vector<16xf32>
        %swap3A_2724 = arith.index_cast %add3A_2718 : i32 to index
        %swap3A_2725 = tpu.vector_load %arg7[%swap3A_2724] {strides = array<i32>} : memref<65664xf32, #tpu.memory_space<vmem>>, vector<16xf32>,
        tpu.vector_store %arg7[%swap3A_2724], %add3A_2723 {strides = array<i32>} : memref<65664xf32, #tpu.memory_space<vmem>>, vector<16xf32>,
        %add3A_2726 = arith.constant 3584 : i32
        %add3A_2727 = arith.addi %mul3A_16, %add3A_2726 : i32
        %add3A_2728 = arith.constant 32 : i32
        %add3A_2729 = arith.addi %add3A_2727, %add3A_2728 : i32
        %get3A_2730 = arith.index_cast %add3A_2729 : i32 to index
        %get3A_2731 = tpu.vector_load %arg7[%get3A_2730] {strides = array<i32>} : memref<65664xf32, #tpu.memory_space<vmem>>, vector<16xf32>,
        %get3A_2732 = arith.constant 3616 : index
        %get3A_2733 = tpu.vector_load %arg8[%get3A_2732] {strides = array<i32>} : memref<4096xf32, #tpu.memory_space<vmem>>, vector<16xf32>,
        %add3A_2734 = arith.addf %get3A_2731, %get3A_2733 : vector<16xf32>
        %swap3A_2735 = arith.index_cast %add3A_2729 : i32 to index
        %swap3A_2736 = tpu.vector_load %arg7[%swap3A_2735] {strides = array<i32>} : memref<65664xf32, #tpu.memory_space<vmem>>, vector<16xf32>,
        tpu.vector_store %arg7[%swap3A_2735], %add3A_2734 {strides = array<i32>} : memref<65664xf32, #tpu.memory_space<vmem>>, vector<16xf32>,
        %add3A_2737 = arith.constant 3584 : i32
        %add3A_2738 = arith.addi %mul3A_16, %add3A_2737 : i32
        %add3A_2739 = arith.constant 48 : i32
        %add3A_2740 = arith.addi %add3A_2738, %add3A_2739 : i32
        %get3A_2741 = arith.index_cast %add3A_2740 : i32 to index
        %get3A_2742 = tpu.vector_load %arg7[%get3A_2741] {strides = array<i32>} : memref<65664xf32, #tpu.memory_space<vmem>>, vector<16xf32>,
        %get3A_2743 = arith.constant 3632 : index
        %get3A_2744 = tpu.vector_load %arg8[%get3A_2743] {strides = array<i32>} : memref<4096xf32, #tpu.memory_space<vmem>>, vector<16xf32>,
        %add3A_2745 = arith.addf %get3A_2742, %get3A_2744 : vector<16xf32>
        %swap3A_2746 = arith.index_cast %add3A_2740 : i32 to index
        %swap3A_2747 = tpu.vector_load %arg7[%swap3A_2746] {strides = array<i32>} : memref<65664xf32, #tpu.memory_space<vmem>>, vector<16xf32>,
        tpu.vector_store %arg7[%swap3A_2746], %add3A_2745 {strides = array<i32>} : memref<65664xf32, #tpu.memory_space<vmem>>, vector<16xf32>,
        %add3A_2748 = arith.constant 3584 : i32
        %add3A_2749 = arith.addi %mul3A_16, %add3A_2748 : i32
        %add3A_2750 = arith.constant 64 : i32
        %add3A_2751 = arith.addi %add3A_2749, %add3A_2750 : i32
        %get3A_2752 = arith.index_cast %add3A_2751 : i32 to index
        %get3A_2753 = tpu.vector_load %arg7[%get3A_2752] {strides = array<i32>} : memref<65664xf32, #tpu.memory_space<vmem>>, vector<16xf32>,
        %get3A_2754 = arith.constant 3648 : index
        %get3A_2755 = tpu.vector_load %arg8[%get3A_2754] {strides = array<i32>} : memref<4096xf32, #tpu.memory_space<vmem>>, vector<16xf32>,
        %add3A_2756 = arith.addf %get3A_2753, %get3A_2755 : vector<16xf32>
        %swap3A_2757 = arith.index_cast %add3A_2751 : i32 to index
        %swap3A_2758 = tpu.vector_load %arg7[%swap3A_2757] {strides = array<i32>} : memref<65664xf32, #tpu.memory_space<vmem>>, vector<16xf32>,
        tpu.vector_store %arg7[%swap3A_2757], %add3A_2756 {strides = array<i32>} : memref<65664xf32, #tpu.memory_space<vmem>>, vector<16xf32>,
        %add3A_2759 = arith.constant 3584 : i32
        %add3A_2760 = arith.addi %mul3A_16, %add3A_2759 : i32
        %add3A_2761 = arith.constant 80 : i32
        %add3A_2762 = arith.addi %add3A_2760, %add3A_2761 : i32
        %get3A_2763 = arith.index_cast %add3A_2762 : i32 to index
        %get3A_2764 = tpu.vector_load %arg7[%get3A_2763] {strides = array<i32>} : memref<65664xf32, #tpu.memory_space<vmem>>, vector<16xf32>,
        %get3A_2765 = arith.constant 3664 : index
        %get3A_2766 = tpu.vector_load %arg8[%get3A_2765] {strides = array<i32>} : memref<4096xf32, #tpu.memory_space<vmem>>, vector<16xf32>,
        %add3A_2767 = arith.addf %get3A_2764, %get3A_2766 : vector<16xf32>
        %swap3A_2768 = arith.index_cast %add3A_2762 : i32 to index
        %swap3A_2769 = tpu.vector_load %arg7[%swap3A_2768] {strides = array<i32>} : memref<65664xf32, #tpu.memory_space<vmem>>, vector<16xf32>,
        tpu.vector_store %arg7[%swap3A_2768], %add3A_2767 {strides = array<i32>} : memref<65664xf32, #tpu.memory_space<vmem>>, vector<16xf32>,
        %add3A_2770 = arith.constant 3584 : i32
        %add3A_2771 = arith.addi %mul3A_16, %add3A_2770 : i32
        %add3A_2772 = arith.constant 96 : i32
        %add3A_2773 = arith.addi %add3A_2771, %add3A_2772 : i32
        %get3A_2774 = arith.index_cast %add3A_2773 : i32 to index
        %get3A_2775 = tpu.vector_load %arg7[%get3A_2774] {strides = array<i32>} : memref<65664xf32, #tpu.memory_space<vmem>>, vector<16xf32>,
        %get3A_2776 = arith.constant 3680 : index
        %get3A_2777 = tpu.vector_load %arg8[%get3A_2776] {strides = array<i32>} : memref<4096xf32, #tpu.memory_space<vmem>>, vector<16xf32>,
        %add3A_2778 = arith.addf %get3A_2775, %get3A_2777 : vector<16xf32>
        %swap3A_2779 = arith.index_cast %add3A_2773 : i32 to index
        %swap3A_2780 = tpu.vector_load %arg7[%swap3A_2779] {strides = array<i32>} : memref<65664xf32, #tpu.memory_space<vmem>>, vector<16xf32>,
        tpu.vector_store %arg7[%swap3A_2779], %add3A_2778 {strides = array<i32>} : memref<65664xf32, #tpu.memory_space<vmem>>, vector<16xf32>,
        %add3A_2781 = arith.constant 3584 : i32
        %add3A_2782 = arith.addi %mul3A_16, %add3A_2781 : i32
        %add3A_2783 = arith.constant 112 : i32
        %add3A_2784 = arith.addi %add3A_2782, %add3A_2783 : i32
        %get3A_2785 = arith.index_cast %add3A_2784 : i32 to index
        %get3A_2786 = tpu.vector_load %arg7[%get3A_2785] {strides = array<i32>} : memref<65664xf32, #tpu.memory_space<vmem>>, vector<16xf32>,
        %get3A_2787 = arith.constant 3696 : index
        %get3A_2788 = tpu.vector_load %arg8[%get3A_2787] {strides = array<i32>} : memref<4096xf32, #tpu.memory_space<vmem>>, vector<16xf32>,
        %add3A_2789 = arith.addf %get3A_2786, %get3A_2788 : vector<16xf32>
        %swap3A_2790 = arith.index_cast %add3A_2784 : i32 to index
        %swap3A_2791 = tpu.vector_load %arg7[%swap3A_2790] {strides = array<i32>} : memref<65664xf32, #tpu.memory_space<vmem>>, vector<16xf32>,
        tpu.vector_store %arg7[%swap3A_2790], %add3A_2789 {strides = array<i32>} : memref<65664xf32, #tpu.memory_space<vmem>>, vector<16xf32>,
        %add3A_2792 = arith.constant 3712 : i32
        %add3A_2793 = arith.addi %mul3A_16, %add3A_2792 : i32
        %add3A_2794 = arith.constant 0 : i32
        %add3A_2795 = arith.addi %add3A_2793, %add3A_2794 : i32
        %get3A_2796 = arith.index_cast %add3A_2795 : i32 to index
        %get3A_2797 = tpu.vector_load %arg7[%get3A_2796] {strides = array<i32>} : memref<65664xf32, #tpu.memory_space<vmem>>, vector<16xf32>,
        %get3A_2798 = arith.constant 3712 : index
        %get3A_2799 = tpu.vector_load %arg8[%get3A_2798] {strides = array<i32>} : memref<4096xf32, #tpu.memory_space<vmem>>, vector<16xf32>,
        %add3A_2800 = arith.addf %get3A_2797, %get3A_2799 : vector<16xf32>
        %swap3A_2801 = arith.index_cast %add3A_2795 : i32 to index
        %swap3A_2802 = tpu.vector_load %arg7[%swap3A_2801] {strides = array<i32>} : memref<65664xf32, #tpu.memory_space<vmem>>, vector<16xf32>,
        tpu.vector_store %arg7[%swap3A_2801], %add3A_2800 {strides = array<i32>} : memref<65664xf32, #tpu.memory_space<vmem>>, vector<16xf32>,
        %add3A_2803 = arith.constant 3712 : i32
        %add3A_2804 = arith.addi %mul3A_16, %add3A_2803 : i32
        %add3A_2805 = arith.constant 16 : i32
        %add3A_2806 = arith.addi %add3A_2804, %add3A_2805 : i32
        %get3A_2807 = arith.index_cast %add3A_2806 : i32 to index
        %get3A_2808 = tpu.vector_load %arg7[%get3A_2807] {strides = array<i32>} : memref<65664xf32, #tpu.memory_space<vmem>>, vector<16xf32>,
        %get3A_2809 = arith.constant 3728 : index
        %get3A_2810 = tpu.vector_load %arg8[%get3A_2809] {strides = array<i32>} : memref<4096xf32, #tpu.memory_space<vmem>>, vector<16xf32>,
        %add3A_2811 = arith.addf %get3A_2808, %get3A_2810 : vector<16xf32>
        %swap3A_2812 = arith.index_cast %add3A_2806 : i32 to index
        %swap3A_2813 = tpu.vector_load %arg7[%swap3A_2812] {strides = array<i32>} : memref<65664xf32, #tpu.memory_space<vmem>>, vector<16xf32>,
        tpu.vector_store %arg7[%swap3A_2812], %add3A_2811 {strides = array<i32>} : memref<65664xf32, #tpu.memory_space<vmem>>, vector<16xf32>,
        %add3A_2814 = arith.constant 3712 : i32
        %add3A_2815 = arith.addi %mul3A_16, %add3A_2814 : i32
        %add3A_2816 = arith.constant 32 : i32
        %add3A_2817 = arith.addi %add3A_2815, %add3A_2816 : i32
        %get3A_2818 = arith.index_cast %add3A_2817 : i32 to index
        %get3A_2819 = tpu.vector_load %arg7[%get3A_2818] {strides = array<i32>} : memref<65664xf32, #tpu.memory_space<vmem>>, vector<16xf32>,
        %get3A_2820 = arith.constant 3744 : index
        %get3A_2821 = tpu.vector_load %arg8[%get3A_2820] {strides = array<i32>} : memref<4096xf32, #tpu.memory_space<vmem>>, vector<16xf32>,
        %add3A_2822 = arith.addf %get3A_2819, %get3A_2821 : vector<16xf32>
        %swap3A_2823 = arith.index_cast %add3A_2817 : i32 to index
        %swap3A_2824 = tpu.vector_load %arg7[%swap3A_2823] {strides = array<i32>} : memref<65664xf32, #tpu.memory_space<vmem>>, vector<16xf32>,
        tpu.vector_store %arg7[%swap3A_2823], %add3A_2822 {strides = array<i32>} : memref<65664xf32, #tpu.memory_space<vmem>>, vector<16xf32>,
        %add3A_2825 = arith.constant 3712 : i32
        %add3A_2826 = arith.addi %mul3A_16, %add3A_2825 : i32
        %add3A_2827 = arith.constant 48 : i32
        %add3A_2828 = arith.addi %add3A_2826, %add3A_2827 : i32
        %get3A_2829 = arith.index_cast %add3A_2828 : i32 to index
        %get3A_2830 = tpu.vector_load %arg7[%get3A_2829] {strides = array<i32>} : memref<65664xf32, #tpu.memory_space<vmem>>, vector<16xf32>,
        %get3A_2831 = arith.constant 3760 : index
        %get3A_2832 = tpu.vector_load %arg8[%get3A_2831] {strides = array<i32>} : memref<4096xf32, #tpu.memory_space<vmem>>, vector<16xf32>,
        %add3A_2833 = arith.addf %get3A_2830, %get3A_2832 : vector<16xf32>
        %swap3A_2834 = arith.index_cast %add3A_2828 : i32 to index
        %swap3A_2835 = tpu.vector_load %arg7[%swap3A_2834] {strides = array<i32>} : memref<65664xf32, #tpu.memory_space<vmem>>, vector<16xf32>,
        tpu.vector_store %arg7[%swap3A_2834], %add3A_2833 {strides = array<i32>} : memref<65664xf32, #tpu.memory_space<vmem>>, vector<16xf32>,
        %add3A_2836 = arith.constant 3712 : i32
        %add3A_2837 = arith.addi %mul3A_16, %add3A_2836 : i32
        %add3A_2838 = arith.constant 64 : i32
        %add3A_2839 = arith.addi %add3A_2837, %add3A_2838 : i32
        %get3A_2840 = arith.index_cast %add3A_2839 : i32 to index
        %get3A_2841 = tpu.vector_load %arg7[%get3A_2840] {strides = array<i32>} : memref<65664xf32, #tpu.memory_space<vmem>>, vector<16xf32>,
        %get3A_2842 = arith.constant 3776 : index
        %get3A_2843 = tpu.vector_load %arg8[%get3A_2842] {strides = array<i32>} : memref<4096xf32, #tpu.memory_space<vmem>>, vector<16xf32>,
        %add3A_2844 = arith.addf %get3A_2841, %get3A_2843 : vector<16xf32>
        %swap3A_2845 = arith.index_cast %add3A_2839 : i32 to index
        %swap3A_2846 = tpu.vector_load %arg7[%swap3A_2845] {strides = array<i32>} : memref<65664xf32, #tpu.memory_space<vmem>>, vector<16xf32>,
        tpu.vector_store %arg7[%swap3A_2845], %add3A_2844 {strides = array<i32>} : memref<65664xf32, #tpu.memory_space<vmem>>, vector<16xf32>,
        %add3A_2847 = arith.constant 3712 : i32
        %add3A_2848 = arith.addi %mul3A_16, %add3A_2847 : i32
        %add3A_2849 = arith.constant 80 : i32
        %add3A_2850 = arith.addi %add3A_2848, %add3A_2849 : i32
        %get3A_2851 = arith.index_cast %add3A_2850 : i32 to index
        %get3A_2852 = tpu.vector_load %arg7[%get3A_2851] {strides = array<i32>} : memref<65664xf32, #tpu.memory_space<vmem>>, vector<16xf32>,
        %get3A_2853 = arith.constant 3792 : index
        %get3A_2854 = tpu.vector_load %arg8[%get3A_2853] {strides = array<i32>} : memref<4096xf32, #tpu.memory_space<vmem>>, vector<16xf32>,
        %add3A_2855 = arith.addf %get3A_2852, %get3A_2854 : vector<16xf32>
        %swap3A_2856 = arith.index_cast %add3A_2850 : i32 to index
        %swap3A_2857 = tpu.vector_load %arg7[%swap3A_2856] {strides = array<i32>} : memref<65664xf32, #tpu.memory_space<vmem>>, vector<16xf32>,
        tpu.vector_store %arg7[%swap3A_2856], %add3A_2855 {strides = array<i32>} : memref<65664xf32, #tpu.memory_space<vmem>>, vector<16xf32>,
        %add3A_2858 = arith.constant 3712 : i32
        %add3A_2859 = arith.addi %mul3A_16, %add3A_2858 : i32
        %add3A_2860 = arith.constant 96 : i32
        %add3A_2861 = arith.addi %add3A_2859, %add3A_2860 : i32
        %get3A_2862 = arith.index_cast %add3A_2861 : i32 to index
        %get3A_2863 = tpu.vector_load %arg7[%get3A_2862] {strides = array<i32>} : memref<65664xf32, #tpu.memory_space<vmem>>, vector<16xf32>,
        %get3A_2864 = arith.constant 3808 : index
        %get3A_2865 = tpu.vector_load %arg8[%get3A_2864] {strides = array<i32>} : memref<4096xf32, #tpu.memory_space<vmem>>, vector<16xf32>,
        %add3A_2866 = arith.addf %get3A_2863, %get3A_2865 : vector<16xf32>
        %swap3A_2867 = arith.index_cast %add3A_2861 : i32 to index
        %swap3A_2868 = tpu.vector_load %arg7[%swap3A_2867] {strides = array<i32>} : memref<65664xf32, #tpu.memory_space<vmem>>, vector<16xf32>,
        tpu.vector_store %arg7[%swap3A_2867], %add3A_2866 {strides = array<i32>} : memref<65664xf32, #tpu.memory_space<vmem>>, vector<16xf32>,
        %add3A_2869 = arith.constant 3712 : i32
        %add3A_2870 = arith.addi %mul3A_16, %add3A_2869 : i32
        %add3A_2871 = arith.constant 112 : i32
        %add3A_2872 = arith.addi %add3A_2870, %add3A_2871 : i32
        %get3A_2873 = arith.index_cast %add3A_2872 : i32 to index
        %get3A_2874 = tpu.vector_load %arg7[%get3A_2873] {strides = array<i32>} : memref<65664xf32, #tpu.memory_space<vmem>>, vector<16xf32>,
        %get3A_2875 = arith.constant 3824 : index
        %get3A_2876 = tpu.vector_load %arg8[%get3A_2875] {strides = array<i32>} : memref<4096xf32, #tpu.memory_space<vmem>>, vector<16xf32>,
        %add3A_2877 = arith.addf %get3A_2874, %get3A_2876 : vector<16xf32>
        %swap3A_2878 = arith.index_cast %add3A_2872 : i32 to index
        %swap3A_2879 = tpu.vector_load %arg7[%swap3A_2878] {strides = array<i32>} : memref<65664xf32, #tpu.memory_space<vmem>>, vector<16xf32>,
        tpu.vector_store %arg7[%swap3A_2878], %add3A_2877 {strides = array<i32>} : memref<65664xf32, #tpu.memory_space<vmem>>, vector<16xf32>,
        %add3A_2880 = arith.constant 3840 : i32
        %add3A_2881 = arith.addi %mul3A_16, %add3A_2880 : i32
        %add3A_2882 = arith.constant 0 : i32
        %add3A_2883 = arith.addi %add3A_2881, %add3A_2882 : i32
        %get3A_2884 = arith.index_cast %add3A_2883 : i32 to index
        %get3A_2885 = tpu.vector_load %arg7[%get3A_2884] {strides = array<i32>} : memref<65664xf32, #tpu.memory_space<vmem>>, vector<16xf32>,
        %get3A_2886 = arith.constant 3840 : index
        %get3A_2887 = tpu.vector_load %arg8[%get3A_2886] {strides = array<i32>} : memref<4096xf32, #tpu.memory_space<vmem>>, vector<16xf32>,
        %add3A_2888 = arith.addf %get3A_2885, %get3A_2887 : vector<16xf32>
        %swap3A_2889 = arith.index_cast %add3A_2883 : i32 to index
        %swap3A_2890 = tpu.vector_load %arg7[%swap3A_2889] {strides = array<i32>} : memref<65664xf32, #tpu.memory_space<vmem>>, vector<16xf32>,
        tpu.vector_store %arg7[%swap3A_2889], %add3A_2888 {strides = array<i32>} : memref<65664xf32, #tpu.memory_space<vmem>>, vector<16xf32>,
        %add3A_2891 = arith.constant 3840 : i32
        %add3A_2892 = arith.addi %mul3A_16, %add3A_2891 : i32
        %add3A_2893 = arith.constant 16 : i32
        %add3A_2894 = arith.addi %add3A_2892, %add3A_2893 : i32
        %get3A_2895 = arith.index_cast %add3A_2894 : i32 to index
        %get3A_2896 = tpu.vector_load %arg7[%get3A_2895] {strides = array<i32>} : memref<65664xf32, #tpu.memory_space<vmem>>, vector<16xf32>,
        %get3A_2897 = arith.constant 3856 : index
        %get3A_2898 = tpu.vector_load %arg8[%get3A_2897] {strides = array<i32>} : memref<4096xf32, #tpu.memory_space<vmem>>, vector<16xf32>,
        %add3A_2899 = arith.addf %get3A_2896, %get3A_2898 : vector<16xf32>
        %swap3A_2900 = arith.index_cast %add3A_2894 : i32 to index
        %swap3A_2901 = tpu.vector_load %arg7[%swap3A_2900] {strides = array<i32>} : memref<65664xf32, #tpu.memory_space<vmem>>, vector<16xf32>,
        tpu.vector_store %arg7[%swap3A_2900], %add3A_2899 {strides = array<i32>} : memref<65664xf32, #tpu.memory_space<vmem>>, vector<16xf32>,
        %add3A_2902 = arith.constant 3840 : i32
        %add3A_2903 = arith.addi %mul3A_16, %add3A_2902 : i32
        %add3A_2904 = arith.constant 32 : i32
        %add3A_2905 = arith.addi %add3A_2903, %add3A_2904 : i32
        %get3A_2906 = arith.index_cast %add3A_2905 : i32 to index
        %get3A_2907 = tpu.vector_load %arg7[%get3A_2906] {strides = array<i32>} : memref<65664xf32, #tpu.memory_space<vmem>>, vector<16xf32>,
        %get3A_2908 = arith.constant 3872 : index
        %get3A_2909 = tpu.vector_load %arg8[%get3A_2908] {strides = array<i32>} : memref<4096xf32, #tpu.memory_space<vmem>>, vector<16xf32>,
        %add3A_2910 = arith.addf %get3A_2907, %get3A_2909 : vector<16xf32>
        %swap3A_2911 = arith.index_cast %add3A_2905 : i32 to index
        %swap3A_2912 = tpu.vector_load %arg7[%swap3A_2911] {strides = array<i32>} : memref<65664xf32, #tpu.memory_space<vmem>>, vector<16xf32>,
        tpu.vector_store %arg7[%swap3A_2911], %add3A_2910 {strides = array<i32>} : memref<65664xf32, #tpu.memory_space<vmem>>, vector<16xf32>,
        %add3A_2913 = arith.constant 3840 : i32
        %add3A_2914 = arith.addi %mul3A_16, %add3A_2913 : i32
        %add3A_2915 = arith.constant 48 : i32
        %add3A_2916 = arith.addi %add3A_2914, %add3A_2915 : i32
        %get3A_2917 = arith.index_cast %add3A_2916 : i32 to index
        %get3A_2918 = tpu.vector_load %arg7[%get3A_2917] {strides = array<i32>} : memref<65664xf32, #tpu.memory_space<vmem>>, vector<16xf32>,
        %get3A_2919 = arith.constant 3888 : index
        %get3A_2920 = tpu.vector_load %arg8[%get3A_2919] {strides = array<i32>} : memref<4096xf32, #tpu.memory_space<vmem>>, vector<16xf32>,
        %add3A_2921 = arith.addf %get3A_2918, %get3A_2920 : vector<16xf32>
        %swap3A_2922 = arith.index_cast %add3A_2916 : i32 to index
        %swap3A_2923 = tpu.vector_load %arg7[%swap3A_2922] {strides = array<i32>} : memref<65664xf32, #tpu.memory_space<vmem>>, vector<16xf32>,
        tpu.vector_store %arg7[%swap3A_2922], %add3A_2921 {strides = array<i32>} : memref<65664xf32, #tpu.memory_space<vmem>>, vector<16xf32>,
        %add3A_2924 = arith.constant 3840 : i32
        %add3A_2925 = arith.addi %mul3A_16, %add3A_2924 : i32
        %add3A_2926 = arith.constant 64 : i32
        %add3A_2927 = arith.addi %add3A_2925, %add3A_2926 : i32
        %get3A_2928 = arith.index_cast %add3A_2927 : i32 to index
        %get3A_2929 = tpu.vector_load %arg7[%get3A_2928] {strides = array<i32>} : memref<65664xf32, #tpu.memory_space<vmem>>, vector<16xf32>,
        %get3A_2930 = arith.constant 3904 : index
        %get3A_2931 = tpu.vector_load %arg8[%get3A_2930] {strides = array<i32>} : memref<4096xf32, #tpu.memory_space<vmem>>, vector<16xf32>,
        %add3A_2932 = arith.addf %get3A_2929, %get3A_2931 : vector<16xf32>
        %swap3A_2933 = arith.index_cast %add3A_2927 : i32 to index
        %swap3A_2934 = tpu.vector_load %arg7[%swap3A_2933] {strides = array<i32>} : memref<65664xf32, #tpu.memory_space<vmem>>, vector<16xf32>,
        tpu.vector_store %arg7[%swap3A_2933], %add3A_2932 {strides = array<i32>} : memref<65664xf32, #tpu.memory_space<vmem>>, vector<16xf32>,
        %add3A_2935 = arith.constant 3840 : i32
        %add3A_2936 = arith.addi %mul3A_16, %add3A_2935 : i32
        %add3A_2937 = arith.constant 80 : i32
        %add3A_2938 = arith.addi %add3A_2936, %add3A_2937 : i32
        %get3A_2939 = arith.index_cast %add3A_2938 : i32 to index
        %get3A_2940 = tpu.vector_load %arg7[%get3A_2939] {strides = array<i32>} : memref<65664xf32, #tpu.memory_space<vmem>>, vector<16xf32>,
        %get3A_2941 = arith.constant 3920 : index
        %get3A_2942 = tpu.vector_load %arg8[%get3A_2941] {strides = array<i32>} : memref<4096xf32, #tpu.memory_space<vmem>>, vector<16xf32>,
        %add3A_2943 = arith.addf %get3A_2940, %get3A_2942 : vector<16xf32>
        %swap3A_2944 = arith.index_cast %add3A_2938 : i32 to index
        %swap3A_2945 = tpu.vector_load %arg7[%swap3A_2944] {strides = array<i32>} : memref<65664xf32, #tpu.memory_space<vmem>>, vector<16xf32>,
        tpu.vector_store %arg7[%swap3A_2944], %add3A_2943 {strides = array<i32>} : memref<65664xf32, #tpu.memory_space<vmem>>, vector<16xf32>,
        %add3A_2946 = arith.constant 3840 : i32
        %add3A_2947 = arith.addi %mul3A_16, %add3A_2946 : i32
        %add3A_2948 = arith.constant 96 : i32
        %add3A_2949 = arith.addi %add3A_2947, %add3A_2948 : i32
        %get3A_2950 = arith.index_cast %add3A_2949 : i32 to index
        %get3A_2951 = tpu.vector_load %arg7[%get3A_2950] {strides = array<i32>} : memref<65664xf32, #tpu.memory_space<vmem>>, vector<16xf32>,
        %get3A_2952 = arith.constant 3936 : index
        %get3A_2953 = tpu.vector_load %arg8[%get3A_2952] {strides = array<i32>} : memref<4096xf32, #tpu.memory_space<vmem>>, vector<16xf32>,
        %add3A_2954 = arith.addf %get3A_2951, %get3A_2953 : vector<16xf32>
        %swap3A_2955 = arith.index_cast %add3A_2949 : i32 to index
        %swap3A_2956 = tpu.vector_load %arg7[%swap3A_2955] {strides = array<i32>} : memref<65664xf32, #tpu.memory_space<vmem>>, vector<16xf32>,
        tpu.vector_store %arg7[%swap3A_2955], %add3A_2954 {strides = array<i32>} : memref<65664xf32, #tpu.memory_space<vmem>>, vector<16xf32>,
        %add3A_2957 = arith.constant 3840 : i32
        %add3A_2958 = arith.addi %mul3A_16, %add3A_2957 : i32
        %add3A_2959 = arith.constant 112 : i32
        %add3A_2960 = arith.addi %add3A_2958, %add3A_2959 : i32
        %get3A_2961 = arith.index_cast %add3A_2960 : i32 to index
        %get3A_2962 = tpu.vector_load %arg7[%get3A_2961] {strides = array<i32>} : memref<65664xf32, #tpu.memory_space<vmem>>, vector<16xf32>,
        %get3A_2963 = arith.constant 3952 : index
        %get3A_2964 = tpu.vector_load %arg8[%get3A_2963] {strides = array<i32>} : memref<4096xf32, #tpu.memory_space<vmem>>, vector<16xf32>,
        %add3A_2965 = arith.addf %get3A_2962, %get3A_2964 : vector<16xf32>
        %swap3A_2966 = arith.index_cast %add3A_2960 : i32 to index
        %swap3A_2967 = tpu.vector_load %arg7[%swap3A_2966] {strides = array<i32>} : memref<65664xf32, #tpu.memory_space<vmem>>, vector<16xf32>,
        tpu.vector_store %arg7[%swap3A_2966], %add3A_2965 {strides = array<i32>} : memref<65664xf32, #tpu.memory_space<vmem>>, vector<16xf32>,
        %add3A_2968 = arith.constant 3968 : i32
        %add3A_2969 = arith.addi %mul3A_16, %add3A_2968 : i32
        %add3A_2970 = arith.constant 0 : i32
        %add3A_2971 = arith.addi %add3A_2969, %add3A_2970 : i32
        %get3A_2972 = arith.index_cast %add3A_2971 : i32 to index
        %get3A_2973 = tpu.vector_load %arg7[%get3A_2972] {strides = array<i32>} : memref<65664xf32, #tpu.memory_space<vmem>>, vector<16xf32>,
        %get3A_2974 = arith.constant 3968 : index
        %get3A_2975 = tpu.vector_load %arg8[%get3A_2974] {strides = array<i32>} : memref<4096xf32, #tpu.memory_space<vmem>>, vector<16xf32>,
        %add3A_2976 = arith.addf %get3A_2973, %get3A_2975 : vector<16xf32>
        %swap3A_2977 = arith.index_cast %add3A_2971 : i32 to index
        %swap3A_2978 = tpu.vector_load %arg7[%swap3A_2977] {strides = array<i32>} : memref<65664xf32, #tpu.memory_space<vmem>>, vector<16xf32>,
        tpu.vector_store %arg7[%swap3A_2977], %add3A_2976 {strides = array<i32>} : memref<65664xf32, #tpu.memory_space<vmem>>, vector<16xf32>,
        %add3A_2979 = arith.constant 3968 : i32
        %add3A_2980 = arith.addi %mul3A_16, %add3A_2979 : i32
        %add3A_2981 = arith.constant 16 : i32
        %add3A_2982 = arith.addi %add3A_2980, %add3A_2981 : i32
        %get3A_2983 = arith.index_cast %add3A_2982 : i32 to index
        %get3A_2984 = tpu.vector_load %arg7[%get3A_2983] {strides = array<i32>} : memref<65664xf32, #tpu.memory_space<vmem>>, vector<16xf32>,
        %get3A_2985 = arith.constant 3984 : index
        %get3A_2986 = tpu.vector_load %arg8[%get3A_2985] {strides = array<i32>} : memref<4096xf32, #tpu.memory_space<vmem>>, vector<16xf32>,
        %add3A_2987 = arith.addf %get3A_2984, %get3A_2986 : vector<16xf32>
        %swap3A_2988 = arith.index_cast %add3A_2982 : i32 to index
        %swap3A_2989 = tpu.vector_load %arg7[%swap3A_2988] {strides = array<i32>} : memref<65664xf32, #tpu.memory_space<vmem>>, vector<16xf32>,
        tpu.vector_store %arg7[%swap3A_2988], %add3A_2987 {strides = array<i32>} : memref<65664xf32, #tpu.memory_space<vmem>>, vector<16xf32>,
        %add3A_2990 = arith.constant 3968 : i32
        %add3A_2991 = arith.addi %mul3A_16, %add3A_2990 : i32
        %add3A_2992 = arith.constant 32 : i32
        %add3A_2993 = arith.addi %add3A_2991, %add3A_2992 : i32
        %get3A_2994 = arith.index_cast %add3A_2993 : i32 to index
        %get3A_2995 = tpu.vector_load %arg7[%get3A_2994] {strides = array<i32>} : memref<65664xf32, #tpu.memory_space<vmem>>, vector<16xf32>,
        %get3A_2996 = arith.constant 4000 : index
        %get3A_2997 = tpu.vector_load %arg8[%get3A_2996] {strides = array<i32>} : memref<4096xf32, #tpu.memory_space<vmem>>, vector<16xf32>,
        %add3A_2998 = arith.addf %get3A_2995, %get3A_2997 : vector<16xf32>
        %swap3A_2999 = arith.index_cast %add3A_2993 : i32 to index
        %swap3A_3000 = tpu.vector_load %arg7[%swap3A_2999] {strides = array<i32>} : memref<65664xf32, #tpu.memory_space<vmem>>, vector<16xf32>,
        tpu.vector_store %arg7[%swap3A_2999], %add3A_2998 {strides = array<i32>} : memref<65664xf32, #tpu.memory_space<vmem>>, vector<16xf32>,
        %add3A_3001 = arith.constant 3968 : i32
        %add3A_3002 = arith.addi %mul3A_16, %add3A_3001 : i32
        %add3A_3003 = arith.constant 48 : i32
        %add3A_3004 = arith.addi %add3A_3002, %add3A_3003 : i32
        %get3A_3005 = arith.index_cast %add3A_3004 : i32 to index
        %get3A_3006 = tpu.vector_load %arg7[%get3A_3005] {strides = array<i32>} : memref<65664xf32, #tpu.memory_space<vmem>>, vector<16xf32>,
        %get3A_3007 = arith.constant 4016 : index
        %get3A_3008 = tpu.vector_load %arg8[%get3A_3007] {strides = array<i32>} : memref<4096xf32, #tpu.memory_space<vmem>>, vector<16xf32>,
        %add3A_3009 = arith.addf %get3A_3006, %get3A_3008 : vector<16xf32>
        %swap3A_3010 = arith.index_cast %add3A_3004 : i32 to index
        %swap3A_3011 = tpu.vector_load %arg7[%swap3A_3010] {strides = array<i32>} : memref<65664xf32, #tpu.memory_space<vmem>>, vector<16xf32>,
        tpu.vector_store %arg7[%swap3A_3010], %add3A_3009 {strides = array<i32>} : memref<65664xf32, #tpu.memory_space<vmem>>, vector<16xf32>,
        %add3A_3012 = arith.constant 3968 : i32
        %add3A_3013 = arith.addi %mul3A_16, %add3A_3012 : i32
        %add3A_3014 = arith.constant 64 : i32
        %add3A_3015 = arith.addi %add3A_3013, %add3A_3014 : i32
        %get3A_3016 = arith.index_cast %add3A_3015 : i32 to index
        %get3A_3017 = tpu.vector_load %arg7[%get3A_3016] {strides = array<i32>} : memref<65664xf32, #tpu.memory_space<vmem>>, vector<16xf32>,
        %get3A_3018 = arith.constant 4032 : index
        %get3A_3019 = tpu.vector_load %arg8[%get3A_3018] {strides = array<i32>} : memref<4096xf32, #tpu.memory_space<vmem>>, vector<16xf32>,
        %add3A_3020 = arith.addf %get3A_3017, %get3A_3019 : vector<16xf32>
        %swap3A_3021 = arith.index_cast %add3A_3015 : i32 to index
        %swap3A_3022 = tpu.vector_load %arg7[%swap3A_3021] {strides = array<i32>} : memref<65664xf32, #tpu.memory_space<vmem>>, vector<16xf32>,
        tpu.vector_store %arg7[%swap3A_3021], %add3A_3020 {strides = array<i32>} : memref<65664xf32, #tpu.memory_space<vmem>>, vector<16xf32>,
        %add3A_3023 = arith.constant 3968 : i32
        %add3A_3024 = arith.addi %mul3A_16, %add3A_3023 : i32
        %add3A_3025 = arith.constant 80 : i32
        %add3A_3026 = arith.addi %add3A_3024, %add3A_3025 : i32
        %get3A_3027 = arith.index_cast %add3A_3026 : i32 to index
        %get3A_3028 = tpu.vector_load %arg7[%get3A_3027] {strides = array<i32>} : memref<65664xf32, #tpu.memory_space<vmem>>, vector<16xf32>,
        %get3A_3029 = arith.constant 4048 : index
        %get3A_3030 = tpu.vector_load %arg8[%get3A_3029] {strides = array<i32>} : memref<4096xf32, #tpu.memory_space<vmem>>, vector<16xf32>,
        %add3A_3031 = arith.addf %get3A_3028, %get3A_3030 : vector<16xf32>
        %swap3A_3032 = arith.index_cast %add3A_3026 : i32 to index
        %swap3A_3033 = tpu.vector_load %arg7[%swap3A_3032] {strides = array<i32>} : memref<65664xf32, #tpu.memory_space<vmem>>, vector<16xf32>,
        tpu.vector_store %arg7[%swap3A_3032], %add3A_3031 {strides = array<i32>} : memref<65664xf32, #tpu.memory_space<vmem>>, vector<16xf32>,
        %add3A_3034 = arith.constant 3968 : i32
        %add3A_3035 = arith.addi %mul3A_16, %add3A_3034 : i32
        %add3A_3036 = arith.constant 96 : i32
        %add3A_3037 = arith.addi %add3A_3035, %add3A_3036 : i32
        %get3A_3038 = arith.index_cast %add3A_3037 : i32 to index
        %get3A_3039 = tpu.vector_load %arg7[%get3A_3038] {strides = array<i32>} : memref<65664xf32, #tpu.memory_space<vmem>>, vector<16xf32>,
        %get3A_3040 = arith.constant 4064 : index
        %get3A_3041 = tpu.vector_load %arg8[%get3A_3040] {strides = array<i32>} : memref<4096xf32, #tpu.memory_space<vmem>>, vector<16xf32>,
        %add3A_3042 = arith.addf %get3A_3039, %get3A_3041 : vector<16xf32>
        %swap3A_3043 = arith.index_cast %add3A_3037 : i32 to index
        %swap3A_3044 = tpu.vector_load %arg7[%swap3A_3043] {strides = array<i32>} : memref<65664xf32, #tpu.memory_space<vmem>>, vector<16xf32>,
        tpu.vector_store %arg7[%swap3A_3043], %add3A_3042 {strides = array<i32>} : memref<65664xf32, #tpu.memory_space<vmem>>, vector<16xf32>,
        %add3A_3045 = arith.constant 3968 : i32
        %add3A_3046 = arith.addi %mul3A_16, %add3A_3045 : i32
        %add3A_3047 = arith.constant 112 : i32
        %add3A_3048 = arith.addi %add3A_3046, %add3A_3047 : i32
        %get3A_3049 = arith.index_cast %add3A_3048 : i32 to index
        %get3A_3050 = tpu.vector_load %arg7[%get3A_3049] {strides = array<i32>} : memref<65664xf32, #tpu.memory_space<vmem>>, vector<16xf32>,
        %get3A_3051 = arith.constant 4080 : index
        %get3A_3052 = tpu.vector_load %arg8[%get3A_3051] {strides = array<i32>} : memref<4096xf32, #tpu.memory_space<vmem>>, vector<16xf32>,
        %add3A_3053 = arith.addf %get3A_3050, %get3A_3052 : vector<16xf32>
        %swap3A_3054 = arith.index_cast %add3A_3048 : i32 to index
        %swap3A_3055 = tpu.vector_load %arg7[%swap3A_3054] {strides = array<i32>} : memref<65664xf32, #tpu.memory_space<vmem>>, vector<16xf32>,
        tpu.vector_store %arg7[%swap3A_3054], %add3A_3053 {strides = array<i32>} : memref<65664xf32, #tpu.memory_space<vmem>>, vector<16xf32>,
      } else {
      }
    }
    %scan3A_173 = arith.constant 15 : i32
    %mul3A_174 = arith.constant 65536 : i32
    %mul3A_175 = arith.muli %arg0, %mul3A_174 : i32
    %add3A_176 = arith.addi %mul3A_175, %mul3A_16 : i32
    "tpu.region"() ({
      %run_scoped3A = tpu.sem_alloc : memref<!tpu.dma_semaphore, #tpu.memory_space<semaphore_mem>>
      %dma_start3A_177 = tpu.memref_slice %arg7[%mul3A_16] : memref<65664xf32, #tpu.memory_space<vmem>> -> memref<4096xf32, #tpu.memory_space<vmem>>
      %dma_start3A_178 = tpu.memref_slice %arg4[%add3A_176] : memref<131072xf32, #tpu.memory_space<hbm>> -> memref<4096xf32, #tpu.memory_space<hbm>>
      %dma_start3A_179 = tpu.memref_slice %arg4[%add3A_176] : memref<131072xf32, #tpu.memory_space<hbm>> -> memref<4096xf32, #tpu.memory_space<hbm>>
      %dma_start3A_180 = tpu.memref_slice %arg7[%mul3A_16] : memref<65664xf32, #tpu.memory_space<vmem>> -> memref<4096xf32, #tpu.memory_space<vmem>>
      tpu.enqueue_dma source(%dma_start3A_180 : memref<4096xf32, #tpu.memory_space<vmem>>) target(%dma_start3A_179 : memref<4096xf32, #tpu.memory_space<hbm>>) target_semaphore(%run_scoped3A : memref<!tpu.dma_semaphore, #tpu.memory_space<semaphore_mem>>)
      %dma_wait3A_181 = tpu.memref_slice %arg7[%mul3A_16] : memref<65664xf32, #tpu.memory_space<vmem>> -> memref<4096xf32, #tpu.memory_space<vmem>>
      %dma_wait3A_182 = tpu.memref_slice %arg4[%add3A_176] : memref<131072xf32, #tpu.memory_space<hbm>> -> memref<4096xf32, #tpu.memory_space<hbm>>
      %dma_wait3A_183 = tpu.memref_slice %arg4[%add3A_176] : memref<131072xf32, #tpu.memory_space<hbm>> -> memref<4096xf32, #tpu.memory_space<hbm>>
      %dma_wait3A_184 = tpu.memref_slice %arg7[%mul3A_16] : memref<65664xf32, #tpu.memory_space<vmem>> -> memref<4096xf32, #tpu.memory_space<vmem>>
      tpu.wait_dma2 semaphore(%run_scoped3A : memref<!tpu.dma_semaphore, #tpu.memory_space<semaphore_mem>>) src(%dma_wait3A_184 : memref<4096xf32, #tpu.memory_space<vmem>>) dst(%dma_wait3A_183 : memref<4096xf32, #tpu.memory_space<hbm>>)
      tpu.yield
    }) : () -> ()
    return
  }
}

module attributes {stable_mosaic.version = 14 : i64} {
  func.func @_dense_body(%arg0: memref<131072xf32, #tpu.memory_space<vmem>>, %arg1: memref<128x64xf32, #tpu.memory_space<vmem>>, %arg2: memref<64x128xf32, #tpu.memory_space<vmem>>, %arg3: memref<128xf32, #tpu.memory_space<vmem>>, %arg4: memref<128x128xf32, #tpu.memory_space<vmem>>, %arg5: memref<128xf32, #tpu.memory_space<vmem>>, %arg6: memref<128x1xf32, #tpu.memory_space<vmem>>, %arg7: memref<1xf32, #tpu.memory_space<vmem>>, %arg8: memref<512x1xf32, #tpu.memory_space<vmem>>, %arg9: memref<130x256xf32, #tpu.memory_space<vmem>>, %arg10: memref<256xf32, #tpu.memory_space<vmem>>, %arg11: memref<256x256xf32, #tpu.memory_space<vmem>>, %arg12: memref<256xf32, #tpu.memory_space<vmem>>, %arg13: memref<256x1xf32, #tpu.memory_space<vmem>>, %arg14: memref<1xf32, #tpu.memory_space<vmem>>, %arg15: memref<512xf32, #tpu.memory_space<vmem>>, %arg16: memref<512xf32, #tpu.memory_space<vmem>>, %arg17: memref<512x128xf32, #tpu.memory_space<vmem>>) attributes {dimension_semantics = [], scalar_prefetch = 0 : i64, scratch_operands = 0 : i64, tpu.core_type = #tpu.core_type<tc>} {
    %get3A = arith.constant 0 : index
    %get3A_0 = vector.load %arg0[%get3A] : memref<131072xf32, #tpu.memory_space<vmem>>, vector<65536xf32>
    %get3A_1 = arith.constant 65536 : index
    %get3A_2 = vector.load %arg0[%get3A_1] : memref<131072xf32, #tpu.memory_space<vmem>>, vector<65536xf32>
    %add3A = arith.addf %get3A_0, %get3A_2 : vector<65536xf32>
    %reshape3A = vector.shape_cast %add3A : vector<65536xf32> to vector<512x128xf32>
    %get3A_3 = arith.constant 0 : index
    %get3A_4 = arith.constant 0 : index
    %get3A_5 = vector.load %arg1[%get3A_3, %get3A_4] : memref<128x64xf32, #tpu.memory_space<vmem>>, vector<128x64xf32>
    %get3A_6 = arith.constant 0 : index
    %get3A_7 = arith.constant 0 : index
    %get3A_8 = vector.load %arg2[%get3A_6, %get3A_7] : memref<64x128xf32, #tpu.memory_space<vmem>>, vector<64x128xf32>
    %dot_general3A = arith.constant dense<0.000000e+00> : vector<128x128xf32>
    %dot_general3A_9 = tpu.matmul %get3A_5, %get3A_8, %dot_general3A {dimension_numbers = #tpu.dot_dimension_numbers<[1], [0], [0], [1], [0, 0, 1, 1], [], []>, transpose_lhs_hint = false} : vector<128x64xf32>, vector<64x128xf32>, vector<128x128xf32> -> vector<128x128xf32>
    %get3A_10 = arith.constant 0 : index
    %get3A_11 = vector.load %arg3[%get3A_10] : memref<128xf32, #tpu.memory_space<vmem>>, vector<128xf32>
    %broadcast_in_dim3A = vector.shape_cast %get3A_11 : vector<128xf32> to vector<1x128xf32>
    %add3A_12 = vector.broadcast %broadcast_in_dim3A : vector<1x128xf32> to vector<128x128xf32>
    %add3A_13 = arith.addf %dot_general3A_9, %add3A_12 : vector<128x128xf32>
    %neg3A = arith.constant 0.000000e+00 : f32
    %neg3A_14 = vector.broadcast %neg3A : f32 to vector<128x128xf32>
    %neg3A_15 = arith.subf %neg3A_14, %add3A_13 : vector<128x128xf32>
    %exp3A = math.exp %neg3A_15 : vector<128x128xf32>
    %add3A_16 = arith.constant 1.000000e+00 : f32
    %add3A_17 = vector.broadcast %add3A_16 : f32 to vector<128x128xf32>
    %add3A_18 = arith.addf %add3A_17, %exp3A : vector<128x128xf32>
    %div3A = arith.divf %add3A_13, %add3A_18 : vector<128x128xf32>
    %get3A_19 = arith.constant 0 : index
    %get3A_20 = arith.constant 0 : index
    %get3A_21 = vector.load %arg4[%get3A_19, %get3A_20] : memref<128x128xf32, #tpu.memory_space<vmem>>, vector<128x128xf32>
    %dot_general3A_22 = arith.constant dense<0.000000e+00> : vector<128x128xf32>
    %dot_general3A_23 = tpu.matmul %div3A, %get3A_21, %dot_general3A_22 {dimension_numbers = #tpu.dot_dimension_numbers<[1], [0], [0], [1], [0, 0, 1, 1], [], []>, transpose_lhs_hint = false} : vector<128x128xf32>, vector<128x128xf32>, vector<128x128xf32> -> vector<128x128xf32>
    %get3A_24 = arith.constant 0 : index
    %get3A_25 = vector.load %arg5[%get3A_24] : memref<128xf32, #tpu.memory_space<vmem>>, vector<128xf32>
    %broadcast_in_dim3A_26 = vector.shape_cast %get3A_25 : vector<128xf32> to vector<1x128xf32>
    %add3A_27 = vector.broadcast %broadcast_in_dim3A_26 : vector<1x128xf32> to vector<128x128xf32>
    %add3A_28 = arith.addf %dot_general3A_23, %add3A_27 : vector<128x128xf32>
    %neg3A_29 = arith.constant 0.000000e+00 : f32
    %neg3A_30 = vector.broadcast %neg3A_29 : f32 to vector<128x128xf32>
    %neg3A_31 = arith.subf %neg3A_30, %add3A_28 : vector<128x128xf32>
    %exp3A_32 = math.exp %neg3A_31 : vector<128x128xf32>
    %add3A_33 = arith.constant 1.000000e+00 : f32
    %add3A_34 = vector.broadcast %add3A_33 : f32 to vector<128x128xf32>
    %add3A_35 = arith.addf %add3A_34, %exp3A_32 : vector<128x128xf32>
    %div3A_36 = arith.divf %add3A_28, %add3A_35 : vector<128x128xf32>
    %dot_general3A_37 = arith.constant dense<0.000000e+00> : vector<512x128xf32>
    %dot_general3A_38 = tpu.matmul %reshape3A, %div3A_36, %dot_general3A_37 {dimension_numbers = #tpu.dot_dimension_numbers<[1], [0], [0], [1], [0, 0, 1, 1], [], []>, transpose_lhs_hint = false} : vector<512x128xf32>, vector<128x128xf32>, vector<512x128xf32> -> vector<512x128xf32>
    %get3A_39 = arith.constant 0 : index
    %get3A_40 = arith.constant 0 : index
    %get3A_41 = vector.load %arg6[%get3A_39, %get3A_40] : memref<128x1xf32, #tpu.memory_space<vmem>>, vector<128x1xf32>
    %dot_general3A_42 = arith.constant dense<0.000000e+00> : vector<512x1xf32>
    %dot_general3A_43 = tpu.matmul %dot_general3A_38, %get3A_41, %dot_general3A_42 {dimension_numbers = #tpu.dot_dimension_numbers<[1], [0], [0], [1], [0, 0, 1, 1], [], []>, transpose_lhs_hint = false} : vector<512x128xf32>, vector<128x1xf32>, vector<512x1xf32> -> vector<512x1xf32>
    %get3A_44 = arith.constant 0 : index
    %get3A_45 = vector.load %arg7[%get3A_44] : memref<1xf32, #tpu.memory_space<vmem>>, vector<1xf32>
    %broadcast_in_dim3A_46 = vector.shape_cast %get3A_45 : vector<1xf32> to vector<1x1xf32>
    %add3A_47 = vector.broadcast %broadcast_in_dim3A_46 : vector<1x1xf32> to vector<512x1xf32>
    %add3A_48 = arith.addf %dot_general3A_43, %add3A_47 : vector<512x1xf32>
    %get3A_49 = arith.constant 0 : index
    %get3A_50 = arith.constant 0 : index
    %get3A_51 = vector.load %arg8[%get3A_49, %get3A_50] : memref<512x1xf32, #tpu.memory_space<vmem>>, vector<512x1xf32>
    %concatenate3A = tpu.concatenate %add3A_48, %get3A_51 in 1 : vector<512x1xf32>, vector<512x1xf32> -> vector<512x2xf32>
    %get3A_52 = arith.constant 0 : index
    %get3A_53 = arith.constant 0 : index
    %get3A_54 = vector.load %arg9[%get3A_52, %get3A_53] : memref<130x256xf32, #tpu.memory_space<vmem>>, vector<128x256xf32>
    %dot_general3A_55 = arith.constant dense<0.000000e+00> : vector<512x256xf32>
    %dot_general3A_56 = tpu.matmul %dot_general3A_38, %get3A_54, %dot_general3A_55 {dimension_numbers = #tpu.dot_dimension_numbers<[1], [0], [0], [1], [0, 0, 1, 1], [], []>, transpose_lhs_hint = false} : vector<512x128xf32>, vector<128x256xf32>, vector<512x256xf32> -> vector<512x256xf32>
    %get3A_57 = arith.constant 128 : index
    %get3A_58 = arith.constant 0 : index
    %get3A_59 = vector.load %arg9[%get3A_57, %get3A_58] : memref<130x256xf32, #tpu.memory_space<vmem>>, vector<2x256xf32>
    %dot_general3A_60 = arith.constant dense<0.000000e+00> : vector<512x256xf32>
    %dot_general3A_61 = tpu.matmul %concatenate3A, %get3A_59, %dot_general3A_60 {dimension_numbers = #tpu.dot_dimension_numbers<[1], [0], [0], [1], [0, 0, 1, 1], [], []>, transpose_lhs_hint = false} : vector<512x2xf32>, vector<2x256xf32>, vector<512x256xf32> -> vector<512x256xf32>
    %add3A_62 = arith.addf %dot_general3A_56, %dot_general3A_61 : vector<512x256xf32>
    %get3A_63 = arith.constant 0 : index
    %get3A_64 = vector.load %arg10[%get3A_63] : memref<256xf32, #tpu.memory_space<vmem>>, vector<256xf32>
    %broadcast_in_dim3A_65 = vector.shape_cast %get3A_64 : vector<256xf32> to vector<1x256xf32>
    %add3A_66 = vector.broadcast %broadcast_in_dim3A_65 : vector<1x256xf32> to vector<512x256xf32>
    %add3A_67 = arith.addf %add3A_62, %add3A_66 : vector<512x256xf32>
    %neg3A_68 = arith.constant 0.000000e+00 : f32
    %neg3A_69 = vector.broadcast %neg3A_68 : f32 to vector<512x256xf32>
    %neg3A_70 = arith.subf %neg3A_69, %add3A_67 : vector<512x256xf32>
    %exp3A_71 = math.exp %neg3A_70 : vector<512x256xf32>
    %add3A_72 = arith.constant 1.000000e+00 : f32
    %add3A_73 = vector.broadcast %add3A_72 : f32 to vector<512x256xf32>
    %add3A_74 = arith.addf %add3A_73, %exp3A_71 : vector<512x256xf32>
    %div3A_75 = arith.divf %add3A_67, %add3A_74 : vector<512x256xf32>
    %get3A_76 = arith.constant 0 : index
    %get3A_77 = arith.constant 0 : index
    %get3A_78 = vector.load %arg11[%get3A_76, %get3A_77] : memref<256x256xf32, #tpu.memory_space<vmem>>, vector<256x256xf32>
    %dot_general3A_79 = arith.constant dense<0.000000e+00> : vector<512x256xf32>
    %dot_general3A_80 = tpu.matmul %div3A_75, %get3A_78, %dot_general3A_79 {dimension_numbers = #tpu.dot_dimension_numbers<[1], [0], [0], [1], [0, 0, 1, 1], [], []>, transpose_lhs_hint = false} : vector<512x256xf32>, vector<256x256xf32>, vector<512x256xf32> -> vector<512x256xf32>
    %get3A_81 = arith.constant 0 : index
    %get3A_82 = vector.load %arg12[%get3A_81] : memref<256xf32, #tpu.memory_space<vmem>>, vector<256xf32>
    %broadcast_in_dim3A_83 = vector.shape_cast %get3A_82 : vector<256xf32> to vector<1x256xf32>
    %add3A_84 = vector.broadcast %broadcast_in_dim3A_83 : vector<1x256xf32> to vector<512x256xf32>
    %add3A_85 = arith.addf %dot_general3A_80, %add3A_84 : vector<512x256xf32>
    %neg3A_86 = arith.constant 0.000000e+00 : f32
    %neg3A_87 = vector.broadcast %neg3A_86 : f32 to vector<512x256xf32>
    %neg3A_88 = arith.subf %neg3A_87, %add3A_85 : vector<512x256xf32>
    %exp3A_89 = math.exp %neg3A_88 : vector<512x256xf32>
    %add3A_90 = arith.constant 1.000000e+00 : f32
    %add3A_91 = vector.broadcast %add3A_90 : f32 to vector<512x256xf32>
    %add3A_92 = arith.addf %add3A_91, %exp3A_89 : vector<512x256xf32>
    %div3A_93 = arith.divf %add3A_85, %add3A_92 : vector<512x256xf32>
    %get3A_94 = arith.constant 0 : index
    %get3A_95 = arith.constant 0 : index
    %get3A_96 = vector.load %arg13[%get3A_94, %get3A_95] : memref<256x1xf32, #tpu.memory_space<vmem>>, vector<256x1xf32>
    %dot_general3A_97 = arith.constant dense<0.000000e+00> : vector<512x1xf32>
    %dot_general3A_98 = tpu.matmul %div3A_93, %get3A_96, %dot_general3A_97 {dimension_numbers = #tpu.dot_dimension_numbers<[1], [0], [0], [1], [0, 0, 1, 1], [], []>, transpose_lhs_hint = false} : vector<512x256xf32>, vector<256x1xf32>, vector<512x1xf32> -> vector<512x1xf32>
    %get3A_99 = arith.constant 0 : index
    %get3A_100 = vector.load %arg14[%get3A_99] : memref<1xf32, #tpu.memory_space<vmem>>, vector<1xf32>
    %broadcast_in_dim3A_101 = vector.shape_cast %get3A_100 : vector<1xf32> to vector<1x1xf32>
    %add3A_102 = vector.broadcast %broadcast_in_dim3A_101 : vector<1x1xf32> to vector<512x1xf32>
    %add3A_103 = arith.addf %dot_general3A_98, %add3A_102 : vector<512x1xf32>
    %max3A = arith.constant 0.000000e+00 : f32
    %max3A_104 = vector.broadcast %max3A : f32 to vector<512x1xf32>
    %max3A_105 = arith.maximumf %add3A_103, %max3A_104 : vector<512x1xf32>
    %abs3A = math.absf %add3A_103 : vector<512x1xf32>
    %neg3A_106 = arith.constant 0.000000e+00 : f32
    %neg3A_107 = vector.broadcast %neg3A_106 : f32 to vector<512x1xf32>
    %neg3A_108 = arith.subf %neg3A_107, %abs3A : vector<512x1xf32>
    %exp3A_109 = math.exp %neg3A_108 : vector<512x1xf32>
    %add3A_110 = arith.constant 1.000000e+00 : f32
    %add3A_111 = vector.broadcast %add3A_110 : f32 to vector<512x1xf32>
    %add3A_112 = arith.addf %add3A_111, %exp3A_109 : vector<512x1xf32>
    %log3A = math.log %add3A_112 : vector<512x1xf32>
    %add3A_113 = arith.addf %max3A_105, %log3A : vector<512x1xf32>
    %concatenate3A_114 = tpu.concatenate %add3A_113, %add3A_48 in 1 : vector<512x1xf32>, vector<512x1xf32> -> vector<512x2xf32>
    %transpose3A = tpu.transpose %concatenate3A_114, [1, 0] : vector<512x2xf32> -> vector<2x512xf32>
    %slice3A = vector.extract_strided_slice %transpose3A {offsets = [0, 0], sizes = [1, 512], strides = [1, 1]} : vector<2x512xf32> to vector<1x512xf32>
    %squeeze3A = vector.shape_cast %slice3A : vector<1x512xf32> to vector<512xf32>
    %swap3A = arith.constant 0 : index
    %swap3A_115 = vector.load %arg15[%swap3A] : memref<512xf32, #tpu.memory_space<vmem>>, vector<512xf32>
    tpu.vector_store %arg15[%swap3A], %squeeze3A {strides = array<i32>} : memref<512xf32, #tpu.memory_space<vmem>>, vector<512xf32>,
    %slice3A_116 = vector.extract_strided_slice %transpose3A {offsets = [1, 0], sizes = [1, 512], strides = [1, 1]} : vector<2x512xf32> to vector<1x512xf32>
    %squeeze3A_117 = vector.shape_cast %slice3A_116 : vector<1x512xf32> to vector<512xf32>
    %swap3A_118 = arith.constant 0 : index
    %swap3A_119 = vector.load %arg16[%swap3A_118] : memref<512xf32, #tpu.memory_space<vmem>>, vector<512xf32>
    tpu.vector_store %arg16[%swap3A_118], %squeeze3A_117 {strides = array<i32>} : memref<512xf32, #tpu.memory_space<vmem>>, vector<512xf32>,
    %swap3A_120 = arith.constant 0 : index
    %swap3A_121 = arith.constant 0 : index
    %swap3A_122 = vector.load %arg17[%swap3A_120, %swap3A_121] : memref<512x128xf32, #tpu.memory_space<vmem>>, vector<512x128xf32>
    tpu.vector_store %arg17[%swap3A_120, %swap3A_121], %dot_general3A_38 {strides = array<i32>} : memref<512x128xf32, #tpu.memory_space<vmem>>, vector<512x128xf32>,
    return
  }
}

</mosaic_0001>

<sc_bundles>
// kernel: kernel.4.cloned.1.call-start
scs
__scs_entry_jumppad:
0x0: {  	(pc) =	sbr.rel $0x88, $3  }
0x1: {  	(tag) =	ssettag $0x0;
	lr =	simm.s32 $0x1  }
0x2: {  	[smem:$0x3F91] =	sst lr;
	_ =	strace $0xD0000000  }
0x3: {  	_ = 	snop  }
0x4: {  	_ = 	snop  }
0x5: {  	_ = 	snop  }
0x6: {  	_ = 	snop  }
0x7: {  	_ = 	snop  }
__scs_overlays_trampoline_lowered:
0x8: {  	[smem:$0x3FA0] =	sst s0  }
0x9: {  	[smem:$0x3FA1] =	sst s1  }
0xa: {  	[smem:$0x3FA2] =	sst s2  }
0xb: {  	[smem:$0x3FA3] =	sst s3  }
0xc: {  	[smem:$0x3FA4] =	sst s4  }
0xd: {  	[smem:$0x3FA5] =	sst s5  }
0xe: {  	[smem:$0x3FA6] =	sst s6  }
0xf: {  	[smem:$0x3FA7] =	sst s7  }
0x10: {  	[smem:$0x3FA8] =	sst s8  }
0x11: {  	[smem:$0x3FA9] =	sst s9;
	s0 =	simm.s32 @!p0 $0x0  }
0x12: {  	s1 =	sld [smem:$0x3F8F];
	s0 =	simm.s32 @p0 $0x1  }
0x13: {  	[smem:$0x3FAA] =	sst s0;
	s0 =	simm.s32 @!p1 $0x0  }
0x14: {  	s2 =	sld [smem:$0x3F8E];
	s0 =	simm.s32 @p1 $0x1  }
0x15: {  	[smem:$0x3FAB] =	sst s0;
	s0 =	simm.s32 @!p2 $0x0  }
0x16: {  	s3 =	sld [smem:$0x3FDB];
	s0 =	simm.s32 @p2 $0x1  }
0x17: {  	s4 =	simm.s32 $0x1BF5;
	[smem:$0x3FAD] =	sst s0  }
0x18: {  	s0 =	sld [smem:$0x3F90];
	_ =	swait.ge [sflag:s4], $0x0  }
0x19: {  	s7 =	sld [smem:$0x3F91]  }
0x1a: {  	s8 =	sadd.s32 $0xFFFFE003, lr  }
0x1b: {  	s9 =	sadd.s32 $0xFFFFFEF7, lr;
	s5 =	simm.s32 $0xFFFFFFFF;
	p2 =	slt.u32 s8, $0xFFFFF086  }
0x1c: {  	p1 =	slt.u32 s9, $0xF7A;
	s5 =	simm.s32 @!p2 $0x0  }
0x1d: {  	s5 =	simm.s32 @p1 $0x1;
	p0 =	seq.s32 s7, s2  }
0x1e: {  	s7 =	smul.u32 @!p0 $0xF7A, s2;
	p2 =	seq.s32 @!p0 s5, $0x0  }
0x1f: {  	s9 =	smul.u32 $0xF7A, s1;
	s8 =	simm.s32 @!p0 $0x1BF5;
	p2 =	por !p2, p0  }
0x20: {  	[sflag:s8] =	ssyncset.s32 @!p0 $0xFFFFF086;
	s6 =	sadd.s32 @!p0 s3, s7;
	s7 =	simm.s32 @!p0 $0x108  }
0x21: {  	s3 =	sadd.s32 s3, s9;
	s6 =	sadd.s32 @!p0 $0x88, s6;
	s7 =	simm.s32 @p2 $0x1082  }
0x22: {  	[simem:s7], [sflag:s8] =	dma.local @!p0 [hbm:s6], $0xF7A  }
0x23: {  	s9 =	sor.u32 $0xD0000000, s2;
	s6 =	simm.s32 $0x108;
	_ =	swait.ge @!p0 [sflag:s8], $0x0  }
0x24: {  	s3 =	sadd.s32 $0x88, s3;
	s6 =	simm.s32 @!p1 $0x1082;
	[sflag:s4] =	ssyncset.s32 $0xFFFFF086  }
0x25: {  	[simem:s6], [sflag:s4] =	dma.local [hbm:s3], $0xF7A  }
0x26: {  	[smem:$0x3F91] =	sst s1;
	(tag) =	ssettag s2;
	_ =	strace s9  }
0x27: {  	s1 =	sld [smem:$0x3FA1]  }
0x28: {  	s2 =	sld [smem:$0x3FA2]  }
0x29: {  	s4 =	sld [smem:$0x3FA4]  }
0x2a: {  	p0 =	seq.s32 s5, $0x0;
	s5 =	sld [smem:$0x3FA5]  }
0x2b: {  	s6 =	sld [smem:$0x3FA6]  }
0x2c: {  	s7 =	sld [smem:$0x3FA7]  }
0x2d: {  	s3 =	simm.s32 $0x108;
	s8 =	sld [smem:$0x3FA8]  }
0x2e: {  	s3 =	simm.s32 @!p0 $0x1082;
	s9 =	sld [smem:$0x3FA9]  }
0x2f: {  	lr =	sadd.s32 s0, s3;
	s0 =	sld [smem:$0x3FA0]  }
0x30: {  	s3 =	sld [smem:$0x3FA3]  }
0x31: {  	[smem:$0x3FAC] =	sst s10  }
0x32: {  	s10 =	sld [smem:$0x3FAA];
	_ =	sdelay $0x3  }
0x33: {  	p0 =	seq.s32 s10, $0x1;
	s10 =	sld [smem:$0x3FAC];
	_ =	sdelay $0x3  }
0x34: {  	[smem:$0x3FAC] =	sst s10  }
0x35: {  	s10 =	sld [smem:$0x3FAB];
	_ =	sdelay $0x3  }
0x36: {  	p1 =	seq.s32 s10, $0x1;
	s10 =	sld [smem:$0x3FAC];
	_ =	sdelay $0x3  }
0x37: {  	[smem:$0x3FAC] =	sst s10  }
0x38: {  	s10 =	sld [smem:$0x3FAD]  }
0x39: {  	_ = 	snop;
	(pc) =	sbr.ind lr, $3  }
0x3a: {  	_ = 	snop  }
0x3b: {  	_ = 	snop  }
0x3c: {  	p2 =	seq.s32 s10, $0x1;
	s10 =	sld [smem:$0x3FAC]  }
0x3d: {  	_ =	shalt  }
0x3e: {  	_ =	shalt  }
0x3f: {  	_ =	shalt  }
0x40: {  	_ =	shalt  }
0x41: {  	_ =	shalt  }
0x42: {  	_ =	shalt  }
0x43: {  	_ =	shalt  }
0x44: {  	_ =	shalt  }
0x45: {  	_ =	shalt  }
0x46: {  	_ =	shalt  }
0x47: {  	_ =	shalt  }
0x48: {  	_ =	shalt  }
0x49: {  	_ =	shalt  }
0x4a: {  	_ =	shalt  }
0x4b: {  	_ =	shalt  }
0x4c: {  	_ =	shalt  }
0x4d: {  	_ =	shalt  }
0x4e: {  	_ =	shalt  }
0x4f: {  	_ =	shalt  }
0x50: {  	_ =	shalt  }
0x51: {  	_ =	shalt  }
0x52: {  	_ =	shalt  }
0x53: {  	_ =	shalt  }
0x54: {  	_ =	shalt  }
0x55: {  	_ =	shalt  }
0x56: {  	_ =	shalt  }
0x57: {  	_ =	shalt  }
0x58: {  	_ =	shalt  }
0x59: {  	_ =	shalt  }
0x5a: {  	_ =	shalt  }
0x5b: {  	_ =	shalt  }
0x5c: {  	_ =	shalt  }
0x5d: {  	_ =	shalt  }
0x5e: {  	_ =	shalt  }
0x5f: {  	_ =	shalt  }
0x60: {  	_ =	shalt  }
0x61: {  	_ =	shalt  }
0x62: {  	_ =	shalt  }
0x63: {  	_ =	shalt  }
0x64: {  	_ =	shalt  }
0x65: {  	_ =	shalt  }
0x66: {  	_ =	shalt  }
0x67: {  	_ =	shalt  }
0x68: {  	_ =	shalt  }
0x69: {  	_ =	shalt  }
0x6a: {  	_ =	shalt  }
0x6b: {  	_ =	shalt  }
0x6c: {  	_ =	shalt  }
0x6d: {  	_ =	shalt  }
0x6e: {  	_ =	shalt  }
0x6f: {  	_ =	shalt  }
0x70: {  	_ =	shalt  }
0x71: {  	_ =	shalt  }
0x72: {  	_ =	shalt  }
0x73: {  	_ =	shalt  }
0x74: {  	_ =	shalt  }
0x75: {  	_ =	shalt  }
0x76: {  	_ =	shalt  }
0x77: {  	_ =	shalt  }
0x78: {  	_ =	shalt  }
0x79: {  	_ =	shalt  }
0x7a: {  	_ =	shalt  }
0x7b: {  	_ =	shalt  }
0x7c: {  	_ =	shalt  }
0x7d: {  	_ =	shalt  }
0x7e: {  	_ =	shalt  }
0x7f: {  	_ =	shalt  }
0x80: {  	_ =	shalt  }
0x81: {  	_ =	shalt  }
0x82: {  	_ =	shalt  }
0x83: {  	_ =	shalt  }
0x84: {  	_ =	shalt  }
0x85: {  	_ =	shalt  }
0x86: {  	_ =	shalt  }
0x87: {  	_ =	shalt  }
.Lfunc_end0:
.L_simem_size_0:
called_computation_lowered:
.L_overlay_start_0:
0x88: {  	s2 =	sld [smem:$0x3FD9]  }
0x89: {  	s3 =	sld [smem:$0x3FFE];
	_ =	sdelay $0x1  }
0x8a: {  	s1 =	srdreg.scid  }
0x8b: {  	s0 =	sand.u32 $0x1, s1  }
0x8c: {  	s18 =	sshll.u32 s0, $0xA;
	s2 =	sadd.s32 s3, s2  }
0x8d: {  	s3 =	sadd.s32 s2, s18  }
0x8e: {  	[smem:$0x3FB8] =	sst s3  }
0x8f: {  	_ = 	snop  }
0x90: {  	s3 =	sld [smem:$0x3FC9]  }
0x91: {  	s4 =	sld [smem:$0x3FC8];
	(tm) =	ssettm $0x1  }
0x92: {  	s5 =	sld [smem:$0x3FFB];
	_ =	sdelay $0x3  }
0x93: {  	_ =	strace s5  }
0x94: {  	s5 =	sld [smem:$0x3FFC];
	_ =	sdelay $0x3  }
0x95: {  	_ =	strace s5  }
0x96: {  	s5 =	sld [smem:$0x3FFD];
	_ =	sdelay $0x3  }
0x97: {  	_ =	strace s5  }
0x98: {  	_ =	strace $0x8FFFFFFF  }
0x99: {  	s19 =	sld [smem:$0x3FDB];
	_ =	sdelay $0x1  }
0x9a: {  	s6 =	simm.s32 $_scs_section_size  }
0x9b: {  	s7 =	simm.s32 $_size__tile_overlayer_lowered;
	s8 =	simm.s32 $_tile_overlayer_lowered  }
0x9c: {  	s22 =	simm.s32 $0x1BFF;
	s21 =	sshll.u32 s8, $0x1;
	s5 =	sadd.s32 s6, s19  }
0x9d: {  	s9 =	simm.s32 $0x0;
	s20 =	sshll.u32 s7, $0x1;
	s7 =	sadd.s32 s21, s5  }
0x9e: {  	[timem:s9], [sflag:s22] =	dma.local [hbm:s7], s20  }
0x9f: {  	_ =	swait.ge [sflag:s22], s20  }
0xa0: {  	s6 =	ssub.s32 $0x0, s20;
	[sflag:s22] =	ssyncset.done $0x0  }
0xa1: {  	[sflag:s22] =	ssyncadd.s32 s6;
	_ =	sdelay $0x1  }
0xa2: {  	s23 =	simm.s32 $0x1B8B  }
0xa3: {  	_ =	swait.ge [sflag:s23], $0x1  }
0xa4: {  	[sflag:s23] =	ssyncset.done $0x0  }
0xa5: {  	s25 =	simm.s32 $0x1B8E;
	s24 =	sld [smem:$0x3FFE];
	[sflag:s23] =	ssyncadd.s32 $0xFFFFFFFF  }
0xa6: {  	s26 =	simm.s32 $execute0_lowered;
	[smem:$0x3FD2] =	sst s25  }
0xa7: {  	s7 =	sshll.u32 s26, $0x1;
	_ =	strace $0x80000046;
	[dreg:$0x1] =	wrdreg $0xFFFFFFFF  }
0xa8: {  	s28 =	simm.s32 $_size_execute0_lowered;
	s5 =	sadd.s32 s5, s7;
	[dreg:$0x0] =	wrdreg $0x0  }
0xa9: {  	s7 =	sshll.u32 s28, $0x1;
	[dreg:$0x2] =	wrdreg s5  }
0xaa: {  	[dreg:$0x3] =	wrdreg s7  }
0xab: {  	[dreg:$0x4] =	wrdreg $0xC0  }
0xac: {  	_ =	task [dreg:s9], $0x5FFFF  }
0xad: {  	[dreg:$0x1] =	wrdreg $0xFFFFFFFF  }
0xae: {  	[dreg:$0x0] =	wrdreg $0x60  }
0xaf: {  	[dreg:$0x2] =	wrdreg s4  }
0xb0: {  	[dreg:$0x3] =	wrdreg s3  }
0xb1: {  	[dreg:$0x4] =	wrdreg s24  }
0xb2: {  	[dreg:$0x5] =	wrdreg $0x16B000  }
0xb3: {  	s2 =	sadd.s32 $0x800, s2;
	[dreg:$0x6] =	wrdreg $0x12B000  }
0xb4: {  	[dreg:$0x7] =	wrdreg s2  }
0xb5: {  	[dreg:$0x8] =	wrdreg $0x9  }
0xb6: {  	_ =	task.clear_ibuf [dreg:s9], $0x9FFFF;
	_ =	strace $0x90000046  }
0xb7: {  	s29 =	simm.s32 $0x9;
	_ =	strace $0x80000048  }
0xb8: {  	_ =	swait.ge [sflag:s29], $0x1  }
0xb9: {  	[sflag:s29] =	ssyncadd.s32 $0xFFFFFFFF  }
0xba: {  	_ =	strace $0x90000048  }
0xbb: {  	_ =	sfence  }
0xbc: {  	s30 =	sld [smem:$0x0];
	_ =	sdelay $0x2  }
0xbd: {  	s31 =	sshll.u32 s1, $0xD;
	s1 =	sshrl.u32 s1, $0x2  }
0xbe: {  	s3 =	sand.u32 $0x4000, s31;
	s1 =	sadd.s32 s1, s30  }
0xbf: {  	s0 =	sor.u32 s3, s0;
	s1 =	sshll.u32 s1, $0x11  }
0xc0: {  	s0 =	sor.u32 s1, s0  }
0xc1: {  	s0 =	sadd.s32 $0x8F2B, s0  }
0xc2: {  	[sflag:s0] =	ssyncadd.remote.s32 $0x1  }
0xc3: {  	_ =	sfence.sel $0xFFFF  }
0xc4: {  	[dreg:$0x0] =	wrdreg $0xFFFFFFFF;
	(pc) =	sbr.abs _section_cstart, $3  }
0xc5: {  	[dreg:$0x1] =	wrdreg $0xFFFFFFFF  }
0xc6: {  	_ =	task.clear_ibuf [dreg:s9], $0x2FFFF;
	_ =	strace $0x9FFFFFFF  }
0xc7: {  	(tm) =	ssettm $0x7FFFFFFF  }
tec
execute0_lowered:
.L_overlay_start_1:
0x0: {  	(tag) =	ssettag $0x1  }
0x1: {  	s0 =	rddreg [dreg:$0x0]  }
0x2: {  	s1 =	rddreg [dreg:$0x1]  }
0x3: {  	s8 =	rddreg [dreg:$0x2]  }
0x4: {  	s17 =	rddreg [dreg:$0x3]  }
0x5: {  	s3 =	rddreg [dreg:$0x4]  }
0x6: {  	s4 =	rddreg [dreg:$0x5];
	s6 =	srdreg.scid  }
0x7: {  	s2 =	stileid.u32;
	s5 =	simm.s32 $0x0;
	s28 =	simm.s32 $0x3  }
0x8: {  	s30 =	simm.s32 $0x4;
	s31 =	simm.s32 $0x0;
	s9 =	sand.u32 $0x1, s6  }
0x9: {  	s23 =	sshll.u32 s2, $0x1;
	[smem:$0x7FF] =	sst s5;
	s6 =	sshll.u32 s2, $0xC  }
0xa: {  	s25 =	sshll.u32 s2, $0x4;
	s14 =	sshll.u32 s2, $0xE;
	s26 =	sshll.u32 s2, $0x11  }
0xb: {  	s21 =	sor.u32 s9, s23;
	s19 =	sshll.u32 s9, $0x10;
	_ =	strace $0x80000047  }
0xc: {  	s9 =	ssub.s32 $0x2, s9;
	s14 =	sadd.s32 s14, s3;
	s22 =	sadd.s32 $0x1940, s6  }
0xd: {  	s20 =	sadd.s32 $0x10, s25;
	s23 =	simm.s32 $0x1;
	s10 =	smul.u32 $0xC40, s21  }
0xe: {  	s7 =	sor.u32 s6, s19;
	s12 =	sshrl.u32 s9, $0x1;
	s29 =	sadd.s32 $0x1000, s14  }
0xf: {  	s18 =	sadd.s32 $0x2000, s14;
	p0 =	seq.s32 s21, $0x1F;
	p1 =	sne.s32 s21, $0x1F  }
0x10: {  	s11 =	sshrl.u32 s7, $0x3;
	s16 =	ssub.s32 s9, s12;
	[dreg:$0x7] =	wrdreg s29  }
0x11: {  	s13 =	sshrl.u32 s10, $0x3;
	s15 =	sadd.s32 s11, s8;
	s10 =	sadd.s32 $0x1900, s6  }
.Ltmp0:
0x12: {  	v0 =	vmov s22;
	s16 =	smax.u32 s16, $0x1;
	s8 =	sadd.s32 s0, s13;
	(pc) =	sbr.rel .LBB2_1-.Ltmp0, $4  }
0x13: {  	s9 =	sadd.s32 s1, s13;
	s24 =	sadd.s32 $0x15C, s13;
	s13 =	sadd.s32 s25, s17  }
0x14: {  	s15 =	sadd.s32 $0x1E00, s15;
	s12 =	sadd.s32 s1, s24;
	s1 =	sor.u32 s19, s26  }
0x15: {  	s11 =	sadd.s32 s0, s24;
	s19 =	sadd.s32 $0x3000, s14;
	s1 =	sor.u32 $0x4000, s1  }
0x16: {  	v1 =	vimm.f32 $0.0e+00;
	vm0 =	vmmov $0xff;
	v2 =	vimm.f32 $1.000000000e+00;
	s24 =	simm.s32 $0x2;
	s26 =	simm.s32 $0x1900;
	[dreg:$0x8] =	wrdreg s1  }
.LBB2_21:
0x17: {  	s31 =	sadd.s32 $0x1, s31  }
0x18: {  	p2 =	sne.s32 s31, s16  }
.Ltmp1:
0x19: {  	_ = 	snop;
	(pc) =	sbr.rel @!p2 .LBB2_22-.Ltmp1, $4  }
0x1a: {  	[hbm4b:s15+s5] =	stream.linear.scatter [tilespmem:s10], [sflag:$0x4], $0x1000, $0x38;
	[tilespmem:$0x16B10] =	vst v63  }
0x1b: {  	_ =	swait.ge [sflag:s30], $0x1000  }
0x1c: {  	[sflag:s30] =	ssyncset.done $0x0  }
0x1d: {  	[sflag:s30] =	ssyncadd.s32 $0xFFFFF000  }
.LBB2_1:
0x1e: {  	[tilespmem:s5], [sflag:$0x1] =	stream.linear.gather [hbm4b:s8+s5], $0xAE0, $0x38;
	[tilespmem:$0x16B10] =	vst v63  }
0x1f: {  	s0 =	simm.s32 $0xC80  }
0x20: {  	[tilespmem:s0], [sflag:$0x2] =	stream.linear.gather [hbm4b:s9+s5], $0xAE0, $0x38;
	[tilespmem:$0x16B10] =	vst v63  }
0x21: {  	s0 =	simm.s32 $0x0  }
0x22: {  	[tilespmem:v0+s0+$0xFFFFFFC0 ss:$0x1] =	vst.idx.msk $0xffff, v1  }
0x23: {  	[tilespmem:v0+s0+$0xFFFFFFD0 ss:$0x1] =	vst.idx.msk $0xffff, v1  }
0x24: {  	[tilespmem:v0+s0+$0xFFFFFFE0 ss:$0x1] =	vst.idx.msk $0xffff, v1  }
0x25: {  	[tilespmem:v0+s0+$0xFFFFFFF0 ss:$0x1] =	vst.idx.msk $0xffff, v1  }
0x26: {  	[tilespmem:v0+s0+$0x0 ss:$0x1] =	vst.idx.msk $0xffff, v1  }
0x27: {  	[tilespmem:v0+s0+$0x10 ss:$0x1] =	vst.idx.msk $0xffff, v1  }
0x28: {  	s1 =	simm.s32 $0x200;
	[tilespmem:v0+s0+$0x20 ss:$0x1] =	vst.idx.msk $0xffff, v1  }
.LBB2_2:
0x29: {  	p2 =	sne.s32 s1, $0x3E00;
	[tilespmem:v0+s0+$0x30 ss:$0x1] =	vst.idx.msk $0xffff, v1;
	s0 =	sshra.s32 s1, $0x2;
	s1 =	sadd.s32 $0x200, s1  }
0x2a: {  	[tilespmem:v0+s0+$0xFFFFFFC0 ss:$0x1] =	vst.idx.msk $0xffff, v1  }
0x2b: {  	[tilespmem:v0+s0+$0xFFFFFFD0 ss:$0x1] =	vst.idx.msk $0xffff, v1  }
.Ltmp2:
0x2c: {  	[tilespmem:v0+s0+$0xFFFFFFE0 ss:$0x1] =	vst.idx.msk $0xffff, v1;
	(pc) =	sbr.rel @p2 .LBB2_2-.Ltmp2, $4  }
0x2d: {  	[tilespmem:v0+s0+$0xFFFFFFF0 ss:$0x1] =	vst.idx.msk $0xffff, v1  }
0x2e: {  	[tilespmem:v0+s0+$0x0 ss:$0x1] =	vst.idx.msk $0xffff, v1  }
0x2f: {  	[tilespmem:v0+s0+$0x10 ss:$0x1] =	vst.idx.msk $0xffff, v1  }
0x30: {  	[tilespmem:v0+s0+$0x20 ss:$0x1] =	vst.idx.msk $0xffff, v1  }
0x31: {  	_ =	sdelay $0x3  }
0x32: {  	[tilespmem:v0+s0+$0x30 ss:$0x1] =	vst.idx.msk $0xffff, v1  }
0x33: {  	_ =	swait.ge [sflag:s23], $0xAE0  }
0x34: {  	[sflag:s23] =	ssyncset.done $0x0  }
0x35: {  	[sflag:s23] =	ssyncadd.s32 $0xFFFFF520  }
0x36: {  	_ =	swait.ge [sflag:s24], $0xAE0  }
0x37: {  	[sflag:s24] =	ssyncset.done $0x0  }
0x38: {  	s0 =	simm.s32 @!p0 $0x0;
	s1 =	simm.s32 @!p0 $0xAE0;
	[sflag:s24] =	ssyncadd.s32 $0xFFFFF520  }
0x39: {  	[tilespmem:s1], [sflag:$0x4] =	stream.linear.gather @!p0 [hbm4b:s11+s0], $0x160, $0x38;
	[tilespmem:$0x16B10] =	vst v63  }
0x3a: {  	s1 =	simm.s32 @!p0 $0x4  }
0x3b: {  	_ =	swait.ge @!p0 [sflag:s1], $0x160  }
0x3c: {  	[sflag:s1] =	ssyncset.done @!p0 $0x0  }
0x3d: {  	s21 =	simm.s32 @!p0 $0x1760;
	[sflag:s1] =	ssyncadd.s32 @!p0 $0xFFFFFEA0  }
0x3e: {  	[tilespmem:s21], [sflag:$0x4] =	stream.linear.gather @!p0 [hbm4b:s12+s0], $0x160, $0x38;
	[tilespmem:$0x16B10] =	vst v63  }
0x3f: {  	_ =	swait.ge @!p0 [sflag:s1], $0x160  }
0x40: {  	[sflag:s1] =	ssyncset.done @!p0 $0x0  }
0x41: {  	s0 =	simm.s32 @!p0 $0xC30;
	[sflag:s1] =	ssyncadd.s32 @!p0 $0xFFFFFEA0  }
0x42: {  	s0 =	simm.s32 @p0 $0xAD0;
	v3 =	vld [tilespmem:$0x0]  }
0x43: {  	v4 =	vld [tilespmem:s0+$0x0];
	_ =	sdelay $0x3  }
0x44: {  	v3 =	vxor.u32 $0x80000000, v3  }
0x45: {  	(xrf0) =	vmin.scan.msk.u32 $0xffff, v3;
	v3 =	vxor.u32 $0x80000000, v4  }
0x46: {  	(xrf0) =	vmax.scan.msk.u32 $0xffff, v3;
	_ =	sdelay $0x4  }
0x47: {  	v3, _, _ =	vpop (xrf0)  }
0x48: {  	(v2sf) =	vpush v3, $0xF;
	v3, _, _ =	vpop (xrf0)  }
0x49: {  	(v2sf) =	vpush v3, $0xF;
	_ =	sdelay $0xd  }
0x4a: {  	s0 =	spop (v2sf)  }
0x4b: {  	s25 =	spop (v2sf)  }
0x4c: {  	s1 =	sshll.u32 s25, $0x7  }
0x4d: {  	s1 =	sand.u32 $0xFFFFF000, s1  }
0x4e: {  	s29 =	sshll.u32 s0, $0x7;
	s1 =	sadd.s32 $0x1000, s1  }
0x4f: {  	s21 =	sand.u32 $0xFFFFF000, s29;
	v3 =	vmov s1  }
0x50: {  	v3 =	vsel vm0, s21, v3  }
0x51: {  	s17 =	simm.s32 $0x12980;
	[tilespmem:$0x12980] =	vst v3  }
0x52: {  	v3 =	vimm.s32 @!p1 $0x200;
	[spmem:s13] =	stream.linear.scatter [tilespmem:s17], [sflag:$0x1], $0x10, $0x38;
	[tilespmem:$0x16B10] =	vst v63  }
0x53: {  	v4 =	vimm.s32 @!p1 $0x0;
	[tilespmem:$0xAE0] =	vst @!p1 v3  }
0x54: {  	[tilespmem:$0x1760] =	vst @!p1 v4  }
0x55: {  	[tilespmem:$0xAF0] =	vst @!p1 v3  }
0x56: {  	[tilespmem:$0x1770] =	vst @!p1 v4  }
0x57: {  	[tilespmem:$0xB00] =	vst @!p1 v3  }
0x58: {  	[tilespmem:$0x1780] =	vst @!p1 v4  }
0x59: {  	[tilespmem:$0xB10] =	vst @!p1 v3  }
0x5a: {  	[tilespmem:$0x1790] =	vst @!p1 v4  }
0x5b: {  	[tilespmem:$0xB20] =	vst @!p1 v3  }
0x5c: {  	[tilespmem:$0x17A0] =	vst @!p1 v4  }
0x5d: {  	[tilespmem:$0xB30] =	vst @!p1 v3  }
0x5e: {  	[tilespmem:$0x17B0] =	vst @!p1 v4  }
0x5f: {  	[tilespmem:$0xB40] =	vst @!p1 v3  }
0x60: {  	[tilespmem:$0x17C0] =	vst @!p1 v4  }
0x61: {  	[tilespmem:$0xB50] =	vst @!p1 v3  }
0x62: {  	[tilespmem:$0x17D0] =	vst @!p1 v4  }
0x63: {  	[tilespmem:$0xB60] =	vst @!p1 v3  }
0x64: {  	[tilespmem:$0x17E0] =	vst @!p1 v4  }
0x65: {  	[tilespmem:$0xB70] =	vst @!p1 v3  }
0x66: {  	[tilespmem:$0x17F0] =	vst @!p1 v4  }
0x67: {  	[tilespmem:$0xB80] =	vst @!p1 v3  }
0x68: {  	[tilespmem:$0x1800] =	vst @!p1 v4  }
0x69: {  	[tilespmem:$0xB90] =	vst @!p1 v3  }
0x6a: {  	[tilespmem:$0x1810] =	vst @!p1 v4  }
0x6b: {  	[tilespmem:$0xBA0] =	vst @!p1 v3  }
0x6c: {  	[tilespmem:$0x1820] =	vst @!p1 v4  }
0x6d: {  	[tilespmem:$0xBB0] =	vst @!p1 v3  }
0x6e: {  	[tilespmem:$0x1830] =	vst @!p1 v4  }
0x6f: {  	[tilespmem:$0xBC0] =	vst @!p1 v3  }
0x70: {  	[tilespmem:$0x1840] =	vst @!p1 v4  }
0x71: {  	[tilespmem:$0xBD0] =	vst @!p1 v3  }
0x72: {  	[tilespmem:$0x1850] =	vst @!p1 v4  }
0x73: {  	[tilespmem:$0xBE0] =	vst @!p1 v3  }
0x74: {  	[tilespmem:$0x1860] =	vst @!p1 v4  }
0x75: {  	[tilespmem:$0xBF0] =	vst @!p1 v3  }
0x76: {  	[tilespmem:$0x1870] =	vst @!p1 v4  }
0x77: {  	s22 =	ssub.s32 s1, s21;
	[tilespmem:$0xC00] =	vst @!p1 v3  }
0x78: {  	s25 =	sshra.s32 s22, $0x7;
	[tilespmem:$0x1880] =	vst @!p1 v4  }
0x79: {  	p2 =	slt.s32 s25, $0x1;
	[tilespmem:$0xC10] =	vst @!p1 v3  }
.Ltmp3:
0x7a: {  	[tilespmem:$0x1890] =	vst @!p1 v4;
	(pc) =	sbr.rel @p2 .LBB2_7-.Ltmp3, $4  }
0x7b: {  	[tilespmem:$0xC20] =	vst @!p1 v3  }
0x7c: {  	[tilespmem:$0x18A0] =	vst @!p1 v4  }
0x7d: {  	[tilespmem:$0xC30] =	vst @!p1 v3  }
0x7e: {  	[tilespmem:$0x18B0] =	vst @!p1 v4  }
0x7f: {  	s1 =	sshll.u32 s0, $0x9  }
0x80: {  	s1 =	sshra.s32 s1, $0x2  }
0x81: {  	s1 =	sand.u32 $0xFFFFF000, s1  }
0x82: {  	s1 =	sadd.s32 $0x1940, s1  }
0x83: {  	[tilespmem:s1+$0xFFFFFFC0] =	vst v1  }
0x84: {  	p2 =	sne.s32 s25, $0x1;
	[tilespmem:s1+$0x30] =	vst v1  }
.Ltmp4:
0x85: {  	[tilespmem:s1+$0x20] =	vst v1;
	(pc) =	sbr.rel @!p2 .LBB2_6-.Ltmp4, $4  }
0x86: {  	[tilespmem:s1+$0x10] =	vst v1  }
0x87: {  	[tilespmem:s1+$0x0] =	vst v1  }
0x88: {  	[tilespmem:s1+$0xFFFFFFF0] =	vst v1  }
0x89: {  	s25 =	sadd.s32 $0xFFFFFFFF, s25;
	[tilespmem:s1+$0xFFFFFFE0] =	vst v1  }
.LBB2_5:
0x8a: {  	p2 =	sne.s32 s25, $0x1;
	s25 =	sadd.s32 $0xFFFFFFFF, s25;
	[tilespmem:s1+$0xFFFFFFD0] =	vst v1;
	s1 =	sadd.s32 $0x80, s1  }
0x8b: {  	[tilespmem:s1+$0xFFFFFFC0] =	vst v1  }
0x8c: {  	[tilespmem:s1+$0x30] =	vst v1  }
.Ltmp5:
0x8d: {  	[tilespmem:s1+$0x20] =	vst v1;
	(pc) =	sbr.rel @p2 .LBB2_5-.Ltmp5, $4  }
0x8e: {  	[tilespmem:s1+$0x10] =	vst v1  }
0x8f: {  	[tilespmem:s1+$0x0] =	vst v1  }
0x90: {  	[tilespmem:s1+$0xFFFFFFF0] =	vst v1  }
0x91: {  	[tilespmem:s1+$0xFFFFFFE0] =	vst v1  }
.LBB2_6:
0x92: {  	[tilespmem:s1+$0xFFFFFFD0] =	vst v1  }
.LBB2_7:
0x93: {  	s1 =	simm.s32 $0x0  }
.LBB2_8:
0x94: {  	s25 =	sshra.s32 s1, $0x2  }
0x95: {  	v3 =	vld [tilespmem:s25+$0x0]  }
0x96: {  	v4 =	vld [tilespmem:s25+$0xC80];
	_ =	sdelay $0x3  }
0x97: {  	v3 =	vshll.u32 v3, $0x7  }
0x98: {  	v3 =	vadd.s32 v3, v4;
	_ =	sdelay $0x4  }
0x99: {  	[tilespmem:v3+s26+$0x0] =	vst.idx.add.f32.msk $0xffff, v2  }
0x9a: {  	v3 =	vld [tilespmem:s25+$0x10]  }
0x9b: {  	v61 =	vld [tilespmem:s25+$0xC90];
	_ =	sdelay $0x3  }
0x9c: {  	v3 =	vshll.u32 v3, $0x7  }
0x9d: {  	v3 =	vadd.s32 v3, v61;
	_ =	sdelay $0x4  }
0x9e: {  	[tilespmem:v3+s26+$0x0] =	vst.idx.add.f32.msk $0xffff, v2  }
0x9f: {  	v3 =	vld [tilespmem:s25+$0x20]  }
0xa0: {  	v62 =	vld [tilespmem:s25+$0xCA0];
	_ =	sdelay $0x3  }
0xa1: {  	v3 =	vshll.u32 v3, $0x7  }
0xa2: {  	v3 =	vadd.s32 v3, v62;
	_ =	sdelay $0x4  }
0xa3: {  	[tilespmem:v3+s26+$0x0] =	vst.idx.add.f32.msk $0xffff, v2  }
0xa4: {  	v3 =	vld [tilespmem:s25+$0x30]  }
0xa5: {  	v63 =	vld [tilespmem:s25+$0xCB0];
	_ =	sdelay $0x3  }
0xa6: {  	v3 =	vshll.u32 v3, $0x7  }
0xa7: {  	p2 =	sne.s32 s1, $0x3000;
	v3 =	vadd.s32 v3, v63  }
.Ltmp6:
0xa8: {  	_ = 	snop;
	(pc) =	sbr.rel @p2 .LBB2_8-.Ltmp6, $2  }
0xa9: {  	_ =	sdelay $0x2  }
0xaa: {  	s1 =	sadd.s32 $0x100, s1;
	[tilespmem:v3+s26+$0x0] =	vst.idx.add.f32.msk $0xffff, v2  }
0xab: {  	s1 =	sshra.s32 s22, $0xC  }
0xac: {  	p2 =	slt.s32 s1, $0x1  }
.Ltmp7:
0xad: {  	_ = 	snop;
	(pc) =	sbr.rel @p2 .LBB2_17-.Ltmp7, $1  }
0xae: {  	_ =	sdelay $0x3  }
0xaf: {  	s25 =	sadd.s32 $0x1900, s21;
	p2 =	seq.s32 s22, $0x1000  }
0xb0: {  	[spmem:s14] =	stream.linear.scatter [tilespmem:s25], [sflag:$0x2], $0x1000, $0x38;
	[tilespmem:$0x16B10] =	vst v63  }
0xb1: {  	p3 =	seq.s32 @!p2 s22, $0x2000  }
0xb2: {  	s17 =	rddreg [dreg:$0x7];
	s25 =	sadd.s32 @!p2 $0x2900, s21;
	p3 =	por p2, p3  }
0xb3: {  	[spmem:s17] =	stream.linear.scatter @!p2 [tilespmem:s25], [sflag:$0x2], $0x1000, $0x38;
	[tilespmem:$0x16B10] =	vst v63  }
0xb4: {  	p4 =	seq.s32 @!p3 s22, $0x3000  }
0xb5: {  	p4 =	por p3, p4  }
0xb6: {  	p5 =	seq.s32 @!p4 s22, $0x4000  }
0xb7: {  	p5 =	por p4, p5  }
.Ltmp8:
0xb8: {  	_ = 	snop;
	(pc) =	sbr.rel @p5 .LBB2_13-.Ltmp8, $4  }
0xb9: {  	s25 =	sadd.s32 @!p3 $0x3900, s21  }
0xba: {  	[spmem:s18] =	stream.linear.scatter @!p3 [tilespmem:s25], [sflag:$0x2], $0x1000, $0x38;
	[tilespmem:$0x16B10] =	vst v63  }
0xbb: {  	s25 =	sadd.s32 @!p4 $0x4900, s21  }
0xbc: {  	[spmem:s19] =	stream.linear.scatter @!p4 [tilespmem:s25], [sflag:$0x2], $0x1000, $0x38;
	[tilespmem:$0x16B10] =	vst v63  }
0xbd: {  	s22 =	sadd.s32 $0xFFFFFFFC, s1  }
0xbe: {  	s0 =	sshll.u32 s0, $0x9;
	s17 =	rddreg [dreg:$0x8];
	p6 =	seq.s32 s22, $0x1  }
.Ltmp9:
0xbf: {  	s0 =	sshra.s32 s0, $0x2;
	s25 =	sadd.s32 s21, s17;
	(pc) =	sbr.rel @p6 .LBB2_13-.Ltmp9, $4  }
0xc0: {  	s0 =	sand.u32 $0xFFFFF000, s0;
	s21 =	sshrl.u32 s25, $0x3  }
0xc1: {  	s0 =	sadd.s32 $0x5900, s0;
	s21 =	sadd.s32 s21, s4  }
0xc2: {  	[hbm4b:s21+s5] =	stream.linear.scatter [tilespmem:s0], [sflag:$0x3], $0x1000, $0x38;
	[tilespmem:$0x16B10] =	vst v63  }
0xc3: {  	s21 =	sadd.s32 $0xFFFFFFFF, s22;
	s22 =	sadd.s32 $0x1000, s25  }
.LBB2_12:
0xc4: {  	s25 =	sshrl.u32 s22, $0x3;
	p6 =	seq.s32 s21, $0x1;
	s21 =	sadd.s32 $0xFFFFFFFF, s21  }
.Ltmp10:
0xc5: {  	s0 =	sadd.s32 $0x1000, s0;
	s25 =	sadd.s32 s25, s4;
	(pc) =	sbr.rel @!p6 .LBB2_12-.Ltmp10, $3  }
0xc6: {  	[hbm4b:s25+s5] =	stream.linear.scatter [tilespmem:s0], [sflag:$0x3], $0x1000, $0x38;
	[tilespmem:$0x16B10] =	vst v63  }
0xc7: {  	_ =	sdelay $0x1  }
0xc8: {  	s22 =	sadd.s32 $0x1000, s22  }
.LBB2_13:
0xc9: {  	_ =	swait.ge [sflag:s24], $0x1000  }
0xca: {  	[sflag:s24] =	ssyncset.done $0x0  }
0xcb: {  	s0 =	simm.s32 @!p2 $0x2;
	[sflag:s24] =	ssyncadd.s32 $0xFFFFF000  }
0xcc: {  	_ =	swait.ge @!p2 [sflag:s0], $0x1000  }
0xcd: {  	[sflag:s0] =	ssyncset.done @!p2 $0x0  }
0xce: {  	[sflag:s0] =	ssyncadd.s32 @!p2 $0xFFFFF000;
	s0 =	simm.s32 @!p3 $0x2  }
0xcf: {  	_ =	swait.ge @!p3 [sflag:s0], $0x1000  }
.Ltmp11:
0xd0: {  	[sflag:s0] =	ssyncset.done @!p3 $0x0;
	(pc) =	sbr.rel @p5 .LBB2_17-.Ltmp11, $4  }
0xd1: {  	[sflag:s0] =	ssyncadd.s32 @!p3 $0xFFFFF000;
	s0 =	simm.s32 @!p4 $0x2  }
0xd2: {  	_ =	swait.ge @!p4 [sflag:s0], $0x1000  }
0xd3: {  	[sflag:s0] =	ssyncset.done @!p4 $0x0  }
0xd4: {  	[sflag:s0] =	ssyncadd.s32 @!p4 $0xFFFFF000  }
0xd5: {  	s0 =	sadd.s32 $0xFFFFFFFC, s1  }
0xd6: {  	p2 =	sne.s32 s0, $0x1  }
.Ltmp12:
0xd7: {  	_ = 	snop;
	(pc) =	sbr.rel @!p2 .LBB2_16-.Ltmp12, $3  }
0xd8: {  	_ =	sdelay $0x1  }
0xd9: {  	_ =	swait.ge [sflag:s28], $0x1000  }
0xda: {  	s0 =	sadd.s32 $0xFFFFFFFF, s0;
	[sflag:s28] =	ssyncset.done $0x0  }
.LBB2_15:
0xdb: {  	p2 =	sne.s32 s0, $0x1;
	s0 =	sadd.s32 $0xFFFFFFFF, s0;
	[sflag:s28] =	ssyncadd.s32 $0xFFFFF000  }
.Ltmp13:
0xdc: {  	(pc) =	sbr.rel @p2 .LBB2_15-.Ltmp13, $3  }
0xdd: {  	_ =	sdelay $0x1  }
0xde: {  	_ =	swait.ge [sflag:s28], $0x1000  }
0xdf: {  	[sflag:s28] =	ssyncset.done $0x0  }
.LBB2_16:
0xe0: {  	[sflag:s28] =	ssyncadd.s32 $0xFFFFF000  }
.LBB2_17:
0xe1: {  	s0 =	simm.s32 $0x1  }
0xe2: {  	_ =	swait.ge [sflag:s0], $0x10  }
0xe3: {  	[sflag:s0] =	ssyncset.done $0x0  }
0xe4: {  	[sflag:s0] =	ssyncadd.s32 $0xFFFFFFF0  }
0xe5: {  	[bflag:$0x0] =	sbarrier.arrive $0xFFFF  }
.Ltmp14:
0xe6: {  	s17 =	simm.s32 $0x12A00;
	s1 =	rddreg [dreg:$0x3];
	(pc) =	sbr.rel .LBB2_18-.Ltmp14, $4  }
0xe7: {  	[tilespmem:s17], [sflag:$0x4] =	stream.linear.gather [spmem:s1], $0x100, $0x38;
	[tilespmem:$0x16B10] =	vst v63  }
0xe8: {  	_ =	swait.ge [sflag:s30], $0x100  }
0xe9: {  	[sflag:s30] =	ssyncset.done $0x0  }
0xea: {  	s21 =	smov.u32 s20;
	[sflag:s30] =	ssyncadd.s32 $0xFFFFFF00  }
.LBB2_20:
0xeb: {  	s0 =	sadd.s32 $0x1, s0  }
0xec: {  	p2 =	sne.s32 s0, $0x10  }
.Ltmp15:
0xed: {  	_ = 	snop;
	(pc) =	sbr.rel @!p2 .LBB2_21-.Ltmp15, $2  }
0xee: {  	_ =	sdelay $0x2  }
0xef: {  	s21 =	sadd.s32 $0x10, s21  }
.LBB2_18:
0xf0: {  	s1 =	sand.u32 $0xF0, s21  }
0xf1: {  	v3 =	vld [tilespmem:s1+$0x12A00];
	_ =	sdelay $0x4  }
0xf2: {  	v3 =	vxor.u32 $0x80000000, v3  }
0xf3: {  	(xrf0) =	vmin.scan.msk.u32 $0xffff, v3  }
0xf4: {  	(xrf0) =	vmax.scan.msk.u32 $0xffff, v3;
	_ =	sdelay $0x4  }
0xf5: {  	v3, _, _ =	vpop (xrf0)  }
0xf6: {  	(v2sf) =	vpush v3, $0xF;
	v3, _, _ =	vpop (xrf0)  }
0xf7: {  	(v2sf) =	vpush v3, $0xF;
	_ =	sdelay $0xd  }
0xf8: {  	s29 =	spop (v2sf)  }
0xf9: {  	s1 =	sxor.u32 $0x80000000, s29;
	s22 =	spop (v2sf)  }
0xfa: {  	s22 =	sxor.u32 $0x80000000, s22;
	p2 =	slt.s32 s6, s1  }
0xfb: {  	p3 =	sge.s32 @!p2 s6, s22  }
0xfc: {  	p2 =	por p2, p3  }
.Ltmp16:
0xfd: {  	_ = 	snop;
	(pc) =	sbr.rel @p2 .LBB2_20-.Ltmp16, $1  }
0xfe: {  	_ =	sdelay $0x3  }
0xff: {  	s22 =	ssub.s32 s6, s1;
	p2 =	sne.s32 s6, s1;
	s1 =	simm.s32 $0x1  }
0x100: {  	s25 =	sshra.s32 s22, $0x1F;
	s1 =	simm.s32 @!p2 $0x0  }
0x101: {  	s29 =	sand.u32 $0xFFF, s22;
	s1 =	sor.u32 s1, s25  }
0x102: {  	p3 =	sne.s32 s29, $0x0;
	p6 =	sne.s32 s1, $0x1  }
0x103: {  	s25 =	sshrl.u32 s25, $0x14;
	p2 =	por !p3, !p6  }
0x104: {  	s1 =	sadd.s32 s25, s22;
	s22 =	simm.s32 $0x1;
	p2 =	por !p2, !p2  }
0x105: {  	s1 =	sshra.s32 s1, $0xC;
	s22 =	simm.s32 @!p2 $0x0  }
0x106: {  	s29 =	sadd.s32 s0, s2;
	s1 =	ssub.s32 s1, s22  }
0x107: {  	s22 =	sand.u32 $0xF, s29;
	p2 =	sgt.s32 s1, $0x3  }
0x108: {  	s25 =	sshll.u32 @p2 s22, $0x11  }
0x109: {  	s25 =	sor.u32 @p2 s7, s25  }
0x10a: {  	s25 =	sshrl.u32 @p2 s25, $0x3  }
0x10b: {  	s29 =	simm.s32 @p2 $0x0;
	s17 =	simm.s32 @p2 $0x11980;
	s25 =	sadd.s32 @p2 s25, s4  }
0x10c: {  	[tilespmem:s17], [sflag:$0x4] =	stream.linear.gather @p2 [hbm4b:s25+s29], $0x1000, $0x38;
	[tilespmem:$0x16B10] =	vst v63  }
0x10d: {  	s1 =	sshll.u32 @!p2 s1, $0xE;
	s17 =	sshll.u32 @!p2 s22, $0xE  }
0x10e: {  	s1 =	sshra.s32 @!p2 s1, $0x2;
	s17 =	sadd.s32 @!p2 s17, s3  }
0x10f: {  	s1 =	sadd.s32 @!p2 s1, s17;
	s17 =	simm.s32 @!p2 $0x11980  }
0x110: {  	[tilespmem:s17], [sflag:$0x4] =	stream.linear.gather @!p2 [spmem:s1], $0x1000, $0x38;
	[tilespmem:$0x16B10] =	vst v63  }
0x111: {  	_ =	swait.ge [sflag:s30], $0x1000  }
0x112: {  	[sflag:s30] =	ssyncset.done $0x0  }
0x113: {  	[sflag:s30] =	ssyncadd.s32 $0xFFFFF000  }
0x114: {  	v3 =	vld [tilespmem:s6+$0x1900]  }
0x115: {  	v4 =	vld [tilespmem:$0x11980];
	_ =	sdelay $0x4  }
0x116: {  	v3 =	vadd.f32 v4, v3;
	_ =	sdelay $0x1  }
0x117: {  	[tilespmem:s6+$0x1900] =	vst v3;
	v3 =	vld [tilespmem:s6+$0x1910]  }
0x118: {  	v33 =	vld [tilespmem:$0x11990];
	_ =	sdelay $0x4  }
0x119: {  	v3 =	vadd.f32 v33, v3;
	_ =	sdelay $0x1  }
0x11a: {  	[tilespmem:s6+$0x1910] =	vst v3;
	v3 =	vld [tilespmem:s6+$0x1920]  }
0x11b: {  	v34 =	vld [tilespmem:$0x119A0];
	_ =	sdelay $0x4  }
0x11c: {  	v3 =	vadd.f32 v34, v3;
	_ =	sdelay $0x1  }
0x11d: {  	[tilespmem:s6+$0x1920] =	vst v3;
	v3 =	vld [tilespmem:s6+$0x1930]  }
0x11e: {  	v35 =	vld [tilespmem:$0x119B0];
	_ =	sdelay $0x4  }
0x11f: {  	v3 =	vadd.f32 v35, v3;
	_ =	sdelay $0x1  }
0x120: {  	[tilespmem:s6+$0x1930] =	vst v3;
	v3 =	vld [tilespmem:s6+$0x1940]  }
0x121: {  	v36 =	vld [tilespmem:$0x119C0];
	_ =	sdelay $0x4  }
0x122: {  	v3 =	vadd.f32 v36, v3;
	_ =	sdelay $0x1  }
0x123: {  	[tilespmem:s6+$0x1940] =	vst v3;
	v3 =	vld [tilespmem:s6+$0x1950]  }
0x124: {  	v37 =	vld [tilespmem:$0x119D0];
	_ =	sdelay $0x4  }
0x125: {  	v3 =	vadd.f32 v37, v3;
	_ =	sdelay $0x1  }
0x126: {  	[tilespmem:s6+$0x1950] =	vst v3;
	v3 =	vld [tilespmem:s6+$0x1960]  }
0x127: {  	v38 =	vld [tilespmem:$0x119E0];
	_ =	sdelay $0x4  }
0x128: {  	v3 =	vadd.f32 v38, v3;
	_ =	sdelay $0x1  }
0x129: {  	[tilespmem:s6+$0x1960] =	vst v3;
	v3 =	vld [tilespmem:s6+$0x1970]  }
0x12a: {  	v39 =	vld [tilespmem:$0x119F0];
	_ =	sdelay $0x4  }
0x12b: {  	v3 =	vadd.f32 v39, v3;
	_ =	sdelay $0x1  }
0x12c: {  	[tilespmem:s6+$0x1970] =	vst v3;
	v3 =	vld [tilespmem:s6+$0x1980]  }
0x12d: {  	v40 =	vld [tilespmem:$0x11A00];
	_ =	sdelay $0x4  }
0x12e: {  	v3 =	vadd.f32 v40, v3;
	_ =	sdelay $0x1  }
0x12f: {  	[tilespmem:s6+$0x1980] =	vst v3;
	v3 =	vld [tilespmem:s6+$0x1990]  }
0x130: {  	v41 =	vld [tilespmem:$0x11A10];
	_ =	sdelay $0x4  }
0x131: {  	v3 =	vadd.f32 v41, v3;
	_ =	sdelay $0x1  }
0x132: {  	[tilespmem:s6+$0x1990] =	vst v3;
	v3 =	vld [tilespmem:s6+$0x19A0]  }
0x133: {  	v42 =	vld [tilespmem:$0x11A20];
	_ =	sdelay $0x4  }
0x134: {  	v3 =	vadd.f32 v42, v3;
	_ =	sdelay $0x1  }
0x135: {  	[tilespmem:s6+$0x19A0] =	vst v3;
	v3 =	vld [tilespmem:s6+$0x19B0]  }
0x136: {  	v43 =	vld [tilespmem:$0x11A30];
	_ =	sdelay $0x4  }
0x137: {  	v3 =	vadd.f32 v43, v3;
	_ =	sdelay $0x1  }
0x138: {  	[tilespmem:s6+$0x19B0] =	vst v3;
	v3 =	vld [tilespmem:s6+$0x19C0]  }
0x139: {  	v44 =	vld [tilespmem:$0x11A40];
	_ =	sdelay $0x4  }
0x13a: {  	v3 =	vadd.f32 v44, v3;
	_ =	sdelay $0x1  }
0x13b: {  	[tilespmem:s6+$0x19C0] =	vst v3;
	v3 =	vld [tilespmem:s6+$0x19D0]  }
0x13c: {  	v45 =	vld [tilespmem:$0x11A50];
	_ =	sdelay $0x4  }
0x13d: {  	v3 =	vadd.f32 v45, v3;
	_ =	sdelay $0x1  }
0x13e: {  	[tilespmem:s6+$0x19D0] =	vst v3;
	v3 =	vld [tilespmem:s6+$0x19E0]  }
0x13f: {  	v46 =	vld [tilespmem:$0x11A60];
	_ =	sdelay $0x4  }
0x140: {  	v3 =	vadd.f32 v46, v3;
	_ =	sdelay $0x1  }
0x141: {  	[tilespmem:s6+$0x19E0] =	vst v3;
	v3 =	vld [tilespmem:s6+$0x19F0]  }
0x142: {  	v47 =	vld [tilespmem:$0x11A70];
	_ =	sdelay $0x4  }
0x143: {  	v3 =	vadd.f32 v47, v3;
	_ =	sdelay $0x1  }
0x144: {  	[tilespmem:s6+$0x19F0] =	vst v3;
	v3 =	vld [tilespmem:s6+$0x1A00]  }
0x145: {  	v48 =	vld [tilespmem:$0x11A80];
	_ =	sdelay $0x4  }
0x146: {  	v3 =	vadd.f32 v48, v3;
	_ =	sdelay $0x1  }
0x147: {  	[tilespmem:s6+$0x1A00] =	vst v3;
	v3 =	vld [tilespmem:s6+$0x1A10]  }
0x148: {  	v49 =	vld [tilespmem:$0x11A90];
	_ =	sdelay $0x4  }
0x149: {  	v3 =	vadd.f32 v49, v3;
	_ =	sdelay $0x1  }
0x14a: {  	[tilespmem:s6+$0x1A10] =	vst v3;
	v3 =	vld [tilespmem:s6+$0x1A20]  }
0x14b: {  	v50 =	vld [tilespmem:$0x11AA0];
	_ =	sdelay $0x4  }
0x14c: {  	v3 =	vadd.f32 v50, v3;
	_ =	sdelay $0x1  }
0x14d: {  	[tilespmem:s6+$0x1A20] =	vst v3;
	v3 =	vld [tilespmem:s6+$0x1A30]  }
0x14e: {  	v51 =	vld [tilespmem:$0x11AB0];
	_ =	sdelay $0x4  }
0x14f: {  	v3 =	vadd.f32 v51, v3;
	_ =	sdelay $0x1  }
0x150: {  	[tilespmem:s6+$0x1A30] =	vst v3;
	v3 =	vld [tilespmem:s6+$0x1A40]  }
0x151: {  	v52 =	vld [tilespmem:$0x11AC0];
	_ =	sdelay $0x4  }
0x152: {  	v3 =	vadd.f32 v52, v3;
	_ =	sdelay $0x1  }
0x153: {  	[tilespmem:s6+$0x1A40] =	vst v3;
	v3 =	vld [tilespmem:s6+$0x1A50]  }
0x154: {  	v53 =	vld [tilespmem:$0x11AD0];
	_ =	sdelay $0x4  }
0x155: {  	v3 =	vadd.f32 v53, v3;
	_ =	sdelay $0x1  }
0x156: {  	[tilespmem:s6+$0x1A50] =	vst v3;
	v3 =	vld [tilespmem:s6+$0x1A60]  }
0x157: {  	v54 =	vld [tilespmem:$0x11AE0];
	_ =	sdelay $0x4  }
0x158: {  	v3 =	vadd.f32 v54, v3;
	_ =	sdelay $0x1  }
0x159: {  	[tilespmem:s6+$0x1A60] =	vst v3;
	v3 =	vld [tilespmem:s6+$0x1A70]  }
0x15a: {  	v55 =	vld [tilespmem:$0x11AF0];
	_ =	sdelay $0x4  }
0x15b: {  	v3 =	vadd.f32 v55, v3;
	_ =	sdelay $0x1  }
0x15c: {  	[tilespmem:s6+$0x1A70] =	vst v3;
	v3 =	vld [tilespmem:s6+$0x1A80]  }
0x15d: {  	v56 =	vld [tilespmem:$0x11B00];
	_ =	sdelay $0x4  }
0x15e: {  	v3 =	vadd.f32 v56, v3;
	_ =	sdelay $0x1  }
0x15f: {  	[tilespmem:s6+$0x1A80] =	vst v3;
	v3 =	vld [tilespmem:s6+$0x1A90]  }
0x160: {  	v57 =	vld [tilespmem:$0x11B10];
	_ =	sdelay $0x4  }
0x161: {  	v3 =	vadd.f32 v57, v3;
	_ =	sdelay $0x1  }
0x162: {  	[tilespmem:s6+$0x1A90] =	vst v3;
	v3 =	vld [tilespmem:s6+$0x1AA0]  }
0x163: {  	v58 =	vld [tilespmem:$0x11B20];
	_ =	sdelay $0x4  }
0x164: {  	v3 =	vadd.f32 v58, v3;
	_ =	sdelay $0x1  }
0x165: {  	[tilespmem:s6+$0x1AA0] =	vst v3;
	v3 =	vld [tilespmem:s6+$0x1AB0]  }
0x166: {  	v59 =	vld [tilespmem:$0x11B30];
	_ =	sdelay $0x4  }
0x167: {  	v3 =	vadd.f32 v59, v3;
	_ =	sdelay $0x1  }
0x168: {  	[tilespmem:s6+$0x1AB0] =	vst v3;
	v3 =	vld [tilespmem:s6+$0x1AC0]  }
0x169: {  	v60 =	vld [tilespmem:$0x11B40];
	_ =	sdelay $0x4  }
0x16a: {  	v3 =	vadd.f32 v60, v3;
	_ =	sdelay $0x1  }
0x16b: {  	[tilespmem:s6+$0x1AC0] =	vst v3;
	v3 =	vld [tilespmem:s6+$0x1AD0]  }
0x16c: {  	v61 =	vld [tilespmem:$0x11B50];
	_ =	sdelay $0x4  }
0x16d: {  	v3 =	vadd.f32 v61, v3;
	_ =	sdelay $0x1  }
0x16e: {  	[tilespmem:s6+$0x1AD0] =	vst v3;
	v3 =	vld [tilespmem:s6+$0x1AE0]  }
0x16f: {  	v62 =	vld [tilespmem:$0x11B60];
	_ =	sdelay $0x4  }
0x170: {  	v3 =	vadd.f32 v62, v3;
	_ =	sdelay $0x1  }
0x171: {  	[tilespmem:s6+$0x1AE0] =	vst v3;
	v3 =	vld [tilespmem:s6+$0x1AF0]  }
0x172: {  	v63 =	vld [tilespmem:$0x11B70];
	_ =	sdelay $0x4  }
0x173: {  	v3 =	vadd.f32 v63, v3;
	_ =	sdelay $0x1  }
0x174: {  	[tilespmem:s6+$0x1AF0] =	vst v3;
	v3 =	vld [tilespmem:s6+$0x1B00]  }
0x175: {  	v8 =	vld [tilespmem:$0x11B80];
	_ =	sdelay $0x4  }
0x176: {  	v3 =	vadd.f32 v8, v3;
	_ =	sdelay $0x1  }
0x177: {  	[tilespmem:s6+$0x1B00] =	vst v3;
	v3 =	vld [tilespmem:s6+$0x1B10]  }
0x178: {  	v9 =	vld [tilespmem:$0x11B90];
	_ =	sdelay $0x4  }
0x179: {  	v3 =	vadd.f32 v9, v3;
	_ =	sdelay $0x1  }
0x17a: {  	[tilespmem:s6+$0x1B10] =	vst v3;
	v3 =	vld [tilespmem:s6+$0x1B20]  }
0x17b: {  	v10 =	vld [tilespmem:$0x11BA0];
	_ =	sdelay $0x4  }
0x17c: {  	v3 =	vadd.f32 v10, v3;
	_ =	sdelay $0x1  }
0x17d: {  	[tilespmem:s6+$0x1B20] =	vst v3;
	v3 =	vld [tilespmem:s6+$0x1B30]  }
0x17e: {  	v11 =	vld [tilespmem:$0x11BB0];
	_ =	sdelay $0x4  }
0x17f: {  	v3 =	vadd.f32 v11, v3;
	_ =	sdelay $0x1  }
0x180: {  	[tilespmem:s6+$0x1B30] =	vst v3;
	v3 =	vld [tilespmem:s6+$0x1B40]  }
0x181: {  	v12 =	vld [tilespmem:$0x11BC0];
	_ =	sdelay $0x4  }
0x182: {  	v3 =	vadd.f32 v12, v3;
	_ =	sdelay $0x1  }
0x183: {  	[tilespmem:s6+$0x1B40] =	vst v3;
	v3 =	vld [tilespmem:s6+$0x1B50]  }
0x184: {  	v13 =	vld [tilespmem:$0x11BD0];
	_ =	sdelay $0x4  }
0x185: {  	v3 =	vadd.f32 v13, v3;
	_ =	sdelay $0x1  }
0x186: {  	[tilespmem:s6+$0x1B50] =	vst v3;
	v3 =	vld [tilespmem:s6+$0x1B60]  }
0x187: {  	v14 =	vld [tilespmem:$0x11BE0];
	_ =	sdelay $0x4  }
0x188: {  	v3 =	vadd.f32 v14, v3;
	_ =	sdelay $0x1  }
0x189: {  	[tilespmem:s6+$0x1B60] =	vst v3;
	v3 =	vld [tilespmem:s6+$0x1B70]  }
0x18a: {  	v15 =	vld [tilespmem:$0x11BF0];
	_ =	sdelay $0x4  }
0x18b: {  	v3 =	vadd.f32 v15, v3;
	_ =	sdelay $0x1  }
0x18c: {  	[tilespmem:s6+$0x1B70] =	vst v3;
	v3 =	vld [tilespmem:s6+$0x1B80]  }
0x18d: {  	v16 =	vld [tilespmem:$0x11C00];
	_ =	sdelay $0x4  }
0x18e: {  	v3 =	vadd.f32 v16, v3;
	_ =	sdelay $0x1  }
0x18f: {  	[tilespmem:s6+$0x1B80] =	vst v3;
	v3 =	vld [tilespmem:s6+$0x1B90]  }
0x190: {  	v17 =	vld [tilespmem:$0x11C10];
	_ =	sdelay $0x4  }
0x191: {  	v3 =	vadd.f32 v17, v3;
	_ =	sdelay $0x1  }
0x192: {  	[tilespmem:s6+$0x1B90] =	vst v3;
	v3 =	vld [tilespmem:s6+$0x1BA0]  }
0x193: {  	v18 =	vld [tilespmem:$0x11C20];
	_ =	sdelay $0x4  }
0x194: {  	v3 =	vadd.f32 v18, v3;
	_ =	sdelay $0x1  }
0x195: {  	[tilespmem:s6+$0x1BA0] =	vst v3;
	v3 =	vld [tilespmem:s6+$0x1BB0]  }
0x196: {  	v19 =	vld [tilespmem:$0x11C30];
	_ =	sdelay $0x4  }
0x197: {  	v3 =	vadd.f32 v19, v3;
	_ =	sdelay $0x1  }
0x198: {  	[tilespmem:s6+$0x1BB0] =	vst v3;
	v3 =	vld [tilespmem:s6+$0x1BC0]  }
0x199: {  	v20 =	vld [tilespmem:$0x11C40];
	_ =	sdelay $0x4  }
0x19a: {  	v3 =	vadd.f32 v20, v3;
	_ =	sdelay $0x1  }
0x19b: {  	[tilespmem:s6+$0x1BC0] =	vst v3;
	v3 =	vld [tilespmem:s6+$0x1BD0]  }
0x19c: {  	v21 =	vld [tilespmem:$0x11C50];
	_ =	sdelay $0x4  }
0x19d: {  	v3 =	vadd.f32 v21, v3;
	_ =	sdelay $0x1  }
0x19e: {  	[tilespmem:s6+$0x1BD0] =	vst v3;
	v3 =	vld [tilespmem:s6+$0x1BE0]  }
0x19f: {  	v22 =	vld [tilespmem:$0x11C60];
	_ =	sdelay $0x4  }
0x1a0: {  	v3 =	vadd.f32 v22, v3;
	_ =	sdelay $0x1  }
0x1a1: {  	[tilespmem:s6+$0x1BE0] =	vst v3;
	v3 =	vld [tilespmem:s6+$0x1BF0]  }
0x1a2: {  	v23 =	vld [tilespmem:$0x11C70];
	_ =	sdelay $0x4  }
0x1a3: {  	v3 =	vadd.f32 v23, v3;
	_ =	sdelay $0x1  }
0x1a4: {  	[tilespmem:s6+$0x1BF0] =	vst v3;
	v3 =	vld [tilespmem:s6+$0x1C00]  }
0x1a5: {  	v24 =	vld [tilespmem:$0x11C80];
	_ =	sdelay $0x4  }
0x1a6: {  	v3 =	vadd.f32 v24, v3;
	_ =	sdelay $0x1  }
0x1a7: {  	[tilespmem:s6+$0x1C00] =	vst v3;
	v3 =	vld [tilespmem:s6+$0x1C10]  }
0x1a8: {  	v25 =	vld [tilespmem:$0x11C90];
	_ =	sdelay $0x4  }
0x1a9: {  	v3 =	vadd.f32 v25, v3;
	_ =	sdelay $0x1  }
0x1aa: {  	[tilespmem:s6+$0x1C10] =	vst v3;
	v3 =	vld [tilespmem:s6+$0x1C20]  }
0x1ab: {  	v26 =	vld [tilespmem:$0x11CA0];
	_ =	sdelay $0x4  }
0x1ac: {  	v3 =	vadd.f32 v26, v3;
	_ =	sdelay $0x1  }
0x1ad: {  	[tilespmem:s6+$0x1C20] =	vst v3;
	v3 =	vld [tilespmem:s6+$0x1C30]  }
0x1ae: {  	v27 =	vld [tilespmem:$0x11CB0];
	_ =	sdelay $0x4  }
0x1af: {  	v3 =	vadd.f32 v27, v3;
	_ =	sdelay $0x1  }
0x1b0: {  	[tilespmem:s6+$0x1C30] =	vst v3;
	v3 =	vld [tilespmem:s6+$0x1C40]  }
0x1b1: {  	v28 =	vld [tilespmem:$0x11CC0];
	_ =	sdelay $0x4  }
0x1b2: {  	v3 =	vadd.f32 v28, v3;
	_ =	sdelay $0x1  }
0x1b3: {  	[tilespmem:s6+$0x1C40] =	vst v3;
	v3 =	vld [tilespmem:s6+$0x1C50]  }
0x1b4: {  	v29 =	vld [tilespmem:$0x11CD0];
	_ =	sdelay $0x4  }
0x1b5: {  	v3 =	vadd.f32 v29, v3;
	_ =	sdelay $0x1  }
0x1b6: {  	[tilespmem:s6+$0x1C50] =	vst v3;
	v3 =	vld [tilespmem:s6+$0x1C60]  }
0x1b7: {  	v30 =	vld [tilespmem:$0x11CE0];
	_ =	sdelay $0x4  }
0x1b8: {  	v3 =	vadd.f32 v30, v3;
	_ =	sdelay $0x1  }
0x1b9: {  	[tilespmem:s6+$0x1C60] =	vst v3;
	v3 =	vld [tilespmem:s6+$0x1C70]  }
0x1ba: {  	v31 =	vld [tilespmem:$0x11CF0];
	_ =	sdelay $0x4  }
0x1bb: {  	v3 =	vadd.f32 v31, v3;
	_ =	sdelay $0x1  }
0x1bc: {  	[tilespmem:s6+$0x1C70] =	vst v3;
	v3 =	vld [tilespmem:s6+$0x1C80]  }
0x1bd: {  	v32 =	vld [tilespmem:$0x11D00];
	_ =	sdelay $0x4  }
0x1be: {  	v3 =	vadd.f32 v32, v3;
	_ =	sdelay $0x1  }
0x1bf: {  	[tilespmem:s6+$0x1C80] =	vst v3;
	v3 =	vld [tilespmem:s6+$0x1C90]  }
0x1c0: {  	v33 =	vld [tilespmem:$0x11D10];
	_ =	sdelay $0x4  }
0x1c1: {  	v3 =	vadd.f32 v33, v3;
	_ =	sdelay $0x1  }
0x1c2: {  	[tilespmem:s6+$0x1C90] =	vst v3;
	v3 =	vld [tilespmem:s6+$0x1CA0]  }
0x1c3: {  	v34 =	vld [tilespmem:$0x11D20];
	_ =	sdelay $0x4  }
0x1c4: {  	v3 =	vadd.f32 v34, v3;
	_ =	sdelay $0x1  }
0x1c5: {  	[tilespmem:s6+$0x1CA0] =	vst v3;
	v3 =	vld [tilespmem:s6+$0x1CB0]  }
0x1c6: {  	v35 =	vld [tilespmem:$0x11D30];
	_ =	sdelay $0x4  }
0x1c7: {  	v3 =	vadd.f32 v35, v3;
	_ =	sdelay $0x1  }
0x1c8: {  	[tilespmem:s6+$0x1CB0] =	vst v3;
	v3 =	vld [tilespmem:s6+$0x1CC0]  }
0x1c9: {  	v36 =	vld [tilespmem:$0x11D40];
	_ =	sdelay $0x4  }
0x1ca: {  	v3 =	vadd.f32 v36, v3;
	_ =	sdelay $0x1  }
0x1cb: {  	[tilespmem:s6+$0x1CC0] =	vst v3;
	v3 =	vld [tilespmem:s6+$0x1CD0]  }
0x1cc: {  	v37 =	vld [tilespmem:$0x11D50];
	_ =	sdelay $0x4  }
0x1cd: {  	v3 =	vadd.f32 v37, v3;
	_ =	sdelay $0x1  }
0x1ce: {  	[tilespmem:s6+$0x1CD0] =	vst v3;
	v3 =	vld [tilespmem:s6+$0x1CE0]  }
0x1cf: {  	v38 =	vld [tilespmem:$0x11D60];
	_ =	sdelay $0x4  }
0x1d0: {  	v3 =	vadd.f32 v38, v3;
	_ =	sdelay $0x1  }
0x1d1: {  	[tilespmem:s6+$0x1CE0] =	vst v3;
	v3 =	vld [tilespmem:s6+$0x1CF0]  }
0x1d2: {  	v39 =	vld [tilespmem:$0x11D70];
	_ =	sdelay $0x4  }
0x1d3: {  	v3 =	vadd.f32 v39, v3;
	_ =	sdelay $0x1  }
0x1d4: {  	[tilespmem:s6+$0x1CF0] =	vst v3;
	v3 =	vld [tilespmem:s6+$0x1D00]  }
0x1d5: {  	v40 =	vld [tilespmem:$0x11D80];
	_ =	sdelay $0x4  }
0x1d6: {  	v3 =	vadd.f32 v40, v3;
	_ =	sdelay $0x1  }
0x1d7: {  	[tilespmem:s6+$0x1D00] =	vst v3;
	v3 =	vld [tilespmem:s6+$0x1D10]  }
0x1d8: {  	v41 =	vld [tilespmem:$0x11D90];
	_ =	sdelay $0x4  }
0x1d9: {  	v3 =	vadd.f32 v41, v3;
	_ =	sdelay $0x1  }
0x1da: {  	[tilespmem:s6+$0x1D10] =	vst v3;
	v3 =	vld [tilespmem:s6+$0x1D20]  }
0x1db: {  	v42 =	vld [tilespmem:$0x11DA0];
	_ =	sdelay $0x4  }
0x1dc: {  	v3 =	vadd.f32 v42, v3;
	_ =	sdelay $0x1  }
0x1dd: {  	[tilespmem:s6+$0x1D20] =	vst v3;
	v3 =	vld [tilespmem:s6+$0x1D30]  }
0x1de: {  	v43 =	vld [tilespmem:$0x11DB0];
	_ =	sdelay $0x4  }
0x1df: {  	v3 =	vadd.f32 v43, v3;
	_ =	sdelay $0x1  }
0x1e0: {  	[tilespmem:s6+$0x1D30] =	vst v3;
	v3 =	vld [tilespmem:s6+$0x1D40]  }
0x1e1: {  	v44 =	vld [tilespmem:$0x11DC0];
	_ =	sdelay $0x4  }
0x1e2: {  	v3 =	vadd.f32 v44, v3;
	_ =	sdelay $0x1  }
0x1e3: {  	[tilespmem:s6+$0x1D40] =	vst v3;
	v3 =	vld [tilespmem:s6+$0x1D50]  }
0x1e4: {  	v45 =	vld [tilespmem:$0x11DD0];
	_ =	sdelay $0x4  }
0x1e5: {  	v3 =	vadd.f32 v45, v3;
	_ =	sdelay $0x1  }
0x1e6: {  	[tilespmem:s6+$0x1D50] =	vst v3;
	v3 =	vld [tilespmem:s6+$0x1D60]  }
0x1e7: {  	v46 =	vld [tilespmem:$0x11DE0];
	_ =	sdelay $0x4  }
0x1e8: {  	v3 =	vadd.f32 v46, v3;
	_ =	sdelay $0x1  }
0x1e9: {  	[tilespmem:s6+$0x1D60] =	vst v3;
	v3 =	vld [tilespmem:s6+$0x1D70]  }
0x1ea: {  	v47 =	vld [tilespmem:$0x11DF0];
	_ =	sdelay $0x4  }
0x1eb: {  	v3 =	vadd.f32 v47, v3;
	_ =	sdelay $0x1  }
0x1ec: {  	[tilespmem:s6+$0x1D70] =	vst v3;
	v3 =	vld [tilespmem:s6+$0x1D80]  }
0x1ed: {  	v48 =	vld [tilespmem:$0x11E00];
	_ =	sdelay $0x4  }
0x1ee: {  	v3 =	vadd.f32 v48, v3;
	_ =	sdelay $0x1  }
0x1ef: {  	[tilespmem:s6+$0x1D80] =	vst v3;
	v3 =	vld [tilespmem:s6+$0x1D90]  }
0x1f0: {  	v49 =	vld [tilespmem:$0x11E10];
	_ =	sdelay $0x4  }
0x1f1: {  	v3 =	vadd.f32 v49, v3;
	_ =	sdelay $0x1  }
0x1f2: {  	[tilespmem:s6+$0x1D90] =	vst v3;
	v3 =	vld [tilespmem:s6+$0x1DA0]  }
0x1f3: {  	v50 =	vld [tilespmem:$0x11E20];
	_ =	sdelay $0x4  }
0x1f4: {  	v3 =	vadd.f32 v50, v3;
	_ =	sdelay $0x1  }
0x1f5: {  	[tilespmem:s6+$0x1DA0] =	vst v3;
	v3 =	vld [tilespmem:s6+$0x1DB0]  }
0x1f6: {  	v51 =	vld [tilespmem:$0x11E30];
	_ =	sdelay $0x4  }
0x1f7: {  	v3 =	vadd.f32 v51, v3;
	_ =	sdelay $0x1  }
0x1f8: {  	[tilespmem:s6+$0x1DB0] =	vst v3;
	v3 =	vld [tilespmem:s6+$0x1DC0]  }
0x1f9: {  	v52 =	vld [tilespmem:$0x11E40];
	_ =	sdelay $0x4  }
0x1fa: {  	v3 =	vadd.f32 v52, v3;
	_ =	sdelay $0x1  }
0x1fb: {  	[tilespmem:s6+$0x1DC0] =	vst v3;
	v3 =	vld [tilespmem:s6+$0x1DD0]  }
0x1fc: {  	v53 =	vld [tilespmem:$0x11E50];
	_ =	sdelay $0x4  }
0x1fd: {  	v3 =	vadd.f32 v53, v3;
	_ =	sdelay $0x1  }
0x1fe: {  	[tilespmem:s6+$0x1DD0] =	vst v3;
	v3 =	vld [tilespmem:s6+$0x1DE0]  }
0x1ff: {  	v54 =	vld [tilespmem:$0x11E60];
	_ =	sdelay $0x4  }
0x200: {  	v3 =	vadd.f32 v54, v3;
	_ =	sdelay $0x1  }
0x201: {  	[tilespmem:s6+$0x1DE0] =	vst v3;
	v3 =	vld [tilespmem:s6+$0x1DF0]  }
0x202: {  	v55 =	vld [tilespmem:$0x11E70];
	_ =	sdelay $0x4  }
0x203: {  	v3 =	vadd.f32 v55, v3;
	_ =	sdelay $0x1  }
0x204: {  	[tilespmem:s6+$0x1DF0] =	vst v3;
	v3 =	vld [tilespmem:s6+$0x1E00]  }
0x205: {  	v56 =	vld [tilespmem:$0x11E80];
	_ =	sdelay $0x4  }
0x206: {  	v3 =	vadd.f32 v56, v3;
	_ =	sdelay $0x1  }
0x207: {  	[tilespmem:s6+$0x1E00] =	vst v3;
	v3 =	vld [tilespmem:s6+$0x1E10]  }
0x208: {  	v57 =	vld [tilespmem:$0x11E90];
	_ =	sdelay $0x4  }
0x209: {  	v3 =	vadd.f32 v57, v3;
	_ =	sdelay $0x1  }
0x20a: {  	[tilespmem:s6+$0x1E10] =	vst v3;
	v3 =	vld [tilespmem:s6+$0x1E20]  }
0x20b: {  	v58 =	vld [tilespmem:$0x11EA0];
	_ =	sdelay $0x4  }
0x20c: {  	v3 =	vadd.f32 v58, v3;
	_ =	sdelay $0x1  }
0x20d: {  	[tilespmem:s6+$0x1E20] =	vst v3;
	v3 =	vld [tilespmem:s6+$0x1E30]  }
0x20e: {  	v59 =	vld [tilespmem:$0x11EB0];
	_ =	sdelay $0x4  }
0x20f: {  	v3 =	vadd.f32 v59, v3;
	_ =	sdelay $0x1  }
0x210: {  	[tilespmem:s6+$0x1E30] =	vst v3;
	v3 =	vld [tilespmem:s6+$0x1E40]  }
0x211: {  	v60 =	vld [tilespmem:$0x11EC0];
	_ =	sdelay $0x4  }
0x212: {  	v3 =	vadd.f32 v60, v3;
	_ =	sdelay $0x1  }
0x213: {  	[tilespmem:s6+$0x1E40] =	vst v3;
	v3 =	vld [tilespmem:s6+$0x1E50]  }
0x214: {  	v61 =	vld [tilespmem:$0x11ED0];
	_ =	sdelay $0x4  }
0x215: {  	v3 =	vadd.f32 v61, v3;
	_ =	sdelay $0x1  }
0x216: {  	[tilespmem:s6+$0x1E50] =	vst v3;
	v3 =	vld [tilespmem:s6+$0x1E60]  }
0x217: {  	v62 =	vld [tilespmem:$0x11EE0];
	_ =	sdelay $0x4  }
0x218: {  	v3 =	vadd.f32 v62, v3;
	_ =	sdelay $0x1  }
0x219: {  	[tilespmem:s6+$0x1E60] =	vst v3;
	v3 =	vld [tilespmem:s6+$0x1E70]  }
0x21a: {  	v63 =	vld [tilespmem:$0x11EF0];
	_ =	sdelay $0x4  }
0x21b: {  	v3 =	vadd.f32 v63, v3;
	_ =	sdelay $0x1  }
0x21c: {  	[tilespmem:s6+$0x1E70] =	vst v3;
	v3 =	vld [tilespmem:s6+$0x1E80]  }
0x21d: {  	v8 =	vld [tilespmem:$0x11F00];
	_ =	sdelay $0x4  }
0x21e: {  	v3 =	vadd.f32 v8, v3;
	_ =	sdelay $0x1  }
0x21f: {  	[tilespmem:s6+$0x1E80] =	vst v3;
	v3 =	vld [tilespmem:s6+$0x1E90]  }
0x220: {  	v9 =	vld [tilespmem:$0x11F10];
	_ =	sdelay $0x4  }
0x221: {  	v3 =	vadd.f32 v9, v3;
	_ =	sdelay $0x1  }
0x222: {  	[tilespmem:s6+$0x1E90] =	vst v3;
	v3 =	vld [tilespmem:s6+$0x1EA0]  }
0x223: {  	v10 =	vld [tilespmem:$0x11F20];
	_ =	sdelay $0x4  }
0x224: {  	v3 =	vadd.f32 v10, v3;
	_ =	sdelay $0x1  }
0x225: {  	[tilespmem:s6+$0x1EA0] =	vst v3;
	v3 =	vld [tilespmem:s6+$0x1EB0]  }
0x226: {  	v11 =	vld [tilespmem:$0x11F30];
	_ =	sdelay $0x4  }
0x227: {  	v3 =	vadd.f32 v11, v3;
	_ =	sdelay $0x1  }
0x228: {  	[tilespmem:s6+$0x1EB0] =	vst v3;
	v3 =	vld [tilespmem:s6+$0x1EC0]  }
0x229: {  	v12 =	vld [tilespmem:$0x11F40];
	_ =	sdelay $0x4  }
0x22a: {  	v3 =	vadd.f32 v12, v3;
	_ =	sdelay $0x1  }
0x22b: {  	[tilespmem:s6+$0x1EC0] =	vst v3;
	v3 =	vld [tilespmem:s6+$0x1ED0]  }
0x22c: {  	v13 =	vld [tilespmem:$0x11F50];
	_ =	sdelay $0x4  }
0x22d: {  	v3 =	vadd.f32 v13, v3;
	_ =	sdelay $0x1  }
0x22e: {  	[tilespmem:s6+$0x1ED0] =	vst v3;
	v3 =	vld [tilespmem:s6+$0x1EE0]  }
0x22f: {  	v14 =	vld [tilespmem:$0x11F60];
	_ =	sdelay $0x4  }
0x230: {  	v3 =	vadd.f32 v14, v3;
	_ =	sdelay $0x1  }
0x231: {  	[tilespmem:s6+$0x1EE0] =	vst v3;
	v3 =	vld [tilespmem:s6+$0x1EF0]  }
0x232: {  	v15 =	vld [tilespmem:$0x11F70];
	_ =	sdelay $0x4  }
0x233: {  	v3 =	vadd.f32 v15, v3;
	_ =	sdelay $0x1  }
0x234: {  	[tilespmem:s6+$0x1EF0] =	vst v3;
	v3 =	vld [tilespmem:s6+$0x1F00]  }
0x235: {  	v16 =	vld [tilespmem:$0x11F80];
	_ =	sdelay $0x4  }
0x236: {  	v3 =	vadd.f32 v16, v3;
	_ =	sdelay $0x1  }
0x237: {  	[tilespmem:s6+$0x1F00] =	vst v3;
	v3 =	vld [tilespmem:s6+$0x1F10]  }
0x238: {  	v17 =	vld [tilespmem:$0x11F90];
	_ =	sdelay $0x4  }
0x239: {  	v3 =	vadd.f32 v17, v3;
	_ =	sdelay $0x1  }
0x23a: {  	[tilespmem:s6+$0x1F10] =	vst v3;
	v3 =	vld [tilespmem:s6+$0x1F20]  }
0x23b: {  	v18 =	vld [tilespmem:$0x11FA0];
	_ =	sdelay $0x4  }
0x23c: {  	v3 =	vadd.f32 v18, v3;
	_ =	sdelay $0x1  }
0x23d: {  	[tilespmem:s6+$0x1F20] =	vst v3;
	v3 =	vld [tilespmem:s6+$0x1F30]  }
0x23e: {  	v19 =	vld [tilespmem:$0x11FB0];
	_ =	sdelay $0x4  }
0x23f: {  	v3 =	vadd.f32 v19, v3;
	_ =	sdelay $0x1  }
0x240: {  	[tilespmem:s6+$0x1F30] =	vst v3;
	v3 =	vld [tilespmem:s6+$0x1F40]  }
0x241: {  	v20 =	vld [tilespmem:$0x11FC0];
	_ =	sdelay $0x4  }
0x242: {  	v3 =	vadd.f32 v20, v3;
	_ =	sdelay $0x1  }
0x243: {  	[tilespmem:s6+$0x1F40] =	vst v3;
	v3 =	vld [tilespmem:s6+$0x1F50]  }
0x244: {  	v21 =	vld [tilespmem:$0x11FD0];
	_ =	sdelay $0x4  }
0x245: {  	v3 =	vadd.f32 v21, v3;
	_ =	sdelay $0x1  }
0x246: {  	[tilespmem:s6+$0x1F50] =	vst v3;
	v3 =	vld [tilespmem:s6+$0x1F60]  }
0x247: {  	v22 =	vld [tilespmem:$0x11FE0];
	_ =	sdelay $0x4  }
0x248: {  	v3 =	vadd.f32 v22, v3;
	_ =	sdelay $0x1  }
0x249: {  	[tilespmem:s6+$0x1F60] =	vst v3;
	v3 =	vld [tilespmem:s6+$0x1F70]  }
0x24a: {  	v23 =	vld [tilespmem:$0x11FF0];
	_ =	sdelay $0x4  }
0x24b: {  	v3 =	vadd.f32 v23, v3;
	_ =	sdelay $0x1  }
0x24c: {  	[tilespmem:s6+$0x1F70] =	vst v3;
	v3 =	vld [tilespmem:s6+$0x1F80]  }
0x24d: {  	v24 =	vld [tilespmem:$0x12000];
	_ =	sdelay $0x4  }
0x24e: {  	v3 =	vadd.f32 v24, v3;
	_ =	sdelay $0x1  }
0x24f: {  	[tilespmem:s6+$0x1F80] =	vst v3;
	v3 =	vld [tilespmem:s6+$0x1F90]  }
0x250: {  	v25 =	vld [tilespmem:$0x12010];
	_ =	sdelay $0x4  }
0x251: {  	v3 =	vadd.f32 v25, v3;
	_ =	sdelay $0x1  }
0x252: {  	[tilespmem:s6+$0x1F90] =	vst v3;
	v3 =	vld [tilespmem:s6+$0x1FA0]  }
0x253: {  	v26 =	vld [tilespmem:$0x12020];
	_ =	sdelay $0x4  }
0x254: {  	v3 =	vadd.f32 v26, v3;
	_ =	sdelay $0x1  }
0x255: {  	[tilespmem:s6+$0x1FA0] =	vst v3;
	v3 =	vld [tilespmem:s6+$0x1FB0]  }
0x256: {  	v27 =	vld [tilespmem:$0x12030];
	_ =	sdelay $0x4  }
0x257: {  	v3 =	vadd.f32 v27, v3;
	_ =	sdelay $0x1  }
0x258: {  	[tilespmem:s6+$0x1FB0] =	vst v3;
	v3 =	vld [tilespmem:s6+$0x1FC0]  }
0x259: {  	v28 =	vld [tilespmem:$0x12040];
	_ =	sdelay $0x4  }
0x25a: {  	v3 =	vadd.f32 v28, v3;
	_ =	sdelay $0x1  }
0x25b: {  	[tilespmem:s6+$0x1FC0] =	vst v3;
	v3 =	vld [tilespmem:s6+$0x1FD0]  }
0x25c: {  	v29 =	vld [tilespmem:$0x12050];
	_ =	sdelay $0x4  }
0x25d: {  	v3 =	vadd.f32 v29, v3;
	_ =	sdelay $0x1  }
0x25e: {  	[tilespmem:s6+$0x1FD0] =	vst v3;
	v3 =	vld [tilespmem:s6+$0x1FE0]  }
0x25f: {  	v30 =	vld [tilespmem:$0x12060];
	_ =	sdelay $0x4  }
0x260: {  	v3 =	vadd.f32 v30, v3;
	_ =	sdelay $0x1  }
0x261: {  	[tilespmem:s6+$0x1FE0] =	vst v3;
	v3 =	vld [tilespmem:s6+$0x1FF0]  }
0x262: {  	v31 =	vld [tilespmem:$0x12070];
	_ =	sdelay $0x4  }
0x263: {  	v3 =	vadd.f32 v31, v3;
	_ =	sdelay $0x1  }
0x264: {  	[tilespmem:s6+$0x1FF0] =	vst v3;
	v3 =	vld [tilespmem:s6+$0x2000]  }
0x265: {  	v32 =	vld [tilespmem:$0x12080];
	_ =	sdelay $0x4  }
0x266: {  	v3 =	vadd.f32 v32, v3;
	_ =	sdelay $0x1  }
0x267: {  	[tilespmem:s6+$0x2000] =	vst v3;
	v3 =	vld [tilespmem:s6+$0x2010]  }
0x268: {  	v33 =	vld [tilespmem:$0x12090];
	_ =	sdelay $0x4  }
0x269: {  	v3 =	vadd.f32 v33, v3;
	_ =	sdelay $0x1  }
0x26a: {  	[tilespmem:s6+$0x2010] =	vst v3;
	v3 =	vld [tilespmem:s6+$0x2020]  }
0x26b: {  	v34 =	vld [tilespmem:$0x120A0];
	_ =	sdelay $0x4  }
0x26c: {  	v3 =	vadd.f32 v34, v3;
	_ =	sdelay $0x1  }
0x26d: {  	[tilespmem:s6+$0x2020] =	vst v3;
	v3 =	vld [tilespmem:s6+$0x2030]  }
0x26e: {  	v35 =	vld [tilespmem:$0x120B0];
	_ =	sdelay $0x4  }
0x26f: {  	v3 =	vadd.f32 v35, v3;
	_ =	sdelay $0x1  }
0x270: {  	[tilespmem:s6+$0x2030] =	vst v3;
	v3 =	vld [tilespmem:s6+$0x2040]  }
0x271: {  	v36 =	vld [tilespmem:$0x120C0];
	_ =	sdelay $0x4  }
0x272: {  	v3 =	vadd.f32 v36, v3;
	_ =	sdelay $0x1  }
0x273: {  	[tilespmem:s6+$0x2040] =	vst v3;
	v3 =	vld [tilespmem:s6+$0x2050]  }
0x274: {  	v37 =	vld [tilespmem:$0x120D0];
	_ =	sdelay $0x4  }
0x275: {  	v3 =	vadd.f32 v37, v3;
	_ =	sdelay $0x1  }
0x276: {  	[tilespmem:s6+$0x2050] =	vst v3;
	v3 =	vld [tilespmem:s6+$0x2060]  }
0x277: {  	v38 =	vld [tilespmem:$0x120E0];
	_ =	sdelay $0x4  }
0x278: {  	v3 =	vadd.f32 v38, v3;
	_ =	sdelay $0x1  }
0x279: {  	[tilespmem:s6+$0x2060] =	vst v3;
	v3 =	vld [tilespmem:s6+$0x2070]  }
0x27a: {  	v39 =	vld [tilespmem:$0x120F0];
	_ =	sdelay $0x4  }
0x27b: {  	v3 =	vadd.f32 v39, v3;
	_ =	sdelay $0x1  }
0x27c: {  	[tilespmem:s6+$0x2070] =	vst v3;
	v3 =	vld [tilespmem:s6+$0x2080]  }
0x27d: {  	v40 =	vld [tilespmem:$0x12100];
	_ =	sdelay $0x4  }
0x27e: {  	v3 =	vadd.f32 v40, v3;
	_ =	sdelay $0x1  }
0x27f: {  	[tilespmem:s6+$0x2080] =	vst v3;
	v3 =	vld [tilespmem:s6+$0x2090]  }
0x280: {  	v41 =	vld [tilespmem:$0x12110];
	_ =	sdelay $0x4  }
0x281: {  	v3 =	vadd.f32 v41, v3;
	_ =	sdelay $0x1  }
0x282: {  	[tilespmem:s6+$0x2090] =	vst v3;
	v3 =	vld [tilespmem:s6+$0x20A0]  }
0x283: {  	v42 =	vld [tilespmem:$0x12120];
	_ =	sdelay $0x4  }
0x284: {  	v3 =	vadd.f32 v42, v3;
	_ =	sdelay $0x1  }
0x285: {  	[tilespmem:s6+$0x20A0] =	vst v3;
	v3 =	vld [tilespmem:s6+$0x20B0]  }
0x286: {  	v43 =	vld [tilespmem:$0x12130];
	_ =	sdelay $0x4  }
0x287: {  	v3 =	vadd.f32 v43, v3;
	_ =	sdelay $0x1  }
0x288: {  	[tilespmem:s6+$0x20B0] =	vst v3;
	v3 =	vld [tilespmem:s6+$0x20C0]  }
0x289: {  	v44 =	vld [tilespmem:$0x12140];
	_ =	sdelay $0x4  }
0x28a: {  	v3 =	vadd.f32 v44, v3;
	_ =	sdelay $0x1  }
0x28b: {  	[tilespmem:s6+$0x20C0] =	vst v3;
	v3 =	vld [tilespmem:s6+$0x20D0]  }
0x28c: {  	v45 =	vld [tilespmem:$0x12150];
	_ =	sdelay $0x4  }
0x28d: {  	v3 =	vadd.f32 v45, v3;
	_ =	sdelay $0x1  }
0x28e: {  	[tilespmem:s6+$0x20D0] =	vst v3;
	v3 =	vld [tilespmem:s6+$0x20E0]  }
0x28f: {  	v46 =	vld [tilespmem:$0x12160];
	_ =	sdelay $0x4  }
0x290: {  	v3 =	vadd.f32 v46, v3;
	_ =	sdelay $0x1  }
0x291: {  	[tilespmem:s6+$0x20E0] =	vst v3;
	v3 =	vld [tilespmem:s6+$0x20F0]  }
0x292: {  	v47 =	vld [tilespmem:$0x12170];
	_ =	sdelay $0x4  }
0x293: {  	v3 =	vadd.f32 v47, v3;
	_ =	sdelay $0x1  }
0x294: {  	[tilespmem:s6+$0x20F0] =	vst v3;
	v3 =	vld [tilespmem:s6+$0x2100]  }
0x295: {  	v48 =	vld [tilespmem:$0x12180];
	_ =	sdelay $0x4  }
0x296: {  	v3 =	vadd.f32 v48, v3;
	_ =	sdelay $0x1  }
0x297: {  	[tilespmem:s6+$0x2100] =	vst v3;
	v3 =	vld [tilespmem:s6+$0x2110]  }
0x298: {  	v49 =	vld [tilespmem:$0x12190];
	_ =	sdelay $0x4  }
0x299: {  	v3 =	vadd.f32 v49, v3;
	_ =	sdelay $0x1  }
0x29a: {  	[tilespmem:s6+$0x2110] =	vst v3;
	v3 =	vld [tilespmem:s6+$0x2120]  }
0x29b: {  	v50 =	vld [tilespmem:$0x121A0];
	_ =	sdelay $0x4  }
0x29c: {  	v3 =	vadd.f32 v50, v3;
	_ =	sdelay $0x1  }
0x29d: {  	[tilespmem:s6+$0x2120] =	vst v3;
	v3 =	vld [tilespmem:s6+$0x2130]  }
0x29e: {  	v51 =	vld [tilespmem:$0x121B0];
	_ =	sdelay $0x4  }
0x29f: {  	v3 =	vadd.f32 v51, v3;
	_ =	sdelay $0x1  }
0x2a0: {  	[tilespmem:s6+$0x2130] =	vst v3;
	v3 =	vld [tilespmem:s6+$0x2140]  }
0x2a1: {  	v52 =	vld [tilespmem:$0x121C0];
	_ =	sdelay $0x4  }
0x2a2: {  	v3 =	vadd.f32 v52, v3;
	_ =	sdelay $0x1  }
0x2a3: {  	[tilespmem:s6+$0x2140] =	vst v3;
	v3 =	vld [tilespmem:s6+$0x2150]  }
0x2a4: {  	v53 =	vld [tilespmem:$0x121D0];
	_ =	sdelay $0x4  }
0x2a5: {  	v3 =	vadd.f32 v53, v3;
	_ =	sdelay $0x1  }
0x2a6: {  	[tilespmem:s6+$0x2150] =	vst v3;
	v3 =	vld [tilespmem:s6+$0x2160]  }
0x2a7: {  	v54 =	vld [tilespmem:$0x121E0];
	_ =	sdelay $0x4  }
0x2a8: {  	v3 =	vadd.f32 v54, v3;
	_ =	sdelay $0x1  }
0x2a9: {  	[tilespmem:s6+$0x2160] =	vst v3;
	v3 =	vld [tilespmem:s6+$0x2170]  }
0x2aa: {  	v55 =	vld [tilespmem:$0x121F0];
	_ =	sdelay $0x4  }
0x2ab: {  	v3 =	vadd.f32 v55, v3;
	_ =	sdelay $0x1  }
0x2ac: {  	[tilespmem:s6+$0x2170] =	vst v3;
	v3 =	vld [tilespmem:s6+$0x2180]  }
0x2ad: {  	v56 =	vld [tilespmem:$0x12200];
	_ =	sdelay $0x4  }
0x2ae: {  	v3 =	vadd.f32 v56, v3;
	_ =	sdelay $0x1  }
0x2af: {  	[tilespmem:s6+$0x2180] =	vst v3;
	v3 =	vld [tilespmem:s6+$0x2190]  }
0x2b0: {  	v57 =	vld [tilespmem:$0x12210];
	_ =	sdelay $0x4  }
0x2b1: {  	v3 =	vadd.f32 v57, v3;
	_ =	sdelay $0x1  }
0x2b2: {  	[tilespmem:s6+$0x2190] =	vst v3;
	v3 =	vld [tilespmem:s6+$0x21A0]  }
0x2b3: {  	v58 =	vld [tilespmem:$0x12220];
	_ =	sdelay $0x4  }
0x2b4: {  	v3 =	vadd.f32 v58, v3;
	_ =	sdelay $0x1  }
0x2b5: {  	[tilespmem:s6+$0x21A0] =	vst v3;
	v3 =	vld [tilespmem:s6+$0x21B0]  }
0x2b6: {  	v59 =	vld [tilespmem:$0x12230];
	_ =	sdelay $0x4  }
0x2b7: {  	v3 =	vadd.f32 v59, v3;
	_ =	sdelay $0x1  }
0x2b8: {  	[tilespmem:s6+$0x21B0] =	vst v3;
	v3 =	vld [tilespmem:s6+$0x21C0]  }
0x2b9: {  	v60 =	vld [tilespmem:$0x12240];
	_ =	sdelay $0x4  }
0x2ba: {  	v3 =	vadd.f32 v60, v3;
	_ =	sdelay $0x1  }
0x2bb: {  	[tilespmem:s6+$0x21C0] =	vst v3;
	v3 =	vld [tilespmem:s6+$0x21D0]  }
0x2bc: {  	v61 =	vld [tilespmem:$0x12250];
	_ =	sdelay $0x4  }
0x2bd: {  	v3 =	vadd.f32 v61, v3;
	_ =	sdelay $0x1  }
0x2be: {  	[tilespmem:s6+$0x21D0] =	vst v3;
	v3 =	vld [tilespmem:s6+$0x21E0]  }
0x2bf: {  	v62 =	vld [tilespmem:$0x12260];
	_ =	sdelay $0x4  }
0x2c0: {  	v3 =	vadd.f32 v62, v3;
	_ =	sdelay $0x1  }
0x2c1: {  	[tilespmem:s6+$0x21E0] =	vst v3;
	v3 =	vld [tilespmem:s6+$0x21F0]  }
0x2c2: {  	v63 =	vld [tilespmem:$0x12270];
	_ =	sdelay $0x4  }
0x2c3: {  	v3 =	vadd.f32 v63, v3;
	_ =	sdelay $0x1  }
0x2c4: {  	[tilespmem:s6+$0x21F0] =	vst v3;
	v3 =	vld [tilespmem:s6+$0x2200]  }
0x2c5: {  	v8 =	vld [tilespmem:$0x12280];
	_ =	sdelay $0x4  }
0x2c6: {  	v3 =	vadd.f32 v8, v3;
	_ =	sdelay $0x1  }
0x2c7: {  	[tilespmem:s6+$0x2200] =	vst v3;
	v3 =	vld [tilespmem:s6+$0x2210]  }
0x2c8: {  	v9 =	vld [tilespmem:$0x12290];
	_ =	sdelay $0x4  }
0x2c9: {  	v3 =	vadd.f32 v9, v3;
	_ =	sdelay $0x1  }
0x2ca: {  	[tilespmem:s6+$0x2210] =	vst v3;
	v3 =	vld [tilespmem:s6+$0x2220]  }
0x2cb: {  	v10 =	vld [tilespmem:$0x122A0];
	_ =	sdelay $0x4  }
0x2cc: {  	v3 =	vadd.f32 v10, v3;
	_ =	sdelay $0x1  }
0x2cd: {  	[tilespmem:s6+$0x2220] =	vst v3;
	v3 =	vld [tilespmem:s6+$0x2230]  }
0x2ce: {  	v11 =	vld [tilespmem:$0x122B0];
	_ =	sdelay $0x4  }
0x2cf: {  	v3 =	vadd.f32 v11, v3;
	_ =	sdelay $0x1  }
0x2d0: {  	[tilespmem:s6+$0x2230] =	vst v3;
	v3 =	vld [tilespmem:s6+$0x2240]  }
0x2d1: {  	v12 =	vld [tilespmem:$0x122C0];
	_ =	sdelay $0x4  }
0x2d2: {  	v3 =	vadd.f32 v12, v3;
	_ =	sdelay $0x1  }
0x2d3: {  	[tilespmem:s6+$0x2240] =	vst v3;
	v3 =	vld [tilespmem:s6+$0x2250]  }
0x2d4: {  	v13 =	vld [tilespmem:$0x122D0];
	_ =	sdelay $0x4  }
0x2d5: {  	v3 =	vadd.f32 v13, v3;
	_ =	sdelay $0x1  }
0x2d6: {  	[tilespmem:s6+$0x2250] =	vst v3;
	v3 =	vld [tilespmem:s6+$0x2260]  }
0x2d7: {  	v14 =	vld [tilespmem:$0x122E0];
	_ =	sdelay $0x4  }
0x2d8: {  	v3 =	vadd.f32 v14, v3;
	_ =	sdelay $0x1  }
0x2d9: {  	[tilespmem:s6+$0x2260] =	vst v3;
	v3 =	vld [tilespmem:s6+$0x2270]  }
0x2da: {  	v15 =	vld [tilespmem:$0x122F0];
	_ =	sdelay $0x4  }
0x2db: {  	v3 =	vadd.f32 v15, v3;
	_ =	sdelay $0x1  }
0x2dc: {  	[tilespmem:s6+$0x2270] =	vst v3;
	v3 =	vld [tilespmem:s6+$0x2280]  }
0x2dd: {  	v16 =	vld [tilespmem:$0x12300];
	_ =	sdelay $0x4  }
0x2de: {  	v3 =	vadd.f32 v16, v3;
	_ =	sdelay $0x1  }
0x2df: {  	[tilespmem:s6+$0x2280] =	vst v3;
	v3 =	vld [tilespmem:s6+$0x2290]  }
0x2e0: {  	v17 =	vld [tilespmem:$0x12310];
	_ =	sdelay $0x4  }
0x2e1: {  	v3 =	vadd.f32 v17, v3;
	_ =	sdelay $0x1  }
0x2e2: {  	[tilespmem:s6+$0x2290] =	vst v3;
	v3 =	vld [tilespmem:s6+$0x22A0]  }
0x2e3: {  	v18 =	vld [tilespmem:$0x12320];
	_ =	sdelay $0x4  }
0x2e4: {  	v3 =	vadd.f32 v18, v3;
	_ =	sdelay $0x1  }
0x2e5: {  	[tilespmem:s6+$0x22A0] =	vst v3;
	v3 =	vld [tilespmem:s6+$0x22B0]  }
0x2e6: {  	v19 =	vld [tilespmem:$0x12330];
	_ =	sdelay $0x4  }
0x2e7: {  	v3 =	vadd.f32 v19, v3;
	_ =	sdelay $0x1  }
0x2e8: {  	[tilespmem:s6+$0x22B0] =	vst v3;
	v3 =	vld [tilespmem:s6+$0x22C0]  }
0x2e9: {  	v20 =	vld [tilespmem:$0x12340];
	_ =	sdelay $0x4  }
0x2ea: {  	v3 =	vadd.f32 v20, v3;
	_ =	sdelay $0x1  }
0x2eb: {  	[tilespmem:s6+$0x22C0] =	vst v3;
	v3 =	vld [tilespmem:s6+$0x22D0]  }
0x2ec: {  	v21 =	vld [tilespmem:$0x12350];
	_ =	sdelay $0x4  }
0x2ed: {  	v3 =	vadd.f32 v21, v3;
	_ =	sdelay $0x1  }
0x2ee: {  	[tilespmem:s6+$0x22D0] =	vst v3;
	v3 =	vld [tilespmem:s6+$0x22E0]  }
0x2ef: {  	v22 =	vld [tilespmem:$0x12360];
	_ =	sdelay $0x4  }
0x2f0: {  	v3 =	vadd.f32 v22, v3;
	_ =	sdelay $0x1  }
0x2f1: {  	[tilespmem:s6+$0x22E0] =	vst v3;
	v3 =	vld [tilespmem:s6+$0x22F0]  }
0x2f2: {  	v23 =	vld [tilespmem:$0x12370];
	_ =	sdelay $0x4  }
0x2f3: {  	v3 =	vadd.f32 v23, v3;
	_ =	sdelay $0x1  }
0x2f4: {  	[tilespmem:s6+$0x22F0] =	vst v3;
	v3 =	vld [tilespmem:s6+$0x2300]  }
0x2f5: {  	v24 =	vld [tilespmem:$0x12380];
	_ =	sdelay $0x4  }
0x2f6: {  	v3 =	vadd.f32 v24, v3;
	_ =	sdelay $0x1  }
0x2f7: {  	[tilespmem:s6+$0x2300] =	vst v3;
	v3 =	vld [tilespmem:s6+$0x2310]  }
0x2f8: {  	v25 =	vld [tilespmem:$0x12390];
	_ =	sdelay $0x4  }
0x2f9: {  	v3 =	vadd.f32 v25, v3;
	_ =	sdelay $0x1  }
0x2fa: {  	[tilespmem:s6+$0x2310] =	vst v3;
	v3 =	vld [tilespmem:s6+$0x2320]  }
0x2fb: {  	v26 =	vld [tilespmem:$0x123A0];
	_ =	sdelay $0x4  }
0x2fc: {  	v3 =	vadd.f32 v26, v3;
	_ =	sdelay $0x1  }
0x2fd: {  	[tilespmem:s6+$0x2320] =	vst v3;
	v3 =	vld [tilespmem:s6+$0x2330]  }
0x2fe: {  	v27 =	vld [tilespmem:$0x123B0];
	_ =	sdelay $0x4  }
0x2ff: {  	v3 =	vadd.f32 v27, v3;
	_ =	sdelay $0x1  }
0x300: {  	[tilespmem:s6+$0x2330] =	vst v3;
	v3 =	vld [tilespmem:s6+$0x2340]  }
0x301: {  	v28 =	vld [tilespmem:$0x123C0];
	_ =	sdelay $0x4  }
0x302: {  	v3 =	vadd.f32 v28, v3;
	_ =	sdelay $0x1  }
0x303: {  	[tilespmem:s6+$0x2340] =	vst v3;
	v3 =	vld [tilespmem:s6+$0x2350]  }
0x304: {  	v29 =	vld [tilespmem:$0x123D0];
	_ =	sdelay $0x4  }
0x305: {  	v3 =	vadd.f32 v29, v3;
	_ =	sdelay $0x1  }
0x306: {  	[tilespmem:s6+$0x2350] =	vst v3;
	v3 =	vld [tilespmem:s6+$0x2360]  }
0x307: {  	v30 =	vld [tilespmem:$0x123E0];
	_ =	sdelay $0x4  }
0x308: {  	v3 =	vadd.f32 v30, v3;
	_ =	sdelay $0x1  }
0x309: {  	[tilespmem:s6+$0x2360] =	vst v3;
	v3 =	vld [tilespmem:s6+$0x2370]  }
0x30a: {  	v31 =	vld [tilespmem:$0x123F0];
	_ =	sdelay $0x4  }
0x30b: {  	v3 =	vadd.f32 v31, v3;
	_ =	sdelay $0x1  }
0x30c: {  	[tilespmem:s6+$0x2370] =	vst v3;
	v3 =	vld [tilespmem:s6+$0x2380]  }
0x30d: {  	v32 =	vld [tilespmem:$0x12400];
	_ =	sdelay $0x4  }
0x30e: {  	v3 =	vadd.f32 v32, v3;
	_ =	sdelay $0x1  }
0x30f: {  	[tilespmem:s6+$0x2380] =	vst v3;
	v3 =	vld [tilespmem:s6+$0x2390]  }
0x310: {  	v33 =	vld [tilespmem:$0x12410];
	_ =	sdelay $0x4  }
0x311: {  	v3 =	vadd.f32 v33, v3;
	_ =	sdelay $0x1  }
0x312: {  	[tilespmem:s6+$0x2390] =	vst v3;
	v3 =	vld [tilespmem:s6+$0x23A0]  }
0x313: {  	v34 =	vld [tilespmem:$0x12420];
	_ =	sdelay $0x4  }
0x314: {  	v3 =	vadd.f32 v34, v3;
	_ =	sdelay $0x1  }
0x315: {  	[tilespmem:s6+$0x23A0] =	vst v3;
	v3 =	vld [tilespmem:s6+$0x23B0]  }
0x316: {  	v35 =	vld [tilespmem:$0x12430];
	_ =	sdelay $0x4  }
0x317: {  	v3 =	vadd.f32 v35, v3;
	_ =	sdelay $0x1  }
0x318: {  	[tilespmem:s6+$0x23B0] =	vst v3;
	v3 =	vld [tilespmem:s6+$0x23C0]  }
0x319: {  	v36 =	vld [tilespmem:$0x12440];
	_ =	sdelay $0x4  }
0x31a: {  	v3 =	vadd.f32 v36, v3;
	_ =	sdelay $0x1  }
0x31b: {  	[tilespmem:s6+$0x23C0] =	vst v3;
	v3 =	vld [tilespmem:s6+$0x23D0]  }
0x31c: {  	v37 =	vld [tilespmem:$0x12450];
	_ =	sdelay $0x4  }
0x31d: {  	v3 =	vadd.f32 v37, v3;
	_ =	sdelay $0x1  }
0x31e: {  	[tilespmem:s6+$0x23D0] =	vst v3;
	v3 =	vld [tilespmem:s6+$0x23E0]  }
0x31f: {  	v38 =	vld [tilespmem:$0x12460];
	_ =	sdelay $0x4  }
0x320: {  	v3 =	vadd.f32 v38, v3;
	_ =	sdelay $0x1  }
0x321: {  	[tilespmem:s6+$0x23E0] =	vst v3;
	v3 =	vld [tilespmem:s6+$0x23F0]  }
0x322: {  	v39 =	vld [tilespmem:$0x12470];
	_ =	sdelay $0x4  }
0x323: {  	v3 =	vadd.f32 v39, v3;
	_ =	sdelay $0x1  }
0x324: {  	[tilespmem:s6+$0x23F0] =	vst v3;
	v3 =	vld [tilespmem:s6+$0x2400]  }
0x325: {  	v40 =	vld [tilespmem:$0x12480];
	_ =	sdelay $0x4  }
0x326: {  	v3 =	vadd.f32 v40, v3;
	_ =	sdelay $0x1  }
0x327: {  	[tilespmem:s6+$0x2400] =	vst v3;
	v3 =	vld [tilespmem:s6+$0x2410]  }
0x328: {  	v41 =	vld [tilespmem:$0x12490];
	_ =	sdelay $0x4  }
0x329: {  	v3 =	vadd.f32 v41, v3;
	_ =	sdelay $0x1  }
0x32a: {  	[tilespmem:s6+$0x2410] =	vst v3;
	v3 =	vld [tilespmem:s6+$0x2420]  }
0x32b: {  	v42 =	vld [tilespmem:$0x124A0];
	_ =	sdelay $0x4  }
0x32c: {  	v3 =	vadd.f32 v42, v3;
	_ =	sdelay $0x1  }
0x32d: {  	[tilespmem:s6+$0x2420] =	vst v3;
	v3 =	vld [tilespmem:s6+$0x2430]  }
0x32e: {  	v43 =	vld [tilespmem:$0x124B0];
	_ =	sdelay $0x4  }
0x32f: {  	v3 =	vadd.f32 v43, v3;
	_ =	sdelay $0x1  }
0x330: {  	[tilespmem:s6+$0x2430] =	vst v3;
	v3 =	vld [tilespmem:s6+$0x2440]  }
0x331: {  	v44 =	vld [tilespmem:$0x124C0];
	_ =	sdelay $0x4  }
0x332: {  	v3 =	vadd.f32 v44, v3;
	_ =	sdelay $0x1  }
0x333: {  	[tilespmem:s6+$0x2440] =	vst v3;
	v3 =	vld [tilespmem:s6+$0x2450]  }
0x334: {  	v45 =	vld [tilespmem:$0x124D0];
	_ =	sdelay $0x4  }
0x335: {  	v3 =	vadd.f32 v45, v3;
	_ =	sdelay $0x1  }
0x336: {  	[tilespmem:s6+$0x2450] =	vst v3;
	v3 =	vld [tilespmem:s6+$0x2460]  }
0x337: {  	v46 =	vld [tilespmem:$0x124E0];
	_ =	sdelay $0x4  }
0x338: {  	v3 =	vadd.f32 v46, v3;
	_ =	sdelay $0x1  }
0x339: {  	[tilespmem:s6+$0x2460] =	vst v3;
	v3 =	vld [tilespmem:s6+$0x2470]  }
0x33a: {  	v47 =	vld [tilespmem:$0x124F0];
	_ =	sdelay $0x4  }
0x33b: {  	v3 =	vadd.f32 v47, v3;
	_ =	sdelay $0x1  }
0x33c: {  	[tilespmem:s6+$0x2470] =	vst v3;
	v3 =	vld [tilespmem:s6+$0x2480]  }
0x33d: {  	v48 =	vld [tilespmem:$0x12500];
	_ =	sdelay $0x4  }
0x33e: {  	v3 =	vadd.f32 v48, v3;
	_ =	sdelay $0x1  }
0x33f: {  	[tilespmem:s6+$0x2480] =	vst v3;
	v3 =	vld [tilespmem:s6+$0x2490]  }
0x340: {  	v49 =	vld [tilespmem:$0x12510];
	_ =	sdelay $0x4  }
0x341: {  	v3 =	vadd.f32 v49, v3;
	_ =	sdelay $0x1  }
0x342: {  	[tilespmem:s6+$0x2490] =	vst v3;
	v3 =	vld [tilespmem:s6+$0x24A0]  }
0x343: {  	v50 =	vld [tilespmem:$0x12520];
	_ =	sdelay $0x4  }
0x344: {  	v3 =	vadd.f32 v50, v3;
	_ =	sdelay $0x1  }
0x345: {  	[tilespmem:s6+$0x24A0] =	vst v3;
	v3 =	vld [tilespmem:s6+$0x24B0]  }
0x346: {  	v51 =	vld [tilespmem:$0x12530];
	_ =	sdelay $0x4  }
0x347: {  	v3 =	vadd.f32 v51, v3;
	_ =	sdelay $0x1  }
0x348: {  	[tilespmem:s6+$0x24B0] =	vst v3;
	v3 =	vld [tilespmem:s6+$0x24C0]  }
0x349: {  	v52 =	vld [tilespmem:$0x12540];
	_ =	sdelay $0x4  }
0x34a: {  	v3 =	vadd.f32 v52, v3;
	_ =	sdelay $0x1  }
0x34b: {  	[tilespmem:s6+$0x24C0] =	vst v3;
	v3 =	vld [tilespmem:s6+$0x24D0]  }
0x34c: {  	v53 =	vld [tilespmem:$0x12550];
	_ =	sdelay $0x4  }
0x34d: {  	v3 =	vadd.f32 v53, v3;
	_ =	sdelay $0x1  }
0x34e: {  	[tilespmem:s6+$0x24D0] =	vst v3;
	v3 =	vld [tilespmem:s6+$0x24E0]  }
0x34f: {  	v54 =	vld [tilespmem:$0x12560];
	_ =	sdelay $0x4  }
0x350: {  	v3 =	vadd.f32 v54, v3;
	_ =	sdelay $0x1  }
0x351: {  	[tilespmem:s6+$0x24E0] =	vst v3;
	v3 =	vld [tilespmem:s6+$0x24F0]  }
0x352: {  	v55 =	vld [tilespmem:$0x12570];
	_ =	sdelay $0x4  }
0x353: {  	v3 =	vadd.f32 v55, v3;
	_ =	sdelay $0x1  }
0x354: {  	[tilespmem:s6+$0x24F0] =	vst v3;
	v3 =	vld [tilespmem:s6+$0x2500]  }
0x355: {  	v56 =	vld [tilespmem:$0x12580];
	_ =	sdelay $0x4  }
0x356: {  	v3 =	vadd.f32 v56, v3;
	_ =	sdelay $0x1  }
0x357: {  	[tilespmem:s6+$0x2500] =	vst v3;
	v3 =	vld [tilespmem:s6+$0x2510]  }
0x358: {  	v57 =	vld [tilespmem:$0x12590];
	_ =	sdelay $0x4  }
0x359: {  	v3 =	vadd.f32 v57, v3;
	_ =	sdelay $0x1  }
0x35a: {  	[tilespmem:s6+$0x2510] =	vst v3;
	v3 =	vld [tilespmem:s6+$0x2520]  }
0x35b: {  	v58 =	vld [tilespmem:$0x125A0];
	_ =	sdelay $0x4  }
0x35c: {  	v3 =	vadd.f32 v58, v3;
	_ =	sdelay $0x1  }
0x35d: {  	[tilespmem:s6+$0x2520] =	vst v3;
	v3 =	vld [tilespmem:s6+$0x2530]  }
0x35e: {  	v59 =	vld [tilespmem:$0x125B0];
	_ =	sdelay $0x4  }
0x35f: {  	v3 =	vadd.f32 v59, v3;
	_ =	sdelay $0x1  }
0x360: {  	[tilespmem:s6+$0x2530] =	vst v3;
	v3 =	vld [tilespmem:s6+$0x2540]  }
0x361: {  	v60 =	vld [tilespmem:$0x125C0];
	_ =	sdelay $0x4  }
0x362: {  	v3 =	vadd.f32 v60, v3;
	_ =	sdelay $0x1  }
0x363: {  	[tilespmem:s6+$0x2540] =	vst v3;
	v3 =	vld [tilespmem:s6+$0x2550]  }
0x364: {  	v61 =	vld [tilespmem:$0x125D0];
	_ =	sdelay $0x4  }
0x365: {  	v3 =	vadd.f32 v61, v3;
	_ =	sdelay $0x1  }
0x366: {  	[tilespmem:s6+$0x2550] =	vst v3;
	v3 =	vld [tilespmem:s6+$0x2560]  }
0x367: {  	v62 =	vld [tilespmem:$0x125E0];
	_ =	sdelay $0x4  }
0x368: {  	v3 =	vadd.f32 v62, v3;
	_ =	sdelay $0x1  }
0x369: {  	[tilespmem:s6+$0x2560] =	vst v3;
	v3 =	vld [tilespmem:s6+$0x2570]  }
0x36a: {  	v63 =	vld [tilespmem:$0x125F0];
	_ =	sdelay $0x4  }
0x36b: {  	v3 =	vadd.f32 v63, v3;
	_ =	sdelay $0x1  }
0x36c: {  	[tilespmem:s6+$0x2570] =	vst v3;
	v3 =	vld [tilespmem:s6+$0x2580]  }
0x36d: {  	v8 =	vld [tilespmem:$0x12600];
	_ =	sdelay $0x4  }
0x36e: {  	v3 =	vadd.f32 v8, v3;
	_ =	sdelay $0x1  }
0x36f: {  	[tilespmem:s6+$0x2580] =	vst v3;
	v3 =	vld [tilespmem:s6+$0x2590]  }
0x370: {  	v9 =	vld [tilespmem:$0x12610];
	_ =	sdelay $0x4  }
0x371: {  	v3 =	vadd.f32 v9, v3;
	_ =	sdelay $0x1  }
0x372: {  	[tilespmem:s6+$0x2590] =	vst v3;
	v3 =	vld [tilespmem:s6+$0x25A0]  }
0x373: {  	v10 =	vld [tilespmem:$0x12620];
	_ =	sdelay $0x4  }
0x374: {  	v3 =	vadd.f32 v10, v3;
	_ =	sdelay $0x1  }
0x375: {  	[tilespmem:s6+$0x25A0] =	vst v3;
	v3 =	vld [tilespmem:s6+$0x25B0]  }
0x376: {  	v11 =	vld [tilespmem:$0x12630];
	_ =	sdelay $0x4  }
0x377: {  	v3 =	vadd.f32 v11, v3;
	_ =	sdelay $0x1  }
0x378: {  	[tilespmem:s6+$0x25B0] =	vst v3;
	v3 =	vld [tilespmem:s6+$0x25C0]  }
0x379: {  	v12 =	vld [tilespmem:$0x12640];
	_ =	sdelay $0x4  }
0x37a: {  	v3 =	vadd.f32 v12, v3;
	_ =	sdelay $0x1  }
0x37b: {  	[tilespmem:s6+$0x25C0] =	vst v3;
	v3 =	vld [tilespmem:s6+$0x25D0]  }
0x37c: {  	v13 =	vld [tilespmem:$0x12650];
	_ =	sdelay $0x4  }
0x37d: {  	v3 =	vadd.f32 v13, v3;
	_ =	sdelay $0x1  }
0x37e: {  	[tilespmem:s6+$0x25D0] =	vst v3;
	v3 =	vld [tilespmem:s6+$0x25E0]  }
0x37f: {  	v14 =	vld [tilespmem:$0x12660];
	_ =	sdelay $0x4  }
0x380: {  	v3 =	vadd.f32 v14, v3;
	_ =	sdelay $0x1  }
0x381: {  	[tilespmem:s6+$0x25E0] =	vst v3;
	v3 =	vld [tilespmem:s6+$0x25F0]  }
0x382: {  	v15 =	vld [tilespmem:$0x12670];
	_ =	sdelay $0x4  }
0x383: {  	v3 =	vadd.f32 v15, v3;
	_ =	sdelay $0x1  }
0x384: {  	[tilespmem:s6+$0x25F0] =	vst v3;
	v3 =	vld [tilespmem:s6+$0x2600]  }
0x385: {  	v16 =	vld [tilespmem:$0x12680];
	_ =	sdelay $0x4  }
0x386: {  	v3 =	vadd.f32 v16, v3;
	_ =	sdelay $0x1  }
0x387: {  	[tilespmem:s6+$0x2600] =	vst v3;
	v3 =	vld [tilespmem:s6+$0x2610]  }
0x388: {  	v17 =	vld [tilespmem:$0x12690];
	_ =	sdelay $0x4  }
0x389: {  	v3 =	vadd.f32 v17, v3;
	_ =	sdelay $0x1  }
0x38a: {  	[tilespmem:s6+$0x2610] =	vst v3;
	v3 =	vld [tilespmem:s6+$0x2620]  }
0x38b: {  	v18 =	vld [tilespmem:$0x126A0];
	_ =	sdelay $0x4  }
0x38c: {  	v3 =	vadd.f32 v18, v3;
	_ =	sdelay $0x1  }
0x38d: {  	[tilespmem:s6+$0x2620] =	vst v3;
	v3 =	vld [tilespmem:s6+$0x2630]  }
0x38e: {  	v19 =	vld [tilespmem:$0x126B0];
	_ =	sdelay $0x4  }
0x38f: {  	v3 =	vadd.f32 v19, v3;
	_ =	sdelay $0x1  }
0x390: {  	[tilespmem:s6+$0x2630] =	vst v3;
	v3 =	vld [tilespmem:s6+$0x2640]  }
0x391: {  	v20 =	vld [tilespmem:$0x126C0];
	_ =	sdelay $0x4  }
0x392: {  	v3 =	vadd.f32 v20, v3;
	_ =	sdelay $0x1  }
0x393: {  	[tilespmem:s6+$0x2640] =	vst v3;
	v3 =	vld [tilespmem:s6+$0x2650]  }
0x394: {  	v21 =	vld [tilespmem:$0x126D0];
	_ =	sdelay $0x4  }
0x395: {  	v3 =	vadd.f32 v21, v3;
	_ =	sdelay $0x1  }
0x396: {  	[tilespmem:s6+$0x2650] =	vst v3;
	v3 =	vld [tilespmem:s6+$0x2660]  }
0x397: {  	v22 =	vld [tilespmem:$0x126E0];
	_ =	sdelay $0x4  }
0x398: {  	v3 =	vadd.f32 v22, v3;
	_ =	sdelay $0x1  }
0x399: {  	[tilespmem:s6+$0x2660] =	vst v3;
	v3 =	vld [tilespmem:s6+$0x2670]  }
0x39a: {  	v23 =	vld [tilespmem:$0x126F0];
	_ =	sdelay $0x4  }
0x39b: {  	v3 =	vadd.f32 v23, v3;
	_ =	sdelay $0x1  }
0x39c: {  	[tilespmem:s6+$0x2670] =	vst v3;
	v3 =	vld [tilespmem:s6+$0x2680]  }
0x39d: {  	v24 =	vld [tilespmem:$0x12700];
	_ =	sdelay $0x4  }
0x39e: {  	v3 =	vadd.f32 v24, v3;
	_ =	sdelay $0x1  }
0x39f: {  	[tilespmem:s6+$0x2680] =	vst v3;
	v3 =	vld [tilespmem:s6+$0x2690]  }
0x3a0: {  	v25 =	vld [tilespmem:$0x12710];
	_ =	sdelay $0x4  }
0x3a1: {  	v3 =	vadd.f32 v25, v3;
	_ =	sdelay $0x1  }
0x3a2: {  	[tilespmem:s6+$0x2690] =	vst v3;
	v3 =	vld [tilespmem:s6+$0x26A0]  }
0x3a3: {  	v26 =	vld [tilespmem:$0x12720];
	_ =	sdelay $0x4  }
0x3a4: {  	v3 =	vadd.f32 v26, v3;
	_ =	sdelay $0x1  }
0x3a5: {  	[tilespmem:s6+$0x26A0] =	vst v3;
	v3 =	vld [tilespmem:s6+$0x26B0]  }
0x3a6: {  	v27 =	vld [tilespmem:$0x12730];
	_ =	sdelay $0x4  }
0x3a7: {  	v3 =	vadd.f32 v27, v3;
	_ =	sdelay $0x1  }
0x3a8: {  	[tilespmem:s6+$0x26B0] =	vst v3;
	v3 =	vld [tilespmem:s6+$0x26C0]  }
0x3a9: {  	v28 =	vld [tilespmem:$0x12740];
	_ =	sdelay $0x4  }
0x3aa: {  	v3 =	vadd.f32 v28, v3;
	_ =	sdelay $0x1  }
0x3ab: {  	[tilespmem:s6+$0x26C0] =	vst v3;
	v3 =	vld [tilespmem:s6+$0x26D0]  }
0x3ac: {  	v29 =	vld [tilespmem:$0x12750];
	_ =	sdelay $0x4  }
0x3ad: {  	v3 =	vadd.f32 v29, v3;
	_ =	sdelay $0x1  }
0x3ae: {  	[tilespmem:s6+$0x26D0] =	vst v3;
	v3 =	vld [tilespmem:s6+$0x26E0]  }
0x3af: {  	v30 =	vld [tilespmem:$0x12760];
	_ =	sdelay $0x4  }
0x3b0: {  	v3 =	vadd.f32 v30, v3;
	_ =	sdelay $0x1  }
0x3b1: {  	[tilespmem:s6+$0x26E0] =	vst v3;
	v3 =	vld [tilespmem:s6+$0x26F0]  }
0x3b2: {  	v31 =	vld [tilespmem:$0x12770];
	_ =	sdelay $0x4  }
0x3b3: {  	v3 =	vadd.f32 v31, v3;
	_ =	sdelay $0x1  }
0x3b4: {  	[tilespmem:s6+$0x26F0] =	vst v3;
	v3 =	vld [tilespmem:s6+$0x2700]  }
0x3b5: {  	v32 =	vld [tilespmem:$0x12780];
	_ =	sdelay $0x4  }
0x3b6: {  	v3 =	vadd.f32 v32, v3;
	_ =	sdelay $0x1  }
0x3b7: {  	[tilespmem:s6+$0x2700] =	vst v3;
	v3 =	vld [tilespmem:s6+$0x2710]  }
0x3b8: {  	v33 =	vld [tilespmem:$0x12790];
	_ =	sdelay $0x4  }
0x3b9: {  	v3 =	vadd.f32 v33, v3;
	_ =	sdelay $0x1  }
0x3ba: {  	[tilespmem:s6+$0x2710] =	vst v3;
	v3 =	vld [tilespmem:s6+$0x2720]  }
0x3bb: {  	v34 =	vld [tilespmem:$0x127A0];
	_ =	sdelay $0x4  }
0x3bc: {  	v3 =	vadd.f32 v34, v3;
	_ =	sdelay $0x1  }
0x3bd: {  	[tilespmem:s6+$0x2720] =	vst v3;
	v3 =	vld [tilespmem:s6+$0x2730]  }
0x3be: {  	v35 =	vld [tilespmem:$0x127B0];
	_ =	sdelay $0x4  }
0x3bf: {  	v3 =	vadd.f32 v35, v3;
	_ =	sdelay $0x1  }
0x3c0: {  	[tilespmem:s6+$0x2730] =	vst v3;
	v3 =	vld [tilespmem:s6+$0x2740]  }
0x3c1: {  	v36 =	vld [tilespmem:$0x127C0];
	_ =	sdelay $0x4  }
0x3c2: {  	v3 =	vadd.f32 v36, v3;
	_ =	sdelay $0x1  }
0x3c3: {  	[tilespmem:s6+$0x2740] =	vst v3;
	v3 =	vld [tilespmem:s6+$0x2750]  }
0x3c4: {  	v37 =	vld [tilespmem:$0x127D0];
	_ =	sdelay $0x4  }
0x3c5: {  	v3 =	vadd.f32 v37, v3;
	_ =	sdelay $0x1  }
0x3c6: {  	[tilespmem:s6+$0x2750] =	vst v3;
	v3 =	vld [tilespmem:s6+$0x2760]  }
0x3c7: {  	v38 =	vld [tilespmem:$0x127E0];
	_ =	sdelay $0x4  }
0x3c8: {  	v3 =	vadd.f32 v38, v3;
	_ =	sdelay $0x1  }
0x3c9: {  	[tilespmem:s6+$0x2760] =	vst v3;
	v3 =	vld [tilespmem:s6+$0x2770]  }
0x3ca: {  	v39 =	vld [tilespmem:$0x127F0];
	_ =	sdelay $0x4  }
0x3cb: {  	v3 =	vadd.f32 v39, v3;
	_ =	sdelay $0x1  }
0x3cc: {  	[tilespmem:s6+$0x2770] =	vst v3;
	v3 =	vld [tilespmem:s6+$0x2780]  }
0x3cd: {  	v40 =	vld [tilespmem:$0x12800];
	_ =	sdelay $0x4  }
0x3ce: {  	v3 =	vadd.f32 v40, v3;
	_ =	sdelay $0x1  }
0x3cf: {  	[tilespmem:s6+$0x2780] =	vst v3;
	v3 =	vld [tilespmem:s6+$0x2790]  }
0x3d0: {  	v41 =	vld [tilespmem:$0x12810];
	_ =	sdelay $0x4  }
0x3d1: {  	v3 =	vadd.f32 v41, v3;
	_ =	sdelay $0x1  }
0x3d2: {  	[tilespmem:s6+$0x2790] =	vst v3;
	v3 =	vld [tilespmem:s6+$0x27A0]  }
0x3d3: {  	v42 =	vld [tilespmem:$0x12820];
	_ =	sdelay $0x4  }
0x3d4: {  	v3 =	vadd.f32 v42, v3;
	_ =	sdelay $0x1  }
0x3d5: {  	[tilespmem:s6+$0x27A0] =	vst v3;
	v3 =	vld [tilespmem:s6+$0x27B0]  }
0x3d6: {  	v43 =	vld [tilespmem:$0x12830];
	_ =	sdelay $0x4  }
0x3d7: {  	v3 =	vadd.f32 v43, v3;
	_ =	sdelay $0x1  }
0x3d8: {  	[tilespmem:s6+$0x27B0] =	vst v3;
	v3 =	vld [tilespmem:s6+$0x27C0]  }
0x3d9: {  	v44 =	vld [tilespmem:$0x12840];
	_ =	sdelay $0x4  }
0x3da: {  	v3 =	vadd.f32 v44, v3;
	_ =	sdelay $0x1  }
0x3db: {  	[tilespmem:s6+$0x27C0] =	vst v3;
	v3 =	vld [tilespmem:s6+$0x27D0]  }
0x3dc: {  	v45 =	vld [tilespmem:$0x12850];
	_ =	sdelay $0x4  }
0x3dd: {  	v3 =	vadd.f32 v45, v3;
	_ =	sdelay $0x1  }
0x3de: {  	[tilespmem:s6+$0x27D0] =	vst v3;
	v3 =	vld [tilespmem:s6+$0x27E0]  }
0x3df: {  	v46 =	vld [tilespmem:$0x12860];
	_ =	sdelay $0x4  }
0x3e0: {  	v3 =	vadd.f32 v46, v3;
	_ =	sdelay $0x1  }
0x3e1: {  	[tilespmem:s6+$0x27E0] =	vst v3;
	v3 =	vld [tilespmem:s6+$0x27F0]  }
0x3e2: {  	v47 =	vld [tilespmem:$0x12870];
	_ =	sdelay $0x4  }
0x3e3: {  	v3 =	vadd.f32 v47, v3;
	_ =	sdelay $0x1  }
0x3e4: {  	[tilespmem:s6+$0x27F0] =	vst v3;
	v3 =	vld [tilespmem:s6+$0x2800]  }
0x3e5: {  	v48 =	vld [tilespmem:$0x12880];
	_ =	sdelay $0x4  }
0x3e6: {  	v3 =	vadd.f32 v48, v3;
	_ =	sdelay $0x1  }
0x3e7: {  	[tilespmem:s6+$0x2800] =	vst v3;
	v3 =	vld [tilespmem:s6+$0x2810]  }
0x3e8: {  	v49 =	vld [tilespmem:$0x12890];
	_ =	sdelay $0x4  }
0x3e9: {  	v3 =	vadd.f32 v49, v3;
	_ =	sdelay $0x1  }
0x3ea: {  	[tilespmem:s6+$0x2810] =	vst v3;
	v3 =	vld [tilespmem:s6+$0x2820]  }
0x3eb: {  	v50 =	vld [tilespmem:$0x128A0];
	_ =	sdelay $0x4  }
0x3ec: {  	v3 =	vadd.f32 v50, v3;
	_ =	sdelay $0x1  }
0x3ed: {  	[tilespmem:s6+$0x2820] =	vst v3;
	v3 =	vld [tilespmem:s6+$0x2830]  }
0x3ee: {  	v51 =	vld [tilespmem:$0x128B0];
	_ =	sdelay $0x4  }
0x3ef: {  	v3 =	vadd.f32 v51, v3;
	_ =	sdelay $0x1  }
0x3f0: {  	[tilespmem:s6+$0x2830] =	vst v3;
	v3 =	vld [tilespmem:s6+$0x2840]  }
0x3f1: {  	v52 =	vld [tilespmem:$0x128C0];
	_ =	sdelay $0x4  }
0x3f2: {  	v3 =	vadd.f32 v52, v3;
	_ =	sdelay $0x1  }
0x3f3: {  	[tilespmem:s6+$0x2840] =	vst v3;
	v3 =	vld [tilespmem:s6+$0x2850]  }
0x3f4: {  	v53 =	vld [tilespmem:$0x128D0];
	_ =	sdelay $0x4  }
0x3f5: {  	v3 =	vadd.f32 v53, v3;
	_ =	sdelay $0x1  }
0x3f6: {  	[tilespmem:s6+$0x2850] =	vst v3;
	v3 =	vld [tilespmem:s6+$0x2860]  }
0x3f7: {  	v54 =	vld [tilespmem:$0x128E0];
	_ =	sdelay $0x4  }
0x3f8: {  	v3 =	vadd.f32 v54, v3;
	_ =	sdelay $0x1  }
0x3f9: {  	[tilespmem:s6+$0x2860] =	vst v3;
	v3 =	vld [tilespmem:s6+$0x2870]  }
0x3fa: {  	v55 =	vld [tilespmem:$0x128F0];
	_ =	sdelay $0x4  }
0x3fb: {  	v3 =	vadd.f32 v55, v3;
	_ =	sdelay $0x1  }
0x3fc: {  	[tilespmem:s6+$0x2870] =	vst v3;
	v3 =	vld [tilespmem:s6+$0x2880]  }
0x3fd: {  	v56 =	vld [tilespmem:$0x12900];
	_ =	sdelay $0x4  }
0x3fe: {  	v3 =	vadd.f32 v56, v3;
	_ =	sdelay $0x1  }
0x3ff: {  	[tilespmem:s6+$0x2880] =	vst v3;
	v3 =	vld [tilespmem:s6+$0x2890]  }
0x400: {  	v57 =	vld [tilespmem:$0x12910];
	_ =	sdelay $0x4  }
0x401: {  	v3 =	vadd.f32 v57, v3;
	_ =	sdelay $0x1  }
0x402: {  	[tilespmem:s6+$0x2890] =	vst v3;
	v3 =	vld [tilespmem:s6+$0x28A0]  }
0x403: {  	v58 =	vld [tilespmem:$0x12920];
	_ =	sdelay $0x4  }
0x404: {  	v3 =	vadd.f32 v58, v3;
	_ =	sdelay $0x1  }
0x405: {  	[tilespmem:s6+$0x28A0] =	vst v3;
	v3 =	vld [tilespmem:s6+$0x28B0]  }
0x406: {  	v59 =	vld [tilespmem:$0x12930];
	_ =	sdelay $0x4  }
0x407: {  	v3 =	vadd.f32 v59, v3;
	_ =	sdelay $0x1  }
0x408: {  	[tilespmem:s6+$0x28B0] =	vst v3;
	v3 =	vld [tilespmem:s6+$0x28C0]  }
0x409: {  	v60 =	vld [tilespmem:$0x12940];
	_ =	sdelay $0x4  }
0x40a: {  	v3 =	vadd.f32 v60, v3;
	_ =	sdelay $0x1  }
0x40b: {  	[tilespmem:s6+$0x28C0] =	vst v3;
	v3 =	vld [tilespmem:s6+$0x28D0]  }
0x40c: {  	v61 =	vld [tilespmem:$0x12950];
	_ =	sdelay $0x4  }
0x40d: {  	v3 =	vadd.f32 v61, v3;
	_ =	sdelay $0x1  }
0x40e: {  	[tilespmem:s6+$0x28D0] =	vst v3;
	v3 =	vld [tilespmem:s6+$0x28E0]  }
0x40f: {  	v62 =	vld [tilespmem:$0x12960];
	_ =	sdelay $0x4  }
0x410: {  	v3 =	vadd.f32 v62, v3;
	_ =	sdelay $0x1  }
0x411: {  	[tilespmem:s6+$0x28E0] =	vst v3;
	v3 =	vld [tilespmem:s6+$0x28F0]  }
0x412: {  	v63 =	vld [tilespmem:$0x12970];
	_ =	sdelay $0x2  }
.Ltmp17:
0x413: {  	_ = 	snop;
	(pc) =	sbr.rel .LBB2_20-.Ltmp17, $3  }
0x414: {  	_ = 	snop  }
0x415: {  	v3 =	vadd.f32 v63, v3;
	_ =	sdelay $0x1  }
0x416: {  	[tilespmem:s6+$0x28F0] =	vst v3  }
.LBB2_22:
0x417: {  	_ =	sfence.sel $0x180000  }
0x418: {  	[bflag:$0x0] =	sbarrier.arrive $0xFFFF  }
0x419: {  	_ =	strace $0x90000047  }
0x41a: {  	[bflag:$0x2] =	sbarrier.arrive $0xFFFF  }
0x41b: {  	p0 =	sne.s32 s2, $0x0;
	s0 =	rddreg [dreg:$0x6]  }
0x41c: {  	s0 =	sadd.s32 @!p0 $0x100000, s0  }
0x41d: {  	[sflag:s0] =	ssyncadd.tile.s32 @!p0 $0x1;
	_ =	shalt  }
.Lfunc_end2:
_tile_overlayer_lowered:
.L_overlay_start_2:
0x41e: {  	(tag) =	ssettag $0x2  }
0x41f: {  	s0 =	rddreg [dreg:$0x0];
	s2 =	stileid.u32  }
0x420: {  	s1 =	rddreg [dreg:$0x1];
	p0 =	sne.s32 s2, $0x0  }
0x421: {  	s3 =	rddreg [dreg:$0x2];
	[bflag:$0x3] =	sbarrier.arrive $0xFFFF;
	s2 =	simm.s32 @!p0 $0x1C04  }
0x422: {  	[timem:s3], [sflag:s2] =	dma.local @!p0 [hbm:s0], s1  }
0x423: {  	s0 =	simm.s32 @!p0 $0x4  }
0x424: {  	_ =	swait.ge @!p0 [sflag:s0], s1  }
0x425: {  	s1 =	ssub.s32 @!p0 $0x0, s1;
	[sflag:s0] =	ssyncset.done @!p0 $0x0  }
0x426: {  	[sflag:s0] =	ssyncadd.s32 @!p0 s1  }
0x427: {  	[bflag:$0x3] =	sbarrier.arrive $0xFFFF  }
0x428: {  	_ =	shalt  }

</sc_bundles>
